<compile_context>
chip_gen: v7x
topology: tpu7x:2x2x1
jax: 0.10.2.dev20260603
libtpu: 0.0.44.dev20260713+nightly
codegen_flags: <defaults>
</compile_context>

<pallas_src>
import functools

import jax
import jax.numpy as jnp
from jax import lax
from jax.experimental import pallas as pl
from jax.experimental.pallas import tpu as pltpu
from jax.experimental.pallas import tpu_sc as plsc

N_NODES = 10000
D = 128
E = 320000
NC, NS = 2, 16
HALF = 5120
ACC_R = HALF + 8
RPS = HALF // NS
E_W = E // NS
K = 80
STEPS = E_W // K
NH = (N_NODES + 127) // 128 + 1


def _sc_aggregate(x, src, dst):
    mesh = plsc.VectorSubcoreMesh(core_axis_name="c", subcore_axis_name="s")

    @functools.partial(
        pl.kernel,
        mesh=mesh,
        out_type=jax.ShapeDtypeStruct((NC * HALF, D), jnp.float32),
        scratch_types=[
            pltpu.VMEM((K,), jnp.int32),
            pltpu.VMEM((K, D), jnp.float32),
            pltpu.VMEM((K,), jnp.int32),
            pltpu.VMEM((K, D), jnp.float32),
            pltpu.VMEM((K,), jnp.int32),
            pltpu.VMEM((K, D), jnp.float32),
            pltpu.VMEM((K,), jnp.int32),
            pltpu.VMEM((K, D), jnp.float32),
            pltpu.VMEM((E_W,), jnp.int32),
            pltpu.VMEM((E_W,), jnp.int32),
            pltpu.VMEM_SHARED((ACC_R, D), jnp.float32),
            pltpu.SemaphoreType.DMA,
            pltpu.SemaphoreType.DMA,
            pltpu.SemaphoreType.DMA,
            pltpu.SemaphoreType.DMA,
        ],
    )
    def agg_kernel(x_hbm, src_hbm, dst_hbm, agg_out,
                   dst_v, rows_v, dst_b, rows_b, dst_c, rows_c, dst_d, rows_d,
                   srcall_v, dstall_v, acc_sh, sem_a, sem_b, sem_c, sem_d):
        c = lax.axis_index("c")
        s = lax.axis_index("s")

        zero16 = jnp.zeros((16,), jnp.float32)

        def zero_rows(i, _):
            r = i // (D // 16)
            j = i % (D // 16)
            rows_v[r, pl.ds(j * 16, 16)] = zero16
            return 0
        lax.fori_loop(0, K * (D // 16), zero_rows, 0)

        base_r = s * RPS
        for j in range(RPS // K):
            pltpu.sync_copy(rows_v, acc_sh.at[pl.ds(base_r + j * K, K)])
        pltpu.sync_copy(rows_v.at[pl.ds(0, 8)], acc_sh.at[pl.ds(HALF, 8)])

        plsc.subcore_barrier()

        lo = c * HALF

        pltpu.sync_copy(src_hbm.at[pl.ds(s * E_W, E_W)], srcall_v)
        pltpu.sync_copy(dst_hbm.at[pl.ds(s * E_W, E_W)], dstall_v)

        def rm_all(j, _):
            d16 = dstall_v[pl.ds(j * 16, 16)] - lo
            keep = (d16 >= 0) & (d16 < HALF)
            dstall_v[pl.ds(j * 16, 16)] = jnp.where(keep, d16, HALF)
            return 0
        lax.fori_loop(0, E_W // 16, rm_all, 0)

        def load_dst(buf, cidx):
            for t in range(K // 16):
                buf[pl.ds(t * 16, 16)] = dstall_v[pl.ds(cidx * K + t * 16, 16)]

        def gather_start(rows, sem, cidx):
            pltpu.async_copy(
                x_hbm.at[srcall_v.at[pl.ds(cidx * K, K)]], rows, sem)

        def gather_wait(rows, sem):
            pltpu.make_async_copy(x_hbm.at[pl.ds(0, K)], rows, sem).wait()

        slots = ((dst_v, rows_v, sem_a), (dst_b, rows_b, sem_b),
                 (dst_c, rows_c, sem_c), (dst_d, rows_d, sem_d))
        load_dst(dst_v, 0)
        gather_start(rows_v, sem_a, 0)
        load_dst(dst_b, 1)
        gather_start(rows_b, sem_b, 1)

        def quad(q, _):
            c0 = 4 * q
            for k in range(4):
                d_nxt, r_nxt, s_nxt = slots[(k + 2) % 4]
                d_cur, r_cur, s_cur = slots[k]
                load_dst(d_nxt, c0 + k + 2)
                gather_start(r_nxt, s_nxt, c0 + k + 2)
                gather_wait(r_cur, s_cur)
                pltpu.sync_copy(r_cur, acc_sh.at[d_cur], add=True)
            return 0
        lax.fori_loop(0, STEPS // 4, quad, 0)

        gather_wait(rows_v, sem_a)
        pltpu.sync_copy(rows_v, acc_sh.at[dst_v], add=True)
        gather_wait(rows_b, sem_b)
        pltpu.sync_copy(rows_b, acc_sh.at[dst_b], add=True)

        plsc.subcore_barrier()
        out_r = c * HALF + base_r
        for j in range(RPS // K):
            pltpu.sync_copy(acc_sh.at[pl.ds(base_r + j * K, K)], rows_v)
            pltpu.sync_copy(rows_v, agg_out.at[pl.ds(out_r + j * K, K)])

    return agg_kernel(x, src, dst)


ES = 128
EP = 2560


def _tc_degree(dst2d):
    def body(dst_ref, o_ref):
        i = pl.program_id(0)

        @pl.when(i == 0)
        def _():
            o_ref[...] = jnp.zeros_like(o_ref)

        blk = dst_ref[...]
        h3 = blk // 128
        l3 = blk % 128
        rowh = lax.broadcasted_iota(jnp.int32, (NH, 128), 0)
        rowl = lax.broadcasted_iota(jnp.int32, (128, 128), 0)
        acc = jnp.zeros((NH, 128), jnp.float32)
        for r in range(ES):
            oh = (rowh == h3[r:r + 1, :]).astype(jnp.bfloat16)
            olt = (rowl == l3[r:r + 1, :]).astype(jnp.bfloat16)
            acc = acc + lax.dot_general(
                oh, olt, (((1,), (1,)), ((), ())),
                preferred_element_type=jnp.float32)
        o_ref[...] += acc

        @pl.when(i == pl.num_programs(0) - 1)
        def _():
            o_ref[...] = 1.0 / jnp.maximum(o_ref[...], 1.0)

    return pl.pallas_call(
        body,
        grid=(EP // ES,),
        in_specs=[pl.BlockSpec((ES, 128), lambda i: (i, 0))],
        out_specs=pl.BlockSpec((NH, 128), lambda i: (0, 0)),
        out_shape=jax.ShapeDtypeStruct((NH, 128), jnp.float32),
    )(dst2d)


R = 400


def _tc_combine(agg, dinv, x, w1, w2, b2):
    def body(agg_ref, dinv_ref, x_ref, w1_ref, w2_ref, b_ref, o_ref):
        dn = (((1,), (1,)), ((), ()))
        a = agg_ref[...] * dinv_ref[...]
        acc = lax.dot_general(a, w1_ref[...], dn,
                              preferred_element_type=jnp.float32)
        acc = acc + lax.dot_general(x_ref[...], w2_ref[...], dn,
                                    preferred_element_type=jnp.float32)
        o_ref[...] = acc + b_ref[...]

    return pl.pallas_call(
        body,
        grid=(N_NODES // R,),
        in_specs=[
            pl.BlockSpec((R, D), lambda i: (i, 0)),
            pl.BlockSpec((R, 1), lambda i: (i, 0)),
            pl.BlockSpec((R, D), lambda i: (i, 0)),
            pl.BlockSpec((D, D), lambda i: (0, 0)),
            pl.BlockSpec((D, D), lambda i: (0, 0)),
            pl.BlockSpec((1, D), lambda i: (0, 0)),
        ],
        out_specs=pl.BlockSpec((R, D), lambda i: (i, 0)),
        out_shape=jax.ShapeDtypeStruct((N_NODES, D), jnp.float32),
    )(agg, dinv, x, w1, w2, b2)


def kernel(x, edge_index, W, b):
    src = edge_index[0].astype(jnp.int32)
    dst = edge_index[1].astype(jnp.int32)
    aggp = _sc_aggregate(x, src, dst)
    dst_pad = jnp.concatenate(
        [dst, jnp.full((EP * 128 - E,), 16383, jnp.int32)])
    dinv = _tc_degree(dst_pad.reshape(EP, 128))
    dinv_c = dinv.reshape(NH * 128, 1)
    return _tc_combine(aggp, dinv_c, x,
                       W[:, :D], W[:, D:], b.reshape(1, D))

# --- scband reference (transcript-rebuilt; emitter-appended) ---
"""Pipeline reference for scband-cu-graph-sageconv-2413771620571 (READ-ONLY COPY).

The authoritative reference and input builder live on the scoring server;
editing this copy changes nothing except your own understanding.
"""

import jax, jax.numpy as jnp
import numpy as np

N_NODES = 10000
N_EDGES = 320000
D_IN = 128
D_OUT = 128

def setup_inputs(seed: int = 0) -> dict:
    key = jax.random.key(seed)
    k1, k2, k3, k4 = jax.random.split(key, 4)
    x = jax.random.normal(k1, (N_NODES, D_IN), dtype=jnp.float32)
    edge_index = jax.random.randint(k2, (2, N_EDGES), 0, N_NODES)
    # Linear(2*in_channels, out_channels) with bias (root_weight=True)
    W = jax.random.normal(k3, (D_OUT, 2 * D_IN), dtype=jnp.float32) * (1.0 / np.sqrt(2 * D_IN))
    b = jax.random.normal(k4, (D_OUT,), dtype=jnp.float32) * 0.01
    return {"x": x, "edge_index": edge_index, "W": W, "b": b}

def reference(x, edge_index, W, b):
    # CuGraphSAGEConv forward, aggr='mean', root_weight=True, no project/normalize.
    # SAGEConvAgg produces concat([mean_neighbor_agg, x_self]) then Linear.
    src = edge_index[0]
    dst = edge_index[1]
    n = x.shape[0]
    msgs = jnp.take(x, src, axis=0)  # gather source node features per edge
    agg_sum = jax.ops.segment_sum(msgs, dst, num_segments=n)
    deg = jax.ops.segment_sum(jnp.ones((src.shape[0],), dtype=x.dtype), dst, num_segments=n)
    agg = agg_sum / jnp.clip(deg, 1.0, None)[:, None]
    h = jnp.concatenate([agg, x], axis=-1)
    out = h @ W.T + b
    return out

if __name__ == "__main__":
    import jax
    _d = setup_inputs()
    print(jax.jit(kernel)(*tuple(_d.values())))

</pallas_src>

<mosaic_0001>
#map = affine_map<(d0, d1) -> (0, 0)>
#map1 = affine_map<(d0, d1) -> (0)>
module attributes {stable_mosaic.version = 14 : i64} {
  func.func @agg_kernel(%arg0: i32, %arg1: i32, %arg2: memref<10000x128xf32, #tpu.memory_space<hbm>>, %arg3: memref<320000xi32, #tpu.memory_space<hbm>>, %arg4: memref<320000xi32, #tpu.memory_space<hbm>>, %arg5: memref<10240x128xf32, #tpu.memory_space<hbm>>, %arg6: memref<80xi32, #tpu.memory_space<vmem>>, %arg7: memref<80x128xf32, #tpu.memory_space<vmem>>, %arg8: memref<80xi32, #tpu.memory_space<vmem>>, %arg9: memref<80x128xf32, #tpu.memory_space<vmem>>, %arg10: memref<80xi32, #tpu.memory_space<vmem>>, %arg11: memref<80x128xf32, #tpu.memory_space<vmem>>, %arg12: memref<80xi32, #tpu.memory_space<vmem>>, %arg13: memref<80x128xf32, #tpu.memory_space<vmem>>, %arg14: memref<20000xi32, #tpu.memory_space<vmem>>, %arg15: memref<20000xi32, #tpu.memory_space<vmem>>, %arg16: memref<5128x128xf32, #tpu.memory_space<vmem_shared>>, %arg17: memref<!tpu.dma_semaphore, #tpu.memory_space<semaphore_mem>>, %arg18: memref<!tpu.dma_semaphore, #tpu.memory_space<semaphore_mem>>, %arg19: memref<!tpu.dma_semaphore, #tpu.memory_space<semaphore_mem>>, %arg20: memref<!tpu.dma_semaphore, #tpu.memory_space<semaphore_mem>>) attributes {dimension_semantics = [#tpu.dimension_semantics<core_parallel>, #tpu.dimension_semantics<subcore_parallel>], iteration_bounds = array<i64: 2, 16>, scalar_prefetch = 0 : i64, scratch_operands = 15 : i64, tpu.core_type = #tpu.core_type<sc_vector_subcore>, window_params = [{transform_indices = #map}, {transform_indices = #map1}, {transform_indices = #map1}, {transform_indices = #map}]} {
    %broadcast_in_dim3A = arith.constant 0.000000e+00 : f32
    %broadcast_in_dim3A_0 = vector.broadcast %broadcast_in_dim3A : f32 to vector<16xf32>
    %scan3A = arith.constant 0 : i32
    %scan3A_1 = arith.constant 0 : i32
    %scan3A_2 = arith.constant 640 : i32
    %scan3A_3 = arith.addi %scan3A_1, %scan3A_2 : i32
    %scan3A_4 = arith.constant 1 : i32
    %scan3A_5 = scf.for %scan3A_143 = %scan3A_1 to %scan3A_3 step %scan3A_4 iter_args(%scan3A_144 = %scan3A) -> (i32)  : i32 {
      %jit3A = arith.constant 8 : i32
      %div3A = arith.divsi %scan3A_143, %jit3A : i32
      %sign3A = arith.constant 0 : i32
      %sign3A_145 = arith.cmpi sgt, %scan3A_143, %sign3A : i32
      %sign3A_146 = arith.extui %sign3A_145 : i1 to i32
      %sign3A_147 = arith.constant 0 : i32
      %sign3A_148 = arith.cmpi slt, %scan3A_143, %sign3A_147 : i32
      %sign3A_149 = arith.extui %sign3A_148 : i1 to i32
      %sign3A_150 = arith.subi %sign3A_146, %sign3A_149 : i32
      %sign3A_151 = arith.constant 0 : i32
      %sign3A_152 = arith.cmpi sgt, %jit3A, %sign3A_151 : i32
      %sign3A_153 = arith.extui %sign3A_152 : i1 to i32
      %sign3A_154 = arith.constant 0 : i32
      %sign3A_155 = arith.cmpi slt, %jit3A, %sign3A_154 : i32
      %sign3A_156 = arith.extui %sign3A_155 : i1 to i32
      %sign3A_157 = arith.subi %sign3A_153, %sign3A_156 : i32
      %ne3A = arith.cmpi ne, %sign3A_150, %sign3A_157 : i32
      %rem3A = arith.remsi %scan3A_143, %jit3A : i32
      %ne3A_158 = arith.constant 0 : i32
      %ne3A_159 = arith.cmpi ne, %rem3A, %ne3A_158 : i32
      %and3A = arith.andi %ne3A, %ne3A_159 : i1
      %sub3A = arith.constant 1 : i32
      %sub3A_160 = arith.subi %div3A, %sub3A : i32
      %select_n3A = arith.select %and3A, %sub3A_160, %div3A : i32
      %jit3A_161 = arith.constant 8 : i32
      %eq3A = arith.constant 0 : i32
      %eq3A_162 = arith.cmpi eq, %jit3A_161, %eq3A : i32
      %jit3A_163 = arith.constant 1 : i32
      %select_n3A_164 = arith.select %eq3A_162, %jit3A_163, %jit3A_161 : i32
      %rem3A_165 = arith.remsi %scan3A_143, %select_n3A_164 : i32
      %ne3A_166 = arith.constant 0 : i32
      %ne3A_167 = arith.cmpi ne, %rem3A_165, %ne3A_166 : i32
      %lt3A = arith.constant 0 : i32
      %lt3A_168 = arith.cmpi slt, %rem3A_165, %lt3A : i32
      %lt3A_169 = arith.constant 0 : i32
      %lt3A_170 = arith.cmpi slt, %select_n3A_164, %lt3A_169 : i32
      %ne3A_171 = arith.xori %lt3A_168, %lt3A_170 : i1
      %and3A_172 = arith.andi %ne3A_171, %ne3A_167 : i1
      %add3A_173 = arith.addi %rem3A_165, %select_n3A_164 : i32
      %select_n3A_174 = arith.select %and3A_172, %add3A_173, %rem3A_165 : i32
      %mul3A_175 = arith.constant 16 : i32
      %mul3A_176 = arith.muli %select_n3A_174, %mul3A_175 : i32
      %swap3A_177 = arith.index_cast %select_n3A : i32 to index
      %swap3A_178 = arith.index_cast %mul3A_176 : i32 to index
      %swap3A_179 = tpu.vector_load %arg7[%swap3A_177, %swap3A_178] {strides = array<i32>} : memref<80x128xf32, #tpu.memory_space<vmem>>, vector<1x16xf32>,
      %swap3A_180 = vector.shape_cast %swap3A_179 : vector<1x16xf32> to vector<16xf32>
      %swap3A_181 = vector.shape_cast %broadcast_in_dim3A_0 : vector<16xf32> to vector<1x16xf32>
      tpu.vector_store %arg7[%swap3A_177, %swap3A_178], %swap3A_181 {strides = array<i32>} : memref<80x128xf32, #tpu.memory_space<vmem>>, vector<1x16xf32>,
      %scan3A_182 = arith.constant 0 : i32
      scf.yield %scan3A_182 : i32
    }
    %scan3A_6 = arith.constant 640 : i32
    %mul3A = arith.constant 320 : i32
    %mul3A_7 = arith.muli %arg1, %mul3A : i32
    %add3A = arith.constant 0 : i32
    %add3A_8 = arith.addi %mul3A_7, %add3A : i32
    "tpu.region"() ({
      %run_scoped3A = tpu.sem_alloc : memref<!tpu.dma_semaphore, #tpu.memory_space<semaphore_mem>>
      %dma_start3A_143 = arith.constant 0 : i32
      %dma_start3A_144 = tpu.memref_slice %arg16[%add3A_8, %dma_start3A_143] : memref<5128x128xf32, #tpu.memory_space<vmem_shared>> -> memref<80x128xf32, #tpu.memory_space<vmem_shared>>
      %dma_start3A_145 = arith.constant 0 : i32
      %dma_start3A_146 = tpu.memref_slice %arg16[%add3A_8, %dma_start3A_145] : memref<5128x128xf32, #tpu.memory_space<vmem_shared>> -> memref<80x128xf32, #tpu.memory_space<vmem_shared>>
      tpu.enqueue_dma source(%arg7 : memref<80x128xf32, #tpu.memory_space<vmem>>) target(%dma_start3A_146 : memref<80x128xf32, #tpu.memory_space<vmem_shared>>) target_semaphore(%run_scoped3A : memref<!tpu.dma_semaphore, #tpu.memory_space<semaphore_mem>>)
      %dma_wait3A_147 = arith.constant 0 : i32
      %dma_wait3A_148 = tpu.memref_slice %arg16[%add3A_8, %dma_wait3A_147] : memref<5128x128xf32, #tpu.memory_space<vmem_shared>> -> memref<80x128xf32, #tpu.memory_space<vmem_shared>>
      %dma_wait3A_149 = arith.constant 0 : i32
      %dma_wait3A_150 = tpu.memref_slice %arg16[%add3A_8, %dma_wait3A_149] : memref<5128x128xf32, #tpu.memory_space<vmem_shared>> -> memref<80x128xf32, #tpu.memory_space<vmem_shared>>
      tpu.wait_dma2 semaphore(%run_scoped3A : memref<!tpu.dma_semaphore, #tpu.memory_space<semaphore_mem>>) src(%arg7 : memref<80x128xf32, #tpu.memory_space<vmem>>) dst(%dma_wait3A_150 : memref<80x128xf32, #tpu.memory_space<vmem_shared>>)
      tpu.yield
    }) : () -> ()
    %add3A_9 = arith.constant 80 : i32
    %add3A_10 = arith.addi %mul3A_7, %add3A_9 : i32
    "tpu.region"() ({
      %run_scoped3A = tpu.sem_alloc : memref<!tpu.dma_semaphore, #tpu.memory_space<semaphore_mem>>
      %dma_start3A_143 = arith.constant 0 : i32
      %dma_start3A_144 = tpu.memref_slice %arg16[%add3A_10, %dma_start3A_143] : memref<5128x128xf32, #tpu.memory_space<vmem_shared>> -> memref<80x128xf32, #tpu.memory_space<vmem_shared>>
      %dma_start3A_145 = arith.constant 0 : i32
      %dma_start3A_146 = tpu.memref_slice %arg16[%add3A_10, %dma_start3A_145] : memref<5128x128xf32, #tpu.memory_space<vmem_shared>> -> memref<80x128xf32, #tpu.memory_space<vmem_shared>>
      tpu.enqueue_dma source(%arg7 : memref<80x128xf32, #tpu.memory_space<vmem>>) target(%dma_start3A_146 : memref<80x128xf32, #tpu.memory_space<vmem_shared>>) target_semaphore(%run_scoped3A : memref<!tpu.dma_semaphore, #tpu.memory_space<semaphore_mem>>)
      %dma_wait3A_147 = arith.constant 0 : i32
      %dma_wait3A_148 = tpu.memref_slice %arg16[%add3A_10, %dma_wait3A_147] : memref<5128x128xf32, #tpu.memory_space<vmem_shared>> -> memref<80x128xf32, #tpu.memory_space<vmem_shared>>
      %dma_wait3A_149 = arith.constant 0 : i32
      %dma_wait3A_150 = tpu.memref_slice %arg16[%add3A_10, %dma_wait3A_149] : memref<5128x128xf32, #tpu.memory_space<vmem_shared>> -> memref<80x128xf32, #tpu.memory_space<vmem_shared>>
      tpu.wait_dma2 semaphore(%run_scoped3A : memref<!tpu.dma_semaphore, #tpu.memory_space<semaphore_mem>>) src(%arg7 : memref<80x128xf32, #tpu.memory_space<vmem>>) dst(%dma_wait3A_150 : memref<80x128xf32, #tpu.memory_space<vmem_shared>>)
      tpu.yield
    }) : () -> ()
    %add3A_11 = arith.constant 160 : i32
    %add3A_12 = arith.addi %mul3A_7, %add3A_11 : i32
    "tpu.region"() ({
      %run_scoped3A = tpu.sem_alloc : memref<!tpu.dma_semaphore, #tpu.memory_space<semaphore_mem>>
      %dma_start3A_143 = arith.constant 0 : i32
      %dma_start3A_144 = tpu.memref_slice %arg16[%add3A_12, %dma_start3A_143] : memref<5128x128xf32, #tpu.memory_space<vmem_shared>> -> memref<80x128xf32, #tpu.memory_space<vmem_shared>>
      %dma_start3A_145 = arith.constant 0 : i32
      %dma_start3A_146 = tpu.memref_slice %arg16[%add3A_12, %dma_start3A_145] : memref<5128x128xf32, #tpu.memory_space<vmem_shared>> -> memref<80x128xf32, #tpu.memory_space<vmem_shared>>
      tpu.enqueue_dma source(%arg7 : memref<80x128xf32, #tpu.memory_space<vmem>>) target(%dma_start3A_146 : memref<80x128xf32, #tpu.memory_space<vmem_shared>>) target_semaphore(%run_scoped3A : memref<!tpu.dma_semaphore, #tpu.memory_space<semaphore_mem>>)
      %dma_wait3A_147 = arith.constant 0 : i32
      %dma_wait3A_148 = tpu.memref_slice %arg16[%add3A_12, %dma_wait3A_147] : memref<5128x128xf32, #tpu.memory_space<vmem_shared>> -> memref<80x128xf32, #tpu.memory_space<vmem_shared>>
      %dma_wait3A_149 = arith.constant 0 : i32
      %dma_wait3A_150 = tpu.memref_slice %arg16[%add3A_12, %dma_wait3A_149] : memref<5128x128xf32, #tpu.memory_space<vmem_shared>> -> memref<80x128xf32, #tpu.memory_space<vmem_shared>>
      tpu.wait_dma2 semaphore(%run_scoped3A : memref<!tpu.dma_semaphore, #tpu.memory_space<semaphore_mem>>) src(%arg7 : memref<80x128xf32, #tpu.memory_space<vmem>>) dst(%dma_wait3A_150 : memref<80x128xf32, #tpu.memory_space<vmem_shared>>)
      tpu.yield
    }) : () -> ()
    %add3A_13 = arith.constant 240 : i32
    %add3A_14 = arith.addi %mul3A_7, %add3A_13 : i32
    "tpu.region"() ({
      %run_scoped3A = tpu.sem_alloc : memref<!tpu.dma_semaphore, #tpu.memory_space<semaphore_mem>>
      %dma_start3A_143 = arith.constant 0 : i32
      %dma_start3A_144 = tpu.memref_slice %arg16[%add3A_14, %dma_start3A_143] : memref<5128x128xf32, #tpu.memory_space<vmem_shared>> -> memref<80x128xf32, #tpu.memory_space<vmem_shared>>
      %dma_start3A_145 = arith.constant 0 : i32
      %dma_start3A_146 = tpu.memref_slice %arg16[%add3A_14, %dma_start3A_145] : memref<5128x128xf32, #tpu.memory_space<vmem_shared>> -> memref<80x128xf32, #tpu.memory_space<vmem_shared>>
      tpu.enqueue_dma source(%arg7 : memref<80x128xf32, #tpu.memory_space<vmem>>) target(%dma_start3A_146 : memref<80x128xf32, #tpu.memory_space<vmem_shared>>) target_semaphore(%run_scoped3A : memref<!tpu.dma_semaphore, #tpu.memory_space<semaphore_mem>>)
      %dma_wait3A_147 = arith.constant 0 : i32
      %dma_wait3A_148 = tpu.memref_slice %arg16[%add3A_14, %dma_wait3A_147] : memref<5128x128xf32, #tpu.memory_space<vmem_shared>> -> memref<80x128xf32, #tpu.memory_space<vmem_shared>>
      %dma_wait3A_149 = arith.constant 0 : i32
      %dma_wait3A_150 = tpu.memref_slice %arg16[%add3A_14, %dma_wait3A_149] : memref<5128x128xf32, #tpu.memory_space<vmem_shared>> -> memref<80x128xf32, #tpu.memory_space<vmem_shared>>
      tpu.wait_dma2 semaphore(%run_scoped3A : memref<!tpu.dma_semaphore, #tpu.memory_space<semaphore_mem>>) src(%arg7 : memref<80x128xf32, #tpu.memory_space<vmem>>) dst(%dma_wait3A_150 : memref<80x128xf32, #tpu.memory_space<vmem_shared>>)
      tpu.yield
    }) : () -> ()
    "tpu.region"() ({
      %run_scoped3A = tpu.sem_alloc : memref<!tpu.dma_semaphore, #tpu.memory_space<semaphore_mem>>
      %dma_start3A_143 = arith.constant 0 : i32
      %dma_start3A_144 = arith.constant 0 : i32
      %dma_start3A_145 = tpu.memref_slice %arg7[%dma_start3A_143, %dma_start3A_144] : memref<80x128xf32, #tpu.memory_space<vmem>> -> memref<8x128xf32, #tpu.memory_space<vmem>>
      %dma_start3A_146 = arith.constant 5120 : i32
      %dma_start3A_147 = arith.constant 0 : i32
      %dma_start3A_148 = tpu.memref_slice %arg16[%dma_start3A_146, %dma_start3A_147] : memref<5128x128xf32, #tpu.memory_space<vmem_shared>> -> memref<8x128xf32, #tpu.memory_space<vmem_shared>>
      %dma_start3A_149 = arith.constant 5120 : i32
      %dma_start3A_150 = arith.constant 0 : i32
      %dma_start3A_151 = tpu.memref_slice %arg16[%dma_start3A_149, %dma_start3A_150] : memref<5128x128xf32, #tpu.memory_space<vmem_shared>> -> memref<8x128xf32, #tpu.memory_space<vmem_shared>>
      %dma_start3A_152 = arith.constant 0 : i32
      %dma_start3A_153 = arith.constant 0 : i32
      %dma_start3A_154 = tpu.memref_slice %arg7[%dma_start3A_152, %dma_start3A_153] : memref<80x128xf32, #tpu.memory_space<vmem>> -> memref<8x128xf32, #tpu.memory_space<vmem>>
      tpu.enqueue_dma source(%dma_start3A_154 : memref<8x128xf32, #tpu.memory_space<vmem>>) target(%dma_start3A_151 : memref<8x128xf32, #tpu.memory_space<vmem_shared>>) target_semaphore(%run_scoped3A : memref<!tpu.dma_semaphore, #tpu.memory_space<semaphore_mem>>)
      %dma_wait3A_155 = arith.constant 0 : i32
      %dma_wait3A_156 = arith.constant 0 : i32
      %dma_wait3A_157 = tpu.memref_slice %arg7[%dma_wait3A_155, %dma_wait3A_156] : memref<80x128xf32, #tpu.memory_space<vmem>> -> memref<8x128xf32, #tpu.memory_space<vmem>>
      %dma_wait3A_158 = arith.constant 5120 : i32
      %dma_wait3A_159 = arith.constant 0 : i32
      %dma_wait3A_160 = tpu.memref_slice %arg16[%dma_wait3A_158, %dma_wait3A_159] : memref<5128x128xf32, #tpu.memory_space<vmem_shared>> -> memref<8x128xf32, #tpu.memory_space<vmem_shared>>
      %dma_wait3A_161 = arith.constant 5120 : i32
      %dma_wait3A_162 = arith.constant 0 : i32
      %dma_wait3A_163 = tpu.memref_slice %arg16[%dma_wait3A_161, %dma_wait3A_162] : memref<5128x128xf32, #tpu.memory_space<vmem_shared>> -> memref<8x128xf32, #tpu.memory_space<vmem_shared>>
      %dma_wait3A_164 = arith.constant 0 : i32
      %dma_wait3A_165 = arith.constant 0 : i32
      %dma_wait3A_166 = tpu.memref_slice %arg7[%dma_wait3A_164, %dma_wait3A_165] : memref<80x128xf32, #tpu.memory_space<vmem>> -> memref<8x128xf32, #tpu.memory_space<vmem>>
      tpu.wait_dma2 semaphore(%run_scoped3A : memref<!tpu.dma_semaphore, #tpu.memory_space<semaphore_mem>>) src(%dma_wait3A_166 : memref<8x128xf32, #tpu.memory_space<vmem>>) dst(%dma_wait3A_163 : memref<8x128xf32, #tpu.memory_space<vmem_shared>>)
      tpu.yield
    }) : () -> ()
    %barrier3A = arith.constant 0 : index
    tpu.barrier barrier_id(%barrier3A)
    %mul3A_15 = arith.constant 5120 : i32
    %mul3A_16 = arith.muli %arg0, %mul3A_15 : i32
    %mul3A_17 = arith.constant 20000 : i32
    %mul3A_18 = arith.muli %arg1, %mul3A_17 : i32
    "tpu.region"() ({
      %run_scoped3A = tpu.sem_alloc : memref<!tpu.dma_semaphore, #tpu.memory_space<semaphore_mem>>
      %dma_start3A_143 = tpu.memref_slice %arg3[%mul3A_18] : memref<320000xi32, #tpu.memory_space<hbm>> -> memref<20000xi32, #tpu.memory_space<hbm>>
      %dma_start3A_144 = tpu.memref_slice %arg3[%mul3A_18] : memref<320000xi32, #tpu.memory_space<hbm>> -> memref<20000xi32, #tpu.memory_space<hbm>>
      tpu.enqueue_dma source(%dma_start3A_144 : memref<20000xi32, #tpu.memory_space<hbm>>) target(%arg14 : memref<20000xi32, #tpu.memory_space<vmem>>) target_semaphore(%run_scoped3A : memref<!tpu.dma_semaphore, #tpu.memory_space<semaphore_mem>>)
      %dma_wait3A_145 = tpu.memref_slice %arg3[%mul3A_18] : memref<320000xi32, #tpu.memory_space<hbm>> -> memref<20000xi32, #tpu.memory_space<hbm>>
      %dma_wait3A_146 = tpu.memref_slice %arg3[%mul3A_18] : memref<320000xi32, #tpu.memory_space<hbm>> -> memref<20000xi32, #tpu.memory_space<hbm>>
      tpu.wait_dma2 semaphore(%run_scoped3A : memref<!tpu.dma_semaphore, #tpu.memory_space<semaphore_mem>>) src(%dma_wait3A_146 : memref<20000xi32, #tpu.memory_space<hbm>>) dst(%arg14 : memref<20000xi32, #tpu.memory_space<vmem>>)
      tpu.yield
    }) : () -> ()
    %mul3A_19 = arith.constant 20000 : i32
    %mul3A_20 = arith.muli %arg1, %mul3A_19 : i32
    "tpu.region"() ({
      %run_scoped3A = tpu.sem_alloc : memref<!tpu.dma_semaphore, #tpu.memory_space<semaphore_mem>>
      %dma_start3A_143 = tpu.memref_slice %arg4[%mul3A_20] : memref<320000xi32, #tpu.memory_space<hbm>> -> memref<20000xi32, #tpu.memory_space<hbm>>
      %dma_start3A_144 = tpu.memref_slice %arg4[%mul3A_20] : memref<320000xi32, #tpu.memory_space<hbm>> -> memref<20000xi32, #tpu.memory_space<hbm>>
      tpu.enqueue_dma source(%dma_start3A_144 : memref<20000xi32, #tpu.memory_space<hbm>>) target(%arg15 : memref<20000xi32, #tpu.memory_space<vmem>>) target_semaphore(%run_scoped3A : memref<!tpu.dma_semaphore, #tpu.memory_space<semaphore_mem>>)
      %dma_wait3A_145 = tpu.memref_slice %arg4[%mul3A_20] : memref<320000xi32, #tpu.memory_space<hbm>> -> memref<20000xi32, #tpu.memory_space<hbm>>
      %dma_wait3A_146 = tpu.memref_slice %arg4[%mul3A_20] : memref<320000xi32, #tpu.memory_space<hbm>> -> memref<20000xi32, #tpu.memory_space<hbm>>
      tpu.wait_dma2 semaphore(%run_scoped3A : memref<!tpu.dma_semaphore, #tpu.memory_space<semaphore_mem>>) src(%dma_wait3A_146 : memref<20000xi32, #tpu.memory_space<hbm>>) dst(%arg15 : memref<20000xi32, #tpu.memory_space<vmem>>)
      tpu.yield
    }) : () -> ()
    %scan3A_21 = arith.constant 0 : i32
    %scan3A_22 = arith.constant 0 : i32
    %scan3A_23 = arith.constant 1250 : i32
    %scan3A_24 = arith.addi %scan3A_22, %scan3A_23 : i32
    %scan3A_25 = arith.constant 1 : i32
    %scan3A_26 = scf.for %scan3A_143 = %scan3A_22 to %scan3A_24 step %scan3A_25 iter_args(%scan3A_144 = %scan3A_21) -> (i32)  : i32 {
      %mul3A_145 = arith.constant 16 : i32
      %mul3A_146 = arith.muli %scan3A_143, %mul3A_145 : i32
      %get3A_147 = arith.index_cast %mul3A_146 : i32 to index
      %get3A_148 = tpu.vector_load %arg15[%get3A_147] {strides = array<i32>} : memref<20000xi32, #tpu.memory_space<vmem>>, vector<16xi32>,
      %get3A_149 = vector.shape_cast %get3A_148 : vector<16xi32> to vector<16xi32>
      %sub3A = vector.broadcast %mul3A_16 : i32 to vector<16xi32>
      %sub3A_150 = arith.subi %get3A_149, %sub3A : vector<16xi32>
      %ge3A = arith.constant 0 : i32
      %ge3A_151 = vector.broadcast %ge3A : i32 to vector<16xi32>
      %ge3A_152 = arith.cmpi sge, %sub3A_150, %ge3A_151 : vector<16xi32>
      %lt3A = arith.constant 5120 : i32
      %lt3A_153 = vector.broadcast %lt3A : i32 to vector<16xi32>
      %lt3A_154 = arith.cmpi slt, %sub3A_150, %lt3A_153 : vector<16xi32>
      %and3A = arith.andi %ge3A_152, %lt3A_154 : vector<16xi1>
      %jit3A = arith.constant 5120 : i32
      %broadcast_in_dim3A_155 = vector.broadcast %jit3A : i32 to vector<16xi32>
      %select_n3A = arith.select %and3A, %sub3A_150, %broadcast_in_dim3A_155 : vector<16xi1>, vector<16xi32>
      %mul3A_156 = arith.constant 16 : i32
      %mul3A_157 = arith.muli %scan3A_143, %mul3A_156 : i32
      %swap3A_158 = arith.index_cast %mul3A_157 : i32 to index
      %swap3A_159 = tpu.vector_load %arg15[%swap3A_158] {strides = array<i32>} : memref<20000xi32, #tpu.memory_space<vmem>>, vector<16xi32>,
      %swap3A_160 = vector.shape_cast %swap3A_159 : vector<16xi32> to vector<16xi32>
      %swap3A_161 = vector.shape_cast %select_n3A : vector<16xi32> to vector<16xi32>
      tpu.vector_store %arg15[%swap3A_158], %swap3A_161 {strides = array<i32>} : memref<20000xi32, #tpu.memory_space<vmem>>, vector<16xi32>,
      %scan3A_162 = arith.constant 0 : i32
      scf.yield %scan3A_162 : i32
    }
    %scan3A_27 = arith.constant 1250 : i32
    %get3A = arith.constant 0 : index
    %get3A_28 = tpu.vector_load %arg15[%get3A] {strides = array<i32>} : memref<20000xi32, #tpu.memory_space<vmem>>, vector<16xi32>,
    %get3A_29 = vector.shape_cast %get3A_28 : vector<16xi32> to vector<16xi32>
    %swap3A = arith.constant 0 : index
    %swap3A_30 = tpu.vector_load %arg6[%swap3A] {strides = array<i32>} : memref<80xi32, #tpu.memory_space<vmem>>, vector<16xi32>,
    %swap3A_31 = vector.shape_cast %swap3A_30 : vector<16xi32> to vector<16xi32>
    %swap3A_32 = vector.shape_cast %get3A_29 : vector<16xi32> to vector<16xi32>
    tpu.vector_store %arg6[%swap3A], %swap3A_32 {strides = array<i32>} : memref<80xi32, #tpu.memory_space<vmem>>, vector<16xi32>,
    %get3A_33 = arith.constant 16 : index
    %get3A_34 = tpu.vector_load %arg15[%get3A_33] {strides = array<i32>} : memref<20000xi32, #tpu.memory_space<vmem>>, vector<16xi32>,
    %get3A_35 = vector.shape_cast %get3A_34 : vector<16xi32> to vector<16xi32>
    %swap3A_36 = arith.constant 16 : index
    %swap3A_37 = tpu.vector_load %arg6[%swap3A_36] {strides = array<i32>} : memref<80xi32, #tpu.memory_space<vmem>>, vector<16xi32>,
    %swap3A_38 = vector.shape_cast %swap3A_37 : vector<16xi32> to vector<16xi32>
    %swap3A_39 = vector.shape_cast %get3A_35 : vector<16xi32> to vector<16xi32>
    tpu.vector_store %arg6[%swap3A_36], %swap3A_39 {strides = array<i32>} : memref<80xi32, #tpu.memory_space<vmem>>, vector<16xi32>,
    %get3A_40 = arith.constant 32 : index
    %get3A_41 = tpu.vector_load %arg15[%get3A_40] {strides = array<i32>} : memref<20000xi32, #tpu.memory_space<vmem>>, vector<16xi32>,
    %get3A_42 = vector.shape_cast %get3A_41 : vector<16xi32> to vector<16xi32>
    %swap3A_43 = arith.constant 32 : index
    %swap3A_44 = tpu.vector_load %arg6[%swap3A_43] {strides = array<i32>} : memref<80xi32, #tpu.memory_space<vmem>>, vector<16xi32>,
    %swap3A_45 = vector.shape_cast %swap3A_44 : vector<16xi32> to vector<16xi32>
    %swap3A_46 = vector.shape_cast %get3A_42 : vector<16xi32> to vector<16xi32>
    tpu.vector_store %arg6[%swap3A_43], %swap3A_46 {strides = array<i32>} : memref<80xi32, #tpu.memory_space<vmem>>, vector<16xi32>,
    %get3A_47 = arith.constant 48 : index
    %get3A_48 = tpu.vector_load %arg15[%get3A_47] {strides = array<i32>} : memref<20000xi32, #tpu.memory_space<vmem>>, vector<16xi32>,
    %get3A_49 = vector.shape_cast %get3A_48 : vector<16xi32> to vector<16xi32>
    %swap3A_50 = arith.constant 48 : index
    %swap3A_51 = tpu.vector_load %arg6[%swap3A_50] {strides = array<i32>} : memref<80xi32, #tpu.memory_space<vmem>>, vector<16xi32>,
    %swap3A_52 = vector.shape_cast %swap3A_51 : vector<16xi32> to vector<16xi32>
    %swap3A_53 = vector.shape_cast %get3A_49 : vector<16xi32> to vector<16xi32>
    tpu.vector_store %arg6[%swap3A_50], %swap3A_53 {strides = array<i32>} : memref<80xi32, #tpu.memory_space<vmem>>, vector<16xi32>,
    %get3A_54 = arith.constant 64 : index
    %get3A_55 = tpu.vector_load %arg15[%get3A_54] {strides = array<i32>} : memref<20000xi32, #tpu.memory_space<vmem>>, vector<16xi32>,
    %get3A_56 = vector.shape_cast %get3A_55 : vector<16xi32> to vector<16xi32>
    %swap3A_57 = arith.constant 64 : index
    %swap3A_58 = tpu.vector_load %arg6[%swap3A_57] {strides = array<i32>} : memref<80xi32, #tpu.memory_space<vmem>>, vector<16xi32>,
    %swap3A_59 = vector.shape_cast %swap3A_58 : vector<16xi32> to vector<16xi32>
    %swap3A_60 = vector.shape_cast %get3A_56 : vector<16xi32> to vector<16xi32>
    tpu.vector_store %arg6[%swap3A_57], %swap3A_60 {strides = array<i32>} : memref<80xi32, #tpu.memory_space<vmem>>, vector<16xi32>,
    %dma_start3A = arith.constant 0 : i32
    %dma_start3A_61 = tpu.memref_slice %arg14[%dma_start3A] : memref<20000xi32, #tpu.memory_space<vmem>> -> memref<80xi32, #tpu.memory_space<vmem>>
    %dma_start3A_62 = arith.constant 0 : i32
    %dma_start3A_63 = arith.constant 0 : i32
    %dma_start3A_64 = tpu.memref_slice %arg2[%dma_start3A_62, %dma_start3A_63] : memref<10000x128xf32, #tpu.memory_space<hbm>> -> memref<10000x128xf32, #tpu.memory_space<hbm>>
    tpu.enqueue_indirect_dma source(%dma_start3A_64 : memref<10000x128xf32, #tpu.memory_space<hbm>>) target(%arg7 : memref<80x128xf32, #tpu.memory_space<vmem>>) offsets(%dma_start3A_61 : memref<80xi32, #tpu.memory_space<vmem>>) semaphore(%arg17 : memref<!tpu.dma_semaphore, #tpu.memory_space<semaphore_mem>>)
    %get3A_65 = arith.constant 80 : index
    %get3A_66 = tpu.vector_load %arg15[%get3A_65] {strides = array<i32>} : memref<20000xi32, #tpu.memory_space<vmem>>, vector<16xi32>,
    %get3A_67 = vector.shape_cast %get3A_66 : vector<16xi32> to vector<16xi32>
    %swap3A_68 = arith.constant 0 : index
    %swap3A_69 = tpu.vector_load %arg8[%swap3A_68] {strides = array<i32>} : memref<80xi32, #tpu.memory_space<vmem>>, vector<16xi32>,
    %swap3A_70 = vector.shape_cast %swap3A_69 : vector<16xi32> to vector<16xi32>
    %swap3A_71 = vector.shape_cast %get3A_67 : vector<16xi32> to vector<16xi32>
    tpu.vector_store %arg8[%swap3A_68], %swap3A_71 {strides = array<i32>} : memref<80xi32, #tpu.memory_space<vmem>>, vector<16xi32>,
    %get3A_72 = arith.constant 96 : index
    %get3A_73 = tpu.vector_load %arg15[%get3A_72] {strides = array<i32>} : memref<20000xi32, #tpu.memory_space<vmem>>, vector<16xi32>,
    %get3A_74 = vector.shape_cast %get3A_73 : vector<16xi32> to vector<16xi32>
    %swap3A_75 = arith.constant 16 : index
    %swap3A_76 = tpu.vector_load %arg8[%swap3A_75] {strides = array<i32>} : memref<80xi32, #tpu.memory_space<vmem>>, vector<16xi32>,
    %swap3A_77 = vector.shape_cast %swap3A_76 : vector<16xi32> to vector<16xi32>
    %swap3A_78 = vector.shape_cast %get3A_74 : vector<16xi32> to vector<16xi32>
    tpu.vector_store %arg8[%swap3A_75], %swap3A_78 {strides = array<i32>} : memref<80xi32, #tpu.memory_space<vmem>>, vector<16xi32>,
    %get3A_79 = arith.constant 112 : index
    %get3A_80 = tpu.vector_load %arg15[%get3A_79] {strides = array<i32>} : memref<20000xi32, #tpu.memory_space<vmem>>, vector<16xi32>,
    %get3A_81 = vector.shape_cast %get3A_80 : vector<16xi32> to vector<16xi32>
    %swap3A_82 = arith.constant 32 : index
    %swap3A_83 = tpu.vector_load %arg8[%swap3A_82] {strides = array<i32>} : memref<80xi32, #tpu.memory_space<vmem>>, vector<16xi32>,
    %swap3A_84 = vector.shape_cast %swap3A_83 : vector<16xi32> to vector<16xi32>
    %swap3A_85 = vector.shape_cast %get3A_81 : vector<16xi32> to vector<16xi32>
    tpu.vector_store %arg8[%swap3A_82], %swap3A_85 {strides = array<i32>} : memref<80xi32, #tpu.memory_space<vmem>>, vector<16xi32>,
    %get3A_86 = arith.constant 128 : index
    %get3A_87 = tpu.vector_load %arg15[%get3A_86] {strides = array<i32>} : memref<20000xi32, #tpu.memory_space<vmem>>, vector<16xi32>,
    %get3A_88 = vector.shape_cast %get3A_87 : vector<16xi32> to vector<16xi32>
    %swap3A_89 = arith.constant 48 : index
    %swap3A_90 = tpu.vector_load %arg8[%swap3A_89] {strides = array<i32>} : memref<80xi32, #tpu.memory_space<vmem>>, vector<16xi32>,
    %swap3A_91 = vector.shape_cast %swap3A_90 : vector<16xi32> to vector<16xi32>
    %swap3A_92 = vector.shape_cast %get3A_88 : vector<16xi32> to vector<16xi32>
    tpu.vector_store %arg8[%swap3A_89], %swap3A_92 {strides = array<i32>} : memref<80xi32, #tpu.memory_space<vmem>>, vector<16xi32>,
    %get3A_93 = arith.constant 144 : index
    %get3A_94 = tpu.vector_load %arg15[%get3A_93] {strides = array<i32>} : memref<20000xi32, #tpu.memory_space<vmem>>, vector<16xi32>,
    %get3A_95 = vector.shape_cast %get3A_94 : vector<16xi32> to vector<16xi32>
    %swap3A_96 = arith.constant 64 : index
    %swap3A_97 = tpu.vector_load %arg8[%swap3A_96] {strides = array<i32>} : memref<80xi32, #tpu.memory_space<vmem>>, vector<16xi32>,
    %swap3A_98 = vector.shape_cast %swap3A_97 : vector<16xi32> to vector<16xi32>
    %swap3A_99 = vector.shape_cast %get3A_95 : vector<16xi32> to vector<16xi32>
    tpu.vector_store %arg8[%swap3A_96], %swap3A_99 {strides = array<i32>} : memref<80xi32, #tpu.memory_space<vmem>>, vector<16xi32>,
    %dma_start3A_100 = arith.constant 80 : i32
    %dma_start3A_101 = tpu.memref_slice %arg14[%dma_start3A_100] : memref<20000xi32, #tpu.memory_space<vmem>> -> memref<80xi32, #tpu.memory_space<vmem>>
    %dma_start3A_102 = arith.constant 0 : i32
    %dma_start3A_103 = arith.constant 0 : i32
    %dma_start3A_104 = tpu.memref_slice %arg2[%dma_start3A_102, %dma_start3A_103] : memref<10000x128xf32, #tpu.memory_space<hbm>> -> memref<10000x128xf32, #tpu.memory_space<hbm>>
    tpu.enqueue_indirect_dma source(%dma_start3A_104 : memref<10000x128xf32, #tpu.memory_space<hbm>>) target(%arg9 : memref<80x128xf32, #tpu.memory_space<vmem>>) offsets(%dma_start3A_101 : memref<80xi32, #tpu.memory_space<vmem>>) semaphore(%arg18 : memref<!tpu.dma_semaphore, #tpu.memory_space<semaphore_mem>>)
    %scan3A_105 = arith.constant 0 : i32
    %scan3A_106 = arith.constant 0 : i32
    %scan3A_107 = arith.constant 62 : i32
    %scan3A_108 = arith.addi %scan3A_106, %scan3A_107 : i32
    %scan3A_109 = arith.constant 1 : i32
    %scan3A_110 = scf.for %scan3A_143 = %scan3A_106 to %scan3A_108 step %scan3A_109 iter_args(%scan3A_144 = %scan3A_105) -> (i32)  : i32 {
      %mul3A_145 = arith.constant 4 : i32
      %mul3A_146 = arith.muli %mul3A_145, %scan3A_143 : i32
      %add3A_147 = arith.constant 0 : i32
      %add3A_148 = arith.addi %mul3A_146, %add3A_147 : i32
      %add3A_149 = arith.constant 2 : i32
      %add3A_150 = arith.addi %add3A_148, %add3A_149 : i32
      %mul3A_151 = arith.constant 80 : i32
      %mul3A_152 = arith.muli %add3A_150, %mul3A_151 : i32
      %add3A_153 = arith.constant 0 : i32
      %add3A_154 = arith.addi %mul3A_152, %add3A_153 : i32
      %get3A_155 = arith.index_cast %add3A_154 : i32 to index
      %get3A_156 = tpu.vector_load %arg15[%get3A_155] {strides = array<i32>} : memref<20000xi32, #tpu.memory_space<vmem>>, vector<16xi32>,
      %get3A_157 = vector.shape_cast %get3A_156 : vector<16xi32> to vector<16xi32>
      %swap3A_158 = arith.constant 0 : index
      %swap3A_159 = tpu.vector_load %arg10[%swap3A_158] {strides = array<i32>} : memref<80xi32, #tpu.memory_space<vmem>>, vector<16xi32>,
      %swap3A_160 = vector.shape_cast %swap3A_159 : vector<16xi32> to vector<16xi32>
      %swap3A_161 = vector.shape_cast %get3A_157 : vector<16xi32> to vector<16xi32>
      tpu.vector_store %arg10[%swap3A_158], %swap3A_161 {strides = array<i32>} : memref<80xi32, #tpu.memory_space<vmem>>, vector<16xi32>,
      %mul3A_162 = arith.constant 80 : i32
      %mul3A_163 = arith.muli %add3A_150, %mul3A_162 : i32
      %add3A_164 = arith.constant 16 : i32
      %add3A_165 = arith.addi %mul3A_163, %add3A_164 : i32
      %get3A_166 = arith.index_cast %add3A_165 : i32 to index
      %get3A_167 = tpu.vector_load %arg15[%get3A_166] {strides = array<i32>} : memref<20000xi32, #tpu.memory_space<vmem>>, vector<16xi32>,
      %get3A_168 = vector.shape_cast %get3A_167 : vector<16xi32> to vector<16xi32>
      %swap3A_169 = arith.constant 16 : index
      %swap3A_170 = tpu.vector_load %arg10[%swap3A_169] {strides = array<i32>} : memref<80xi32, #tpu.memory_space<vmem>>, vector<16xi32>,
      %swap3A_171 = vector.shape_cast %swap3A_170 : vector<16xi32> to vector<16xi32>
      %swap3A_172 = vector.shape_cast %get3A_168 : vector<16xi32> to vector<16xi32>
      tpu.vector_store %arg10[%swap3A_169], %swap3A_172 {strides = array<i32>} : memref<80xi32, #tpu.memory_space<vmem>>, vector<16xi32>,
      %mul3A_173 = arith.constant 80 : i32
      %mul3A_174 = arith.muli %add3A_150, %mul3A_173 : i32
      %add3A_175 = arith.constant 32 : i32
      %add3A_176 = arith.addi %mul3A_174, %add3A_175 : i32
      %get3A_177 = arith.index_cast %add3A_176 : i32 to index
      %get3A_178 = tpu.vector_load %arg15[%get3A_177] {strides = array<i32>} : memref<20000xi32, #tpu.memory_space<vmem>>, vector<16xi32>,
      %get3A_179 = vector.shape_cast %get3A_178 : vector<16xi32> to vector<16xi32>
      %swap3A_180 = arith.constant 32 : index
      %swap3A_181 = tpu.vector_load %arg10[%swap3A_180] {strides = array<i32>} : memref<80xi32, #tpu.memory_space<vmem>>, vector<16xi32>,
      %swap3A_182 = vector.shape_cast %swap3A_181 : vector<16xi32> to vector<16xi32>
      %swap3A_183 = vector.shape_cast %get3A_179 : vector<16xi32> to vector<16xi32>
      tpu.vector_store %arg10[%swap3A_180], %swap3A_183 {strides = array<i32>} : memref<80xi32, #tpu.memory_space<vmem>>, vector<16xi32>,
      %mul3A_184 = arith.constant 80 : i32
      %mul3A_185 = arith.muli %add3A_150, %mul3A_184 : i32
      %add3A_186 = arith.constant 48 : i32
      %add3A_187 = arith.addi %mul3A_185, %add3A_186 : i32
      %get3A_188 = arith.index_cast %add3A_187 : i32 to index
      %get3A_189 = tpu.vector_load %arg15[%get3A_188] {strides = array<i32>} : memref<20000xi32, #tpu.memory_space<vmem>>, vector<16xi32>,
      %get3A_190 = vector.shape_cast %get3A_189 : vector<16xi32> to vector<16xi32>
      %swap3A_191 = arith.constant 48 : index
      %swap3A_192 = tpu.vector_load %arg10[%swap3A_191] {strides = array<i32>} : memref<80xi32, #tpu.memory_space<vmem>>, vector<16xi32>,
      %swap3A_193 = vector.shape_cast %swap3A_192 : vector<16xi32> to vector<16xi32>
      %swap3A_194 = vector.shape_cast %get3A_190 : vector<16xi32> to vector<16xi32>
      tpu.vector_store %arg10[%swap3A_191], %swap3A_194 {strides = array<i32>} : memref<80xi32, #tpu.memory_space<vmem>>, vector<16xi32>,
      %mul3A_195 = arith.constant 80 : i32
      %mul3A_196 = arith.muli %add3A_150, %mul3A_195 : i32
      %add3A_197 = arith.constant 64 : i32
      %add3A_198 = arith.addi %mul3A_196, %add3A_197 : i32
      %get3A_199 = arith.index_cast %add3A_198 : i32 to index
      %get3A_200 = tpu.vector_load %arg15[%get3A_199] {strides = array<i32>} : memref<20000xi32, #tpu.memory_space<vmem>>, vector<16xi32>,
      %get3A_201 = vector.shape_cast %get3A_200 : vector<16xi32> to vector<16xi32>
      %swap3A_202 = arith.constant 64 : index
      %swap3A_203 = tpu.vector_load %arg10[%swap3A_202] {strides = array<i32>} : memref<80xi32, #tpu.memory_space<vmem>>, vector<16xi32>,
      %swap3A_204 = vector.shape_cast %swap3A_203 : vector<16xi32> to vector<16xi32>
      %swap3A_205 = vector.shape_cast %get3A_201 : vector<16xi32> to vector<16xi32>
      tpu.vector_store %arg10[%swap3A_202], %swap3A_205 {strides = array<i32>} : memref<80xi32, #tpu.memory_space<vmem>>, vector<16xi32>,
      %add3A_206 = arith.constant 0 : i32
      %add3A_207 = arith.addi %mul3A_146, %add3A_206 : i32
      %add3A_208 = arith.constant 2 : i32
      %add3A_209 = arith.addi %add3A_207, %add3A_208 : i32
      %mul3A_210 = arith.constant 80 : i32
      %mul3A_211 = arith.muli %add3A_209, %mul3A_210 : i32
      %dma_start3A_212 = tpu.memref_slice %arg14[%mul3A_211] : memref<20000xi32, #tpu.memory_space<vmem>> -> memref<80xi32, #tpu.memory_space<vmem>>
      %dma_start3A_213 = arith.constant 0 : i32
      %dma_start3A_214 = arith.constant 0 : i32
      %dma_start3A_215 = tpu.memref_slice %arg2[%dma_start3A_213, %dma_start3A_214] : memref<10000x128xf32, #tpu.memory_space<hbm>> -> memref<10000x128xf32, #tpu.memory_space<hbm>>
      tpu.enqueue_indirect_dma source(%dma_start3A_215 : memref<10000x128xf32, #tpu.memory_space<hbm>>) target(%arg11 : memref<80x128xf32, #tpu.memory_space<vmem>>) offsets(%dma_start3A_212 : memref<80xi32, #tpu.memory_space<vmem>>) semaphore(%arg19 : memref<!tpu.dma_semaphore, #tpu.memory_space<semaphore_mem>>)
      %dma_wait3A_216 = arith.constant 0 : i32
      %dma_wait3A_217 = arith.constant 0 : i32
      %dma_wait3A_218 = tpu.memref_slice %arg2[%dma_wait3A_216, %dma_wait3A_217] : memref<10000x128xf32, #tpu.memory_space<hbm>> -> memref<80x128xf32, #tpu.memory_space<hbm>>
      %dma_wait3A_219 = arith.constant 0 : i32
      %dma_wait3A_220 = arith.constant 0 : i32
      %dma_wait3A_221 = tpu.memref_slice %arg2[%dma_wait3A_219, %dma_wait3A_220] : memref<10000x128xf32, #tpu.memory_space<hbm>> -> memref<80x128xf32, #tpu.memory_space<hbm>>
      tpu.wait_dma2 semaphore(%arg17 : memref<!tpu.dma_semaphore, #tpu.memory_space<semaphore_mem>>) src(%dma_wait3A_221 : memref<80x128xf32, #tpu.memory_space<hbm>>) dst(%arg7 : memref<80x128xf32, #tpu.memory_space<vmem>>)
      "tpu.region"() ({
        %run_scoped3A = tpu.sem_alloc : memref<!tpu.dma_semaphore, #tpu.memory_space<semaphore_mem>>
        %dma_start3A_448 = arith.constant 0 : i32
        %dma_start3A_449 = arith.constant 0 : i32
        %dma_start3A_450 = tpu.memref_slice %arg16[%dma_start3A_448, %dma_start3A_449] : memref<5128x128xf32, #tpu.memory_space<vmem_shared>> -> memref<5128x128xf32, #tpu.memory_space<vmem_shared>>
        tpu.enqueue_indirect_dma source(%arg7 : memref<80x128xf32, #tpu.memory_space<vmem>>) target(%dma_start3A_450 : memref<5128x128xf32, #tpu.memory_space<vmem_shared>>) offsets(%arg6 : memref<80xi32, #tpu.memory_space<vmem>>) semaphore(%run_scoped3A : memref<!tpu.dma_semaphore, #tpu.memory_space<semaphore_mem>>) {add = true}
        %dma_wait3A_451 = arith.constant 0 : i32
        %dma_wait3A_452 = arith.constant 0 : i32
        %dma_wait3A_453 = tpu.memref_slice %arg16[%dma_wait3A_451, %dma_wait3A_452] : memref<5128x128xf32, #tpu.memory_space<vmem_shared>> -> memref<5128x128xf32, #tpu.memory_space<vmem_shared>>
        tpu.wait_indirect_dma semaphore(%run_scoped3A : memref<!tpu.dma_semaphore, #tpu.memory_space<semaphore_mem>>) src(%arg7 : memref<80x128xf32, #tpu.memory_space<vmem>>) dst(%dma_wait3A_453 : memref<5128x128xf32, #tpu.memory_space<vmem_shared>>)
        tpu.yield
      }) : () -> ()
      %add3A_222 = arith.constant 1 : i32
      %add3A_223 = arith.addi %mul3A_146, %add3A_222 : i32
      %add3A_224 = arith.constant 2 : i32
      %add3A_225 = arith.addi %add3A_223, %add3A_224 : i32
      %mul3A_226 = arith.constant 80 : i32
      %mul3A_227 = arith.muli %add3A_225, %mul3A_226 : i32
      %add3A_228 = arith.constant 0 : i32
      %add3A_229 = arith.addi %mul3A_227, %add3A_228 : i32
      %get3A_230 = arith.index_cast %add3A_229 : i32 to index
      %get3A_231 = tpu.vector_load %arg15[%get3A_230] {strides = array<i32>} : memref<20000xi32, #tpu.memory_space<vmem>>, vector<16xi32>,
      %get3A_232 = vector.shape_cast %get3A_231 : vector<16xi32> to vector<16xi32>
      %swap3A_233 = arith.constant 0 : index
      %swap3A_234 = tpu.vector_load %arg12[%swap3A_233] {strides = array<i32>} : memref<80xi32, #tpu.memory_space<vmem>>, vector<16xi32>,
      %swap3A_235 = vector.shape_cast %swap3A_234 : vector<16xi32> to vector<16xi32>
      %swap3A_236 = vector.shape_cast %get3A_232 : vector<16xi32> to vector<16xi32>
      tpu.vector_store %arg12[%swap3A_233], %swap3A_236 {strides = array<i32>} : memref<80xi32, #tpu.memory_space<vmem>>, vector<16xi32>,
      %mul3A_237 = arith.constant 80 : i32
      %mul3A_238 = arith.muli %add3A_225, %mul3A_237 : i32
      %add3A_239 = arith.constant 16 : i32
      %add3A_240 = arith.addi %mul3A_238, %add3A_239 : i32
      %get3A_241 = arith.index_cast %add3A_240 : i32 to index
      %get3A_242 = tpu.vector_load %arg15[%get3A_241] {strides = array<i32>} : memref<20000xi32, #tpu.memory_space<vmem>>, vector<16xi32>,
      %get3A_243 = vector.shape_cast %get3A_242 : vector<16xi32> to vector<16xi32>
      %swap3A_244 = arith.constant 16 : index
      %swap3A_245 = tpu.vector_load %arg12[%swap3A_244] {strides = array<i32>} : memref<80xi32, #tpu.memory_space<vmem>>, vector<16xi32>,
      %swap3A_246 = vector.shape_cast %swap3A_245 : vector<16xi32> to vector<16xi32>
      %swap3A_247 = vector.shape_cast %get3A_243 : vector<16xi32> to vector<16xi32>
      tpu.vector_store %arg12[%swap3A_244], %swap3A_247 {strides = array<i32>} : memref<80xi32, #tpu.memory_space<vmem>>, vector<16xi32>,
      %mul3A_248 = arith.constant 80 : i32
      %mul3A_249 = arith.muli %add3A_225, %mul3A_248 : i32
      %add3A_250 = arith.constant 32 : i32
      %add3A_251 = arith.addi %mul3A_249, %add3A_250 : i32
      %get3A_252 = arith.index_cast %add3A_251 : i32 to index
      %get3A_253 = tpu.vector_load %arg15[%get3A_252] {strides = array<i32>} : memref<20000xi32, #tpu.memory_space<vmem>>, vector<16xi32>,
      %get3A_254 = vector.shape_cast %get3A_253 : vector<16xi32> to vector<16xi32>
      %swap3A_255 = arith.constant 32 : index
      %swap3A_256 = tpu.vector_load %arg12[%swap3A_255] {strides = array<i32>} : memref<80xi32, #tpu.memory_space<vmem>>, vector<16xi32>,
      %swap3A_257 = vector.shape_cast %swap3A_256 : vector<16xi32> to vector<16xi32>
      %swap3A_258 = vector.shape_cast %get3A_254 : vector<16xi32> to vector<16xi32>
      tpu.vector_store %arg12[%swap3A_255], %swap3A_258 {strides = array<i32>} : memref<80xi32, #tpu.memory_space<vmem>>, vector<16xi32>,
      %mul3A_259 = arith.constant 80 : i32
      %mul3A_260 = arith.muli %add3A_225, %mul3A_259 : i32
      %add3A_261 = arith.constant 48 : i32
      %add3A_262 = arith.addi %mul3A_260, %add3A_261 : i32
      %get3A_263 = arith.index_cast %add3A_262 : i32 to index
      %get3A_264 = tpu.vector_load %arg15[%get3A_263] {strides = array<i32>} : memref<20000xi32, #tpu.memory_space<vmem>>, vector<16xi32>,
      %get3A_265 = vector.shape_cast %get3A_264 : vector<16xi32> to vector<16xi32>
      %swap3A_266 = arith.constant 48 : index
      %swap3A_267 = tpu.vector_load %arg12[%swap3A_266] {strides = array<i32>} : memref<80xi32, #tpu.memory_space<vmem>>, vector<16xi32>,
      %swap3A_268 = vector.shape_cast %swap3A_267 : vector<16xi32> to vector<16xi32>
      %swap3A_269 = vector.shape_cast %get3A_265 : vector<16xi32> to vector<16xi32>
      tpu.vector_store %arg12[%swap3A_266], %swap3A_269 {strides = array<i32>} : memref<80xi32, #tpu.memory_space<vmem>>, vector<16xi32>,
      %mul3A_270 = arith.constant 80 : i32
      %mul3A_271 = arith.muli %add3A_225, %mul3A_270 : i32
      %add3A_272 = arith.constant 64 : i32
      %add3A_273 = arith.addi %mul3A_271, %add3A_272 : i32
      %get3A_274 = arith.index_cast %add3A_273 : i32 to index
      %get3A_275 = tpu.vector_load %arg15[%get3A_274] {strides = array<i32>} : memref<20000xi32, #tpu.memory_space<vmem>>, vector<16xi32>,
      %get3A_276 = vector.shape_cast %get3A_275 : vector<16xi32> to vector<16xi32>
      %swap3A_277 = arith.constant 64 : index
      %swap3A_278 = tpu.vector_load %arg12[%swap3A_277] {strides = array<i32>} : memref<80xi32, #tpu.memory_space<vmem>>, vector<16xi32>,
      %swap3A_279 = vector.shape_cast %swap3A_278 : vector<16xi32> to vector<16xi32>
      %swap3A_280 = vector.shape_cast %get3A_276 : vector<16xi32> to vector<16xi32>
      tpu.vector_store %arg12[%swap3A_277], %swap3A_280 {strides = array<i32>} : memref<80xi32, #tpu.memory_space<vmem>>, vector<16xi32>,
      %add3A_281 = arith.constant 1 : i32
      %add3A_282 = arith.addi %mul3A_146, %add3A_281 : i32
      %add3A_283 = arith.constant 2 : i32
      %add3A_284 = arith.addi %add3A_282, %add3A_283 : i32
      %mul3A_285 = arith.constant 80 : i32
      %mul3A_286 = arith.muli %add3A_284, %mul3A_285 : i32
      %dma_start3A_287 = tpu.memref_slice %arg14[%mul3A_286] : memref<20000xi32, #tpu.memory_space<vmem>> -> memref<80xi32, #tpu.memory_space<vmem>>
      %dma_start3A_288 = arith.constant 0 : i32
      %dma_start3A_289 = arith.constant 0 : i32
      %dma_start3A_290 = tpu.memref_slice %arg2[%dma_start3A_288, %dma_start3A_289] : memref<10000x128xf32, #tpu.memory_space<hbm>> -> memref<10000x128xf32, #tpu.memory_space<hbm>>
      tpu.enqueue_indirect_dma source(%dma_start3A_290 : memref<10000x128xf32, #tpu.memory_space<hbm>>) target(%arg13 : memref<80x128xf32, #tpu.memory_space<vmem>>) offsets(%dma_start3A_287 : memref<80xi32, #tpu.memory_space<vmem>>) semaphore(%arg20 : memref<!tpu.dma_semaphore, #tpu.memory_space<semaphore_mem>>)
      %dma_wait3A_291 = arith.constant 0 : i32
      %dma_wait3A_292 = arith.constant 0 : i32
      %dma_wait3A_293 = tpu.memref_slice %arg2[%dma_wait3A_291, %dma_wait3A_292] : memref<10000x128xf32, #tpu.memory_space<hbm>> -> memref<80x128xf32, #tpu.memory_space<hbm>>
      %dma_wait3A_294 = arith.constant 0 : i32
      %dma_wait3A_295 = arith.constant 0 : i32
      %dma_wait3A_296 = tpu.memref_slice %arg2[%dma_wait3A_294, %dma_wait3A_295] : memref<10000x128xf32, #tpu.memory_space<hbm>> -> memref<80x128xf32, #tpu.memory_space<hbm>>
      tpu.wait_dma2 semaphore(%arg18 : memref<!tpu.dma_semaphore, #tpu.memory_space<semaphore_mem>>) src(%dma_wait3A_296 : memref<80x128xf32, #tpu.memory_space<hbm>>) dst(%arg9 : memref<80x128xf32, #tpu.memory_space<vmem>>)
      "tpu.region"() ({
        %run_scoped3A = tpu.sem_alloc : memref<!tpu.dma_semaphore, #tpu.memory_space<semaphore_mem>>
        %dma_start3A_448 = arith.constant 0 : i32
        %dma_start3A_449 = arith.constant 0 : i32
        %dma_start3A_450 = tpu.memref_slice %arg16[%dma_start3A_448, %dma_start3A_449] : memref<5128x128xf32, #tpu.memory_space<vmem_shared>> -> memref<5128x128xf32, #tpu.memory_space<vmem_shared>>
        tpu.enqueue_indirect_dma source(%arg9 : memref<80x128xf32, #tpu.memory_space<vmem>>) target(%dma_start3A_450 : memref<5128x128xf32, #tpu.memory_space<vmem_shared>>) offsets(%arg8 : memref<80xi32, #tpu.memory_space<vmem>>) semaphore(%run_scoped3A : memref<!tpu.dma_semaphore, #tpu.memory_space<semaphore_mem>>) {add = true}
        %dma_wait3A_451 = arith.constant 0 : i32
        %dma_wait3A_452 = arith.constant 0 : i32
        %dma_wait3A_453 = tpu.memref_slice %arg16[%dma_wait3A_451, %dma_wait3A_452] : memref<5128x128xf32, #tpu.memory_space<vmem_shared>> -> memref<5128x128xf32, #tpu.memory_space<vmem_shared>>
        tpu.wait_indirect_dma semaphore(%run_scoped3A : memref<!tpu.dma_semaphore, #tpu.memory_space<semaphore_mem>>) src(%arg9 : memref<80x128xf32, #tpu.memory_space<vmem>>) dst(%dma_wait3A_453 : memref<5128x128xf32, #tpu.memory_space<vmem_shared>>)
        tpu.yield
      }) : () -> ()
      %add3A_297 = arith.constant 2 : i32
      %add3A_298 = arith.addi %mul3A_146, %add3A_297 : i32
      %add3A_299 = arith.constant 2 : i32
      %add3A_300 = arith.addi %add3A_298, %add3A_299 : i32
      %mul3A_301 = arith.constant 80 : i32
      %mul3A_302 = arith.muli %add3A_300, %mul3A_301 : i32
      %add3A_303 = arith.constant 0 : i32
      %add3A_304 = arith.addi %mul3A_302, %add3A_303 : i32
      %get3A_305 = arith.index_cast %add3A_304 : i32 to index
      %get3A_306 = tpu.vector_load %arg15[%get3A_305] {strides = array<i32>} : memref<20000xi32, #tpu.memory_space<vmem>>, vector<16xi32>,
      %get3A_307 = vector.shape_cast %get3A_306 : vector<16xi32> to vector<16xi32>
      %swap3A_308 = arith.constant 0 : index
      %swap3A_309 = tpu.vector_load %arg6[%swap3A_308] {strides = array<i32>} : memref<80xi32, #tpu.memory_space<vmem>>, vector<16xi32>,
      %swap3A_310 = vector.shape_cast %swap3A_309 : vector<16xi32> to vector<16xi32>
      %swap3A_311 = vector.shape_cast %get3A_307 : vector<16xi32> to vector<16xi32>
      tpu.vector_store %arg6[%swap3A_308], %swap3A_311 {strides = array<i32>} : memref<80xi32, #tpu.memory_space<vmem>>, vector<16xi32>,
      %mul3A_312 = arith.constant 80 : i32
      %mul3A_313 = arith.muli %add3A_300, %mul3A_312 : i32
      %add3A_314 = arith.constant 16 : i32
      %add3A_315 = arith.addi %mul3A_313, %add3A_314 : i32
      %get3A_316 = arith.index_cast %add3A_315 : i32 to index
      %get3A_317 = tpu.vector_load %arg15[%get3A_316] {strides = array<i32>} : memref<20000xi32, #tpu.memory_space<vmem>>, vector<16xi32>,
      %get3A_318 = vector.shape_cast %get3A_317 : vector<16xi32> to vector<16xi32>
      %swap3A_319 = arith.constant 16 : index
      %swap3A_320 = tpu.vector_load %arg6[%swap3A_319] {strides = array<i32>} : memref<80xi32, #tpu.memory_space<vmem>>, vector<16xi32>,
      %swap3A_321 = vector.shape_cast %swap3A_320 : vector<16xi32> to vector<16xi32>
      %swap3A_322 = vector.shape_cast %get3A_318 : vector<16xi32> to vector<16xi32>
      tpu.vector_store %arg6[%swap3A_319], %swap3A_322 {strides = array<i32>} : memref<80xi32, #tpu.memory_space<vmem>>, vector<16xi32>,
      %mul3A_323 = arith.constant 80 : i32
      %mul3A_324 = arith.muli %add3A_300, %mul3A_323 : i32
      %add3A_325 = arith.constant 32 : i32
      %add3A_326 = arith.addi %mul3A_324, %add3A_325 : i32
      %get3A_327 = arith.index_cast %add3A_326 : i32 to index
      %get3A_328 = tpu.vector_load %arg15[%get3A_327] {strides = array<i32>} : memref<20000xi32, #tpu.memory_space<vmem>>, vector<16xi32>,
      %get3A_329 = vector.shape_cast %get3A_328 : vector<16xi32> to vector<16xi32>
      %swap3A_330 = arith.constant 32 : index
      %swap3A_331 = tpu.vector_load %arg6[%swap3A_330] {strides = array<i32>} : memref<80xi32, #tpu.memory_space<vmem>>, vector<16xi32>,
      %swap3A_332 = vector.shape_cast %swap3A_331 : vector<16xi32> to vector<16xi32>
      %swap3A_333 = vector.shape_cast %get3A_329 : vector<16xi32> to vector<16xi32>
      tpu.vector_store %arg6[%swap3A_330], %swap3A_333 {strides = array<i32>} : memref<80xi32, #tpu.memory_space<vmem>>, vector<16xi32>,
      %mul3A_334 = arith.constant 80 : i32
      %mul3A_335 = arith.muli %add3A_300, %mul3A_334 : i32
      %add3A_336 = arith.constant 48 : i32
      %add3A_337 = arith.addi %mul3A_335, %add3A_336 : i32
      %get3A_338 = arith.index_cast %add3A_337 : i32 to index
      %get3A_339 = tpu.vector_load %arg15[%get3A_338] {strides = array<i32>} : memref<20000xi32, #tpu.memory_space<vmem>>, vector<16xi32>,
      %get3A_340 = vector.shape_cast %get3A_339 : vector<16xi32> to vector<16xi32>
      %swap3A_341 = arith.constant 48 : index
      %swap3A_342 = tpu.vector_load %arg6[%swap3A_341] {strides = array<i32>} : memref<80xi32, #tpu.memory_space<vmem>>, vector<16xi32>,
      %swap3A_343 = vector.shape_cast %swap3A_342 : vector<16xi32> to vector<16xi32>
      %swap3A_344 = vector.shape_cast %get3A_340 : vector<16xi32> to vector<16xi32>
      tpu.vector_store %arg6[%swap3A_341], %swap3A_344 {strides = array<i32>} : memref<80xi32, #tpu.memory_space<vmem>>, vector<16xi32>,
      %mul3A_345 = arith.constant 80 : i32
      %mul3A_346 = arith.muli %add3A_300, %mul3A_345 : i32
      %add3A_347 = arith.constant 64 : i32
      %add3A_348 = arith.addi %mul3A_346, %add3A_347 : i32
      %get3A_349 = arith.index_cast %add3A_348 : i32 to index
      %get3A_350 = tpu.vector_load %arg15[%get3A_349] {strides = array<i32>} : memref<20000xi32, #tpu.memory_space<vmem>>, vector<16xi32>,
      %get3A_351 = vector.shape_cast %get3A_350 : vector<16xi32> to vector<16xi32>
      %swap3A_352 = arith.constant 64 : index
      %swap3A_353 = tpu.vector_load %arg6[%swap3A_352] {strides = array<i32>} : memref<80xi32, #tpu.memory_space<vmem>>, vector<16xi32>,
      %swap3A_354 = vector.shape_cast %swap3A_353 : vector<16xi32> to vector<16xi32>
      %swap3A_355 = vector.shape_cast %get3A_351 : vector<16xi32> to vector<16xi32>
      tpu.vector_store %arg6[%swap3A_352], %swap3A_355 {strides = array<i32>} : memref<80xi32, #tpu.memory_space<vmem>>, vector<16xi32>,
      %add3A_356 = arith.constant 2 : i32
      %add3A_357 = arith.addi %mul3A_146, %add3A_356 : i32
      %add3A_358 = arith.constant 2 : i32
      %add3A_359 = arith.addi %add3A_357, %add3A_358 : i32
      %mul3A_360 = arith.constant 80 : i32
      %mul3A_361 = arith.muli %add3A_359, %mul3A_360 : i32
      %dma_start3A_362 = tpu.memref_slice %arg14[%mul3A_361] : memref<20000xi32, #tpu.memory_space<vmem>> -> memref<80xi32, #tpu.memory_space<vmem>>
      %dma_start3A_363 = arith.constant 0 : i32
      %dma_start3A_364 = arith.constant 0 : i32
      %dma_start3A_365 = tpu.memref_slice %arg2[%dma_start3A_363, %dma_start3A_364] : memref<10000x128xf32, #tpu.memory_space<hbm>> -> memref<10000x128xf32, #tpu.memory_space<hbm>>
      tpu.enqueue_indirect_dma source(%dma_start3A_365 : memref<10000x128xf32, #tpu.memory_space<hbm>>) target(%arg7 : memref<80x128xf32, #tpu.memory_space<vmem>>) offsets(%dma_start3A_362 : memref<80xi32, #tpu.memory_space<vmem>>) semaphore(%arg17 : memref<!tpu.dma_semaphore, #tpu.memory_space<semaphore_mem>>)
      %dma_wait3A_366 = arith.constant 0 : i32
      %dma_wait3A_367 = arith.constant 0 : i32
      %dma_wait3A_368 = tpu.memref_slice %arg2[%dma_wait3A_366, %dma_wait3A_367] : memref<10000x128xf32, #tpu.memory_space<hbm>> -> memref<80x128xf32, #tpu.memory_space<hbm>>
      %dma_wait3A_369 = arith.constant 0 : i32
      %dma_wait3A_370 = arith.constant 0 : i32
      %dma_wait3A_371 = tpu.memref_slice %arg2[%dma_wait3A_369, %dma_wait3A_370] : memref<10000x128xf32, #tpu.memory_space<hbm>> -> memref<80x128xf32, #tpu.memory_space<hbm>>
      tpu.wait_dma2 semaphore(%arg19 : memref<!tpu.dma_semaphore, #tpu.memory_space<semaphore_mem>>) src(%dma_wait3A_371 : memref<80x128xf32, #tpu.memory_space<hbm>>) dst(%arg11 : memref<80x128xf32, #tpu.memory_space<vmem>>)
      "tpu.region"() ({
        %run_scoped3A = tpu.sem_alloc : memref<!tpu.dma_semaphore, #tpu.memory_space<semaphore_mem>>
        %dma_start3A_448 = arith.constant 0 : i32
        %dma_start3A_449 = arith.constant 0 : i32
        %dma_start3A_450 = tpu.memref_slice %arg16[%dma_start3A_448, %dma_start3A_449] : memref<5128x128xf32, #tpu.memory_space<vmem_shared>> -> memref<5128x128xf32, #tpu.memory_space<vmem_shared>>
        tpu.enqueue_indirect_dma source(%arg11 : memref<80x128xf32, #tpu.memory_space<vmem>>) target(%dma_start3A_450 : memref<5128x128xf32, #tpu.memory_space<vmem_shared>>) offsets(%arg10 : memref<80xi32, #tpu.memory_space<vmem>>) semaphore(%run_scoped3A : memref<!tpu.dma_semaphore, #tpu.memory_space<semaphore_mem>>) {add = true}
        %dma_wait3A_451 = arith.constant 0 : i32
        %dma_wait3A_452 = arith.constant 0 : i32
        %dma_wait3A_453 = tpu.memref_slice %arg16[%dma_wait3A_451, %dma_wait3A_452] : memref<5128x128xf32, #tpu.memory_space<vmem_shared>> -> memref<5128x128xf32, #tpu.memory_space<vmem_shared>>
        tpu.wait_indirect_dma semaphore(%run_scoped3A : memref<!tpu.dma_semaphore, #tpu.memory_space<semaphore_mem>>) src(%arg11 : memref<80x128xf32, #tpu.memory_space<vmem>>) dst(%dma_wait3A_453 : memref<5128x128xf32, #tpu.memory_space<vmem_shared>>)
        tpu.yield
      }) : () -> ()
      %add3A_372 = arith.constant 3 : i32
      %add3A_373 = arith.addi %mul3A_146, %add3A_372 : i32
      %add3A_374 = arith.constant 2 : i32
      %add3A_375 = arith.addi %add3A_373, %add3A_374 : i32
      %mul3A_376 = arith.constant 80 : i32
      %mul3A_377 = arith.muli %add3A_375, %mul3A_376 : i32
      %add3A_378 = arith.constant 0 : i32
      %add3A_379 = arith.addi %mul3A_377, %add3A_378 : i32
      %get3A_380 = arith.index_cast %add3A_379 : i32 to index
      %get3A_381 = tpu.vector_load %arg15[%get3A_380] {strides = array<i32>} : memref<20000xi32, #tpu.memory_space<vmem>>, vector<16xi32>,
      %get3A_382 = vector.shape_cast %get3A_381 : vector<16xi32> to vector<16xi32>
      %swap3A_383 = arith.constant 0 : index
      %swap3A_384 = tpu.vector_load %arg8[%swap3A_383] {strides = array<i32>} : memref<80xi32, #tpu.memory_space<vmem>>, vector<16xi32>,
      %swap3A_385 = vector.shape_cast %swap3A_384 : vector<16xi32> to vector<16xi32>
      %swap3A_386 = vector.shape_cast %get3A_382 : vector<16xi32> to vector<16xi32>
      tpu.vector_store %arg8[%swap3A_383], %swap3A_386 {strides = array<i32>} : memref<80xi32, #tpu.memory_space<vmem>>, vector<16xi32>,
      %mul3A_387 = arith.constant 80 : i32
      %mul3A_388 = arith.muli %add3A_375, %mul3A_387 : i32
      %add3A_389 = arith.constant 16 : i32
      %add3A_390 = arith.addi %mul3A_388, %add3A_389 : i32
      %get3A_391 = arith.index_cast %add3A_390 : i32 to index
      %get3A_392 = tpu.vector_load %arg15[%get3A_391] {strides = array<i32>} : memref<20000xi32, #tpu.memory_space<vmem>>, vector<16xi32>,
      %get3A_393 = vector.shape_cast %get3A_392 : vector<16xi32> to vector<16xi32>
      %swap3A_394 = arith.constant 16 : index
      %swap3A_395 = tpu.vector_load %arg8[%swap3A_394] {strides = array<i32>} : memref<80xi32, #tpu.memory_space<vmem>>, vector<16xi32>,
      %swap3A_396 = vector.shape_cast %swap3A_395 : vector<16xi32> to vector<16xi32>
      %swap3A_397 = vector.shape_cast %get3A_393 : vector<16xi32> to vector<16xi32>
      tpu.vector_store %arg8[%swap3A_394], %swap3A_397 {strides = array<i32>} : memref<80xi32, #tpu.memory_space<vmem>>, vector<16xi32>,
      %mul3A_398 = arith.constant 80 : i32
      %mul3A_399 = arith.muli %add3A_375, %mul3A_398 : i32
      %add3A_400 = arith.constant 32 : i32
      %add3A_401 = arith.addi %mul3A_399, %add3A_400 : i32
      %get3A_402 = arith.index_cast %add3A_401 : i32 to index
      %get3A_403 = tpu.vector_load %arg15[%get3A_402] {strides = array<i32>} : memref<20000xi32, #tpu.memory_space<vmem>>, vector<16xi32>,
      %get3A_404 = vector.shape_cast %get3A_403 : vector<16xi32> to vector<16xi32>
      %swap3A_405 = arith.constant 32 : index
      %swap3A_406 = tpu.vector_load %arg8[%swap3A_405] {strides = array<i32>} : memref<80xi32, #tpu.memory_space<vmem>>, vector<16xi32>,
      %swap3A_407 = vector.shape_cast %swap3A_406 : vector<16xi32> to vector<16xi32>
      %swap3A_408 = vector.shape_cast %get3A_404 : vector<16xi32> to vector<16xi32>
      tpu.vector_store %arg8[%swap3A_405], %swap3A_408 {strides = array<i32>} : memref<80xi32, #tpu.memory_space<vmem>>, vector<16xi32>,
      %mul3A_409 = arith.constant 80 : i32
      %mul3A_410 = arith.muli %add3A_375, %mul3A_409 : i32
      %add3A_411 = arith.constant 48 : i32
      %add3A_412 = arith.addi %mul3A_410, %add3A_411 : i32
      %get3A_413 = arith.index_cast %add3A_412 : i32 to index
      %get3A_414 = tpu.vector_load %arg15[%get3A_413] {strides = array<i32>} : memref<20000xi32, #tpu.memory_space<vmem>>, vector<16xi32>,
      %get3A_415 = vector.shape_cast %get3A_414 : vector<16xi32> to vector<16xi32>
      %swap3A_416 = arith.constant 48 : index
      %swap3A_417 = tpu.vector_load %arg8[%swap3A_416] {strides = array<i32>} : memref<80xi32, #tpu.memory_space<vmem>>, vector<16xi32>,
      %swap3A_418 = vector.shape_cast %swap3A_417 : vector<16xi32> to vector<16xi32>
      %swap3A_419 = vector.shape_cast %get3A_415 : vector<16xi32> to vector<16xi32>
      tpu.vector_store %arg8[%swap3A_416], %swap3A_419 {strides = array<i32>} : memref<80xi32, #tpu.memory_space<vmem>>, vector<16xi32>,
      %mul3A_420 = arith.constant 80 : i32
      %mul3A_421 = arith.muli %add3A_375, %mul3A_420 : i32
      %add3A_422 = arith.constant 64 : i32
      %add3A_423 = arith.addi %mul3A_421, %add3A_422 : i32
      %get3A_424 = arith.index_cast %add3A_423 : i32 to index
      %get3A_425 = tpu.vector_load %arg15[%get3A_424] {strides = array<i32>} : memref<20000xi32, #tpu.memory_space<vmem>>, vector<16xi32>,
      %get3A_426 = vector.shape_cast %get3A_425 : vector<16xi32> to vector<16xi32>
      %swap3A_427 = arith.constant 64 : index
      %swap3A_428 = tpu.vector_load %arg8[%swap3A_427] {strides = array<i32>} : memref<80xi32, #tpu.memory_space<vmem>>, vector<16xi32>,
      %swap3A_429 = vector.shape_cast %swap3A_428 : vector<16xi32> to vector<16xi32>
      %swap3A_430 = vector.shape_cast %get3A_426 : vector<16xi32> to vector<16xi32>
      tpu.vector_store %arg8[%swap3A_427], %swap3A_430 {strides = array<i32>} : memref<80xi32, #tpu.memory_space<vmem>>, vector<16xi32>,
      %add3A_431 = arith.constant 3 : i32
      %add3A_432 = arith.addi %mul3A_146, %add3A_431 : i32
      %add3A_433 = arith.constant 2 : i32
      %add3A_434 = arith.addi %add3A_432, %add3A_433 : i32
      %mul3A_435 = arith.constant 80 : i32
      %mul3A_436 = arith.muli %add3A_434, %mul3A_435 : i32
      %dma_start3A_437 = tpu.memref_slice %arg14[%mul3A_436] : memref<20000xi32, #tpu.memory_space<vmem>> -> memref<80xi32, #tpu.memory_space<vmem>>
      %dma_start3A_438 = arith.constant 0 : i32
      %dma_start3A_439 = arith.constant 0 : i32
      %dma_start3A_440 = tpu.memref_slice %arg2[%dma_start3A_438, %dma_start3A_439] : memref<10000x128xf32, #tpu.memory_space<hbm>> -> memref<10000x128xf32, #tpu.memory_space<hbm>>
      tpu.enqueue_indirect_dma source(%dma_start3A_440 : memref<10000x128xf32, #tpu.memory_space<hbm>>) target(%arg9 : memref<80x128xf32, #tpu.memory_space<vmem>>) offsets(%dma_start3A_437 : memref<80xi32, #tpu.memory_space<vmem>>) semaphore(%arg18 : memref<!tpu.dma_semaphore, #tpu.memory_space<semaphore_mem>>)
      %dma_wait3A_441 = arith.constant 0 : i32
      %dma_wait3A_442 = arith.constant 0 : i32
      %dma_wait3A_443 = tpu.memref_slice %arg2[%dma_wait3A_441, %dma_wait3A_442] : memref<10000x128xf32, #tpu.memory_space<hbm>> -> memref<80x128xf32, #tpu.memory_space<hbm>>
      %dma_wait3A_444 = arith.constant 0 : i32
      %dma_wait3A_445 = arith.constant 0 : i32
      %dma_wait3A_446 = tpu.memref_slice %arg2[%dma_wait3A_444, %dma_wait3A_445] : memref<10000x128xf32, #tpu.memory_space<hbm>> -> memref<80x128xf32, #tpu.memory_space<hbm>>
      tpu.wait_dma2 semaphore(%arg20 : memref<!tpu.dma_semaphore, #tpu.memory_space<semaphore_mem>>) src(%dma_wait3A_446 : memref<80x128xf32, #tpu.memory_space<hbm>>) dst(%arg13 : memref<80x128xf32, #tpu.memory_space<vmem>>)
      "tpu.region"() ({
        %run_scoped3A = tpu.sem_alloc : memref<!tpu.dma_semaphore, #tpu.memory_space<semaphore_mem>>
        %dma_start3A_448 = arith.constant 0 : i32
        %dma_start3A_449 = arith.constant 0 : i32
        %dma_start3A_450 = tpu.memref_slice %arg16[%dma_start3A_448, %dma_start3A_449] : memref<5128x128xf32, #tpu.memory_space<vmem_shared>> -> memref<5128x128xf32, #tpu.memory_space<vmem_shared>>
        tpu.enqueue_indirect_dma source(%arg13 : memref<80x128xf32, #tpu.memory_space<vmem>>) target(%dma_start3A_450 : memref<5128x128xf32, #tpu.memory_space<vmem_shared>>) offsets(%arg12 : memref<80xi32, #tpu.memory_space<vmem>>) semaphore(%run_scoped3A : memref<!tpu.dma_semaphore, #tpu.memory_space<semaphore_mem>>) {add = true}
        %dma_wait3A_451 = arith.constant 0 : i32
        %dma_wait3A_452 = arith.constant 0 : i32
        %dma_wait3A_453 = tpu.memref_slice %arg16[%dma_wait3A_451, %dma_wait3A_452] : memref<5128x128xf32, #tpu.memory_space<vmem_shared>> -> memref<5128x128xf32, #tpu.memory_space<vmem_shared>>
        tpu.wait_indirect_dma semaphore(%run_scoped3A : memref<!tpu.dma_semaphore, #tpu.memory_space<semaphore_mem>>) src(%arg13 : memref<80x128xf32, #tpu.memory_space<vmem>>) dst(%dma_wait3A_453 : memref<5128x128xf32, #tpu.memory_space<vmem_shared>>)
        tpu.yield
      }) : () -> ()
      %scan3A_447 = arith.constant 0 : i32
      scf.yield %scan3A_447 : i32
    }
    %scan3A_111 = arith.constant 62 : i32
    %dma_wait3A = arith.constant 0 : i32
    %dma_wait3A_112 = arith.constant 0 : i32
    %dma_wait3A_113 = tpu.memref_slice %arg2[%dma_wait3A, %dma_wait3A_112] : memref<10000x128xf32, #tpu.memory_space<hbm>> -> memref<80x128xf32, #tpu.memory_space<hbm>>
    %dma_wait3A_114 = arith.constant 0 : i32
    %dma_wait3A_115 = arith.constant 0 : i32
    %dma_wait3A_116 = tpu.memref_slice %arg2[%dma_wait3A_114, %dma_wait3A_115] : memref<10000x128xf32, #tpu.memory_space<hbm>> -> memref<80x128xf32, #tpu.memory_space<hbm>>
    tpu.wait_dma2 semaphore(%arg17 : memref<!tpu.dma_semaphore, #tpu.memory_space<semaphore_mem>>) src(%dma_wait3A_116 : memref<80x128xf32, #tpu.memory_space<hbm>>) dst(%arg7 : memref<80x128xf32, #tpu.memory_space<vmem>>)
    "tpu.region"() ({
      %run_scoped3A = tpu.sem_alloc : memref<!tpu.dma_semaphore, #tpu.memory_space<semaphore_mem>>
      %dma_start3A_143 = arith.constant 0 : i32
      %dma_start3A_144 = arith.constant 0 : i32
      %dma_start3A_145 = tpu.memref_slice %arg16[%dma_start3A_143, %dma_start3A_144] : memref<5128x128xf32, #tpu.memory_space<vmem_shared>> -> memref<5128x128xf32, #tpu.memory_space<vmem_shared>>
      tpu.enqueue_indirect_dma source(%arg7 : memref<80x128xf32, #tpu.memory_space<vmem>>) target(%dma_start3A_145 : memref<5128x128xf32, #tpu.memory_space<vmem_shared>>) offsets(%arg6 : memref<80xi32, #tpu.memory_space<vmem>>) semaphore(%run_scoped3A : memref<!tpu.dma_semaphore, #tpu.memory_space<semaphore_mem>>) {add = true}
      %dma_wait3A_146 = arith.constant 0 : i32
      %dma_wait3A_147 = arith.constant 0 : i32
      %dma_wait3A_148 = tpu.memref_slice %arg16[%dma_wait3A_146, %dma_wait3A_147] : memref<5128x128xf32, #tpu.memory_space<vmem_shared>> -> memref<5128x128xf32, #tpu.memory_space<vmem_shared>>
      tpu.wait_indirect_dma semaphore(%run_scoped3A : memref<!tpu.dma_semaphore, #tpu.memory_space<semaphore_mem>>) src(%arg7 : memref<80x128xf32, #tpu.memory_space<vmem>>) dst(%dma_wait3A_148 : memref<5128x128xf32, #tpu.memory_space<vmem_shared>>)
      tpu.yield
    }) : () -> ()
    %dma_wait3A_117 = arith.constant 0 : i32
    %dma_wait3A_118 = arith.constant 0 : i32
    %dma_wait3A_119 = tpu.memref_slice %arg2[%dma_wait3A_117, %dma_wait3A_118] : memref<10000x128xf32, #tpu.memory_space<hbm>> -> memref<80x128xf32, #tpu.memory_space<hbm>>
    %dma_wait3A_120 = arith.constant 0 : i32
    %dma_wait3A_121 = arith.constant 0 : i32
    %dma_wait3A_122 = tpu.memref_slice %arg2[%dma_wait3A_120, %dma_wait3A_121] : memref<10000x128xf32, #tpu.memory_space<hbm>> -> memref<80x128xf32, #tpu.memory_space<hbm>>
    tpu.wait_dma2 semaphore(%arg18 : memref<!tpu.dma_semaphore, #tpu.memory_space<semaphore_mem>>) src(%dma_wait3A_122 : memref<80x128xf32, #tpu.memory_space<hbm>>) dst(%arg9 : memref<80x128xf32, #tpu.memory_space<vmem>>)
    "tpu.region"() ({
      %run_scoped3A = tpu.sem_alloc : memref<!tpu.dma_semaphore, #tpu.memory_space<semaphore_mem>>
      %dma_start3A_143 = arith.constant 0 : i32
      %dma_start3A_144 = arith.constant 0 : i32
      %dma_start3A_145 = tpu.memref_slice %arg16[%dma_start3A_143, %dma_start3A_144] : memref<5128x128xf32, #tpu.memory_space<vmem_shared>> -> memref<5128x128xf32, #tpu.memory_space<vmem_shared>>
      tpu.enqueue_indirect_dma source(%arg9 : memref<80x128xf32, #tpu.memory_space<vmem>>) target(%dma_start3A_145 : memref<5128x128xf32, #tpu.memory_space<vmem_shared>>) offsets(%arg8 : memref<80xi32, #tpu.memory_space<vmem>>) semaphore(%run_scoped3A : memref<!tpu.dma_semaphore, #tpu.memory_space<semaphore_mem>>) {add = true}
      %dma_wait3A_146 = arith.constant 0 : i32
      %dma_wait3A_147 = arith.constant 0 : i32
      %dma_wait3A_148 = tpu.memref_slice %arg16[%dma_wait3A_146, %dma_wait3A_147] : memref<5128x128xf32, #tpu.memory_space<vmem_shared>> -> memref<5128x128xf32, #tpu.memory_space<vmem_shared>>
      tpu.wait_indirect_dma semaphore(%run_scoped3A : memref<!tpu.dma_semaphore, #tpu.memory_space<semaphore_mem>>) src(%arg9 : memref<80x128xf32, #tpu.memory_space<vmem>>) dst(%dma_wait3A_148 : memref<5128x128xf32, #tpu.memory_space<vmem_shared>>)
      tpu.yield
    }) : () -> ()
    %barrier3A_123 = arith.constant 0 : index
    tpu.barrier barrier_id(%barrier3A_123)
    %mul3A_124 = arith.constant 5120 : i32
    %mul3A_125 = arith.muli %arg0, %mul3A_124 : i32
    %add3A_126 = arith.addi %mul3A_125, %mul3A_7 : i32
    %add3A_127 = arith.constant 0 : i32
    %add3A_128 = arith.addi %mul3A_7, %add3A_127 : i32
    "tpu.region"() ({
      %run_scoped3A = tpu.sem_alloc : memref<!tpu.dma_semaphore, #tpu.memory_space<semaphore_mem>>
      %dma_start3A_143 = arith.constant 0 : i32
      %dma_start3A_144 = tpu.memref_slice %arg16[%add3A_128, %dma_start3A_143] : memref<5128x128xf32, #tpu.memory_space<vmem_shared>> -> memref<80x128xf32, #tpu.memory_space<vmem_shared>>
      %dma_start3A_145 = arith.constant 0 : i32
      %dma_start3A_146 = tpu.memref_slice %arg16[%add3A_128, %dma_start3A_145] : memref<5128x128xf32, #tpu.memory_space<vmem_shared>> -> memref<80x128xf32, #tpu.memory_space<vmem_shared>>
      tpu.enqueue_dma source(%dma_start3A_146 : memref<80x128xf32, #tpu.memory_space<vmem_shared>>) target(%arg7 : memref<80x128xf32, #tpu.memory_space<vmem>>) target_semaphore(%run_scoped3A : memref<!tpu.dma_semaphore, #tpu.memory_space<semaphore_mem>>)
      %dma_wait3A_147 = arith.constant 0 : i32
      %dma_wait3A_148 = tpu.memref_slice %arg16[%add3A_128, %dma_wait3A_147] : memref<5128x128xf32, #tpu.memory_space<vmem_shared>> -> memref<80x128xf32, #tpu.memory_space<vmem_shared>>
      %dma_wait3A_149 = arith.constant 0 : i32
      %dma_wait3A_150 = tpu.memref_slice %arg16[%add3A_128, %dma_wait3A_149] : memref<5128x128xf32, #tpu.memory_space<vmem_shared>> -> memref<80x128xf32, #tpu.memory_space<vmem_shared>>
      tpu.wait_dma2 semaphore(%run_scoped3A : memref<!tpu.dma_semaphore, #tpu.memory_space<semaphore_mem>>) src(%dma_wait3A_150 : memref<80x128xf32, #tpu.memory_space<vmem_shared>>) dst(%arg7 : memref<80x128xf32, #tpu.memory_space<vmem>>)
      tpu.yield
    }) : () -> ()
    %add3A_129 = arith.constant 0 : i32
    %add3A_130 = arith.addi %add3A_126, %add3A_129 : i32
    "tpu.region"() ({
      %run_scoped3A = tpu.sem_alloc : memref<!tpu.dma_semaphore, #tpu.memory_space<semaphore_mem>>
      %dma_start3A_143 = arith.constant 0 : i32
      %dma_start3A_144 = tpu.memref_slice %arg5[%add3A_130, %dma_start3A_143] : memref<10240x128xf32, #tpu.memory_space<hbm>> -> memref<80x128xf32, #tpu.memory_space<hbm>>
      %dma_start3A_145 = arith.constant 0 : i32
      %dma_start3A_146 = tpu.memref_slice %arg5[%add3A_130, %dma_start3A_145] : memref<10240x128xf32, #tpu.memory_space<hbm>> -> memref<80x128xf32, #tpu.memory_space<hbm>>
      tpu.enqueue_dma source(%arg7 : memref<80x128xf32, #tpu.memory_space<vmem>>) target(%dma_start3A_146 : memref<80x128xf32, #tpu.memory_space<hbm>>) target_semaphore(%run_scoped3A : memref<!tpu.dma_semaphore, #tpu.memory_space<semaphore_mem>>)
      %dma_wait3A_147 = arith.constant 0 : i32
      %dma_wait3A_148 = tpu.memref_slice %arg5[%add3A_130, %dma_wait3A_147] : memref<10240x128xf32, #tpu.memory_space<hbm>> -> memref<80x128xf32, #tpu.memory_space<hbm>>
      %dma_wait3A_149 = arith.constant 0 : i32
      %dma_wait3A_150 = tpu.memref_slice %arg5[%add3A_130, %dma_wait3A_149] : memref<10240x128xf32, #tpu.memory_space<hbm>> -> memref<80x128xf32, #tpu.memory_space<hbm>>
      tpu.wait_dma2 semaphore(%run_scoped3A : memref<!tpu.dma_semaphore, #tpu.memory_space<semaphore_mem>>) src(%arg7 : memref<80x128xf32, #tpu.memory_space<vmem>>) dst(%dma_wait3A_150 : memref<80x128xf32, #tpu.memory_space<hbm>>)
      tpu.yield
    }) : () -> ()
    %add3A_131 = arith.constant 80 : i32
    %add3A_132 = arith.addi %mul3A_7, %add3A_131 : i32
    "tpu.region"() ({
      %run_scoped3A = tpu.sem_alloc : memref<!tpu.dma_semaphore, #tpu.memory_space<semaphore_mem>>
      %dma_start3A_143 = arith.constant 0 : i32
      %dma_start3A_144 = tpu.memref_slice %arg16[%add3A_132, %dma_start3A_143] : memref<5128x128xf32, #tpu.memory_space<vmem_shared>> -> memref<80x128xf32, #tpu.memory_space<vmem_shared>>
      %dma_start3A_145 = arith.constant 0 : i32
      %dma_start3A_146 = tpu.memref_slice %arg16[%add3A_132, %dma_start3A_145] : memref<5128x128xf32, #tpu.memory_space<vmem_shared>> -> memref<80x128xf32, #tpu.memory_space<vmem_shared>>
      tpu.enqueue_dma source(%dma_start3A_146 : memref<80x128xf32, #tpu.memory_space<vmem_shared>>) target(%arg7 : memref<80x128xf32, #tpu.memory_space<vmem>>) target_semaphore(%run_scoped3A : memref<!tpu.dma_semaphore, #tpu.memory_space<semaphore_mem>>)
      %dma_wait3A_147 = arith.constant 0 : i32
      %dma_wait3A_148 = tpu.memref_slice %arg16[%add3A_132, %dma_wait3A_147] : memref<5128x128xf32, #tpu.memory_space<vmem_shared>> -> memref<80x128xf32, #tpu.memory_space<vmem_shared>>
      %dma_wait3A_149 = arith.constant 0 : i32
      %dma_wait3A_150 = tpu.memref_slice %arg16[%add3A_132, %dma_wait3A_149] : memref<5128x128xf32, #tpu.memory_space<vmem_shared>> -> memref<80x128xf32, #tpu.memory_space<vmem_shared>>
      tpu.wait_dma2 semaphore(%run_scoped3A : memref<!tpu.dma_semaphore, #tpu.memory_space<semaphore_mem>>) src(%dma_wait3A_150 : memref<80x128xf32, #tpu.memory_space<vmem_shared>>) dst(%arg7 : memref<80x128xf32, #tpu.memory_space<vmem>>)
      tpu.yield
    }) : () -> ()
    %add3A_133 = arith.constant 80 : i32
    %add3A_134 = arith.addi %add3A_126, %add3A_133 : i32
    "tpu.region"() ({
      %run_scoped3A = tpu.sem_alloc : memref<!tpu.dma_semaphore, #tpu.memory_space<semaphore_mem>>
      %dma_start3A_143 = arith.constant 0 : i32
      %dma_start3A_144 = tpu.memref_slice %arg5[%add3A_134, %dma_start3A_143] : memref<10240x128xf32, #tpu.memory_space<hbm>> -> memref<80x128xf32, #tpu.memory_space<hbm>>
      %dma_start3A_145 = arith.constant 0 : i32
      %dma_start3A_146 = tpu.memref_slice %arg5[%add3A_134, %dma_start3A_145] : memref<10240x128xf32, #tpu.memory_space<hbm>> -> memref<80x128xf32, #tpu.memory_space<hbm>>
      tpu.enqueue_dma source(%arg7 : memref<80x128xf32, #tpu.memory_space<vmem>>) target(%dma_start3A_146 : memref<80x128xf32, #tpu.memory_space<hbm>>) target_semaphore(%run_scoped3A : memref<!tpu.dma_semaphore, #tpu.memory_space<semaphore_mem>>)
      %dma_wait3A_147 = arith.constant 0 : i32
      %dma_wait3A_148 = tpu.memref_slice %arg5[%add3A_134, %dma_wait3A_147] : memref<10240x128xf32, #tpu.memory_space<hbm>> -> memref<80x128xf32, #tpu.memory_space<hbm>>
      %dma_wait3A_149 = arith.constant 0 : i32
      %dma_wait3A_150 = tpu.memref_slice %arg5[%add3A_134, %dma_wait3A_149] : memref<10240x128xf32, #tpu.memory_space<hbm>> -> memref<80x128xf32, #tpu.memory_space<hbm>>
      tpu.wait_dma2 semaphore(%run_scoped3A : memref<!tpu.dma_semaphore, #tpu.memory_space<semaphore_mem>>) src(%arg7 : memref<80x128xf32, #tpu.memory_space<vmem>>) dst(%dma_wait3A_150 : memref<80x128xf32, #tpu.memory_space<hbm>>)
      tpu.yield
    }) : () -> ()
    %add3A_135 = arith.constant 160 : i32
    %add3A_136 = arith.addi %mul3A_7, %add3A_135 : i32
    "tpu.region"() ({
      %run_scoped3A = tpu.sem_alloc : memref<!tpu.dma_semaphore, #tpu.memory_space<semaphore_mem>>
      %dma_start3A_143 = arith.constant 0 : i32
      %dma_start3A_144 = tpu.memref_slice %arg16[%add3A_136, %dma_start3A_143] : memref<5128x128xf32, #tpu.memory_space<vmem_shared>> -> memref<80x128xf32, #tpu.memory_space<vmem_shared>>
      %dma_start3A_145 = arith.constant 0 : i32
      %dma_start3A_146 = tpu.memref_slice %arg16[%add3A_136, %dma_start3A_145] : memref<5128x128xf32, #tpu.memory_space<vmem_shared>> -> memref<80x128xf32, #tpu.memory_space<vmem_shared>>
      tpu.enqueue_dma source(%dma_start3A_146 : memref<80x128xf32, #tpu.memory_space<vmem_shared>>) target(%arg7 : memref<80x128xf32, #tpu.memory_space<vmem>>) target_semaphore(%run_scoped3A : memref<!tpu.dma_semaphore, #tpu.memory_space<semaphore_mem>>)
      %dma_wait3A_147 = arith.constant 0 : i32
      %dma_wait3A_148 = tpu.memref_slice %arg16[%add3A_136, %dma_wait3A_147] : memref<5128x128xf32, #tpu.memory_space<vmem_shared>> -> memref<80x128xf32, #tpu.memory_space<vmem_shared>>
      %dma_wait3A_149 = arith.constant 0 : i32
      %dma_wait3A_150 = tpu.memref_slice %arg16[%add3A_136, %dma_wait3A_149] : memref<5128x128xf32, #tpu.memory_space<vmem_shared>> -> memref<80x128xf32, #tpu.memory_space<vmem_shared>>
      tpu.wait_dma2 semaphore(%run_scoped3A : memref<!tpu.dma_semaphore, #tpu.memory_space<semaphore_mem>>) src(%dma_wait3A_150 : memref<80x128xf32, #tpu.memory_space<vmem_shared>>) dst(%arg7 : memref<80x128xf32, #tpu.memory_space<vmem>>)
      tpu.yield
    }) : () -> ()
    %add3A_137 = arith.constant 160 : i32
    %add3A_138 = arith.addi %add3A_126, %add3A_137 : i32
    "tpu.region"() ({
      %run_scoped3A = tpu.sem_alloc : memref<!tpu.dma_semaphore, #tpu.memory_space<semaphore_mem>>
      %dma_start3A_143 = arith.constant 0 : i32
      %dma_start3A_144 = tpu.memref_slice %arg5[%add3A_138, %dma_start3A_143] : memref<10240x128xf32, #tpu.memory_space<hbm>> -> memref<80x128xf32, #tpu.memory_space<hbm>>
      %dma_start3A_145 = arith.constant 0 : i32
      %dma_start3A_146 = tpu.memref_slice %arg5[%add3A_138, %dma_start3A_145] : memref<10240x128xf32, #tpu.memory_space<hbm>> -> memref<80x128xf32, #tpu.memory_space<hbm>>
      tpu.enqueue_dma source(%arg7 : memref<80x128xf32, #tpu.memory_space<vmem>>) target(%dma_start3A_146 : memref<80x128xf32, #tpu.memory_space<hbm>>) target_semaphore(%run_scoped3A : memref<!tpu.dma_semaphore, #tpu.memory_space<semaphore_mem>>)
      %dma_wait3A_147 = arith.constant 0 : i32
      %dma_wait3A_148 = tpu.memref_slice %arg5[%add3A_138, %dma_wait3A_147] : memref<10240x128xf32, #tpu.memory_space<hbm>> -> memref<80x128xf32, #tpu.memory_space<hbm>>
      %dma_wait3A_149 = arith.constant 0 : i32
      %dma_wait3A_150 = tpu.memref_slice %arg5[%add3A_138, %dma_wait3A_149] : memref<10240x128xf32, #tpu.memory_space<hbm>> -> memref<80x128xf32, #tpu.memory_space<hbm>>
      tpu.wait_dma2 semaphore(%run_scoped3A : memref<!tpu.dma_semaphore, #tpu.memory_space<semaphore_mem>>) src(%arg7 : memref<80x128xf32, #tpu.memory_space<vmem>>) dst(%dma_wait3A_150 : memref<80x128xf32, #tpu.memory_space<hbm>>)
      tpu.yield
    }) : () -> ()
    %add3A_139 = arith.constant 240 : i32
    %add3A_140 = arith.addi %mul3A_7, %add3A_139 : i32
    "tpu.region"() ({
      %run_scoped3A = tpu.sem_alloc : memref<!tpu.dma_semaphore, #tpu.memory_space<semaphore_mem>>
      %dma_start3A_143 = arith.constant 0 : i32
      %dma_start3A_144 = tpu.memref_slice %arg16[%add3A_140, %dma_start3A_143] : memref<5128x128xf32, #tpu.memory_space<vmem_shared>> -> memref<80x128xf32, #tpu.memory_space<vmem_shared>>
      %dma_start3A_145 = arith.constant 0 : i32
      %dma_start3A_146 = tpu.memref_slice %arg16[%add3A_140, %dma_start3A_145] : memref<5128x128xf32, #tpu.memory_space<vmem_shared>> -> memref<80x128xf32, #tpu.memory_space<vmem_shared>>
      tpu.enqueue_dma source(%dma_start3A_146 : memref<80x128xf32, #tpu.memory_space<vmem_shared>>) target(%arg7 : memref<80x128xf32, #tpu.memory_space<vmem>>) target_semaphore(%run_scoped3A : memref<!tpu.dma_semaphore, #tpu.memory_space<semaphore_mem>>)
      %dma_wait3A_147 = arith.constant 0 : i32
      %dma_wait3A_148 = tpu.memref_slice %arg16[%add3A_140, %dma_wait3A_147] : memref<5128x128xf32, #tpu.memory_space<vmem_shared>> -> memref<80x128xf32, #tpu.memory_space<vmem_shared>>
      %dma_wait3A_149 = arith.constant 0 : i32
      %dma_wait3A_150 = tpu.memref_slice %arg16[%add3A_140, %dma_wait3A_149] : memref<5128x128xf32, #tpu.memory_space<vmem_shared>> -> memref<80x128xf32, #tpu.memory_space<vmem_shared>>
      tpu.wait_dma2 semaphore(%run_scoped3A : memref<!tpu.dma_semaphore, #tpu.memory_space<semaphore_mem>>) src(%dma_wait3A_150 : memref<80x128xf32, #tpu.memory_space<vmem_shared>>) dst(%arg7 : memref<80x128xf32, #tpu.memory_space<vmem>>)
      tpu.yield
    }) : () -> ()
    %add3A_141 = arith.constant 240 : i32
    %add3A_142 = arith.addi %add3A_126, %add3A_141 : i32
    "tpu.region"() ({
      %run_scoped3A = tpu.sem_alloc : memref<!tpu.dma_semaphore, #tpu.memory_space<semaphore_mem>>
      %dma_start3A_143 = arith.constant 0 : i32
      %dma_start3A_144 = tpu.memref_slice %arg5[%add3A_142, %dma_start3A_143] : memref<10240x128xf32, #tpu.memory_space<hbm>> -> memref<80x128xf32, #tpu.memory_space<hbm>>
      %dma_start3A_145 = arith.constant 0 : i32
      %dma_start3A_146 = tpu.memref_slice %arg5[%add3A_142, %dma_start3A_145] : memref<10240x128xf32, #tpu.memory_space<hbm>> -> memref<80x128xf32, #tpu.memory_space<hbm>>
      tpu.enqueue_dma source(%arg7 : memref<80x128xf32, #tpu.memory_space<vmem>>) target(%dma_start3A_146 : memref<80x128xf32, #tpu.memory_space<hbm>>) target_semaphore(%run_scoped3A : memref<!tpu.dma_semaphore, #tpu.memory_space<semaphore_mem>>)
      %dma_wait3A_147 = arith.constant 0 : i32
      %dma_wait3A_148 = tpu.memref_slice %arg5[%add3A_142, %dma_wait3A_147] : memref<10240x128xf32, #tpu.memory_space<hbm>> -> memref<80x128xf32, #tpu.memory_space<hbm>>
      %dma_wait3A_149 = arith.constant 0 : i32
      %dma_wait3A_150 = tpu.memref_slice %arg5[%add3A_142, %dma_wait3A_149] : memref<10240x128xf32, #tpu.memory_space<hbm>> -> memref<80x128xf32, #tpu.memory_space<hbm>>
      tpu.wait_dma2 semaphore(%run_scoped3A : memref<!tpu.dma_semaphore, #tpu.memory_space<semaphore_mem>>) src(%arg7 : memref<80x128xf32, #tpu.memory_space<vmem>>) dst(%dma_wait3A_150 : memref<80x128xf32, #tpu.memory_space<hbm>>)
      tpu.yield
    }) : () -> ()
    return
  }
}

module attributes {stable_mosaic.version = 14 : i64} {
  func.func @body(%arg0: i32, %arg1: memref<128x128xi32, #tpu.memory_space<vmem>>, %arg2: memref<80x128xf32, #tpu.memory_space<vmem>>) attributes {dimension_semantics = [#tpu.dimension_semantics<arbitrary>], iteration_bounds = array<i64: 20>, scalar_prefetch = 0 : i64, scratch_operands = 0 : i64, tpu.core_type = #tpu.core_type<tc>, window_params = [{transform_indices = @transform_0, window_bounds = array<i64: 128, 128>}, {pipeline_mode = #tpu.pipeline_mode<synchronous>, transform_indices = @transform_1, window_bounds = array<i64: 80, 128>}]} {
    %eq3A = arith.constant 0 : i32
    %eq3A_0 = arith.cmpi eq, %arg0, %eq3A : i32
    %convert_element_type3A = arith.extui %eq3A_0 : i1 to i32
    %cond3A = arith.constant 0 : i32
    %cond3A_1 = arith.cmpi ne, %convert_element_type3A, %cond3A : i32
    scf.if %cond3A_1 {
      %broadcast_in_dim3A_1978 = arith.constant 0.000000e+00 : f32
      %broadcast_in_dim3A_1979 = vector.broadcast %broadcast_in_dim3A_1978 : f32 to vector<80x128xf32>
      %swap3A_1980 = arith.constant 0 : index
      %swap3A_1981 = arith.constant 0 : index
      %swap3A_1982 = vector.load %arg2[%swap3A_1980, %swap3A_1981] : memref<80x128xf32, #tpu.memory_space<vmem>>, vector<80x128xf32>
      tpu.vector_store %arg2[%swap3A_1980, %swap3A_1981], %broadcast_in_dim3A_1979 {strides = array<i32>} : memref<80x128xf32, #tpu.memory_space<vmem>>, vector<80x128xf32>,
    } else {
    }
    %get3A = arith.constant 0 : index
    %get3A_2 = arith.constant 0 : index
    %get3A_3 = vector.load %arg1[%get3A, %get3A_2] : memref<128x128xi32, #tpu.memory_space<vmem>>, vector<128x128xi32>
    %jit3A = arith.constant 128 : i32
    %div3A = vector.broadcast %jit3A : i32 to vector<128x128xi32>
    %div3A_4 = arith.divsi %get3A_3, %div3A : vector<128x128xi32>
    %sign3A = arith.constant 0 : i32
    %sign3A_5 = vector.broadcast %sign3A : i32 to vector<128x128xi32>
    %sign3A_6 = arith.cmpi sgt, %get3A_3, %sign3A_5 : vector<128x128xi32>
    %sign3A_7 = arith.extui %sign3A_6 : vector<128x128xi1> to vector<128x128xi32>
    %sign3A_8 = arith.constant 0 : i32
    %sign3A_9 = vector.broadcast %sign3A_8 : i32 to vector<128x128xi32>
    %sign3A_10 = arith.cmpi slt, %get3A_3, %sign3A_9 : vector<128x128xi32>
    %sign3A_11 = arith.extui %sign3A_10 : vector<128x128xi1> to vector<128x128xi32>
    %sign3A_12 = arith.subi %sign3A_7, %sign3A_11 : vector<128x128xi32>
    %sign3A_13 = arith.constant 0 : i32
    %sign3A_14 = arith.cmpi sgt, %jit3A, %sign3A_13 : i32
    %sign3A_15 = arith.extui %sign3A_14 : i1 to i32
    %sign3A_16 = arith.constant 0 : i32
    %sign3A_17 = arith.cmpi slt, %jit3A, %sign3A_16 : i32
    %sign3A_18 = arith.extui %sign3A_17 : i1 to i32
    %sign3A_19 = arith.subi %sign3A_15, %sign3A_18 : i32
    %ne3A = vector.broadcast %sign3A_19 : i32 to vector<128x128xi32>
    %ne3A_20 = arith.cmpi ne, %sign3A_12, %ne3A : vector<128x128xi32>
    %rem3A = vector.broadcast %jit3A : i32 to vector<128x128xi32>
    %rem3A_21 = arith.remsi %get3A_3, %rem3A : vector<128x128xi32>
    %ne3A_22 = arith.constant 0 : i32
    %ne3A_23 = vector.broadcast %ne3A_22 : i32 to vector<128x128xi32>
    %ne3A_24 = arith.cmpi ne, %rem3A_21, %ne3A_23 : vector<128x128xi32>
    %and3A = arith.andi %ne3A_20, %ne3A_24 : vector<128x128xi1>
    %sub3A = arith.constant 1 : i32
    %sub3A_25 = vector.broadcast %sub3A : i32 to vector<128x128xi32>
    %sub3A_26 = arith.subi %div3A_4, %sub3A_25 : vector<128x128xi32>
    %select_n3A = arith.select %and3A, %sub3A_26, %div3A_4 : vector<128x128xi1>, vector<128x128xi32>
    %jit3A_27 = arith.constant 128 : i32
    %eq3A_28 = arith.constant 0 : i32
    %eq3A_29 = arith.cmpi eq, %jit3A_27, %eq3A_28 : i32
    %jit3A_30 = arith.constant 1 : i32
    %select_n3A_31 = arith.select %eq3A_29, %jit3A_30, %jit3A_27 : i32
    %rem3A_32 = vector.broadcast %select_n3A_31 : i32 to vector<128x128xi32>
    %rem3A_33 = arith.remsi %get3A_3, %rem3A_32 : vector<128x128xi32>
    %ne3A_34 = arith.constant 0 : i32
    %ne3A_35 = vector.broadcast %ne3A_34 : i32 to vector<128x128xi32>
    %ne3A_36 = arith.cmpi ne, %rem3A_33, %ne3A_35 : vector<128x128xi32>
    %lt3A = arith.constant 0 : i32
    %lt3A_37 = vector.broadcast %lt3A : i32 to vector<128x128xi32>
    %lt3A_38 = arith.cmpi slt, %rem3A_33, %lt3A_37 : vector<128x128xi32>
    %lt3A_39 = arith.constant 0 : i32
    %lt3A_40 = arith.cmpi slt, %select_n3A_31, %lt3A_39 : i32
    %ne3A_41 = vector.broadcast %lt3A_40 : i1 to vector<128x128xi1>
    %ne3A_42 = vector.broadcast %ne3A_41 : vector<128x128xi1> to vector<128x128xi1>
    %ne3A_43 = arith.xori %lt3A_38, %ne3A_42 : vector<128x128xi1>
    %and3A_44 = arith.andi %ne3A_43, %ne3A_36 : vector<128x128xi1>
    %add3A = vector.broadcast %select_n3A_31 : i32 to vector<128x128xi32>
    %add3A_45 = arith.addi %rem3A_33, %add3A : vector<128x128xi32>
    %select_n3A_46 = arith.select %and3A_44, %add3A_45, %rem3A_33 : vector<128x128xi1>, vector<128x128xi32>
    %iota3A = tpu.iota {dimensions = array<i32: 0>} : vector<80x128xi32>
    %iota3A_47 = tpu.iota {dimensions = array<i32: 0>} : vector<128x128xi32>
    %broadcast_in_dim3A = arith.constant 0.000000e+00 : f32
    %broadcast_in_dim3A_48 = vector.broadcast %broadcast_in_dim3A : f32 to vector<80x128xf32>
    %slice3A = vector.extract_strided_slice %select_n3A {offsets = [0, 0], sizes = [1, 128], strides = [1, 1]} : vector<128x128xi32> to vector<1x128xi32>
    %eq3A_49 = vector.broadcast %slice3A : vector<1x128xi32> to vector<80x128xi32>
    %eq3A_50 = arith.cmpi eq, %iota3A, %eq3A_49 : vector<80x128xi32>
    %convert_element_type3A_51 = arith.extui %eq3A_50 : vector<80x128xi1> to vector<80x128xi32>
    %convert_element_type3A_52 = arith.sitofp %convert_element_type3A_51 : vector<80x128xi32> to vector<80x128xf32>
    %convert_element_type3A_53 = arith.truncf %convert_element_type3A_52 : vector<80x128xf32> to vector<80x128xbf16>
    %slice3A_54 = vector.extract_strided_slice %select_n3A_46 {offsets = [0, 0], sizes = [1, 128], strides = [1, 1]} : vector<128x128xi32> to vector<1x128xi32>
    %eq3A_55 = vector.broadcast %slice3A_54 : vector<1x128xi32> to vector<128x128xi32>
    %eq3A_56 = arith.cmpi eq, %iota3A_47, %eq3A_55 : vector<128x128xi32>
    %convert_element_type3A_57 = arith.extui %eq3A_56 : vector<128x128xi1> to vector<128x128xi32>
    %convert_element_type3A_58 = arith.sitofp %convert_element_type3A_57 : vector<128x128xi32> to vector<128x128xf32>
    %convert_element_type3A_59 = arith.truncf %convert_element_type3A_58 : vector<128x128xf32> to vector<128x128xbf16>
    %dot_general3A = arith.constant dense<0.000000e+00> : vector<80x128xf32>
    %dot_general3A_60 = tpu.matmul %convert_element_type3A_53, %convert_element_type3A_59, %dot_general3A {dimension_numbers = #tpu.dot_dimension_numbers<[1], [1], [0], [0], [0, 0, 1, 0], [], []>, transpose_lhs_hint = false} : vector<80x128xbf16>, vector<128x128xbf16>, vector<80x128xf32> -> vector<80x128xf32>
    %add3A_61 = arith.addf %broadcast_in_dim3A_48, %dot_general3A_60 : vector<80x128xf32>
    %slice3A_62 = vector.extract_strided_slice %select_n3A {offsets = [1, 0], sizes = [1, 128], strides = [1, 1]} : vector<128x128xi32> to vector<1x128xi32>
    %eq3A_63 = vector.broadcast %slice3A_62 : vector<1x128xi32> to vector<80x128xi32>
    %eq3A_64 = arith.cmpi eq, %iota3A, %eq3A_63 : vector<80x128xi32>
    %convert_element_type3A_65 = arith.extui %eq3A_64 : vector<80x128xi1> to vector<80x128xi32>
    %convert_element_type3A_66 = arith.sitofp %convert_element_type3A_65 : vector<80x128xi32> to vector<80x128xf32>
    %convert_element_type3A_67 = arith.truncf %convert_element_type3A_66 : vector<80x128xf32> to vector<80x128xbf16>
    %slice3A_68 = vector.extract_strided_slice %select_n3A_46 {offsets = [1, 0], sizes = [1, 128], strides = [1, 1]} : vector<128x128xi32> to vector<1x128xi32>
    %eq3A_69 = vector.broadcast %slice3A_68 : vector<1x128xi32> to vector<128x128xi32>
    %eq3A_70 = arith.cmpi eq, %iota3A_47, %eq3A_69 : vector<128x128xi32>
    %convert_element_type3A_71 = arith.extui %eq3A_70 : vector<128x128xi1> to vector<128x128xi32>
    %convert_element_type3A_72 = arith.sitofp %convert_element_type3A_71 : vector<128x128xi32> to vector<128x128xf32>
    %convert_element_type3A_73 = arith.truncf %convert_element_type3A_72 : vector<128x128xf32> to vector<128x128xbf16>
    %dot_general3A_74 = arith.constant dense<0.000000e+00> : vector<80x128xf32>
    %dot_general3A_75 = tpu.matmul %convert_element_type3A_67, %convert_element_type3A_73, %dot_general3A_74 {dimension_numbers = #tpu.dot_dimension_numbers<[1], [1], [0], [0], [0, 0, 1, 0], [], []>, transpose_lhs_hint = false} : vector<80x128xbf16>, vector<128x128xbf16>, vector<80x128xf32> -> vector<80x128xf32>
    %add3A_76 = arith.addf %add3A_61, %dot_general3A_75 : vector<80x128xf32>
    %slice3A_77 = vector.extract_strided_slice %select_n3A {offsets = [2, 0], sizes = [1, 128], strides = [1, 1]} : vector<128x128xi32> to vector<1x128xi32>
    %eq3A_78 = vector.broadcast %slice3A_77 : vector<1x128xi32> to vector<80x128xi32>
    %eq3A_79 = arith.cmpi eq, %iota3A, %eq3A_78 : vector<80x128xi32>
    %convert_element_type3A_80 = arith.extui %eq3A_79 : vector<80x128xi1> to vector<80x128xi32>
    %convert_element_type3A_81 = arith.sitofp %convert_element_type3A_80 : vector<80x128xi32> to vector<80x128xf32>
    %convert_element_type3A_82 = arith.truncf %convert_element_type3A_81 : vector<80x128xf32> to vector<80x128xbf16>
    %slice3A_83 = vector.extract_strided_slice %select_n3A_46 {offsets = [2, 0], sizes = [1, 128], strides = [1, 1]} : vector<128x128xi32> to vector<1x128xi32>
    %eq3A_84 = vector.broadcast %slice3A_83 : vector<1x128xi32> to vector<128x128xi32>
    %eq3A_85 = arith.cmpi eq, %iota3A_47, %eq3A_84 : vector<128x128xi32>
    %convert_element_type3A_86 = arith.extui %eq3A_85 : vector<128x128xi1> to vector<128x128xi32>
    %convert_element_type3A_87 = arith.sitofp %convert_element_type3A_86 : vector<128x128xi32> to vector<128x128xf32>
    %convert_element_type3A_88 = arith.truncf %convert_element_type3A_87 : vector<128x128xf32> to vector<128x128xbf16>
    %dot_general3A_89 = arith.constant dense<0.000000e+00> : vector<80x128xf32>
    %dot_general3A_90 = tpu.matmul %convert_element_type3A_82, %convert_element_type3A_88, %dot_general3A_89 {dimension_numbers = #tpu.dot_dimension_numbers<[1], [1], [0], [0], [0, 0, 1, 0], [], []>, transpose_lhs_hint = false} : vector<80x128xbf16>, vector<128x128xbf16>, vector<80x128xf32> -> vector<80x128xf32>
    %add3A_91 = arith.addf %add3A_76, %dot_general3A_90 : vector<80x128xf32>
    %slice3A_92 = vector.extract_strided_slice %select_n3A {offsets = [3, 0], sizes = [1, 128], strides = [1, 1]} : vector<128x128xi32> to vector<1x128xi32>
    %eq3A_93 = vector.broadcast %slice3A_92 : vector<1x128xi32> to vector<80x128xi32>
    %eq3A_94 = arith.cmpi eq, %iota3A, %eq3A_93 : vector<80x128xi32>
    %convert_element_type3A_95 = arith.extui %eq3A_94 : vector<80x128xi1> to vector<80x128xi32>
    %convert_element_type3A_96 = arith.sitofp %convert_element_type3A_95 : vector<80x128xi32> to vector<80x128xf32>
    %convert_element_type3A_97 = arith.truncf %convert_element_type3A_96 : vector<80x128xf32> to vector<80x128xbf16>
    %slice3A_98 = vector.extract_strided_slice %select_n3A_46 {offsets = [3, 0], sizes = [1, 128], strides = [1, 1]} : vector<128x128xi32> to vector<1x128xi32>
    %eq3A_99 = vector.broadcast %slice3A_98 : vector<1x128xi32> to vector<128x128xi32>
    %eq3A_100 = arith.cmpi eq, %iota3A_47, %eq3A_99 : vector<128x128xi32>
    %convert_element_type3A_101 = arith.extui %eq3A_100 : vector<128x128xi1> to vector<128x128xi32>
    %convert_element_type3A_102 = arith.sitofp %convert_element_type3A_101 : vector<128x128xi32> to vector<128x128xf32>
    %convert_element_type3A_103 = arith.truncf %convert_element_type3A_102 : vector<128x128xf32> to vector<128x128xbf16>
    %dot_general3A_104 = arith.constant dense<0.000000e+00> : vector<80x128xf32>
    %dot_general3A_105 = tpu.matmul %convert_element_type3A_97, %convert_element_type3A_103, %dot_general3A_104 {dimension_numbers = #tpu.dot_dimension_numbers<[1], [1], [0], [0], [0, 0, 1, 0], [], []>, transpose_lhs_hint = false} : vector<80x128xbf16>, vector<128x128xbf16>, vector<80x128xf32> -> vector<80x128xf32>
    %add3A_106 = arith.addf %add3A_91, %dot_general3A_105 : vector<80x128xf32>
    %slice3A_107 = vector.extract_strided_slice %select_n3A {offsets = [4, 0], sizes = [1, 128], strides = [1, 1]} : vector<128x128xi32> to vector<1x128xi32>
    %eq3A_108 = vector.broadcast %slice3A_107 : vector<1x128xi32> to vector<80x128xi32>
    %eq3A_109 = arith.cmpi eq, %iota3A, %eq3A_108 : vector<80x128xi32>
    %convert_element_type3A_110 = arith.extui %eq3A_109 : vector<80x128xi1> to vector<80x128xi32>
    %convert_element_type3A_111 = arith.sitofp %convert_element_type3A_110 : vector<80x128xi32> to vector<80x128xf32>
    %convert_element_type3A_112 = arith.truncf %convert_element_type3A_111 : vector<80x128xf32> to vector<80x128xbf16>
    %slice3A_113 = vector.extract_strided_slice %select_n3A_46 {offsets = [4, 0], sizes = [1, 128], strides = [1, 1]} : vector<128x128xi32> to vector<1x128xi32>
    %eq3A_114 = vector.broadcast %slice3A_113 : vector<1x128xi32> to vector<128x128xi32>
    %eq3A_115 = arith.cmpi eq, %iota3A_47, %eq3A_114 : vector<128x128xi32>
    %convert_element_type3A_116 = arith.extui %eq3A_115 : vector<128x128xi1> to vector<128x128xi32>
    %convert_element_type3A_117 = arith.sitofp %convert_element_type3A_116 : vector<128x128xi32> to vector<128x128xf32>
    %convert_element_type3A_118 = arith.truncf %convert_element_type3A_117 : vector<128x128xf32> to vector<128x128xbf16>
    %dot_general3A_119 = arith.constant dense<0.000000e+00> : vector<80x128xf32>
    %dot_general3A_120 = tpu.matmul %convert_element_type3A_112, %convert_element_type3A_118, %dot_general3A_119 {dimension_numbers = #tpu.dot_dimension_numbers<[1], [1], [0], [0], [0, 0, 1, 0], [], []>, transpose_lhs_hint = false} : vector<80x128xbf16>, vector<128x128xbf16>, vector<80x128xf32> -> vector<80x128xf32>
    %add3A_121 = arith.addf %add3A_106, %dot_general3A_120 : vector<80x128xf32>
    %slice3A_122 = vector.extract_strided_slice %select_n3A {offsets = [5, 0], sizes = [1, 128], strides = [1, 1]} : vector<128x128xi32> to vector<1x128xi32>
    %eq3A_123 = vector.broadcast %slice3A_122 : vector<1x128xi32> to vector<80x128xi32>
    %eq3A_124 = arith.cmpi eq, %iota3A, %eq3A_123 : vector<80x128xi32>
    %convert_element_type3A_125 = arith.extui %eq3A_124 : vector<80x128xi1> to vector<80x128xi32>
    %convert_element_type3A_126 = arith.sitofp %convert_element_type3A_125 : vector<80x128xi32> to vector<80x128xf32>
    %convert_element_type3A_127 = arith.truncf %convert_element_type3A_126 : vector<80x128xf32> to vector<80x128xbf16>
    %slice3A_128 = vector.extract_strided_slice %select_n3A_46 {offsets = [5, 0], sizes = [1, 128], strides = [1, 1]} : vector<128x128xi32> to vector<1x128xi32>
    %eq3A_129 = vector.broadcast %slice3A_128 : vector<1x128xi32> to vector<128x128xi32>
    %eq3A_130 = arith.cmpi eq, %iota3A_47, %eq3A_129 : vector<128x128xi32>
    %convert_element_type3A_131 = arith.extui %eq3A_130 : vector<128x128xi1> to vector<128x128xi32>
    %convert_element_type3A_132 = arith.sitofp %convert_element_type3A_131 : vector<128x128xi32> to vector<128x128xf32>
    %convert_element_type3A_133 = arith.truncf %convert_element_type3A_132 : vector<128x128xf32> to vector<128x128xbf16>
    %dot_general3A_134 = arith.constant dense<0.000000e+00> : vector<80x128xf32>
    %dot_general3A_135 = tpu.matmul %convert_element_type3A_127, %convert_element_type3A_133, %dot_general3A_134 {dimension_numbers = #tpu.dot_dimension_numbers<[1], [1], [0], [0], [0, 0, 1, 0], [], []>, transpose_lhs_hint = false} : vector<80x128xbf16>, vector<128x128xbf16>, vector<80x128xf32> -> vector<80x128xf32>
    %add3A_136 = arith.addf %add3A_121, %dot_general3A_135 : vector<80x128xf32>
    %slice3A_137 = vector.extract_strided_slice %select_n3A {offsets = [6, 0], sizes = [1, 128], strides = [1, 1]} : vector<128x128xi32> to vector<1x128xi32>
    %eq3A_138 = vector.broadcast %slice3A_137 : vector<1x128xi32> to vector<80x128xi32>
    %eq3A_139 = arith.cmpi eq, %iota3A, %eq3A_138 : vector<80x128xi32>
    %convert_element_type3A_140 = arith.extui %eq3A_139 : vector<80x128xi1> to vector<80x128xi32>
    %convert_element_type3A_141 = arith.sitofp %convert_element_type3A_140 : vector<80x128xi32> to vector<80x128xf32>
    %convert_element_type3A_142 = arith.truncf %convert_element_type3A_141 : vector<80x128xf32> to vector<80x128xbf16>
    %slice3A_143 = vector.extract_strided_slice %select_n3A_46 {offsets = [6, 0], sizes = [1, 128], strides = [1, 1]} : vector<128x128xi32> to vector<1x128xi32>
    %eq3A_144 = vector.broadcast %slice3A_143 : vector<1x128xi32> to vector<128x128xi32>
    %eq3A_145 = arith.cmpi eq, %iota3A_47, %eq3A_144 : vector<128x128xi32>
    %convert_element_type3A_146 = arith.extui %eq3A_145 : vector<128x128xi1> to vector<128x128xi32>
    %convert_element_type3A_147 = arith.sitofp %convert_element_type3A_146 : vector<128x128xi32> to vector<128x128xf32>
    %convert_element_type3A_148 = arith.truncf %convert_element_type3A_147 : vector<128x128xf32> to vector<128x128xbf16>
    %dot_general3A_149 = arith.constant dense<0.000000e+00> : vector<80x128xf32>
    %dot_general3A_150 = tpu.matmul %convert_element_type3A_142, %convert_element_type3A_148, %dot_general3A_149 {dimension_numbers = #tpu.dot_dimension_numbers<[1], [1], [0], [0], [0, 0, 1, 0], [], []>, transpose_lhs_hint = false} : vector<80x128xbf16>, vector<128x128xbf16>, vector<80x128xf32> -> vector<80x128xf32>
    %add3A_151 = arith.addf %add3A_136, %dot_general3A_150 : vector<80x128xf32>
    %slice3A_152 = vector.extract_strided_slice %select_n3A {offsets = [7, 0], sizes = [1, 128], strides = [1, 1]} : vector<128x128xi32> to vector<1x128xi32>
    %eq3A_153 = vector.broadcast %slice3A_152 : vector<1x128xi32> to vector<80x128xi32>
    %eq3A_154 = arith.cmpi eq, %iota3A, %eq3A_153 : vector<80x128xi32>
    %convert_element_type3A_155 = arith.extui %eq3A_154 : vector<80x128xi1> to vector<80x128xi32>
    %convert_element_type3A_156 = arith.sitofp %convert_element_type3A_155 : vector<80x128xi32> to vector<80x128xf32>
    %convert_element_type3A_157 = arith.truncf %convert_element_type3A_156 : vector<80x128xf32> to vector<80x128xbf16>
    %slice3A_158 = vector.extract_strided_slice %select_n3A_46 {offsets = [7, 0], sizes = [1, 128], strides = [1, 1]} : vector<128x128xi32> to vector<1x128xi32>
    %eq3A_159 = vector.broadcast %slice3A_158 : vector<1x128xi32> to vector<128x128xi32>
    %eq3A_160 = arith.cmpi eq, %iota3A_47, %eq3A_159 : vector<128x128xi32>
    %convert_element_type3A_161 = arith.extui %eq3A_160 : vector<128x128xi1> to vector<128x128xi32>
    %convert_element_type3A_162 = arith.sitofp %convert_element_type3A_161 : vector<128x128xi32> to vector<128x128xf32>
    %convert_element_type3A_163 = arith.truncf %convert_element_type3A_162 : vector<128x128xf32> to vector<128x128xbf16>
    %dot_general3A_164 = arith.constant dense<0.000000e+00> : vector<80x128xf32>
    %dot_general3A_165 = tpu.matmul %convert_element_type3A_157, %convert_element_type3A_163, %dot_general3A_164 {dimension_numbers = #tpu.dot_dimension_numbers<[1], [1], [0], [0], [0, 0, 1, 0], [], []>, transpose_lhs_hint = false} : vector<80x128xbf16>, vector<128x128xbf16>, vector<80x128xf32> -> vector<80x128xf32>
    %add3A_166 = arith.addf %add3A_151, %dot_general3A_165 : vector<80x128xf32>
    %slice3A_167 = vector.extract_strided_slice %select_n3A {offsets = [8, 0], sizes = [1, 128], strides = [1, 1]} : vector<128x128xi32> to vector<1x128xi32>
    %eq3A_168 = vector.broadcast %slice3A_167 : vector<1x128xi32> to vector<80x128xi32>
    %eq3A_169 = arith.cmpi eq, %iota3A, %eq3A_168 : vector<80x128xi32>
    %convert_element_type3A_170 = arith.extui %eq3A_169 : vector<80x128xi1> to vector<80x128xi32>
    %convert_element_type3A_171 = arith.sitofp %convert_element_type3A_170 : vector<80x128xi32> to vector<80x128xf32>
    %convert_element_type3A_172 = arith.truncf %convert_element_type3A_171 : vector<80x128xf32> to vector<80x128xbf16>
    %slice3A_173 = vector.extract_strided_slice %select_n3A_46 {offsets = [8, 0], sizes = [1, 128], strides = [1, 1]} : vector<128x128xi32> to vector<1x128xi32>
    %eq3A_174 = vector.broadcast %slice3A_173 : vector<1x128xi32> to vector<128x128xi32>
    %eq3A_175 = arith.cmpi eq, %iota3A_47, %eq3A_174 : vector<128x128xi32>
    %convert_element_type3A_176 = arith.extui %eq3A_175 : vector<128x128xi1> to vector<128x128xi32>
    %convert_element_type3A_177 = arith.sitofp %convert_element_type3A_176 : vector<128x128xi32> to vector<128x128xf32>
    %convert_element_type3A_178 = arith.truncf %convert_element_type3A_177 : vector<128x128xf32> to vector<128x128xbf16>
    %dot_general3A_179 = arith.constant dense<0.000000e+00> : vector<80x128xf32>
    %dot_general3A_180 = tpu.matmul %convert_element_type3A_172, %convert_element_type3A_178, %dot_general3A_179 {dimension_numbers = #tpu.dot_dimension_numbers<[1], [1], [0], [0], [0, 0, 1, 0], [], []>, transpose_lhs_hint = false} : vector<80x128xbf16>, vector<128x128xbf16>, vector<80x128xf32> -> vector<80x128xf32>
    %add3A_181 = arith.addf %add3A_166, %dot_general3A_180 : vector<80x128xf32>
    %slice3A_182 = vector.extract_strided_slice %select_n3A {offsets = [9, 0], sizes = [1, 128], strides = [1, 1]} : vector<128x128xi32> to vector<1x128xi32>
    %eq3A_183 = vector.broadcast %slice3A_182 : vector<1x128xi32> to vector<80x128xi32>
    %eq3A_184 = arith.cmpi eq, %iota3A, %eq3A_183 : vector<80x128xi32>
    %convert_element_type3A_185 = arith.extui %eq3A_184 : vector<80x128xi1> to vector<80x128xi32>
    %convert_element_type3A_186 = arith.sitofp %convert_element_type3A_185 : vector<80x128xi32> to vector<80x128xf32>
    %convert_element_type3A_187 = arith.truncf %convert_element_type3A_186 : vector<80x128xf32> to vector<80x128xbf16>
    %slice3A_188 = vector.extract_strided_slice %select_n3A_46 {offsets = [9, 0], sizes = [1, 128], strides = [1, 1]} : vector<128x128xi32> to vector<1x128xi32>
    %eq3A_189 = vector.broadcast %slice3A_188 : vector<1x128xi32> to vector<128x128xi32>
    %eq3A_190 = arith.cmpi eq, %iota3A_47, %eq3A_189 : vector<128x128xi32>
    %convert_element_type3A_191 = arith.extui %eq3A_190 : vector<128x128xi1> to vector<128x128xi32>
    %convert_element_type3A_192 = arith.sitofp %convert_element_type3A_191 : vector<128x128xi32> to vector<128x128xf32>
    %convert_element_type3A_193 = arith.truncf %convert_element_type3A_192 : vector<128x128xf32> to vector<128x128xbf16>
    %dot_general3A_194 = arith.constant dense<0.000000e+00> : vector<80x128xf32>
    %dot_general3A_195 = tpu.matmul %convert_element_type3A_187, %convert_element_type3A_193, %dot_general3A_194 {dimension_numbers = #tpu.dot_dimension_numbers<[1], [1], [0], [0], [0, 0, 1, 0], [], []>, transpose_lhs_hint = false} : vector<80x128xbf16>, vector<128x128xbf16>, vector<80x128xf32> -> vector<80x128xf32>
    %add3A_196 = arith.addf %add3A_181, %dot_general3A_195 : vector<80x128xf32>
    %slice3A_197 = vector.extract_strided_slice %select_n3A {offsets = [10, 0], sizes = [1, 128], strides = [1, 1]} : vector<128x128xi32> to vector<1x128xi32>
    %eq3A_198 = vector.broadcast %slice3A_197 : vector<1x128xi32> to vector<80x128xi32>
    %eq3A_199 = arith.cmpi eq, %iota3A, %eq3A_198 : vector<80x128xi32>
    %convert_element_type3A_200 = arith.extui %eq3A_199 : vector<80x128xi1> to vector<80x128xi32>
    %convert_element_type3A_201 = arith.sitofp %convert_element_type3A_200 : vector<80x128xi32> to vector<80x128xf32>
    %convert_element_type3A_202 = arith.truncf %convert_element_type3A_201 : vector<80x128xf32> to vector<80x128xbf16>
    %slice3A_203 = vector.extract_strided_slice %select_n3A_46 {offsets = [10, 0], sizes = [1, 128], strides = [1, 1]} : vector<128x128xi32> to vector<1x128xi32>
    %eq3A_204 = vector.broadcast %slice3A_203 : vector<1x128xi32> to vector<128x128xi32>
    %eq3A_205 = arith.cmpi eq, %iota3A_47, %eq3A_204 : vector<128x128xi32>
    %convert_element_type3A_206 = arith.extui %eq3A_205 : vector<128x128xi1> to vector<128x128xi32>
    %convert_element_type3A_207 = arith.sitofp %convert_element_type3A_206 : vector<128x128xi32> to vector<128x128xf32>
    %convert_element_type3A_208 = arith.truncf %convert_element_type3A_207 : vector<128x128xf32> to vector<128x128xbf16>
    %dot_general3A_209 = arith.constant dense<0.000000e+00> : vector<80x128xf32>
    %dot_general3A_210 = tpu.matmul %convert_element_type3A_202, %convert_element_type3A_208, %dot_general3A_209 {dimension_numbers = #tpu.dot_dimension_numbers<[1], [1], [0], [0], [0, 0, 1, 0], [], []>, transpose_lhs_hint = false} : vector<80x128xbf16>, vector<128x128xbf16>, vector<80x128xf32> -> vector<80x128xf32>
    %add3A_211 = arith.addf %add3A_196, %dot_general3A_210 : vector<80x128xf32>
    %slice3A_212 = vector.extract_strided_slice %select_n3A {offsets = [11, 0], sizes = [1, 128], strides = [1, 1]} : vector<128x128xi32> to vector<1x128xi32>
    %eq3A_213 = vector.broadcast %slice3A_212 : vector<1x128xi32> to vector<80x128xi32>
    %eq3A_214 = arith.cmpi eq, %iota3A, %eq3A_213 : vector<80x128xi32>
    %convert_element_type3A_215 = arith.extui %eq3A_214 : vector<80x128xi1> to vector<80x128xi32>
    %convert_element_type3A_216 = arith.sitofp %convert_element_type3A_215 : vector<80x128xi32> to vector<80x128xf32>
    %convert_element_type3A_217 = arith.truncf %convert_element_type3A_216 : vector<80x128xf32> to vector<80x128xbf16>
    %slice3A_218 = vector.extract_strided_slice %select_n3A_46 {offsets = [11, 0], sizes = [1, 128], strides = [1, 1]} : vector<128x128xi32> to vector<1x128xi32>
    %eq3A_219 = vector.broadcast %slice3A_218 : vector<1x128xi32> to vector<128x128xi32>
    %eq3A_220 = arith.cmpi eq, %iota3A_47, %eq3A_219 : vector<128x128xi32>
    %convert_element_type3A_221 = arith.extui %eq3A_220 : vector<128x128xi1> to vector<128x128xi32>
    %convert_element_type3A_222 = arith.sitofp %convert_element_type3A_221 : vector<128x128xi32> to vector<128x128xf32>
    %convert_element_type3A_223 = arith.truncf %convert_element_type3A_222 : vector<128x128xf32> to vector<128x128xbf16>
    %dot_general3A_224 = arith.constant dense<0.000000e+00> : vector<80x128xf32>
    %dot_general3A_225 = tpu.matmul %convert_element_type3A_217, %convert_element_type3A_223, %dot_general3A_224 {dimension_numbers = #tpu.dot_dimension_numbers<[1], [1], [0], [0], [0, 0, 1, 0], [], []>, transpose_lhs_hint = false} : vector<80x128xbf16>, vector<128x128xbf16>, vector<80x128xf32> -> vector<80x128xf32>
    %add3A_226 = arith.addf %add3A_211, %dot_general3A_225 : vector<80x128xf32>
    %slice3A_227 = vector.extract_strided_slice %select_n3A {offsets = [12, 0], sizes = [1, 128], strides = [1, 1]} : vector<128x128xi32> to vector<1x128xi32>
    %eq3A_228 = vector.broadcast %slice3A_227 : vector<1x128xi32> to vector<80x128xi32>
    %eq3A_229 = arith.cmpi eq, %iota3A, %eq3A_228 : vector<80x128xi32>
    %convert_element_type3A_230 = arith.extui %eq3A_229 : vector<80x128xi1> to vector<80x128xi32>
    %convert_element_type3A_231 = arith.sitofp %convert_element_type3A_230 : vector<80x128xi32> to vector<80x128xf32>
    %convert_element_type3A_232 = arith.truncf %convert_element_type3A_231 : vector<80x128xf32> to vector<80x128xbf16>
    %slice3A_233 = vector.extract_strided_slice %select_n3A_46 {offsets = [12, 0], sizes = [1, 128], strides = [1, 1]} : vector<128x128xi32> to vector<1x128xi32>
    %eq3A_234 = vector.broadcast %slice3A_233 : vector<1x128xi32> to vector<128x128xi32>
    %eq3A_235 = arith.cmpi eq, %iota3A_47, %eq3A_234 : vector<128x128xi32>
    %convert_element_type3A_236 = arith.extui %eq3A_235 : vector<128x128xi1> to vector<128x128xi32>
    %convert_element_type3A_237 = arith.sitofp %convert_element_type3A_236 : vector<128x128xi32> to vector<128x128xf32>
    %convert_element_type3A_238 = arith.truncf %convert_element_type3A_237 : vector<128x128xf32> to vector<128x128xbf16>
    %dot_general3A_239 = arith.constant dense<0.000000e+00> : vector<80x128xf32>
    %dot_general3A_240 = tpu.matmul %convert_element_type3A_232, %convert_element_type3A_238, %dot_general3A_239 {dimension_numbers = #tpu.dot_dimension_numbers<[1], [1], [0], [0], [0, 0, 1, 0], [], []>, transpose_lhs_hint = false} : vector<80x128xbf16>, vector<128x128xbf16>, vector<80x128xf32> -> vector<80x128xf32>
    %add3A_241 = arith.addf %add3A_226, %dot_general3A_240 : vector<80x128xf32>
    %slice3A_242 = vector.extract_strided_slice %select_n3A {offsets = [13, 0], sizes = [1, 128], strides = [1, 1]} : vector<128x128xi32> to vector<1x128xi32>
    %eq3A_243 = vector.broadcast %slice3A_242 : vector<1x128xi32> to vector<80x128xi32>
    %eq3A_244 = arith.cmpi eq, %iota3A, %eq3A_243 : vector<80x128xi32>
    %convert_element_type3A_245 = arith.extui %eq3A_244 : vector<80x128xi1> to vector<80x128xi32>
    %convert_element_type3A_246 = arith.sitofp %convert_element_type3A_245 : vector<80x128xi32> to vector<80x128xf32>
    %convert_element_type3A_247 = arith.truncf %convert_element_type3A_246 : vector<80x128xf32> to vector<80x128xbf16>
    %slice3A_248 = vector.extract_strided_slice %select_n3A_46 {offsets = [13, 0], sizes = [1, 128], strides = [1, 1]} : vector<128x128xi32> to vector<1x128xi32>
    %eq3A_249 = vector.broadcast %slice3A_248 : vector<1x128xi32> to vector<128x128xi32>
    %eq3A_250 = arith.cmpi eq, %iota3A_47, %eq3A_249 : vector<128x128xi32>
    %convert_element_type3A_251 = arith.extui %eq3A_250 : vector<128x128xi1> to vector<128x128xi32>
    %convert_element_type3A_252 = arith.sitofp %convert_element_type3A_251 : vector<128x128xi32> to vector<128x128xf32>
    %convert_element_type3A_253 = arith.truncf %convert_element_type3A_252 : vector<128x128xf32> to vector<128x128xbf16>
    %dot_general3A_254 = arith.constant dense<0.000000e+00> : vector<80x128xf32>
    %dot_general3A_255 = tpu.matmul %convert_element_type3A_247, %convert_element_type3A_253, %dot_general3A_254 {dimension_numbers = #tpu.dot_dimension_numbers<[1], [1], [0], [0], [0, 0, 1, 0], [], []>, transpose_lhs_hint = false} : vector<80x128xbf16>, vector<128x128xbf16>, vector<80x128xf32> -> vector<80x128xf32>
    %add3A_256 = arith.addf %add3A_241, %dot_general3A_255 : vector<80x128xf32>
    %slice3A_257 = vector.extract_strided_slice %select_n3A {offsets = [14, 0], sizes = [1, 128], strides = [1, 1]} : vector<128x128xi32> to vector<1x128xi32>
    %eq3A_258 = vector.broadcast %slice3A_257 : vector<1x128xi32> to vector<80x128xi32>
    %eq3A_259 = arith.cmpi eq, %iota3A, %eq3A_258 : vector<80x128xi32>
    %convert_element_type3A_260 = arith.extui %eq3A_259 : vector<80x128xi1> to vector<80x128xi32>
    %convert_element_type3A_261 = arith.sitofp %convert_element_type3A_260 : vector<80x128xi32> to vector<80x128xf32>
    %convert_element_type3A_262 = arith.truncf %convert_element_type3A_261 : vector<80x128xf32> to vector<80x128xbf16>
    %slice3A_263 = vector.extract_strided_slice %select_n3A_46 {offsets = [14, 0], sizes = [1, 128], strides = [1, 1]} : vector<128x128xi32> to vector<1x128xi32>
    %eq3A_264 = vector.broadcast %slice3A_263 : vector<1x128xi32> to vector<128x128xi32>
    %eq3A_265 = arith.cmpi eq, %iota3A_47, %eq3A_264 : vector<128x128xi32>
    %convert_element_type3A_266 = arith.extui %eq3A_265 : vector<128x128xi1> to vector<128x128xi32>
    %convert_element_type3A_267 = arith.sitofp %convert_element_type3A_266 : vector<128x128xi32> to vector<128x128xf32>
    %convert_element_type3A_268 = arith.truncf %convert_element_type3A_267 : vector<128x128xf32> to vector<128x128xbf16>
    %dot_general3A_269 = arith.constant dense<0.000000e+00> : vector<80x128xf32>
    %dot_general3A_270 = tpu.matmul %convert_element_type3A_262, %convert_element_type3A_268, %dot_general3A_269 {dimension_numbers = #tpu.dot_dimension_numbers<[1], [1], [0], [0], [0, 0, 1, 0], [], []>, transpose_lhs_hint = false} : vector<80x128xbf16>, vector<128x128xbf16>, vector<80x128xf32> -> vector<80x128xf32>
    %add3A_271 = arith.addf %add3A_256, %dot_general3A_270 : vector<80x128xf32>
    %slice3A_272 = vector.extract_strided_slice %select_n3A {offsets = [15, 0], sizes = [1, 128], strides = [1, 1]} : vector<128x128xi32> to vector<1x128xi32>
    %eq3A_273 = vector.broadcast %slice3A_272 : vector<1x128xi32> to vector<80x128xi32>
    %eq3A_274 = arith.cmpi eq, %iota3A, %eq3A_273 : vector<80x128xi32>
    %convert_element_type3A_275 = arith.extui %eq3A_274 : vector<80x128xi1> to vector<80x128xi32>
    %convert_element_type3A_276 = arith.sitofp %convert_element_type3A_275 : vector<80x128xi32> to vector<80x128xf32>
    %convert_element_type3A_277 = arith.truncf %convert_element_type3A_276 : vector<80x128xf32> to vector<80x128xbf16>
    %slice3A_278 = vector.extract_strided_slice %select_n3A_46 {offsets = [15, 0], sizes = [1, 128], strides = [1, 1]} : vector<128x128xi32> to vector<1x128xi32>
    %eq3A_279 = vector.broadcast %slice3A_278 : vector<1x128xi32> to vector<128x128xi32>
    %eq3A_280 = arith.cmpi eq, %iota3A_47, %eq3A_279 : vector<128x128xi32>
    %convert_element_type3A_281 = arith.extui %eq3A_280 : vector<128x128xi1> to vector<128x128xi32>
    %convert_element_type3A_282 = arith.sitofp %convert_element_type3A_281 : vector<128x128xi32> to vector<128x128xf32>
    %convert_element_type3A_283 = arith.truncf %convert_element_type3A_282 : vector<128x128xf32> to vector<128x128xbf16>
    %dot_general3A_284 = arith.constant dense<0.000000e+00> : vector<80x128xf32>
    %dot_general3A_285 = tpu.matmul %convert_element_type3A_277, %convert_element_type3A_283, %dot_general3A_284 {dimension_numbers = #tpu.dot_dimension_numbers<[1], [1], [0], [0], [0, 0, 1, 0], [], []>, transpose_lhs_hint = false} : vector<80x128xbf16>, vector<128x128xbf16>, vector<80x128xf32> -> vector<80x128xf32>
    %add3A_286 = arith.addf %add3A_271, %dot_general3A_285 : vector<80x128xf32>
    %slice3A_287 = vector.extract_strided_slice %select_n3A {offsets = [16, 0], sizes = [1, 128], strides = [1, 1]} : vector<128x128xi32> to vector<1x128xi32>
    %eq3A_288 = vector.broadcast %slice3A_287 : vector<1x128xi32> to vector<80x128xi32>
    %eq3A_289 = arith.cmpi eq, %iota3A, %eq3A_288 : vector<80x128xi32>
    %convert_element_type3A_290 = arith.extui %eq3A_289 : vector<80x128xi1> to vector<80x128xi32>
    %convert_element_type3A_291 = arith.sitofp %convert_element_type3A_290 : vector<80x128xi32> to vector<80x128xf32>
    %convert_element_type3A_292 = arith.truncf %convert_element_type3A_291 : vector<80x128xf32> to vector<80x128xbf16>
    %slice3A_293 = vector.extract_strided_slice %select_n3A_46 {offsets = [16, 0], sizes = [1, 128], strides = [1, 1]} : vector<128x128xi32> to vector<1x128xi32>
    %eq3A_294 = vector.broadcast %slice3A_293 : vector<1x128xi32> to vector<128x128xi32>
    %eq3A_295 = arith.cmpi eq, %iota3A_47, %eq3A_294 : vector<128x128xi32>
    %convert_element_type3A_296 = arith.extui %eq3A_295 : vector<128x128xi1> to vector<128x128xi32>
    %convert_element_type3A_297 = arith.sitofp %convert_element_type3A_296 : vector<128x128xi32> to vector<128x128xf32>
    %convert_element_type3A_298 = arith.truncf %convert_element_type3A_297 : vector<128x128xf32> to vector<128x128xbf16>
    %dot_general3A_299 = arith.constant dense<0.000000e+00> : vector<80x128xf32>
    %dot_general3A_300 = tpu.matmul %convert_element_type3A_292, %convert_element_type3A_298, %dot_general3A_299 {dimension_numbers = #tpu.dot_dimension_numbers<[1], [1], [0], [0], [0, 0, 1, 0], [], []>, transpose_lhs_hint = false} : vector<80x128xbf16>, vector<128x128xbf16>, vector<80x128xf32> -> vector<80x128xf32>
    %add3A_301 = arith.addf %add3A_286, %dot_general3A_300 : vector<80x128xf32>
    %slice3A_302 = vector.extract_strided_slice %select_n3A {offsets = [17, 0], sizes = [1, 128], strides = [1, 1]} : vector<128x128xi32> to vector<1x128xi32>
    %eq3A_303 = vector.broadcast %slice3A_302 : vector<1x128xi32> to vector<80x128xi32>
    %eq3A_304 = arith.cmpi eq, %iota3A, %eq3A_303 : vector<80x128xi32>
    %convert_element_type3A_305 = arith.extui %eq3A_304 : vector<80x128xi1> to vector<80x128xi32>
    %convert_element_type3A_306 = arith.sitofp %convert_element_type3A_305 : vector<80x128xi32> to vector<80x128xf32>
    %convert_element_type3A_307 = arith.truncf %convert_element_type3A_306 : vector<80x128xf32> to vector<80x128xbf16>
    %slice3A_308 = vector.extract_strided_slice %select_n3A_46 {offsets = [17, 0], sizes = [1, 128], strides = [1, 1]} : vector<128x128xi32> to vector<1x128xi32>
    %eq3A_309 = vector.broadcast %slice3A_308 : vector<1x128xi32> to vector<128x128xi32>
    %eq3A_310 = arith.cmpi eq, %iota3A_47, %eq3A_309 : vector<128x128xi32>
    %convert_element_type3A_311 = arith.extui %eq3A_310 : vector<128x128xi1> to vector<128x128xi32>
    %convert_element_type3A_312 = arith.sitofp %convert_element_type3A_311 : vector<128x128xi32> to vector<128x128xf32>
    %convert_element_type3A_313 = arith.truncf %convert_element_type3A_312 : vector<128x128xf32> to vector<128x128xbf16>
    %dot_general3A_314 = arith.constant dense<0.000000e+00> : vector<80x128xf32>
    %dot_general3A_315 = tpu.matmul %convert_element_type3A_307, %convert_element_type3A_313, %dot_general3A_314 {dimension_numbers = #tpu.dot_dimension_numbers<[1], [1], [0], [0], [0, 0, 1, 0], [], []>, transpose_lhs_hint = false} : vector<80x128xbf16>, vector<128x128xbf16>, vector<80x128xf32> -> vector<80x128xf32>
    %add3A_316 = arith.addf %add3A_301, %dot_general3A_315 : vector<80x128xf32>
    %slice3A_317 = vector.extract_strided_slice %select_n3A {offsets = [18, 0], sizes = [1, 128], strides = [1, 1]} : vector<128x128xi32> to vector<1x128xi32>
    %eq3A_318 = vector.broadcast %slice3A_317 : vector<1x128xi32> to vector<80x128xi32>
    %eq3A_319 = arith.cmpi eq, %iota3A, %eq3A_318 : vector<80x128xi32>
    %convert_element_type3A_320 = arith.extui %eq3A_319 : vector<80x128xi1> to vector<80x128xi32>
    %convert_element_type3A_321 = arith.sitofp %convert_element_type3A_320 : vector<80x128xi32> to vector<80x128xf32>
    %convert_element_type3A_322 = arith.truncf %convert_element_type3A_321 : vector<80x128xf32> to vector<80x128xbf16>
    %slice3A_323 = vector.extract_strided_slice %select_n3A_46 {offsets = [18, 0], sizes = [1, 128], strides = [1, 1]} : vector<128x128xi32> to vector<1x128xi32>
    %eq3A_324 = vector.broadcast %slice3A_323 : vector<1x128xi32> to vector<128x128xi32>
    %eq3A_325 = arith.cmpi eq, %iota3A_47, %eq3A_324 : vector<128x128xi32>
    %convert_element_type3A_326 = arith.extui %eq3A_325 : vector<128x128xi1> to vector<128x128xi32>
    %convert_element_type3A_327 = arith.sitofp %convert_element_type3A_326 : vector<128x128xi32> to vector<128x128xf32>
    %convert_element_type3A_328 = arith.truncf %convert_element_type3A_327 : vector<128x128xf32> to vector<128x128xbf16>
    %dot_general3A_329 = arith.constant dense<0.000000e+00> : vector<80x128xf32>
    %dot_general3A_330 = tpu.matmul %convert_element_type3A_322, %convert_element_type3A_328, %dot_general3A_329 {dimension_numbers = #tpu.dot_dimension_numbers<[1], [1], [0], [0], [0, 0, 1, 0], [], []>, transpose_lhs_hint = false} : vector<80x128xbf16>, vector<128x128xbf16>, vector<80x128xf32> -> vector<80x128xf32>
    %add3A_331 = arith.addf %add3A_316, %dot_general3A_330 : vector<80x128xf32>
    %slice3A_332 = vector.extract_strided_slice %select_n3A {offsets = [19, 0], sizes = [1, 128], strides = [1, 1]} : vector<128x128xi32> to vector<1x128xi32>
    %eq3A_333 = vector.broadcast %slice3A_332 : vector<1x128xi32> to vector<80x128xi32>
    %eq3A_334 = arith.cmpi eq, %iota3A, %eq3A_333 : vector<80x128xi32>
    %convert_element_type3A_335 = arith.extui %eq3A_334 : vector<80x128xi1> to vector<80x128xi32>
    %convert_element_type3A_336 = arith.sitofp %convert_element_type3A_335 : vector<80x128xi32> to vector<80x128xf32>
    %convert_element_type3A_337 = arith.truncf %convert_element_type3A_336 : vector<80x128xf32> to vector<80x128xbf16>
    %slice3A_338 = vector.extract_strided_slice %select_n3A_46 {offsets = [19, 0], sizes = [1, 128], strides = [1, 1]} : vector<128x128xi32> to vector<1x128xi32>
    %eq3A_339 = vector.broadcast %slice3A_338 : vector<1x128xi32> to vector<128x128xi32>
    %eq3A_340 = arith.cmpi eq, %iota3A_47, %eq3A_339 : vector<128x128xi32>
    %convert_element_type3A_341 = arith.extui %eq3A_340 : vector<128x128xi1> to vector<128x128xi32>
    %convert_element_type3A_342 = arith.sitofp %convert_element_type3A_341 : vector<128x128xi32> to vector<128x128xf32>
    %convert_element_type3A_343 = arith.truncf %convert_element_type3A_342 : vector<128x128xf32> to vector<128x128xbf16>
    %dot_general3A_344 = arith.constant dense<0.000000e+00> : vector<80x128xf32>
    %dot_general3A_345 = tpu.matmul %convert_element_type3A_337, %convert_element_type3A_343, %dot_general3A_344 {dimension_numbers = #tpu.dot_dimension_numbers<[1], [1], [0], [0], [0, 0, 1, 0], [], []>, transpose_lhs_hint = false} : vector<80x128xbf16>, vector<128x128xbf16>, vector<80x128xf32> -> vector<80x128xf32>
    %add3A_346 = arith.addf %add3A_331, %dot_general3A_345 : vector<80x128xf32>
    %slice3A_347 = vector.extract_strided_slice %select_n3A {offsets = [20, 0], sizes = [1, 128], strides = [1, 1]} : vector<128x128xi32> to vector<1x128xi32>
    %eq3A_348 = vector.broadcast %slice3A_347 : vector<1x128xi32> to vector<80x128xi32>
    %eq3A_349 = arith.cmpi eq, %iota3A, %eq3A_348 : vector<80x128xi32>
    %convert_element_type3A_350 = arith.extui %eq3A_349 : vector<80x128xi1> to vector<80x128xi32>
    %convert_element_type3A_351 = arith.sitofp %convert_element_type3A_350 : vector<80x128xi32> to vector<80x128xf32>
    %convert_element_type3A_352 = arith.truncf %convert_element_type3A_351 : vector<80x128xf32> to vector<80x128xbf16>
    %slice3A_353 = vector.extract_strided_slice %select_n3A_46 {offsets = [20, 0], sizes = [1, 128], strides = [1, 1]} : vector<128x128xi32> to vector<1x128xi32>
    %eq3A_354 = vector.broadcast %slice3A_353 : vector<1x128xi32> to vector<128x128xi32>
    %eq3A_355 = arith.cmpi eq, %iota3A_47, %eq3A_354 : vector<128x128xi32>
    %convert_element_type3A_356 = arith.extui %eq3A_355 : vector<128x128xi1> to vector<128x128xi32>
    %convert_element_type3A_357 = arith.sitofp %convert_element_type3A_356 : vector<128x128xi32> to vector<128x128xf32>
    %convert_element_type3A_358 = arith.truncf %convert_element_type3A_357 : vector<128x128xf32> to vector<128x128xbf16>
    %dot_general3A_359 = arith.constant dense<0.000000e+00> : vector<80x128xf32>
    %dot_general3A_360 = tpu.matmul %convert_element_type3A_352, %convert_element_type3A_358, %dot_general3A_359 {dimension_numbers = #tpu.dot_dimension_numbers<[1], [1], [0], [0], [0, 0, 1, 0], [], []>, transpose_lhs_hint = false} : vector<80x128xbf16>, vector<128x128xbf16>, vector<80x128xf32> -> vector<80x128xf32>
    %add3A_361 = arith.addf %add3A_346, %dot_general3A_360 : vector<80x128xf32>
    %slice3A_362 = vector.extract_strided_slice %select_n3A {offsets = [21, 0], sizes = [1, 128], strides = [1, 1]} : vector<128x128xi32> to vector<1x128xi32>
    %eq3A_363 = vector.broadcast %slice3A_362 : vector<1x128xi32> to vector<80x128xi32>
    %eq3A_364 = arith.cmpi eq, %iota3A, %eq3A_363 : vector<80x128xi32>
    %convert_element_type3A_365 = arith.extui %eq3A_364 : vector<80x128xi1> to vector<80x128xi32>
    %convert_element_type3A_366 = arith.sitofp %convert_element_type3A_365 : vector<80x128xi32> to vector<80x128xf32>
    %convert_element_type3A_367 = arith.truncf %convert_element_type3A_366 : vector<80x128xf32> to vector<80x128xbf16>
    %slice3A_368 = vector.extract_strided_slice %select_n3A_46 {offsets = [21, 0], sizes = [1, 128], strides = [1, 1]} : vector<128x128xi32> to vector<1x128xi32>
    %eq3A_369 = vector.broadcast %slice3A_368 : vector<1x128xi32> to vector<128x128xi32>
    %eq3A_370 = arith.cmpi eq, %iota3A_47, %eq3A_369 : vector<128x128xi32>
    %convert_element_type3A_371 = arith.extui %eq3A_370 : vector<128x128xi1> to vector<128x128xi32>
    %convert_element_type3A_372 = arith.sitofp %convert_element_type3A_371 : vector<128x128xi32> to vector<128x128xf32>
    %convert_element_type3A_373 = arith.truncf %convert_element_type3A_372 : vector<128x128xf32> to vector<128x128xbf16>
    %dot_general3A_374 = arith.constant dense<0.000000e+00> : vector<80x128xf32>
    %dot_general3A_375 = tpu.matmul %convert_element_type3A_367, %convert_element_type3A_373, %dot_general3A_374 {dimension_numbers = #tpu.dot_dimension_numbers<[1], [1], [0], [0], [0, 0, 1, 0], [], []>, transpose_lhs_hint = false} : vector<80x128xbf16>, vector<128x128xbf16>, vector<80x128xf32> -> vector<80x128xf32>
    %add3A_376 = arith.addf %add3A_361, %dot_general3A_375 : vector<80x128xf32>
    %slice3A_377 = vector.extract_strided_slice %select_n3A {offsets = [22, 0], sizes = [1, 128], strides = [1, 1]} : vector<128x128xi32> to vector<1x128xi32>
    %eq3A_378 = vector.broadcast %slice3A_377 : vector<1x128xi32> to vector<80x128xi32>
    %eq3A_379 = arith.cmpi eq, %iota3A, %eq3A_378 : vector<80x128xi32>
    %convert_element_type3A_380 = arith.extui %eq3A_379 : vector<80x128xi1> to vector<80x128xi32>
    %convert_element_type3A_381 = arith.sitofp %convert_element_type3A_380 : vector<80x128xi32> to vector<80x128xf32>
    %convert_element_type3A_382 = arith.truncf %convert_element_type3A_381 : vector<80x128xf32> to vector<80x128xbf16>
    %slice3A_383 = vector.extract_strided_slice %select_n3A_46 {offsets = [22, 0], sizes = [1, 128], strides = [1, 1]} : vector<128x128xi32> to vector<1x128xi32>
    %eq3A_384 = vector.broadcast %slice3A_383 : vector<1x128xi32> to vector<128x128xi32>
    %eq3A_385 = arith.cmpi eq, %iota3A_47, %eq3A_384 : vector<128x128xi32>
    %convert_element_type3A_386 = arith.extui %eq3A_385 : vector<128x128xi1> to vector<128x128xi32>
    %convert_element_type3A_387 = arith.sitofp %convert_element_type3A_386 : vector<128x128xi32> to vector<128x128xf32>
    %convert_element_type3A_388 = arith.truncf %convert_element_type3A_387 : vector<128x128xf32> to vector<128x128xbf16>
    %dot_general3A_389 = arith.constant dense<0.000000e+00> : vector<80x128xf32>
    %dot_general3A_390 = tpu.matmul %convert_element_type3A_382, %convert_element_type3A_388, %dot_general3A_389 {dimension_numbers = #tpu.dot_dimension_numbers<[1], [1], [0], [0], [0, 0, 1, 0], [], []>, transpose_lhs_hint = false} : vector<80x128xbf16>, vector<128x128xbf16>, vector<80x128xf32> -> vector<80x128xf32>
    %add3A_391 = arith.addf %add3A_376, %dot_general3A_390 : vector<80x128xf32>
    %slice3A_392 = vector.extract_strided_slice %select_n3A {offsets = [23, 0], sizes = [1, 128], strides = [1, 1]} : vector<128x128xi32> to vector<1x128xi32>
    %eq3A_393 = vector.broadcast %slice3A_392 : vector<1x128xi32> to vector<80x128xi32>
    %eq3A_394 = arith.cmpi eq, %iota3A, %eq3A_393 : vector<80x128xi32>
    %convert_element_type3A_395 = arith.extui %eq3A_394 : vector<80x128xi1> to vector<80x128xi32>
    %convert_element_type3A_396 = arith.sitofp %convert_element_type3A_395 : vector<80x128xi32> to vector<80x128xf32>
    %convert_element_type3A_397 = arith.truncf %convert_element_type3A_396 : vector<80x128xf32> to vector<80x128xbf16>
    %slice3A_398 = vector.extract_strided_slice %select_n3A_46 {offsets = [23, 0], sizes = [1, 128], strides = [1, 1]} : vector<128x128xi32> to vector<1x128xi32>
    %eq3A_399 = vector.broadcast %slice3A_398 : vector<1x128xi32> to vector<128x128xi32>
    %eq3A_400 = arith.cmpi eq, %iota3A_47, %eq3A_399 : vector<128x128xi32>
    %convert_element_type3A_401 = arith.extui %eq3A_400 : vector<128x128xi1> to vector<128x128xi32>
    %convert_element_type3A_402 = arith.sitofp %convert_element_type3A_401 : vector<128x128xi32> to vector<128x128xf32>
    %convert_element_type3A_403 = arith.truncf %convert_element_type3A_402 : vector<128x128xf32> to vector<128x128xbf16>
    %dot_general3A_404 = arith.constant dense<0.000000e+00> : vector<80x128xf32>
    %dot_general3A_405 = tpu.matmul %convert_element_type3A_397, %convert_element_type3A_403, %dot_general3A_404 {dimension_numbers = #tpu.dot_dimension_numbers<[1], [1], [0], [0], [0, 0, 1, 0], [], []>, transpose_lhs_hint = false} : vector<80x128xbf16>, vector<128x128xbf16>, vector<80x128xf32> -> vector<80x128xf32>
    %add3A_406 = arith.addf %add3A_391, %dot_general3A_405 : vector<80x128xf32>
    %slice3A_407 = vector.extract_strided_slice %select_n3A {offsets = [24, 0], sizes = [1, 128], strides = [1, 1]} : vector<128x128xi32> to vector<1x128xi32>
    %eq3A_408 = vector.broadcast %slice3A_407 : vector<1x128xi32> to vector<80x128xi32>
    %eq3A_409 = arith.cmpi eq, %iota3A, %eq3A_408 : vector<80x128xi32>
    %convert_element_type3A_410 = arith.extui %eq3A_409 : vector<80x128xi1> to vector<80x128xi32>
    %convert_element_type3A_411 = arith.sitofp %convert_element_type3A_410 : vector<80x128xi32> to vector<80x128xf32>
    %convert_element_type3A_412 = arith.truncf %convert_element_type3A_411 : vector<80x128xf32> to vector<80x128xbf16>
    %slice3A_413 = vector.extract_strided_slice %select_n3A_46 {offsets = [24, 0], sizes = [1, 128], strides = [1, 1]} : vector<128x128xi32> to vector<1x128xi32>
    %eq3A_414 = vector.broadcast %slice3A_413 : vector<1x128xi32> to vector<128x128xi32>
    %eq3A_415 = arith.cmpi eq, %iota3A_47, %eq3A_414 : vector<128x128xi32>
    %convert_element_type3A_416 = arith.extui %eq3A_415 : vector<128x128xi1> to vector<128x128xi32>
    %convert_element_type3A_417 = arith.sitofp %convert_element_type3A_416 : vector<128x128xi32> to vector<128x128xf32>
    %convert_element_type3A_418 = arith.truncf %convert_element_type3A_417 : vector<128x128xf32> to vector<128x128xbf16>
    %dot_general3A_419 = arith.constant dense<0.000000e+00> : vector<80x128xf32>
    %dot_general3A_420 = tpu.matmul %convert_element_type3A_412, %convert_element_type3A_418, %dot_general3A_419 {dimension_numbers = #tpu.dot_dimension_numbers<[1], [1], [0], [0], [0, 0, 1, 0], [], []>, transpose_lhs_hint = false} : vector<80x128xbf16>, vector<128x128xbf16>, vector<80x128xf32> -> vector<80x128xf32>
    %add3A_421 = arith.addf %add3A_406, %dot_general3A_420 : vector<80x128xf32>
    %slice3A_422 = vector.extract_strided_slice %select_n3A {offsets = [25, 0], sizes = [1, 128], strides = [1, 1]} : vector<128x128xi32> to vector<1x128xi32>
    %eq3A_423 = vector.broadcast %slice3A_422 : vector<1x128xi32> to vector<80x128xi32>
    %eq3A_424 = arith.cmpi eq, %iota3A, %eq3A_423 : vector<80x128xi32>
    %convert_element_type3A_425 = arith.extui %eq3A_424 : vector<80x128xi1> to vector<80x128xi32>
    %convert_element_type3A_426 = arith.sitofp %convert_element_type3A_425 : vector<80x128xi32> to vector<80x128xf32>
    %convert_element_type3A_427 = arith.truncf %convert_element_type3A_426 : vector<80x128xf32> to vector<80x128xbf16>
    %slice3A_428 = vector.extract_strided_slice %select_n3A_46 {offsets = [25, 0], sizes = [1, 128], strides = [1, 1]} : vector<128x128xi32> to vector<1x128xi32>
    %eq3A_429 = vector.broadcast %slice3A_428 : vector<1x128xi32> to vector<128x128xi32>
    %eq3A_430 = arith.cmpi eq, %iota3A_47, %eq3A_429 : vector<128x128xi32>
    %convert_element_type3A_431 = arith.extui %eq3A_430 : vector<128x128xi1> to vector<128x128xi32>
    %convert_element_type3A_432 = arith.sitofp %convert_element_type3A_431 : vector<128x128xi32> to vector<128x128xf32>
    %convert_element_type3A_433 = arith.truncf %convert_element_type3A_432 : vector<128x128xf32> to vector<128x128xbf16>
    %dot_general3A_434 = arith.constant dense<0.000000e+00> : vector<80x128xf32>
    %dot_general3A_435 = tpu.matmul %convert_element_type3A_427, %convert_element_type3A_433, %dot_general3A_434 {dimension_numbers = #tpu.dot_dimension_numbers<[1], [1], [0], [0], [0, 0, 1, 0], [], []>, transpose_lhs_hint = false} : vector<80x128xbf16>, vector<128x128xbf16>, vector<80x128xf32> -> vector<80x128xf32>
    %add3A_436 = arith.addf %add3A_421, %dot_general3A_435 : vector<80x128xf32>
    %slice3A_437 = vector.extract_strided_slice %select_n3A {offsets = [26, 0], sizes = [1, 128], strides = [1, 1]} : vector<128x128xi32> to vector<1x128xi32>
    %eq3A_438 = vector.broadcast %slice3A_437 : vector<1x128xi32> to vector<80x128xi32>
    %eq3A_439 = arith.cmpi eq, %iota3A, %eq3A_438 : vector<80x128xi32>
    %convert_element_type3A_440 = arith.extui %eq3A_439 : vector<80x128xi1> to vector<80x128xi32>
    %convert_element_type3A_441 = arith.sitofp %convert_element_type3A_440 : vector<80x128xi32> to vector<80x128xf32>
    %convert_element_type3A_442 = arith.truncf %convert_element_type3A_441 : vector<80x128xf32> to vector<80x128xbf16>
    %slice3A_443 = vector.extract_strided_slice %select_n3A_46 {offsets = [26, 0], sizes = [1, 128], strides = [1, 1]} : vector<128x128xi32> to vector<1x128xi32>
    %eq3A_444 = vector.broadcast %slice3A_443 : vector<1x128xi32> to vector<128x128xi32>
    %eq3A_445 = arith.cmpi eq, %iota3A_47, %eq3A_444 : vector<128x128xi32>
    %convert_element_type3A_446 = arith.extui %eq3A_445 : vector<128x128xi1> to vector<128x128xi32>
    %convert_element_type3A_447 = arith.sitofp %convert_element_type3A_446 : vector<128x128xi32> to vector<128x128xf32>
    %convert_element_type3A_448 = arith.truncf %convert_element_type3A_447 : vector<128x128xf32> to vector<128x128xbf16>
    %dot_general3A_449 = arith.constant dense<0.000000e+00> : vector<80x128xf32>
    %dot_general3A_450 = tpu.matmul %convert_element_type3A_442, %convert_element_type3A_448, %dot_general3A_449 {dimension_numbers = #tpu.dot_dimension_numbers<[1], [1], [0], [0], [0, 0, 1, 0], [], []>, transpose_lhs_hint = false} : vector<80x128xbf16>, vector<128x128xbf16>, vector<80x128xf32> -> vector<80x128xf32>
    %add3A_451 = arith.addf %add3A_436, %dot_general3A_450 : vector<80x128xf32>
    %slice3A_452 = vector.extract_strided_slice %select_n3A {offsets = [27, 0], sizes = [1, 128], strides = [1, 1]} : vector<128x128xi32> to vector<1x128xi32>
    %eq3A_453 = vector.broadcast %slice3A_452 : vector<1x128xi32> to vector<80x128xi32>
    %eq3A_454 = arith.cmpi eq, %iota3A, %eq3A_453 : vector<80x128xi32>
    %convert_element_type3A_455 = arith.extui %eq3A_454 : vector<80x128xi1> to vector<80x128xi32>
    %convert_element_type3A_456 = arith.sitofp %convert_element_type3A_455 : vector<80x128xi32> to vector<80x128xf32>
    %convert_element_type3A_457 = arith.truncf %convert_element_type3A_456 : vector<80x128xf32> to vector<80x128xbf16>
    %slice3A_458 = vector.extract_strided_slice %select_n3A_46 {offsets = [27, 0], sizes = [1, 128], strides = [1, 1]} : vector<128x128xi32> to vector<1x128xi32>
    %eq3A_459 = vector.broadcast %slice3A_458 : vector<1x128xi32> to vector<128x128xi32>
    %eq3A_460 = arith.cmpi eq, %iota3A_47, %eq3A_459 : vector<128x128xi32>
    %convert_element_type3A_461 = arith.extui %eq3A_460 : vector<128x128xi1> to vector<128x128xi32>
    %convert_element_type3A_462 = arith.sitofp %convert_element_type3A_461 : vector<128x128xi32> to vector<128x128xf32>
    %convert_element_type3A_463 = arith.truncf %convert_element_type3A_462 : vector<128x128xf32> to vector<128x128xbf16>
    %dot_general3A_464 = arith.constant dense<0.000000e+00> : vector<80x128xf32>
    %dot_general3A_465 = tpu.matmul %convert_element_type3A_457, %convert_element_type3A_463, %dot_general3A_464 {dimension_numbers = #tpu.dot_dimension_numbers<[1], [1], [0], [0], [0, 0, 1, 0], [], []>, transpose_lhs_hint = false} : vector<80x128xbf16>, vector<128x128xbf16>, vector<80x128xf32> -> vector<80x128xf32>
    %add3A_466 = arith.addf %add3A_451, %dot_general3A_465 : vector<80x128xf32>
    %slice3A_467 = vector.extract_strided_slice %select_n3A {offsets = [28, 0], sizes = [1, 128], strides = [1, 1]} : vector<128x128xi32> to vector<1x128xi32>
    %eq3A_468 = vector.broadcast %slice3A_467 : vector<1x128xi32> to vector<80x128xi32>
    %eq3A_469 = arith.cmpi eq, %iota3A, %eq3A_468 : vector<80x128xi32>
    %convert_element_type3A_470 = arith.extui %eq3A_469 : vector<80x128xi1> to vector<80x128xi32>
    %convert_element_type3A_471 = arith.sitofp %convert_element_type3A_470 : vector<80x128xi32> to vector<80x128xf32>
    %convert_element_type3A_472 = arith.truncf %convert_element_type3A_471 : vector<80x128xf32> to vector<80x128xbf16>
    %slice3A_473 = vector.extract_strided_slice %select_n3A_46 {offsets = [28, 0], sizes = [1, 128], strides = [1, 1]} : vector<128x128xi32> to vector<1x128xi32>
    %eq3A_474 = vector.broadcast %slice3A_473 : vector<1x128xi32> to vector<128x128xi32>
    %eq3A_475 = arith.cmpi eq, %iota3A_47, %eq3A_474 : vector<128x128xi32>
    %convert_element_type3A_476 = arith.extui %eq3A_475 : vector<128x128xi1> to vector<128x128xi32>
    %convert_element_type3A_477 = arith.sitofp %convert_element_type3A_476 : vector<128x128xi32> to vector<128x128xf32>
    %convert_element_type3A_478 = arith.truncf %convert_element_type3A_477 : vector<128x128xf32> to vector<128x128xbf16>
    %dot_general3A_479 = arith.constant dense<0.000000e+00> : vector<80x128xf32>
    %dot_general3A_480 = tpu.matmul %convert_element_type3A_472, %convert_element_type3A_478, %dot_general3A_479 {dimension_numbers = #tpu.dot_dimension_numbers<[1], [1], [0], [0], [0, 0, 1, 0], [], []>, transpose_lhs_hint = false} : vector<80x128xbf16>, vector<128x128xbf16>, vector<80x128xf32> -> vector<80x128xf32>
    %add3A_481 = arith.addf %add3A_466, %dot_general3A_480 : vector<80x128xf32>
    %slice3A_482 = vector.extract_strided_slice %select_n3A {offsets = [29, 0], sizes = [1, 128], strides = [1, 1]} : vector<128x128xi32> to vector<1x128xi32>
    %eq3A_483 = vector.broadcast %slice3A_482 : vector<1x128xi32> to vector<80x128xi32>
    %eq3A_484 = arith.cmpi eq, %iota3A, %eq3A_483 : vector<80x128xi32>
    %convert_element_type3A_485 = arith.extui %eq3A_484 : vector<80x128xi1> to vector<80x128xi32>
    %convert_element_type3A_486 = arith.sitofp %convert_element_type3A_485 : vector<80x128xi32> to vector<80x128xf32>
    %convert_element_type3A_487 = arith.truncf %convert_element_type3A_486 : vector<80x128xf32> to vector<80x128xbf16>
    %slice3A_488 = vector.extract_strided_slice %select_n3A_46 {offsets = [29, 0], sizes = [1, 128], strides = [1, 1]} : vector<128x128xi32> to vector<1x128xi32>
    %eq3A_489 = vector.broadcast %slice3A_488 : vector<1x128xi32> to vector<128x128xi32>
    %eq3A_490 = arith.cmpi eq, %iota3A_47, %eq3A_489 : vector<128x128xi32>
    %convert_element_type3A_491 = arith.extui %eq3A_490 : vector<128x128xi1> to vector<128x128xi32>
    %convert_element_type3A_492 = arith.sitofp %convert_element_type3A_491 : vector<128x128xi32> to vector<128x128xf32>
    %convert_element_type3A_493 = arith.truncf %convert_element_type3A_492 : vector<128x128xf32> to vector<128x128xbf16>
    %dot_general3A_494 = arith.constant dense<0.000000e+00> : vector<80x128xf32>
    %dot_general3A_495 = tpu.matmul %convert_element_type3A_487, %convert_element_type3A_493, %dot_general3A_494 {dimension_numbers = #tpu.dot_dimension_numbers<[1], [1], [0], [0], [0, 0, 1, 0], [], []>, transpose_lhs_hint = false} : vector<80x128xbf16>, vector<128x128xbf16>, vector<80x128xf32> -> vector<80x128xf32>
    %add3A_496 = arith.addf %add3A_481, %dot_general3A_495 : vector<80x128xf32>
    %slice3A_497 = vector.extract_strided_slice %select_n3A {offsets = [30, 0], sizes = [1, 128], strides = [1, 1]} : vector<128x128xi32> to vector<1x128xi32>
    %eq3A_498 = vector.broadcast %slice3A_497 : vector<1x128xi32> to vector<80x128xi32>
    %eq3A_499 = arith.cmpi eq, %iota3A, %eq3A_498 : vector<80x128xi32>
    %convert_element_type3A_500 = arith.extui %eq3A_499 : vector<80x128xi1> to vector<80x128xi32>
    %convert_element_type3A_501 = arith.sitofp %convert_element_type3A_500 : vector<80x128xi32> to vector<80x128xf32>
    %convert_element_type3A_502 = arith.truncf %convert_element_type3A_501 : vector<80x128xf32> to vector<80x128xbf16>
    %slice3A_503 = vector.extract_strided_slice %select_n3A_46 {offsets = [30, 0], sizes = [1, 128], strides = [1, 1]} : vector<128x128xi32> to vector<1x128xi32>
    %eq3A_504 = vector.broadcast %slice3A_503 : vector<1x128xi32> to vector<128x128xi32>
    %eq3A_505 = arith.cmpi eq, %iota3A_47, %eq3A_504 : vector<128x128xi32>
    %convert_element_type3A_506 = arith.extui %eq3A_505 : vector<128x128xi1> to vector<128x128xi32>
    %convert_element_type3A_507 = arith.sitofp %convert_element_type3A_506 : vector<128x128xi32> to vector<128x128xf32>
    %convert_element_type3A_508 = arith.truncf %convert_element_type3A_507 : vector<128x128xf32> to vector<128x128xbf16>
    %dot_general3A_509 = arith.constant dense<0.000000e+00> : vector<80x128xf32>
    %dot_general3A_510 = tpu.matmul %convert_element_type3A_502, %convert_element_type3A_508, %dot_general3A_509 {dimension_numbers = #tpu.dot_dimension_numbers<[1], [1], [0], [0], [0, 0, 1, 0], [], []>, transpose_lhs_hint = false} : vector<80x128xbf16>, vector<128x128xbf16>, vector<80x128xf32> -> vector<80x128xf32>
    %add3A_511 = arith.addf %add3A_496, %dot_general3A_510 : vector<80x128xf32>
    %slice3A_512 = vector.extract_strided_slice %select_n3A {offsets = [31, 0], sizes = [1, 128], strides = [1, 1]} : vector<128x128xi32> to vector<1x128xi32>
    %eq3A_513 = vector.broadcast %slice3A_512 : vector<1x128xi32> to vector<80x128xi32>
    %eq3A_514 = arith.cmpi eq, %iota3A, %eq3A_513 : vector<80x128xi32>
    %convert_element_type3A_515 = arith.extui %eq3A_514 : vector<80x128xi1> to vector<80x128xi32>
    %convert_element_type3A_516 = arith.sitofp %convert_element_type3A_515 : vector<80x128xi32> to vector<80x128xf32>
    %convert_element_type3A_517 = arith.truncf %convert_element_type3A_516 : vector<80x128xf32> to vector<80x128xbf16>
    %slice3A_518 = vector.extract_strided_slice %select_n3A_46 {offsets = [31, 0], sizes = [1, 128], strides = [1, 1]} : vector<128x128xi32> to vector<1x128xi32>
    %eq3A_519 = vector.broadcast %slice3A_518 : vector<1x128xi32> to vector<128x128xi32>
    %eq3A_520 = arith.cmpi eq, %iota3A_47, %eq3A_519 : vector<128x128xi32>
    %convert_element_type3A_521 = arith.extui %eq3A_520 : vector<128x128xi1> to vector<128x128xi32>
    %convert_element_type3A_522 = arith.sitofp %convert_element_type3A_521 : vector<128x128xi32> to vector<128x128xf32>
    %convert_element_type3A_523 = arith.truncf %convert_element_type3A_522 : vector<128x128xf32> to vector<128x128xbf16>
    %dot_general3A_524 = arith.constant dense<0.000000e+00> : vector<80x128xf32>
    %dot_general3A_525 = tpu.matmul %convert_element_type3A_517, %convert_element_type3A_523, %dot_general3A_524 {dimension_numbers = #tpu.dot_dimension_numbers<[1], [1], [0], [0], [0, 0, 1, 0], [], []>, transpose_lhs_hint = false} : vector<80x128xbf16>, vector<128x128xbf16>, vector<80x128xf32> -> vector<80x128xf32>
    %add3A_526 = arith.addf %add3A_511, %dot_general3A_525 : vector<80x128xf32>
    %slice3A_527 = vector.extract_strided_slice %select_n3A {offsets = [32, 0], sizes = [1, 128], strides = [1, 1]} : vector<128x128xi32> to vector<1x128xi32>
    %eq3A_528 = vector.broadcast %slice3A_527 : vector<1x128xi32> to vector<80x128xi32>
    %eq3A_529 = arith.cmpi eq, %iota3A, %eq3A_528 : vector<80x128xi32>
    %convert_element_type3A_530 = arith.extui %eq3A_529 : vector<80x128xi1> to vector<80x128xi32>
    %convert_element_type3A_531 = arith.sitofp %convert_element_type3A_530 : vector<80x128xi32> to vector<80x128xf32>
    %convert_element_type3A_532 = arith.truncf %convert_element_type3A_531 : vector<80x128xf32> to vector<80x128xbf16>
    %slice3A_533 = vector.extract_strided_slice %select_n3A_46 {offsets = [32, 0], sizes = [1, 128], strides = [1, 1]} : vector<128x128xi32> to vector<1x128xi32>
    %eq3A_534 = vector.broadcast %slice3A_533 : vector<1x128xi32> to vector<128x128xi32>
    %eq3A_535 = arith.cmpi eq, %iota3A_47, %eq3A_534 : vector<128x128xi32>
    %convert_element_type3A_536 = arith.extui %eq3A_535 : vector<128x128xi1> to vector<128x128xi32>
    %convert_element_type3A_537 = arith.sitofp %convert_element_type3A_536 : vector<128x128xi32> to vector<128x128xf32>
    %convert_element_type3A_538 = arith.truncf %convert_element_type3A_537 : vector<128x128xf32> to vector<128x128xbf16>
    %dot_general3A_539 = arith.constant dense<0.000000e+00> : vector<80x128xf32>
    %dot_general3A_540 = tpu.matmul %convert_element_type3A_532, %convert_element_type3A_538, %dot_general3A_539 {dimension_numbers = #tpu.dot_dimension_numbers<[1], [1], [0], [0], [0, 0, 1, 0], [], []>, transpose_lhs_hint = false} : vector<80x128xbf16>, vector<128x128xbf16>, vector<80x128xf32> -> vector<80x128xf32>
    %add3A_541 = arith.addf %add3A_526, %dot_general3A_540 : vector<80x128xf32>
    %slice3A_542 = vector.extract_strided_slice %select_n3A {offsets = [33, 0], sizes = [1, 128], strides = [1, 1]} : vector<128x128xi32> to vector<1x128xi32>
    %eq3A_543 = vector.broadcast %slice3A_542 : vector<1x128xi32> to vector<80x128xi32>
    %eq3A_544 = arith.cmpi eq, %iota3A, %eq3A_543 : vector<80x128xi32>
    %convert_element_type3A_545 = arith.extui %eq3A_544 : vector<80x128xi1> to vector<80x128xi32>
    %convert_element_type3A_546 = arith.sitofp %convert_element_type3A_545 : vector<80x128xi32> to vector<80x128xf32>
    %convert_element_type3A_547 = arith.truncf %convert_element_type3A_546 : vector<80x128xf32> to vector<80x128xbf16>
    %slice3A_548 = vector.extract_strided_slice %select_n3A_46 {offsets = [33, 0], sizes = [1, 128], strides = [1, 1]} : vector<128x128xi32> to vector<1x128xi32>
    %eq3A_549 = vector.broadcast %slice3A_548 : vector<1x128xi32> to vector<128x128xi32>
    %eq3A_550 = arith.cmpi eq, %iota3A_47, %eq3A_549 : vector<128x128xi32>
    %convert_element_type3A_551 = arith.extui %eq3A_550 : vector<128x128xi1> to vector<128x128xi32>
    %convert_element_type3A_552 = arith.sitofp %convert_element_type3A_551 : vector<128x128xi32> to vector<128x128xf32>
    %convert_element_type3A_553 = arith.truncf %convert_element_type3A_552 : vector<128x128xf32> to vector<128x128xbf16>
    %dot_general3A_554 = arith.constant dense<0.000000e+00> : vector<80x128xf32>
    %dot_general3A_555 = tpu.matmul %convert_element_type3A_547, %convert_element_type3A_553, %dot_general3A_554 {dimension_numbers = #tpu.dot_dimension_numbers<[1], [1], [0], [0], [0, 0, 1, 0], [], []>, transpose_lhs_hint = false} : vector<80x128xbf16>, vector<128x128xbf16>, vector<80x128xf32> -> vector<80x128xf32>
    %add3A_556 = arith.addf %add3A_541, %dot_general3A_555 : vector<80x128xf32>
    %slice3A_557 = vector.extract_strided_slice %select_n3A {offsets = [34, 0], sizes = [1, 128], strides = [1, 1]} : vector<128x128xi32> to vector<1x128xi32>
    %eq3A_558 = vector.broadcast %slice3A_557 : vector<1x128xi32> to vector<80x128xi32>
    %eq3A_559 = arith.cmpi eq, %iota3A, %eq3A_558 : vector<80x128xi32>
    %convert_element_type3A_560 = arith.extui %eq3A_559 : vector<80x128xi1> to vector<80x128xi32>
    %convert_element_type3A_561 = arith.sitofp %convert_element_type3A_560 : vector<80x128xi32> to vector<80x128xf32>
    %convert_element_type3A_562 = arith.truncf %convert_element_type3A_561 : vector<80x128xf32> to vector<80x128xbf16>
    %slice3A_563 = vector.extract_strided_slice %select_n3A_46 {offsets = [34, 0], sizes = [1, 128], strides = [1, 1]} : vector<128x128xi32> to vector<1x128xi32>
    %eq3A_564 = vector.broadcast %slice3A_563 : vector<1x128xi32> to vector<128x128xi32>
    %eq3A_565 = arith.cmpi eq, %iota3A_47, %eq3A_564 : vector<128x128xi32>
    %convert_element_type3A_566 = arith.extui %eq3A_565 : vector<128x128xi1> to vector<128x128xi32>
    %convert_element_type3A_567 = arith.sitofp %convert_element_type3A_566 : vector<128x128xi32> to vector<128x128xf32>
    %convert_element_type3A_568 = arith.truncf %convert_element_type3A_567 : vector<128x128xf32> to vector<128x128xbf16>
    %dot_general3A_569 = arith.constant dense<0.000000e+00> : vector<80x128xf32>
    %dot_general3A_570 = tpu.matmul %convert_element_type3A_562, %convert_element_type3A_568, %dot_general3A_569 {dimension_numbers = #tpu.dot_dimension_numbers<[1], [1], [0], [0], [0, 0, 1, 0], [], []>, transpose_lhs_hint = false} : vector<80x128xbf16>, vector<128x128xbf16>, vector<80x128xf32> -> vector<80x128xf32>
    %add3A_571 = arith.addf %add3A_556, %dot_general3A_570 : vector<80x128xf32>
    %slice3A_572 = vector.extract_strided_slice %select_n3A {offsets = [35, 0], sizes = [1, 128], strides = [1, 1]} : vector<128x128xi32> to vector<1x128xi32>
    %eq3A_573 = vector.broadcast %slice3A_572 : vector<1x128xi32> to vector<80x128xi32>
    %eq3A_574 = arith.cmpi eq, %iota3A, %eq3A_573 : vector<80x128xi32>
    %convert_element_type3A_575 = arith.extui %eq3A_574 : vector<80x128xi1> to vector<80x128xi32>
    %convert_element_type3A_576 = arith.sitofp %convert_element_type3A_575 : vector<80x128xi32> to vector<80x128xf32>
    %convert_element_type3A_577 = arith.truncf %convert_element_type3A_576 : vector<80x128xf32> to vector<80x128xbf16>
    %slice3A_578 = vector.extract_strided_slice %select_n3A_46 {offsets = [35, 0], sizes = [1, 128], strides = [1, 1]} : vector<128x128xi32> to vector<1x128xi32>
    %eq3A_579 = vector.broadcast %slice3A_578 : vector<1x128xi32> to vector<128x128xi32>
    %eq3A_580 = arith.cmpi eq, %iota3A_47, %eq3A_579 : vector<128x128xi32>
    %convert_element_type3A_581 = arith.extui %eq3A_580 : vector<128x128xi1> to vector<128x128xi32>
    %convert_element_type3A_582 = arith.sitofp %convert_element_type3A_581 : vector<128x128xi32> to vector<128x128xf32>
    %convert_element_type3A_583 = arith.truncf %convert_element_type3A_582 : vector<128x128xf32> to vector<128x128xbf16>
    %dot_general3A_584 = arith.constant dense<0.000000e+00> : vector<80x128xf32>
    %dot_general3A_585 = tpu.matmul %convert_element_type3A_577, %convert_element_type3A_583, %dot_general3A_584 {dimension_numbers = #tpu.dot_dimension_numbers<[1], [1], [0], [0], [0, 0, 1, 0], [], []>, transpose_lhs_hint = false} : vector<80x128xbf16>, vector<128x128xbf16>, vector<80x128xf32> -> vector<80x128xf32>
    %add3A_586 = arith.addf %add3A_571, %dot_general3A_585 : vector<80x128xf32>
    %slice3A_587 = vector.extract_strided_slice %select_n3A {offsets = [36, 0], sizes = [1, 128], strides = [1, 1]} : vector<128x128xi32> to vector<1x128xi32>
    %eq3A_588 = vector.broadcast %slice3A_587 : vector<1x128xi32> to vector<80x128xi32>
    %eq3A_589 = arith.cmpi eq, %iota3A, %eq3A_588 : vector<80x128xi32>
    %convert_element_type3A_590 = arith.extui %eq3A_589 : vector<80x128xi1> to vector<80x128xi32>
    %convert_element_type3A_591 = arith.sitofp %convert_element_type3A_590 : vector<80x128xi32> to vector<80x128xf32>
    %convert_element_type3A_592 = arith.truncf %convert_element_type3A_591 : vector<80x128xf32> to vector<80x128xbf16>
    %slice3A_593 = vector.extract_strided_slice %select_n3A_46 {offsets = [36, 0], sizes = [1, 128], strides = [1, 1]} : vector<128x128xi32> to vector<1x128xi32>
    %eq3A_594 = vector.broadcast %slice3A_593 : vector<1x128xi32> to vector<128x128xi32>
    %eq3A_595 = arith.cmpi eq, %iota3A_47, %eq3A_594 : vector<128x128xi32>
    %convert_element_type3A_596 = arith.extui %eq3A_595 : vector<128x128xi1> to vector<128x128xi32>
    %convert_element_type3A_597 = arith.sitofp %convert_element_type3A_596 : vector<128x128xi32> to vector<128x128xf32>
    %convert_element_type3A_598 = arith.truncf %convert_element_type3A_597 : vector<128x128xf32> to vector<128x128xbf16>
    %dot_general3A_599 = arith.constant dense<0.000000e+00> : vector<80x128xf32>
    %dot_general3A_600 = tpu.matmul %convert_element_type3A_592, %convert_element_type3A_598, %dot_general3A_599 {dimension_numbers = #tpu.dot_dimension_numbers<[1], [1], [0], [0], [0, 0, 1, 0], [], []>, transpose_lhs_hint = false} : vector<80x128xbf16>, vector<128x128xbf16>, vector<80x128xf32> -> vector<80x128xf32>
    %add3A_601 = arith.addf %add3A_586, %dot_general3A_600 : vector<80x128xf32>
    %slice3A_602 = vector.extract_strided_slice %select_n3A {offsets = [37, 0], sizes = [1, 128], strides = [1, 1]} : vector<128x128xi32> to vector<1x128xi32>
    %eq3A_603 = vector.broadcast %slice3A_602 : vector<1x128xi32> to vector<80x128xi32>
    %eq3A_604 = arith.cmpi eq, %iota3A, %eq3A_603 : vector<80x128xi32>
    %convert_element_type3A_605 = arith.extui %eq3A_604 : vector<80x128xi1> to vector<80x128xi32>
    %convert_element_type3A_606 = arith.sitofp %convert_element_type3A_605 : vector<80x128xi32> to vector<80x128xf32>
    %convert_element_type3A_607 = arith.truncf %convert_element_type3A_606 : vector<80x128xf32> to vector<80x128xbf16>
    %slice3A_608 = vector.extract_strided_slice %select_n3A_46 {offsets = [37, 0], sizes = [1, 128], strides = [1, 1]} : vector<128x128xi32> to vector<1x128xi32>
    %eq3A_609 = vector.broadcast %slice3A_608 : vector<1x128xi32> to vector<128x128xi32>
    %eq3A_610 = arith.cmpi eq, %iota3A_47, %eq3A_609 : vector<128x128xi32>
    %convert_element_type3A_611 = arith.extui %eq3A_610 : vector<128x128xi1> to vector<128x128xi32>
    %convert_element_type3A_612 = arith.sitofp %convert_element_type3A_611 : vector<128x128xi32> to vector<128x128xf32>
    %convert_element_type3A_613 = arith.truncf %convert_element_type3A_612 : vector<128x128xf32> to vector<128x128xbf16>
    %dot_general3A_614 = arith.constant dense<0.000000e+00> : vector<80x128xf32>
    %dot_general3A_615 = tpu.matmul %convert_element_type3A_607, %convert_element_type3A_613, %dot_general3A_614 {dimension_numbers = #tpu.dot_dimension_numbers<[1], [1], [0], [0], [0, 0, 1, 0], [], []>, transpose_lhs_hint = false} : vector<80x128xbf16>, vector<128x128xbf16>, vector<80x128xf32> -> vector<80x128xf32>
    %add3A_616 = arith.addf %add3A_601, %dot_general3A_615 : vector<80x128xf32>
    %slice3A_617 = vector.extract_strided_slice %select_n3A {offsets = [38, 0], sizes = [1, 128], strides = [1, 1]} : vector<128x128xi32> to vector<1x128xi32>
    %eq3A_618 = vector.broadcast %slice3A_617 : vector<1x128xi32> to vector<80x128xi32>
    %eq3A_619 = arith.cmpi eq, %iota3A, %eq3A_618 : vector<80x128xi32>
    %convert_element_type3A_620 = arith.extui %eq3A_619 : vector<80x128xi1> to vector<80x128xi32>
    %convert_element_type3A_621 = arith.sitofp %convert_element_type3A_620 : vector<80x128xi32> to vector<80x128xf32>
    %convert_element_type3A_622 = arith.truncf %convert_element_type3A_621 : vector<80x128xf32> to vector<80x128xbf16>
    %slice3A_623 = vector.extract_strided_slice %select_n3A_46 {offsets = [38, 0], sizes = [1, 128], strides = [1, 1]} : vector<128x128xi32> to vector<1x128xi32>
    %eq3A_624 = vector.broadcast %slice3A_623 : vector<1x128xi32> to vector<128x128xi32>
    %eq3A_625 = arith.cmpi eq, %iota3A_47, %eq3A_624 : vector<128x128xi32>
    %convert_element_type3A_626 = arith.extui %eq3A_625 : vector<128x128xi1> to vector<128x128xi32>
    %convert_element_type3A_627 = arith.sitofp %convert_element_type3A_626 : vector<128x128xi32> to vector<128x128xf32>
    %convert_element_type3A_628 = arith.truncf %convert_element_type3A_627 : vector<128x128xf32> to vector<128x128xbf16>
    %dot_general3A_629 = arith.constant dense<0.000000e+00> : vector<80x128xf32>
    %dot_general3A_630 = tpu.matmul %convert_element_type3A_622, %convert_element_type3A_628, %dot_general3A_629 {dimension_numbers = #tpu.dot_dimension_numbers<[1], [1], [0], [0], [0, 0, 1, 0], [], []>, transpose_lhs_hint = false} : vector<80x128xbf16>, vector<128x128xbf16>, vector<80x128xf32> -> vector<80x128xf32>
    %add3A_631 = arith.addf %add3A_616, %dot_general3A_630 : vector<80x128xf32>
    %slice3A_632 = vector.extract_strided_slice %select_n3A {offsets = [39, 0], sizes = [1, 128], strides = [1, 1]} : vector<128x128xi32> to vector<1x128xi32>
    %eq3A_633 = vector.broadcast %slice3A_632 : vector<1x128xi32> to vector<80x128xi32>
    %eq3A_634 = arith.cmpi eq, %iota3A, %eq3A_633 : vector<80x128xi32>
    %convert_element_type3A_635 = arith.extui %eq3A_634 : vector<80x128xi1> to vector<80x128xi32>
    %convert_element_type3A_636 = arith.sitofp %convert_element_type3A_635 : vector<80x128xi32> to vector<80x128xf32>
    %convert_element_type3A_637 = arith.truncf %convert_element_type3A_636 : vector<80x128xf32> to vector<80x128xbf16>
    %slice3A_638 = vector.extract_strided_slice %select_n3A_46 {offsets = [39, 0], sizes = [1, 128], strides = [1, 1]} : vector<128x128xi32> to vector<1x128xi32>
    %eq3A_639 = vector.broadcast %slice3A_638 : vector<1x128xi32> to vector<128x128xi32>
    %eq3A_640 = arith.cmpi eq, %iota3A_47, %eq3A_639 : vector<128x128xi32>
    %convert_element_type3A_641 = arith.extui %eq3A_640 : vector<128x128xi1> to vector<128x128xi32>
    %convert_element_type3A_642 = arith.sitofp %convert_element_type3A_641 : vector<128x128xi32> to vector<128x128xf32>
    %convert_element_type3A_643 = arith.truncf %convert_element_type3A_642 : vector<128x128xf32> to vector<128x128xbf16>
    %dot_general3A_644 = arith.constant dense<0.000000e+00> : vector<80x128xf32>
    %dot_general3A_645 = tpu.matmul %convert_element_type3A_637, %convert_element_type3A_643, %dot_general3A_644 {dimension_numbers = #tpu.dot_dimension_numbers<[1], [1], [0], [0], [0, 0, 1, 0], [], []>, transpose_lhs_hint = false} : vector<80x128xbf16>, vector<128x128xbf16>, vector<80x128xf32> -> vector<80x128xf32>
    %add3A_646 = arith.addf %add3A_631, %dot_general3A_645 : vector<80x128xf32>
    %slice3A_647 = vector.extract_strided_slice %select_n3A {offsets = [40, 0], sizes = [1, 128], strides = [1, 1]} : vector<128x128xi32> to vector<1x128xi32>
    %eq3A_648 = vector.broadcast %slice3A_647 : vector<1x128xi32> to vector<80x128xi32>
    %eq3A_649 = arith.cmpi eq, %iota3A, %eq3A_648 : vector<80x128xi32>
    %convert_element_type3A_650 = arith.extui %eq3A_649 : vector<80x128xi1> to vector<80x128xi32>
    %convert_element_type3A_651 = arith.sitofp %convert_element_type3A_650 : vector<80x128xi32> to vector<80x128xf32>
    %convert_element_type3A_652 = arith.truncf %convert_element_type3A_651 : vector<80x128xf32> to vector<80x128xbf16>
    %slice3A_653 = vector.extract_strided_slice %select_n3A_46 {offsets = [40, 0], sizes = [1, 128], strides = [1, 1]} : vector<128x128xi32> to vector<1x128xi32>
    %eq3A_654 = vector.broadcast %slice3A_653 : vector<1x128xi32> to vector<128x128xi32>
    %eq3A_655 = arith.cmpi eq, %iota3A_47, %eq3A_654 : vector<128x128xi32>
    %convert_element_type3A_656 = arith.extui %eq3A_655 : vector<128x128xi1> to vector<128x128xi32>
    %convert_element_type3A_657 = arith.sitofp %convert_element_type3A_656 : vector<128x128xi32> to vector<128x128xf32>
    %convert_element_type3A_658 = arith.truncf %convert_element_type3A_657 : vector<128x128xf32> to vector<128x128xbf16>
    %dot_general3A_659 = arith.constant dense<0.000000e+00> : vector<80x128xf32>
    %dot_general3A_660 = tpu.matmul %convert_element_type3A_652, %convert_element_type3A_658, %dot_general3A_659 {dimension_numbers = #tpu.dot_dimension_numbers<[1], [1], [0], [0], [0, 0, 1, 0], [], []>, transpose_lhs_hint = false} : vector<80x128xbf16>, vector<128x128xbf16>, vector<80x128xf32> -> vector<80x128xf32>
    %add3A_661 = arith.addf %add3A_646, %dot_general3A_660 : vector<80x128xf32>
    %slice3A_662 = vector.extract_strided_slice %select_n3A {offsets = [41, 0], sizes = [1, 128], strides = [1, 1]} : vector<128x128xi32> to vector<1x128xi32>
    %eq3A_663 = vector.broadcast %slice3A_662 : vector<1x128xi32> to vector<80x128xi32>
    %eq3A_664 = arith.cmpi eq, %iota3A, %eq3A_663 : vector<80x128xi32>
    %convert_element_type3A_665 = arith.extui %eq3A_664 : vector<80x128xi1> to vector<80x128xi32>
    %convert_element_type3A_666 = arith.sitofp %convert_element_type3A_665 : vector<80x128xi32> to vector<80x128xf32>
    %convert_element_type3A_667 = arith.truncf %convert_element_type3A_666 : vector<80x128xf32> to vector<80x128xbf16>
    %slice3A_668 = vector.extract_strided_slice %select_n3A_46 {offsets = [41, 0], sizes = [1, 128], strides = [1, 1]} : vector<128x128xi32> to vector<1x128xi32>
    %eq3A_669 = vector.broadcast %slice3A_668 : vector<1x128xi32> to vector<128x128xi32>
    %eq3A_670 = arith.cmpi eq, %iota3A_47, %eq3A_669 : vector<128x128xi32>
    %convert_element_type3A_671 = arith.extui %eq3A_670 : vector<128x128xi1> to vector<128x128xi32>
    %convert_element_type3A_672 = arith.sitofp %convert_element_type3A_671 : vector<128x128xi32> to vector<128x128xf32>
    %convert_element_type3A_673 = arith.truncf %convert_element_type3A_672 : vector<128x128xf32> to vector<128x128xbf16>
    %dot_general3A_674 = arith.constant dense<0.000000e+00> : vector<80x128xf32>
    %dot_general3A_675 = tpu.matmul %convert_element_type3A_667, %convert_element_type3A_673, %dot_general3A_674 {dimension_numbers = #tpu.dot_dimension_numbers<[1], [1], [0], [0], [0, 0, 1, 0], [], []>, transpose_lhs_hint = false} : vector<80x128xbf16>, vector<128x128xbf16>, vector<80x128xf32> -> vector<80x128xf32>
    %add3A_676 = arith.addf %add3A_661, %dot_general3A_675 : vector<80x128xf32>
    %slice3A_677 = vector.extract_strided_slice %select_n3A {offsets = [42, 0], sizes = [1, 128], strides = [1, 1]} : vector<128x128xi32> to vector<1x128xi32>
    %eq3A_678 = vector.broadcast %slice3A_677 : vector<1x128xi32> to vector<80x128xi32>
    %eq3A_679 = arith.cmpi eq, %iota3A, %eq3A_678 : vector<80x128xi32>
    %convert_element_type3A_680 = arith.extui %eq3A_679 : vector<80x128xi1> to vector<80x128xi32>
    %convert_element_type3A_681 = arith.sitofp %convert_element_type3A_680 : vector<80x128xi32> to vector<80x128xf32>
    %convert_element_type3A_682 = arith.truncf %convert_element_type3A_681 : vector<80x128xf32> to vector<80x128xbf16>
    %slice3A_683 = vector.extract_strided_slice %select_n3A_46 {offsets = [42, 0], sizes = [1, 128], strides = [1, 1]} : vector<128x128xi32> to vector<1x128xi32>
    %eq3A_684 = vector.broadcast %slice3A_683 : vector<1x128xi32> to vector<128x128xi32>
    %eq3A_685 = arith.cmpi eq, %iota3A_47, %eq3A_684 : vector<128x128xi32>
    %convert_element_type3A_686 = arith.extui %eq3A_685 : vector<128x128xi1> to vector<128x128xi32>
    %convert_element_type3A_687 = arith.sitofp %convert_element_type3A_686 : vector<128x128xi32> to vector<128x128xf32>
    %convert_element_type3A_688 = arith.truncf %convert_element_type3A_687 : vector<128x128xf32> to vector<128x128xbf16>
    %dot_general3A_689 = arith.constant dense<0.000000e+00> : vector<80x128xf32>
    %dot_general3A_690 = tpu.matmul %convert_element_type3A_682, %convert_element_type3A_688, %dot_general3A_689 {dimension_numbers = #tpu.dot_dimension_numbers<[1], [1], [0], [0], [0, 0, 1, 0], [], []>, transpose_lhs_hint = false} : vector<80x128xbf16>, vector<128x128xbf16>, vector<80x128xf32> -> vector<80x128xf32>
    %add3A_691 = arith.addf %add3A_676, %dot_general3A_690 : vector<80x128xf32>
    %slice3A_692 = vector.extract_strided_slice %select_n3A {offsets = [43, 0], sizes = [1, 128], strides = [1, 1]} : vector<128x128xi32> to vector<1x128xi32>
    %eq3A_693 = vector.broadcast %slice3A_692 : vector<1x128xi32> to vector<80x128xi32>
    %eq3A_694 = arith.cmpi eq, %iota3A, %eq3A_693 : vector<80x128xi32>
    %convert_element_type3A_695 = arith.extui %eq3A_694 : vector<80x128xi1> to vector<80x128xi32>
    %convert_element_type3A_696 = arith.sitofp %convert_element_type3A_695 : vector<80x128xi32> to vector<80x128xf32>
    %convert_element_type3A_697 = arith.truncf %convert_element_type3A_696 : vector<80x128xf32> to vector<80x128xbf16>
    %slice3A_698 = vector.extract_strided_slice %select_n3A_46 {offsets = [43, 0], sizes = [1, 128], strides = [1, 1]} : vector<128x128xi32> to vector<1x128xi32>
    %eq3A_699 = vector.broadcast %slice3A_698 : vector<1x128xi32> to vector<128x128xi32>
    %eq3A_700 = arith.cmpi eq, %iota3A_47, %eq3A_699 : vector<128x128xi32>
    %convert_element_type3A_701 = arith.extui %eq3A_700 : vector<128x128xi1> to vector<128x128xi32>
    %convert_element_type3A_702 = arith.sitofp %convert_element_type3A_701 : vector<128x128xi32> to vector<128x128xf32>
    %convert_element_type3A_703 = arith.truncf %convert_element_type3A_702 : vector<128x128xf32> to vector<128x128xbf16>
    %dot_general3A_704 = arith.constant dense<0.000000e+00> : vector<80x128xf32>
    %dot_general3A_705 = tpu.matmul %convert_element_type3A_697, %convert_element_type3A_703, %dot_general3A_704 {dimension_numbers = #tpu.dot_dimension_numbers<[1], [1], [0], [0], [0, 0, 1, 0], [], []>, transpose_lhs_hint = false} : vector<80x128xbf16>, vector<128x128xbf16>, vector<80x128xf32> -> vector<80x128xf32>
    %add3A_706 = arith.addf %add3A_691, %dot_general3A_705 : vector<80x128xf32>
    %slice3A_707 = vector.extract_strided_slice %select_n3A {offsets = [44, 0], sizes = [1, 128], strides = [1, 1]} : vector<128x128xi32> to vector<1x128xi32>
    %eq3A_708 = vector.broadcast %slice3A_707 : vector<1x128xi32> to vector<80x128xi32>
    %eq3A_709 = arith.cmpi eq, %iota3A, %eq3A_708 : vector<80x128xi32>
    %convert_element_type3A_710 = arith.extui %eq3A_709 : vector<80x128xi1> to vector<80x128xi32>
    %convert_element_type3A_711 = arith.sitofp %convert_element_type3A_710 : vector<80x128xi32> to vector<80x128xf32>
    %convert_element_type3A_712 = arith.truncf %convert_element_type3A_711 : vector<80x128xf32> to vector<80x128xbf16>
    %slice3A_713 = vector.extract_strided_slice %select_n3A_46 {offsets = [44, 0], sizes = [1, 128], strides = [1, 1]} : vector<128x128xi32> to vector<1x128xi32>
    %eq3A_714 = vector.broadcast %slice3A_713 : vector<1x128xi32> to vector<128x128xi32>
    %eq3A_715 = arith.cmpi eq, %iota3A_47, %eq3A_714 : vector<128x128xi32>
    %convert_element_type3A_716 = arith.extui %eq3A_715 : vector<128x128xi1> to vector<128x128xi32>
    %convert_element_type3A_717 = arith.sitofp %convert_element_type3A_716 : vector<128x128xi32> to vector<128x128xf32>
    %convert_element_type3A_718 = arith.truncf %convert_element_type3A_717 : vector<128x128xf32> to vector<128x128xbf16>
    %dot_general3A_719 = arith.constant dense<0.000000e+00> : vector<80x128xf32>
    %dot_general3A_720 = tpu.matmul %convert_element_type3A_712, %convert_element_type3A_718, %dot_general3A_719 {dimension_numbers = #tpu.dot_dimension_numbers<[1], [1], [0], [0], [0, 0, 1, 0], [], []>, transpose_lhs_hint = false} : vector<80x128xbf16>, vector<128x128xbf16>, vector<80x128xf32> -> vector<80x128xf32>
    %add3A_721 = arith.addf %add3A_706, %dot_general3A_720 : vector<80x128xf32>
    %slice3A_722 = vector.extract_strided_slice %select_n3A {offsets = [45, 0], sizes = [1, 128], strides = [1, 1]} : vector<128x128xi32> to vector<1x128xi32>
    %eq3A_723 = vector.broadcast %slice3A_722 : vector<1x128xi32> to vector<80x128xi32>
    %eq3A_724 = arith.cmpi eq, %iota3A, %eq3A_723 : vector<80x128xi32>
    %convert_element_type3A_725 = arith.extui %eq3A_724 : vector<80x128xi1> to vector<80x128xi32>
    %convert_element_type3A_726 = arith.sitofp %convert_element_type3A_725 : vector<80x128xi32> to vector<80x128xf32>
    %convert_element_type3A_727 = arith.truncf %convert_element_type3A_726 : vector<80x128xf32> to vector<80x128xbf16>
    %slice3A_728 = vector.extract_strided_slice %select_n3A_46 {offsets = [45, 0], sizes = [1, 128], strides = [1, 1]} : vector<128x128xi32> to vector<1x128xi32>
    %eq3A_729 = vector.broadcast %slice3A_728 : vector<1x128xi32> to vector<128x128xi32>
    %eq3A_730 = arith.cmpi eq, %iota3A_47, %eq3A_729 : vector<128x128xi32>
    %convert_element_type3A_731 = arith.extui %eq3A_730 : vector<128x128xi1> to vector<128x128xi32>
    %convert_element_type3A_732 = arith.sitofp %convert_element_type3A_731 : vector<128x128xi32> to vector<128x128xf32>
    %convert_element_type3A_733 = arith.truncf %convert_element_type3A_732 : vector<128x128xf32> to vector<128x128xbf16>
    %dot_general3A_734 = arith.constant dense<0.000000e+00> : vector<80x128xf32>
    %dot_general3A_735 = tpu.matmul %convert_element_type3A_727, %convert_element_type3A_733, %dot_general3A_734 {dimension_numbers = #tpu.dot_dimension_numbers<[1], [1], [0], [0], [0, 0, 1, 0], [], []>, transpose_lhs_hint = false} : vector<80x128xbf16>, vector<128x128xbf16>, vector<80x128xf32> -> vector<80x128xf32>
    %add3A_736 = arith.addf %add3A_721, %dot_general3A_735 : vector<80x128xf32>
    %slice3A_737 = vector.extract_strided_slice %select_n3A {offsets = [46, 0], sizes = [1, 128], strides = [1, 1]} : vector<128x128xi32> to vector<1x128xi32>
    %eq3A_738 = vector.broadcast %slice3A_737 : vector<1x128xi32> to vector<80x128xi32>
    %eq3A_739 = arith.cmpi eq, %iota3A, %eq3A_738 : vector<80x128xi32>
    %convert_element_type3A_740 = arith.extui %eq3A_739 : vector<80x128xi1> to vector<80x128xi32>
    %convert_element_type3A_741 = arith.sitofp %convert_element_type3A_740 : vector<80x128xi32> to vector<80x128xf32>
    %convert_element_type3A_742 = arith.truncf %convert_element_type3A_741 : vector<80x128xf32> to vector<80x128xbf16>
    %slice3A_743 = vector.extract_strided_slice %select_n3A_46 {offsets = [46, 0], sizes = [1, 128], strides = [1, 1]} : vector<128x128xi32> to vector<1x128xi32>
    %eq3A_744 = vector.broadcast %slice3A_743 : vector<1x128xi32> to vector<128x128xi32>
    %eq3A_745 = arith.cmpi eq, %iota3A_47, %eq3A_744 : vector<128x128xi32>
    %convert_element_type3A_746 = arith.extui %eq3A_745 : vector<128x128xi1> to vector<128x128xi32>
    %convert_element_type3A_747 = arith.sitofp %convert_element_type3A_746 : vector<128x128xi32> to vector<128x128xf32>
    %convert_element_type3A_748 = arith.truncf %convert_element_type3A_747 : vector<128x128xf32> to vector<128x128xbf16>
    %dot_general3A_749 = arith.constant dense<0.000000e+00> : vector<80x128xf32>
    %dot_general3A_750 = tpu.matmul %convert_element_type3A_742, %convert_element_type3A_748, %dot_general3A_749 {dimension_numbers = #tpu.dot_dimension_numbers<[1], [1], [0], [0], [0, 0, 1, 0], [], []>, transpose_lhs_hint = false} : vector<80x128xbf16>, vector<128x128xbf16>, vector<80x128xf32> -> vector<80x128xf32>
    %add3A_751 = arith.addf %add3A_736, %dot_general3A_750 : vector<80x128xf32>
    %slice3A_752 = vector.extract_strided_slice %select_n3A {offsets = [47, 0], sizes = [1, 128], strides = [1, 1]} : vector<128x128xi32> to vector<1x128xi32>
    %eq3A_753 = vector.broadcast %slice3A_752 : vector<1x128xi32> to vector<80x128xi32>
    %eq3A_754 = arith.cmpi eq, %iota3A, %eq3A_753 : vector<80x128xi32>
    %convert_element_type3A_755 = arith.extui %eq3A_754 : vector<80x128xi1> to vector<80x128xi32>
    %convert_element_type3A_756 = arith.sitofp %convert_element_type3A_755 : vector<80x128xi32> to vector<80x128xf32>
    %convert_element_type3A_757 = arith.truncf %convert_element_type3A_756 : vector<80x128xf32> to vector<80x128xbf16>
    %slice3A_758 = vector.extract_strided_slice %select_n3A_46 {offsets = [47, 0], sizes = [1, 128], strides = [1, 1]} : vector<128x128xi32> to vector<1x128xi32>
    %eq3A_759 = vector.broadcast %slice3A_758 : vector<1x128xi32> to vector<128x128xi32>
    %eq3A_760 = arith.cmpi eq, %iota3A_47, %eq3A_759 : vector<128x128xi32>
    %convert_element_type3A_761 = arith.extui %eq3A_760 : vector<128x128xi1> to vector<128x128xi32>
    %convert_element_type3A_762 = arith.sitofp %convert_element_type3A_761 : vector<128x128xi32> to vector<128x128xf32>
    %convert_element_type3A_763 = arith.truncf %convert_element_type3A_762 : vector<128x128xf32> to vector<128x128xbf16>
    %dot_general3A_764 = arith.constant dense<0.000000e+00> : vector<80x128xf32>
    %dot_general3A_765 = tpu.matmul %convert_element_type3A_757, %convert_element_type3A_763, %dot_general3A_764 {dimension_numbers = #tpu.dot_dimension_numbers<[1], [1], [0], [0], [0, 0, 1, 0], [], []>, transpose_lhs_hint = false} : vector<80x128xbf16>, vector<128x128xbf16>, vector<80x128xf32> -> vector<80x128xf32>
    %add3A_766 = arith.addf %add3A_751, %dot_general3A_765 : vector<80x128xf32>
    %slice3A_767 = vector.extract_strided_slice %select_n3A {offsets = [48, 0], sizes = [1, 128], strides = [1, 1]} : vector<128x128xi32> to vector<1x128xi32>
    %eq3A_768 = vector.broadcast %slice3A_767 : vector<1x128xi32> to vector<80x128xi32>
    %eq3A_769 = arith.cmpi eq, %iota3A, %eq3A_768 : vector<80x128xi32>
    %convert_element_type3A_770 = arith.extui %eq3A_769 : vector<80x128xi1> to vector<80x128xi32>
    %convert_element_type3A_771 = arith.sitofp %convert_element_type3A_770 : vector<80x128xi32> to vector<80x128xf32>
    %convert_element_type3A_772 = arith.truncf %convert_element_type3A_771 : vector<80x128xf32> to vector<80x128xbf16>
    %slice3A_773 = vector.extract_strided_slice %select_n3A_46 {offsets = [48, 0], sizes = [1, 128], strides = [1, 1]} : vector<128x128xi32> to vector<1x128xi32>
    %eq3A_774 = vector.broadcast %slice3A_773 : vector<1x128xi32> to vector<128x128xi32>
    %eq3A_775 = arith.cmpi eq, %iota3A_47, %eq3A_774 : vector<128x128xi32>
    %convert_element_type3A_776 = arith.extui %eq3A_775 : vector<128x128xi1> to vector<128x128xi32>
    %convert_element_type3A_777 = arith.sitofp %convert_element_type3A_776 : vector<128x128xi32> to vector<128x128xf32>
    %convert_element_type3A_778 = arith.truncf %convert_element_type3A_777 : vector<128x128xf32> to vector<128x128xbf16>
    %dot_general3A_779 = arith.constant dense<0.000000e+00> : vector<80x128xf32>
    %dot_general3A_780 = tpu.matmul %convert_element_type3A_772, %convert_element_type3A_778, %dot_general3A_779 {dimension_numbers = #tpu.dot_dimension_numbers<[1], [1], [0], [0], [0, 0, 1, 0], [], []>, transpose_lhs_hint = false} : vector<80x128xbf16>, vector<128x128xbf16>, vector<80x128xf32> -> vector<80x128xf32>
    %add3A_781 = arith.addf %add3A_766, %dot_general3A_780 : vector<80x128xf32>
    %slice3A_782 = vector.extract_strided_slice %select_n3A {offsets = [49, 0], sizes = [1, 128], strides = [1, 1]} : vector<128x128xi32> to vector<1x128xi32>
    %eq3A_783 = vector.broadcast %slice3A_782 : vector<1x128xi32> to vector<80x128xi32>
    %eq3A_784 = arith.cmpi eq, %iota3A, %eq3A_783 : vector<80x128xi32>
    %convert_element_type3A_785 = arith.extui %eq3A_784 : vector<80x128xi1> to vector<80x128xi32>
    %convert_element_type3A_786 = arith.sitofp %convert_element_type3A_785 : vector<80x128xi32> to vector<80x128xf32>
    %convert_element_type3A_787 = arith.truncf %convert_element_type3A_786 : vector<80x128xf32> to vector<80x128xbf16>
    %slice3A_788 = vector.extract_strided_slice %select_n3A_46 {offsets = [49, 0], sizes = [1, 128], strides = [1, 1]} : vector<128x128xi32> to vector<1x128xi32>
    %eq3A_789 = vector.broadcast %slice3A_788 : vector<1x128xi32> to vector<128x128xi32>
    %eq3A_790 = arith.cmpi eq, %iota3A_47, %eq3A_789 : vector<128x128xi32>
    %convert_element_type3A_791 = arith.extui %eq3A_790 : vector<128x128xi1> to vector<128x128xi32>
    %convert_element_type3A_792 = arith.sitofp %convert_element_type3A_791 : vector<128x128xi32> to vector<128x128xf32>
    %convert_element_type3A_793 = arith.truncf %convert_element_type3A_792 : vector<128x128xf32> to vector<128x128xbf16>
    %dot_general3A_794 = arith.constant dense<0.000000e+00> : vector<80x128xf32>
    %dot_general3A_795 = tpu.matmul %convert_element_type3A_787, %convert_element_type3A_793, %dot_general3A_794 {dimension_numbers = #tpu.dot_dimension_numbers<[1], [1], [0], [0], [0, 0, 1, 0], [], []>, transpose_lhs_hint = false} : vector<80x128xbf16>, vector<128x128xbf16>, vector<80x128xf32> -> vector<80x128xf32>
    %add3A_796 = arith.addf %add3A_781, %dot_general3A_795 : vector<80x128xf32>
    %slice3A_797 = vector.extract_strided_slice %select_n3A {offsets = [50, 0], sizes = [1, 128], strides = [1, 1]} : vector<128x128xi32> to vector<1x128xi32>
    %eq3A_798 = vector.broadcast %slice3A_797 : vector<1x128xi32> to vector<80x128xi32>
    %eq3A_799 = arith.cmpi eq, %iota3A, %eq3A_798 : vector<80x128xi32>
    %convert_element_type3A_800 = arith.extui %eq3A_799 : vector<80x128xi1> to vector<80x128xi32>
    %convert_element_type3A_801 = arith.sitofp %convert_element_type3A_800 : vector<80x128xi32> to vector<80x128xf32>
    %convert_element_type3A_802 = arith.truncf %convert_element_type3A_801 : vector<80x128xf32> to vector<80x128xbf16>
    %slice3A_803 = vector.extract_strided_slice %select_n3A_46 {offsets = [50, 0], sizes = [1, 128], strides = [1, 1]} : vector<128x128xi32> to vector<1x128xi32>
    %eq3A_804 = vector.broadcast %slice3A_803 : vector<1x128xi32> to vector<128x128xi32>
    %eq3A_805 = arith.cmpi eq, %iota3A_47, %eq3A_804 : vector<128x128xi32>
    %convert_element_type3A_806 = arith.extui %eq3A_805 : vector<128x128xi1> to vector<128x128xi32>
    %convert_element_type3A_807 = arith.sitofp %convert_element_type3A_806 : vector<128x128xi32> to vector<128x128xf32>
    %convert_element_type3A_808 = arith.truncf %convert_element_type3A_807 : vector<128x128xf32> to vector<128x128xbf16>
    %dot_general3A_809 = arith.constant dense<0.000000e+00> : vector<80x128xf32>
    %dot_general3A_810 = tpu.matmul %convert_element_type3A_802, %convert_element_type3A_808, %dot_general3A_809 {dimension_numbers = #tpu.dot_dimension_numbers<[1], [1], [0], [0], [0, 0, 1, 0], [], []>, transpose_lhs_hint = false} : vector<80x128xbf16>, vector<128x128xbf16>, vector<80x128xf32> -> vector<80x128xf32>
    %add3A_811 = arith.addf %add3A_796, %dot_general3A_810 : vector<80x128xf32>
    %slice3A_812 = vector.extract_strided_slice %select_n3A {offsets = [51, 0], sizes = [1, 128], strides = [1, 1]} : vector<128x128xi32> to vector<1x128xi32>
    %eq3A_813 = vector.broadcast %slice3A_812 : vector<1x128xi32> to vector<80x128xi32>
    %eq3A_814 = arith.cmpi eq, %iota3A, %eq3A_813 : vector<80x128xi32>
    %convert_element_type3A_815 = arith.extui %eq3A_814 : vector<80x128xi1> to vector<80x128xi32>
    %convert_element_type3A_816 = arith.sitofp %convert_element_type3A_815 : vector<80x128xi32> to vector<80x128xf32>
    %convert_element_type3A_817 = arith.truncf %convert_element_type3A_816 : vector<80x128xf32> to vector<80x128xbf16>
    %slice3A_818 = vector.extract_strided_slice %select_n3A_46 {offsets = [51, 0], sizes = [1, 128], strides = [1, 1]} : vector<128x128xi32> to vector<1x128xi32>
    %eq3A_819 = vector.broadcast %slice3A_818 : vector<1x128xi32> to vector<128x128xi32>
    %eq3A_820 = arith.cmpi eq, %iota3A_47, %eq3A_819 : vector<128x128xi32>
    %convert_element_type3A_821 = arith.extui %eq3A_820 : vector<128x128xi1> to vector<128x128xi32>
    %convert_element_type3A_822 = arith.sitofp %convert_element_type3A_821 : vector<128x128xi32> to vector<128x128xf32>
    %convert_element_type3A_823 = arith.truncf %convert_element_type3A_822 : vector<128x128xf32> to vector<128x128xbf16>
    %dot_general3A_824 = arith.constant dense<0.000000e+00> : vector<80x128xf32>
    %dot_general3A_825 = tpu.matmul %convert_element_type3A_817, %convert_element_type3A_823, %dot_general3A_824 {dimension_numbers = #tpu.dot_dimension_numbers<[1], [1], [0], [0], [0, 0, 1, 0], [], []>, transpose_lhs_hint = false} : vector<80x128xbf16>, vector<128x128xbf16>, vector<80x128xf32> -> vector<80x128xf32>
    %add3A_826 = arith.addf %add3A_811, %dot_general3A_825 : vector<80x128xf32>
    %slice3A_827 = vector.extract_strided_slice %select_n3A {offsets = [52, 0], sizes = [1, 128], strides = [1, 1]} : vector<128x128xi32> to vector<1x128xi32>
    %eq3A_828 = vector.broadcast %slice3A_827 : vector<1x128xi32> to vector<80x128xi32>
    %eq3A_829 = arith.cmpi eq, %iota3A, %eq3A_828 : vector<80x128xi32>
    %convert_element_type3A_830 = arith.extui %eq3A_829 : vector<80x128xi1> to vector<80x128xi32>
    %convert_element_type3A_831 = arith.sitofp %convert_element_type3A_830 : vector<80x128xi32> to vector<80x128xf32>
    %convert_element_type3A_832 = arith.truncf %convert_element_type3A_831 : vector<80x128xf32> to vector<80x128xbf16>
    %slice3A_833 = vector.extract_strided_slice %select_n3A_46 {offsets = [52, 0], sizes = [1, 128], strides = [1, 1]} : vector<128x128xi32> to vector<1x128xi32>
    %eq3A_834 = vector.broadcast %slice3A_833 : vector<1x128xi32> to vector<128x128xi32>
    %eq3A_835 = arith.cmpi eq, %iota3A_47, %eq3A_834 : vector<128x128xi32>
    %convert_element_type3A_836 = arith.extui %eq3A_835 : vector<128x128xi1> to vector<128x128xi32>
    %convert_element_type3A_837 = arith.sitofp %convert_element_type3A_836 : vector<128x128xi32> to vector<128x128xf32>
    %convert_element_type3A_838 = arith.truncf %convert_element_type3A_837 : vector<128x128xf32> to vector<128x128xbf16>
    %dot_general3A_839 = arith.constant dense<0.000000e+00> : vector<80x128xf32>
    %dot_general3A_840 = tpu.matmul %convert_element_type3A_832, %convert_element_type3A_838, %dot_general3A_839 {dimension_numbers = #tpu.dot_dimension_numbers<[1], [1], [0], [0], [0, 0, 1, 0], [], []>, transpose_lhs_hint = false} : vector<80x128xbf16>, vector<128x128xbf16>, vector<80x128xf32> -> vector<80x128xf32>
    %add3A_841 = arith.addf %add3A_826, %dot_general3A_840 : vector<80x128xf32>
    %slice3A_842 = vector.extract_strided_slice %select_n3A {offsets = [53, 0], sizes = [1, 128], strides = [1, 1]} : vector<128x128xi32> to vector<1x128xi32>
    %eq3A_843 = vector.broadcast %slice3A_842 : vector<1x128xi32> to vector<80x128xi32>
    %eq3A_844 = arith.cmpi eq, %iota3A, %eq3A_843 : vector<80x128xi32>
    %convert_element_type3A_845 = arith.extui %eq3A_844 : vector<80x128xi1> to vector<80x128xi32>
    %convert_element_type3A_846 = arith.sitofp %convert_element_type3A_845 : vector<80x128xi32> to vector<80x128xf32>
    %convert_element_type3A_847 = arith.truncf %convert_element_type3A_846 : vector<80x128xf32> to vector<80x128xbf16>
    %slice3A_848 = vector.extract_strided_slice %select_n3A_46 {offsets = [53, 0], sizes = [1, 128], strides = [1, 1]} : vector<128x128xi32> to vector<1x128xi32>
    %eq3A_849 = vector.broadcast %slice3A_848 : vector<1x128xi32> to vector<128x128xi32>
    %eq3A_850 = arith.cmpi eq, %iota3A_47, %eq3A_849 : vector<128x128xi32>
    %convert_element_type3A_851 = arith.extui %eq3A_850 : vector<128x128xi1> to vector<128x128xi32>
    %convert_element_type3A_852 = arith.sitofp %convert_element_type3A_851 : vector<128x128xi32> to vector<128x128xf32>
    %convert_element_type3A_853 = arith.truncf %convert_element_type3A_852 : vector<128x128xf32> to vector<128x128xbf16>
    %dot_general3A_854 = arith.constant dense<0.000000e+00> : vector<80x128xf32>
    %dot_general3A_855 = tpu.matmul %convert_element_type3A_847, %convert_element_type3A_853, %dot_general3A_854 {dimension_numbers = #tpu.dot_dimension_numbers<[1], [1], [0], [0], [0, 0, 1, 0], [], []>, transpose_lhs_hint = false} : vector<80x128xbf16>, vector<128x128xbf16>, vector<80x128xf32> -> vector<80x128xf32>
    %add3A_856 = arith.addf %add3A_841, %dot_general3A_855 : vector<80x128xf32>
    %slice3A_857 = vector.extract_strided_slice %select_n3A {offsets = [54, 0], sizes = [1, 128], strides = [1, 1]} : vector<128x128xi32> to vector<1x128xi32>
    %eq3A_858 = vector.broadcast %slice3A_857 : vector<1x128xi32> to vector<80x128xi32>
    %eq3A_859 = arith.cmpi eq, %iota3A, %eq3A_858 : vector<80x128xi32>
    %convert_element_type3A_860 = arith.extui %eq3A_859 : vector<80x128xi1> to vector<80x128xi32>
    %convert_element_type3A_861 = arith.sitofp %convert_element_type3A_860 : vector<80x128xi32> to vector<80x128xf32>
    %convert_element_type3A_862 = arith.truncf %convert_element_type3A_861 : vector<80x128xf32> to vector<80x128xbf16>
    %slice3A_863 = vector.extract_strided_slice %select_n3A_46 {offsets = [54, 0], sizes = [1, 128], strides = [1, 1]} : vector<128x128xi32> to vector<1x128xi32>
    %eq3A_864 = vector.broadcast %slice3A_863 : vector<1x128xi32> to vector<128x128xi32>
    %eq3A_865 = arith.cmpi eq, %iota3A_47, %eq3A_864 : vector<128x128xi32>
    %convert_element_type3A_866 = arith.extui %eq3A_865 : vector<128x128xi1> to vector<128x128xi32>
    %convert_element_type3A_867 = arith.sitofp %convert_element_type3A_866 : vector<128x128xi32> to vector<128x128xf32>
    %convert_element_type3A_868 = arith.truncf %convert_element_type3A_867 : vector<128x128xf32> to vector<128x128xbf16>
    %dot_general3A_869 = arith.constant dense<0.000000e+00> : vector<80x128xf32>
    %dot_general3A_870 = tpu.matmul %convert_element_type3A_862, %convert_element_type3A_868, %dot_general3A_869 {dimension_numbers = #tpu.dot_dimension_numbers<[1], [1], [0], [0], [0, 0, 1, 0], [], []>, transpose_lhs_hint = false} : vector<80x128xbf16>, vector<128x128xbf16>, vector<80x128xf32> -> vector<80x128xf32>
    %add3A_871 = arith.addf %add3A_856, %dot_general3A_870 : vector<80x128xf32>
    %slice3A_872 = vector.extract_strided_slice %select_n3A {offsets = [55, 0], sizes = [1, 128], strides = [1, 1]} : vector<128x128xi32> to vector<1x128xi32>
    %eq3A_873 = vector.broadcast %slice3A_872 : vector<1x128xi32> to vector<80x128xi32>
    %eq3A_874 = arith.cmpi eq, %iota3A, %eq3A_873 : vector<80x128xi32>
    %convert_element_type3A_875 = arith.extui %eq3A_874 : vector<80x128xi1> to vector<80x128xi32>
    %convert_element_type3A_876 = arith.sitofp %convert_element_type3A_875 : vector<80x128xi32> to vector<80x128xf32>
    %convert_element_type3A_877 = arith.truncf %convert_element_type3A_876 : vector<80x128xf32> to vector<80x128xbf16>
    %slice3A_878 = vector.extract_strided_slice %select_n3A_46 {offsets = [55, 0], sizes = [1, 128], strides = [1, 1]} : vector<128x128xi32> to vector<1x128xi32>
    %eq3A_879 = vector.broadcast %slice3A_878 : vector<1x128xi32> to vector<128x128xi32>
    %eq3A_880 = arith.cmpi eq, %iota3A_47, %eq3A_879 : vector<128x128xi32>
    %convert_element_type3A_881 = arith.extui %eq3A_880 : vector<128x128xi1> to vector<128x128xi32>
    %convert_element_type3A_882 = arith.sitofp %convert_element_type3A_881 : vector<128x128xi32> to vector<128x128xf32>
    %convert_element_type3A_883 = arith.truncf %convert_element_type3A_882 : vector<128x128xf32> to vector<128x128xbf16>
    %dot_general3A_884 = arith.constant dense<0.000000e+00> : vector<80x128xf32>
    %dot_general3A_885 = tpu.matmul %convert_element_type3A_877, %convert_element_type3A_883, %dot_general3A_884 {dimension_numbers = #tpu.dot_dimension_numbers<[1], [1], [0], [0], [0, 0, 1, 0], [], []>, transpose_lhs_hint = false} : vector<80x128xbf16>, vector<128x128xbf16>, vector<80x128xf32> -> vector<80x128xf32>
    %add3A_886 = arith.addf %add3A_871, %dot_general3A_885 : vector<80x128xf32>
    %slice3A_887 = vector.extract_strided_slice %select_n3A {offsets = [56, 0], sizes = [1, 128], strides = [1, 1]} : vector<128x128xi32> to vector<1x128xi32>
    %eq3A_888 = vector.broadcast %slice3A_887 : vector<1x128xi32> to vector<80x128xi32>
    %eq3A_889 = arith.cmpi eq, %iota3A, %eq3A_888 : vector<80x128xi32>
    %convert_element_type3A_890 = arith.extui %eq3A_889 : vector<80x128xi1> to vector<80x128xi32>
    %convert_element_type3A_891 = arith.sitofp %convert_element_type3A_890 : vector<80x128xi32> to vector<80x128xf32>
    %convert_element_type3A_892 = arith.truncf %convert_element_type3A_891 : vector<80x128xf32> to vector<80x128xbf16>
    %slice3A_893 = vector.extract_strided_slice %select_n3A_46 {offsets = [56, 0], sizes = [1, 128], strides = [1, 1]} : vector<128x128xi32> to vector<1x128xi32>
    %eq3A_894 = vector.broadcast %slice3A_893 : vector<1x128xi32> to vector<128x128xi32>
    %eq3A_895 = arith.cmpi eq, %iota3A_47, %eq3A_894 : vector<128x128xi32>
    %convert_element_type3A_896 = arith.extui %eq3A_895 : vector<128x128xi1> to vector<128x128xi32>
    %convert_element_type3A_897 = arith.sitofp %convert_element_type3A_896 : vector<128x128xi32> to vector<128x128xf32>
    %convert_element_type3A_898 = arith.truncf %convert_element_type3A_897 : vector<128x128xf32> to vector<128x128xbf16>
    %dot_general3A_899 = arith.constant dense<0.000000e+00> : vector<80x128xf32>
    %dot_general3A_900 = tpu.matmul %convert_element_type3A_892, %convert_element_type3A_898, %dot_general3A_899 {dimension_numbers = #tpu.dot_dimension_numbers<[1], [1], [0], [0], [0, 0, 1, 0], [], []>, transpose_lhs_hint = false} : vector<80x128xbf16>, vector<128x128xbf16>, vector<80x128xf32> -> vector<80x128xf32>
    %add3A_901 = arith.addf %add3A_886, %dot_general3A_900 : vector<80x128xf32>
    %slice3A_902 = vector.extract_strided_slice %select_n3A {offsets = [57, 0], sizes = [1, 128], strides = [1, 1]} : vector<128x128xi32> to vector<1x128xi32>
    %eq3A_903 = vector.broadcast %slice3A_902 : vector<1x128xi32> to vector<80x128xi32>
    %eq3A_904 = arith.cmpi eq, %iota3A, %eq3A_903 : vector<80x128xi32>
    %convert_element_type3A_905 = arith.extui %eq3A_904 : vector<80x128xi1> to vector<80x128xi32>
    %convert_element_type3A_906 = arith.sitofp %convert_element_type3A_905 : vector<80x128xi32> to vector<80x128xf32>
    %convert_element_type3A_907 = arith.truncf %convert_element_type3A_906 : vector<80x128xf32> to vector<80x128xbf16>
    %slice3A_908 = vector.extract_strided_slice %select_n3A_46 {offsets = [57, 0], sizes = [1, 128], strides = [1, 1]} : vector<128x128xi32> to vector<1x128xi32>
    %eq3A_909 = vector.broadcast %slice3A_908 : vector<1x128xi32> to vector<128x128xi32>
    %eq3A_910 = arith.cmpi eq, %iota3A_47, %eq3A_909 : vector<128x128xi32>
    %convert_element_type3A_911 = arith.extui %eq3A_910 : vector<128x128xi1> to vector<128x128xi32>
    %convert_element_type3A_912 = arith.sitofp %convert_element_type3A_911 : vector<128x128xi32> to vector<128x128xf32>
    %convert_element_type3A_913 = arith.truncf %convert_element_type3A_912 : vector<128x128xf32> to vector<128x128xbf16>
    %dot_general3A_914 = arith.constant dense<0.000000e+00> : vector<80x128xf32>
    %dot_general3A_915 = tpu.matmul %convert_element_type3A_907, %convert_element_type3A_913, %dot_general3A_914 {dimension_numbers = #tpu.dot_dimension_numbers<[1], [1], [0], [0], [0, 0, 1, 0], [], []>, transpose_lhs_hint = false} : vector<80x128xbf16>, vector<128x128xbf16>, vector<80x128xf32> -> vector<80x128xf32>
    %add3A_916 = arith.addf %add3A_901, %dot_general3A_915 : vector<80x128xf32>
    %slice3A_917 = vector.extract_strided_slice %select_n3A {offsets = [58, 0], sizes = [1, 128], strides = [1, 1]} : vector<128x128xi32> to vector<1x128xi32>
    %eq3A_918 = vector.broadcast %slice3A_917 : vector<1x128xi32> to vector<80x128xi32>
    %eq3A_919 = arith.cmpi eq, %iota3A, %eq3A_918 : vector<80x128xi32>
    %convert_element_type3A_920 = arith.extui %eq3A_919 : vector<80x128xi1> to vector<80x128xi32>
    %convert_element_type3A_921 = arith.sitofp %convert_element_type3A_920 : vector<80x128xi32> to vector<80x128xf32>
    %convert_element_type3A_922 = arith.truncf %convert_element_type3A_921 : vector<80x128xf32> to vector<80x128xbf16>
    %slice3A_923 = vector.extract_strided_slice %select_n3A_46 {offsets = [58, 0], sizes = [1, 128], strides = [1, 1]} : vector<128x128xi32> to vector<1x128xi32>
    %eq3A_924 = vector.broadcast %slice3A_923 : vector<1x128xi32> to vector<128x128xi32>
    %eq3A_925 = arith.cmpi eq, %iota3A_47, %eq3A_924 : vector<128x128xi32>
    %convert_element_type3A_926 = arith.extui %eq3A_925 : vector<128x128xi1> to vector<128x128xi32>
    %convert_element_type3A_927 = arith.sitofp %convert_element_type3A_926 : vector<128x128xi32> to vector<128x128xf32>
    %convert_element_type3A_928 = arith.truncf %convert_element_type3A_927 : vector<128x128xf32> to vector<128x128xbf16>
    %dot_general3A_929 = arith.constant dense<0.000000e+00> : vector<80x128xf32>
    %dot_general3A_930 = tpu.matmul %convert_element_type3A_922, %convert_element_type3A_928, %dot_general3A_929 {dimension_numbers = #tpu.dot_dimension_numbers<[1], [1], [0], [0], [0, 0, 1, 0], [], []>, transpose_lhs_hint = false} : vector<80x128xbf16>, vector<128x128xbf16>, vector<80x128xf32> -> vector<80x128xf32>
    %add3A_931 = arith.addf %add3A_916, %dot_general3A_930 : vector<80x128xf32>
    %slice3A_932 = vector.extract_strided_slice %select_n3A {offsets = [59, 0], sizes = [1, 128], strides = [1, 1]} : vector<128x128xi32> to vector<1x128xi32>
    %eq3A_933 = vector.broadcast %slice3A_932 : vector<1x128xi32> to vector<80x128xi32>
    %eq3A_934 = arith.cmpi eq, %iota3A, %eq3A_933 : vector<80x128xi32>
    %convert_element_type3A_935 = arith.extui %eq3A_934 : vector<80x128xi1> to vector<80x128xi32>
    %convert_element_type3A_936 = arith.sitofp %convert_element_type3A_935 : vector<80x128xi32> to vector<80x128xf32>
    %convert_element_type3A_937 = arith.truncf %convert_element_type3A_936 : vector<80x128xf32> to vector<80x128xbf16>
    %slice3A_938 = vector.extract_strided_slice %select_n3A_46 {offsets = [59, 0], sizes = [1, 128], strides = [1, 1]} : vector<128x128xi32> to vector<1x128xi32>
    %eq3A_939 = vector.broadcast %slice3A_938 : vector<1x128xi32> to vector<128x128xi32>
    %eq3A_940 = arith.cmpi eq, %iota3A_47, %eq3A_939 : vector<128x128xi32>
    %convert_element_type3A_941 = arith.extui %eq3A_940 : vector<128x128xi1> to vector<128x128xi32>
    %convert_element_type3A_942 = arith.sitofp %convert_element_type3A_941 : vector<128x128xi32> to vector<128x128xf32>
    %convert_element_type3A_943 = arith.truncf %convert_element_type3A_942 : vector<128x128xf32> to vector<128x128xbf16>
    %dot_general3A_944 = arith.constant dense<0.000000e+00> : vector<80x128xf32>
    %dot_general3A_945 = tpu.matmul %convert_element_type3A_937, %convert_element_type3A_943, %dot_general3A_944 {dimension_numbers = #tpu.dot_dimension_numbers<[1], [1], [0], [0], [0, 0, 1, 0], [], []>, transpose_lhs_hint = false} : vector<80x128xbf16>, vector<128x128xbf16>, vector<80x128xf32> -> vector<80x128xf32>
    %add3A_946 = arith.addf %add3A_931, %dot_general3A_945 : vector<80x128xf32>
    %slice3A_947 = vector.extract_strided_slice %select_n3A {offsets = [60, 0], sizes = [1, 128], strides = [1, 1]} : vector<128x128xi32> to vector<1x128xi32>
    %eq3A_948 = vector.broadcast %slice3A_947 : vector<1x128xi32> to vector<80x128xi32>
    %eq3A_949 = arith.cmpi eq, %iota3A, %eq3A_948 : vector<80x128xi32>
    %convert_element_type3A_950 = arith.extui %eq3A_949 : vector<80x128xi1> to vector<80x128xi32>
    %convert_element_type3A_951 = arith.sitofp %convert_element_type3A_950 : vector<80x128xi32> to vector<80x128xf32>
    %convert_element_type3A_952 = arith.truncf %convert_element_type3A_951 : vector<80x128xf32> to vector<80x128xbf16>
    %slice3A_953 = vector.extract_strided_slice %select_n3A_46 {offsets = [60, 0], sizes = [1, 128], strides = [1, 1]} : vector<128x128xi32> to vector<1x128xi32>
    %eq3A_954 = vector.broadcast %slice3A_953 : vector<1x128xi32> to vector<128x128xi32>
    %eq3A_955 = arith.cmpi eq, %iota3A_47, %eq3A_954 : vector<128x128xi32>
    %convert_element_type3A_956 = arith.extui %eq3A_955 : vector<128x128xi1> to vector<128x128xi32>
    %convert_element_type3A_957 = arith.sitofp %convert_element_type3A_956 : vector<128x128xi32> to vector<128x128xf32>
    %convert_element_type3A_958 = arith.truncf %convert_element_type3A_957 : vector<128x128xf32> to vector<128x128xbf16>
    %dot_general3A_959 = arith.constant dense<0.000000e+00> : vector<80x128xf32>
    %dot_general3A_960 = tpu.matmul %convert_element_type3A_952, %convert_element_type3A_958, %dot_general3A_959 {dimension_numbers = #tpu.dot_dimension_numbers<[1], [1], [0], [0], [0, 0, 1, 0], [], []>, transpose_lhs_hint = false} : vector<80x128xbf16>, vector<128x128xbf16>, vector<80x128xf32> -> vector<80x128xf32>
    %add3A_961 = arith.addf %add3A_946, %dot_general3A_960 : vector<80x128xf32>
    %slice3A_962 = vector.extract_strided_slice %select_n3A {offsets = [61, 0], sizes = [1, 128], strides = [1, 1]} : vector<128x128xi32> to vector<1x128xi32>
    %eq3A_963 = vector.broadcast %slice3A_962 : vector<1x128xi32> to vector<80x128xi32>
    %eq3A_964 = arith.cmpi eq, %iota3A, %eq3A_963 : vector<80x128xi32>
    %convert_element_type3A_965 = arith.extui %eq3A_964 : vector<80x128xi1> to vector<80x128xi32>
    %convert_element_type3A_966 = arith.sitofp %convert_element_type3A_965 : vector<80x128xi32> to vector<80x128xf32>
    %convert_element_type3A_967 = arith.truncf %convert_element_type3A_966 : vector<80x128xf32> to vector<80x128xbf16>
    %slice3A_968 = vector.extract_strided_slice %select_n3A_46 {offsets = [61, 0], sizes = [1, 128], strides = [1, 1]} : vector<128x128xi32> to vector<1x128xi32>
    %eq3A_969 = vector.broadcast %slice3A_968 : vector<1x128xi32> to vector<128x128xi32>
    %eq3A_970 = arith.cmpi eq, %iota3A_47, %eq3A_969 : vector<128x128xi32>
    %convert_element_type3A_971 = arith.extui %eq3A_970 : vector<128x128xi1> to vector<128x128xi32>
    %convert_element_type3A_972 = arith.sitofp %convert_element_type3A_971 : vector<128x128xi32> to vector<128x128xf32>
    %convert_element_type3A_973 = arith.truncf %convert_element_type3A_972 : vector<128x128xf32> to vector<128x128xbf16>
    %dot_general3A_974 = arith.constant dense<0.000000e+00> : vector<80x128xf32>
    %dot_general3A_975 = tpu.matmul %convert_element_type3A_967, %convert_element_type3A_973, %dot_general3A_974 {dimension_numbers = #tpu.dot_dimension_numbers<[1], [1], [0], [0], [0, 0, 1, 0], [], []>, transpose_lhs_hint = false} : vector<80x128xbf16>, vector<128x128xbf16>, vector<80x128xf32> -> vector<80x128xf32>
    %add3A_976 = arith.addf %add3A_961, %dot_general3A_975 : vector<80x128xf32>
    %slice3A_977 = vector.extract_strided_slice %select_n3A {offsets = [62, 0], sizes = [1, 128], strides = [1, 1]} : vector<128x128xi32> to vector<1x128xi32>
    %eq3A_978 = vector.broadcast %slice3A_977 : vector<1x128xi32> to vector<80x128xi32>
    %eq3A_979 = arith.cmpi eq, %iota3A, %eq3A_978 : vector<80x128xi32>
    %convert_element_type3A_980 = arith.extui %eq3A_979 : vector<80x128xi1> to vector<80x128xi32>
    %convert_element_type3A_981 = arith.sitofp %convert_element_type3A_980 : vector<80x128xi32> to vector<80x128xf32>
    %convert_element_type3A_982 = arith.truncf %convert_element_type3A_981 : vector<80x128xf32> to vector<80x128xbf16>
    %slice3A_983 = vector.extract_strided_slice %select_n3A_46 {offsets = [62, 0], sizes = [1, 128], strides = [1, 1]} : vector<128x128xi32> to vector<1x128xi32>
    %eq3A_984 = vector.broadcast %slice3A_983 : vector<1x128xi32> to vector<128x128xi32>
    %eq3A_985 = arith.cmpi eq, %iota3A_47, %eq3A_984 : vector<128x128xi32>
    %convert_element_type3A_986 = arith.extui %eq3A_985 : vector<128x128xi1> to vector<128x128xi32>
    %convert_element_type3A_987 = arith.sitofp %convert_element_type3A_986 : vector<128x128xi32> to vector<128x128xf32>
    %convert_element_type3A_988 = arith.truncf %convert_element_type3A_987 : vector<128x128xf32> to vector<128x128xbf16>
    %dot_general3A_989 = arith.constant dense<0.000000e+00> : vector<80x128xf32>
    %dot_general3A_990 = tpu.matmul %convert_element_type3A_982, %convert_element_type3A_988, %dot_general3A_989 {dimension_numbers = #tpu.dot_dimension_numbers<[1], [1], [0], [0], [0, 0, 1, 0], [], []>, transpose_lhs_hint = false} : vector<80x128xbf16>, vector<128x128xbf16>, vector<80x128xf32> -> vector<80x128xf32>
    %add3A_991 = arith.addf %add3A_976, %dot_general3A_990 : vector<80x128xf32>
    %slice3A_992 = vector.extract_strided_slice %select_n3A {offsets = [63, 0], sizes = [1, 128], strides = [1, 1]} : vector<128x128xi32> to vector<1x128xi32>
    %eq3A_993 = vector.broadcast %slice3A_992 : vector<1x128xi32> to vector<80x128xi32>
    %eq3A_994 = arith.cmpi eq, %iota3A, %eq3A_993 : vector<80x128xi32>
    %convert_element_type3A_995 = arith.extui %eq3A_994 : vector<80x128xi1> to vector<80x128xi32>
    %convert_element_type3A_996 = arith.sitofp %convert_element_type3A_995 : vector<80x128xi32> to vector<80x128xf32>
    %convert_element_type3A_997 = arith.truncf %convert_element_type3A_996 : vector<80x128xf32> to vector<80x128xbf16>
    %slice3A_998 = vector.extract_strided_slice %select_n3A_46 {offsets = [63, 0], sizes = [1, 128], strides = [1, 1]} : vector<128x128xi32> to vector<1x128xi32>
    %eq3A_999 = vector.broadcast %slice3A_998 : vector<1x128xi32> to vector<128x128xi32>
    %eq3A_1000 = arith.cmpi eq, %iota3A_47, %eq3A_999 : vector<128x128xi32>
    %convert_element_type3A_1001 = arith.extui %eq3A_1000 : vector<128x128xi1> to vector<128x128xi32>
    %convert_element_type3A_1002 = arith.sitofp %convert_element_type3A_1001 : vector<128x128xi32> to vector<128x128xf32>
    %convert_element_type3A_1003 = arith.truncf %convert_element_type3A_1002 : vector<128x128xf32> to vector<128x128xbf16>
    %dot_general3A_1004 = arith.constant dense<0.000000e+00> : vector<80x128xf32>
    %dot_general3A_1005 = tpu.matmul %convert_element_type3A_997, %convert_element_type3A_1003, %dot_general3A_1004 {dimension_numbers = #tpu.dot_dimension_numbers<[1], [1], [0], [0], [0, 0, 1, 0], [], []>, transpose_lhs_hint = false} : vector<80x128xbf16>, vector<128x128xbf16>, vector<80x128xf32> -> vector<80x128xf32>
    %add3A_1006 = arith.addf %add3A_991, %dot_general3A_1005 : vector<80x128xf32>
    %slice3A_1007 = vector.extract_strided_slice %select_n3A {offsets = [64, 0], sizes = [1, 128], strides = [1, 1]} : vector<128x128xi32> to vector<1x128xi32>
    %eq3A_1008 = vector.broadcast %slice3A_1007 : vector<1x128xi32> to vector<80x128xi32>
    %eq3A_1009 = arith.cmpi eq, %iota3A, %eq3A_1008 : vector<80x128xi32>
    %convert_element_type3A_1010 = arith.extui %eq3A_1009 : vector<80x128xi1> to vector<80x128xi32>
    %convert_element_type3A_1011 = arith.sitofp %convert_element_type3A_1010 : vector<80x128xi32> to vector<80x128xf32>
    %convert_element_type3A_1012 = arith.truncf %convert_element_type3A_1011 : vector<80x128xf32> to vector<80x128xbf16>
    %slice3A_1013 = vector.extract_strided_slice %select_n3A_46 {offsets = [64, 0], sizes = [1, 128], strides = [1, 1]} : vector<128x128xi32> to vector<1x128xi32>
    %eq3A_1014 = vector.broadcast %slice3A_1013 : vector<1x128xi32> to vector<128x128xi32>
    %eq3A_1015 = arith.cmpi eq, %iota3A_47, %eq3A_1014 : vector<128x128xi32>
    %convert_element_type3A_1016 = arith.extui %eq3A_1015 : vector<128x128xi1> to vector<128x128xi32>
    %convert_element_type3A_1017 = arith.sitofp %convert_element_type3A_1016 : vector<128x128xi32> to vector<128x128xf32>
    %convert_element_type3A_1018 = arith.truncf %convert_element_type3A_1017 : vector<128x128xf32> to vector<128x128xbf16>
    %dot_general3A_1019 = arith.constant dense<0.000000e+00> : vector<80x128xf32>
    %dot_general3A_1020 = tpu.matmul %convert_element_type3A_1012, %convert_element_type3A_1018, %dot_general3A_1019 {dimension_numbers = #tpu.dot_dimension_numbers<[1], [1], [0], [0], [0, 0, 1, 0], [], []>, transpose_lhs_hint = false} : vector<80x128xbf16>, vector<128x128xbf16>, vector<80x128xf32> -> vector<80x128xf32>
    %add3A_1021 = arith.addf %add3A_1006, %dot_general3A_1020 : vector<80x128xf32>
    %slice3A_1022 = vector.extract_strided_slice %select_n3A {offsets = [65, 0], sizes = [1, 128], strides = [1, 1]} : vector<128x128xi32> to vector<1x128xi32>
    %eq3A_1023 = vector.broadcast %slice3A_1022 : vector<1x128xi32> to vector<80x128xi32>
    %eq3A_1024 = arith.cmpi eq, %iota3A, %eq3A_1023 : vector<80x128xi32>
    %convert_element_type3A_1025 = arith.extui %eq3A_1024 : vector<80x128xi1> to vector<80x128xi32>
    %convert_element_type3A_1026 = arith.sitofp %convert_element_type3A_1025 : vector<80x128xi32> to vector<80x128xf32>
    %convert_element_type3A_1027 = arith.truncf %convert_element_type3A_1026 : vector<80x128xf32> to vector<80x128xbf16>
    %slice3A_1028 = vector.extract_strided_slice %select_n3A_46 {offsets = [65, 0], sizes = [1, 128], strides = [1, 1]} : vector<128x128xi32> to vector<1x128xi32>
    %eq3A_1029 = vector.broadcast %slice3A_1028 : vector<1x128xi32> to vector<128x128xi32>
    %eq3A_1030 = arith.cmpi eq, %iota3A_47, %eq3A_1029 : vector<128x128xi32>
    %convert_element_type3A_1031 = arith.extui %eq3A_1030 : vector<128x128xi1> to vector<128x128xi32>
    %convert_element_type3A_1032 = arith.sitofp %convert_element_type3A_1031 : vector<128x128xi32> to vector<128x128xf32>
    %convert_element_type3A_1033 = arith.truncf %convert_element_type3A_1032 : vector<128x128xf32> to vector<128x128xbf16>
    %dot_general3A_1034 = arith.constant dense<0.000000e+00> : vector<80x128xf32>
    %dot_general3A_1035 = tpu.matmul %convert_element_type3A_1027, %convert_element_type3A_1033, %dot_general3A_1034 {dimension_numbers = #tpu.dot_dimension_numbers<[1], [1], [0], [0], [0, 0, 1, 0], [], []>, transpose_lhs_hint = false} : vector<80x128xbf16>, vector<128x128xbf16>, vector<80x128xf32> -> vector<80x128xf32>
    %add3A_1036 = arith.addf %add3A_1021, %dot_general3A_1035 : vector<80x128xf32>
    %slice3A_1037 = vector.extract_strided_slice %select_n3A {offsets = [66, 0], sizes = [1, 128], strides = [1, 1]} : vector<128x128xi32> to vector<1x128xi32>
    %eq3A_1038 = vector.broadcast %slice3A_1037 : vector<1x128xi32> to vector<80x128xi32>
    %eq3A_1039 = arith.cmpi eq, %iota3A, %eq3A_1038 : vector<80x128xi32>
    %convert_element_type3A_1040 = arith.extui %eq3A_1039 : vector<80x128xi1> to vector<80x128xi32>
    %convert_element_type3A_1041 = arith.sitofp %convert_element_type3A_1040 : vector<80x128xi32> to vector<80x128xf32>
    %convert_element_type3A_1042 = arith.truncf %convert_element_type3A_1041 : vector<80x128xf32> to vector<80x128xbf16>
    %slice3A_1043 = vector.extract_strided_slice %select_n3A_46 {offsets = [66, 0], sizes = [1, 128], strides = [1, 1]} : vector<128x128xi32> to vector<1x128xi32>
    %eq3A_1044 = vector.broadcast %slice3A_1043 : vector<1x128xi32> to vector<128x128xi32>
    %eq3A_1045 = arith.cmpi eq, %iota3A_47, %eq3A_1044 : vector<128x128xi32>
    %convert_element_type3A_1046 = arith.extui %eq3A_1045 : vector<128x128xi1> to vector<128x128xi32>
    %convert_element_type3A_1047 = arith.sitofp %convert_element_type3A_1046 : vector<128x128xi32> to vector<128x128xf32>
    %convert_element_type3A_1048 = arith.truncf %convert_element_type3A_1047 : vector<128x128xf32> to vector<128x128xbf16>
    %dot_general3A_1049 = arith.constant dense<0.000000e+00> : vector<80x128xf32>
    %dot_general3A_1050 = tpu.matmul %convert_element_type3A_1042, %convert_element_type3A_1048, %dot_general3A_1049 {dimension_numbers = #tpu.dot_dimension_numbers<[1], [1], [0], [0], [0, 0, 1, 0], [], []>, transpose_lhs_hint = false} : vector<80x128xbf16>, vector<128x128xbf16>, vector<80x128xf32> -> vector<80x128xf32>
    %add3A_1051 = arith.addf %add3A_1036, %dot_general3A_1050 : vector<80x128xf32>
    %slice3A_1052 = vector.extract_strided_slice %select_n3A {offsets = [67, 0], sizes = [1, 128], strides = [1, 1]} : vector<128x128xi32> to vector<1x128xi32>
    %eq3A_1053 = vector.broadcast %slice3A_1052 : vector<1x128xi32> to vector<80x128xi32>
    %eq3A_1054 = arith.cmpi eq, %iota3A, %eq3A_1053 : vector<80x128xi32>
    %convert_element_type3A_1055 = arith.extui %eq3A_1054 : vector<80x128xi1> to vector<80x128xi32>
    %convert_element_type3A_1056 = arith.sitofp %convert_element_type3A_1055 : vector<80x128xi32> to vector<80x128xf32>
    %convert_element_type3A_1057 = arith.truncf %convert_element_type3A_1056 : vector<80x128xf32> to vector<80x128xbf16>
    %slice3A_1058 = vector.extract_strided_slice %select_n3A_46 {offsets = [67, 0], sizes = [1, 128], strides = [1, 1]} : vector<128x128xi32> to vector<1x128xi32>
    %eq3A_1059 = vector.broadcast %slice3A_1058 : vector<1x128xi32> to vector<128x128xi32>
    %eq3A_1060 = arith.cmpi eq, %iota3A_47, %eq3A_1059 : vector<128x128xi32>
    %convert_element_type3A_1061 = arith.extui %eq3A_1060 : vector<128x128xi1> to vector<128x128xi32>
    %convert_element_type3A_1062 = arith.sitofp %convert_element_type3A_1061 : vector<128x128xi32> to vector<128x128xf32>
    %convert_element_type3A_1063 = arith.truncf %convert_element_type3A_1062 : vector<128x128xf32> to vector<128x128xbf16>
    %dot_general3A_1064 = arith.constant dense<0.000000e+00> : vector<80x128xf32>
    %dot_general3A_1065 = tpu.matmul %convert_element_type3A_1057, %convert_element_type3A_1063, %dot_general3A_1064 {dimension_numbers = #tpu.dot_dimension_numbers<[1], [1], [0], [0], [0, 0, 1, 0], [], []>, transpose_lhs_hint = false} : vector<80x128xbf16>, vector<128x128xbf16>, vector<80x128xf32> -> vector<80x128xf32>
    %add3A_1066 = arith.addf %add3A_1051, %dot_general3A_1065 : vector<80x128xf32>
    %slice3A_1067 = vector.extract_strided_slice %select_n3A {offsets = [68, 0], sizes = [1, 128], strides = [1, 1]} : vector<128x128xi32> to vector<1x128xi32>
    %eq3A_1068 = vector.broadcast %slice3A_1067 : vector<1x128xi32> to vector<80x128xi32>
    %eq3A_1069 = arith.cmpi eq, %iota3A, %eq3A_1068 : vector<80x128xi32>
    %convert_element_type3A_1070 = arith.extui %eq3A_1069 : vector<80x128xi1> to vector<80x128xi32>
    %convert_element_type3A_1071 = arith.sitofp %convert_element_type3A_1070 : vector<80x128xi32> to vector<80x128xf32>
    %convert_element_type3A_1072 = arith.truncf %convert_element_type3A_1071 : vector<80x128xf32> to vector<80x128xbf16>
    %slice3A_1073 = vector.extract_strided_slice %select_n3A_46 {offsets = [68, 0], sizes = [1, 128], strides = [1, 1]} : vector<128x128xi32> to vector<1x128xi32>
    %eq3A_1074 = vector.broadcast %slice3A_1073 : vector<1x128xi32> to vector<128x128xi32>
    %eq3A_1075 = arith.cmpi eq, %iota3A_47, %eq3A_1074 : vector<128x128xi32>
    %convert_element_type3A_1076 = arith.extui %eq3A_1075 : vector<128x128xi1> to vector<128x128xi32>
    %convert_element_type3A_1077 = arith.sitofp %convert_element_type3A_1076 : vector<128x128xi32> to vector<128x128xf32>
    %convert_element_type3A_1078 = arith.truncf %convert_element_type3A_1077 : vector<128x128xf32> to vector<128x128xbf16>
    %dot_general3A_1079 = arith.constant dense<0.000000e+00> : vector<80x128xf32>
    %dot_general3A_1080 = tpu.matmul %convert_element_type3A_1072, %convert_element_type3A_1078, %dot_general3A_1079 {dimension_numbers = #tpu.dot_dimension_numbers<[1], [1], [0], [0], [0, 0, 1, 0], [], []>, transpose_lhs_hint = false} : vector<80x128xbf16>, vector<128x128xbf16>, vector<80x128xf32> -> vector<80x128xf32>
    %add3A_1081 = arith.addf %add3A_1066, %dot_general3A_1080 : vector<80x128xf32>
    %slice3A_1082 = vector.extract_strided_slice %select_n3A {offsets = [69, 0], sizes = [1, 128], strides = [1, 1]} : vector<128x128xi32> to vector<1x128xi32>
    %eq3A_1083 = vector.broadcast %slice3A_1082 : vector<1x128xi32> to vector<80x128xi32>
    %eq3A_1084 = arith.cmpi eq, %iota3A, %eq3A_1083 : vector<80x128xi32>
    %convert_element_type3A_1085 = arith.extui %eq3A_1084 : vector<80x128xi1> to vector<80x128xi32>
    %convert_element_type3A_1086 = arith.sitofp %convert_element_type3A_1085 : vector<80x128xi32> to vector<80x128xf32>
    %convert_element_type3A_1087 = arith.truncf %convert_element_type3A_1086 : vector<80x128xf32> to vector<80x128xbf16>
    %slice3A_1088 = vector.extract_strided_slice %select_n3A_46 {offsets = [69, 0], sizes = [1, 128], strides = [1, 1]} : vector<128x128xi32> to vector<1x128xi32>
    %eq3A_1089 = vector.broadcast %slice3A_1088 : vector<1x128xi32> to vector<128x128xi32>
    %eq3A_1090 = arith.cmpi eq, %iota3A_47, %eq3A_1089 : vector<128x128xi32>
    %convert_element_type3A_1091 = arith.extui %eq3A_1090 : vector<128x128xi1> to vector<128x128xi32>
    %convert_element_type3A_1092 = arith.sitofp %convert_element_type3A_1091 : vector<128x128xi32> to vector<128x128xf32>
    %convert_element_type3A_1093 = arith.truncf %convert_element_type3A_1092 : vector<128x128xf32> to vector<128x128xbf16>
    %dot_general3A_1094 = arith.constant dense<0.000000e+00> : vector<80x128xf32>
    %dot_general3A_1095 = tpu.matmul %convert_element_type3A_1087, %convert_element_type3A_1093, %dot_general3A_1094 {dimension_numbers = #tpu.dot_dimension_numbers<[1], [1], [0], [0], [0, 0, 1, 0], [], []>, transpose_lhs_hint = false} : vector<80x128xbf16>, vector<128x128xbf16>, vector<80x128xf32> -> vector<80x128xf32>
    %add3A_1096 = arith.addf %add3A_1081, %dot_general3A_1095 : vector<80x128xf32>
    %slice3A_1097 = vector.extract_strided_slice %select_n3A {offsets = [70, 0], sizes = [1, 128], strides = [1, 1]} : vector<128x128xi32> to vector<1x128xi32>
    %eq3A_1098 = vector.broadcast %slice3A_1097 : vector<1x128xi32> to vector<80x128xi32>
    %eq3A_1099 = arith.cmpi eq, %iota3A, %eq3A_1098 : vector<80x128xi32>
    %convert_element_type3A_1100 = arith.extui %eq3A_1099 : vector<80x128xi1> to vector<80x128xi32>
    %convert_element_type3A_1101 = arith.sitofp %convert_element_type3A_1100 : vector<80x128xi32> to vector<80x128xf32>
    %convert_element_type3A_1102 = arith.truncf %convert_element_type3A_1101 : vector<80x128xf32> to vector<80x128xbf16>
    %slice3A_1103 = vector.extract_strided_slice %select_n3A_46 {offsets = [70, 0], sizes = [1, 128], strides = [1, 1]} : vector<128x128xi32> to vector<1x128xi32>
    %eq3A_1104 = vector.broadcast %slice3A_1103 : vector<1x128xi32> to vector<128x128xi32>
    %eq3A_1105 = arith.cmpi eq, %iota3A_47, %eq3A_1104 : vector<128x128xi32>
    %convert_element_type3A_1106 = arith.extui %eq3A_1105 : vector<128x128xi1> to vector<128x128xi32>
    %convert_element_type3A_1107 = arith.sitofp %convert_element_type3A_1106 : vector<128x128xi32> to vector<128x128xf32>
    %convert_element_type3A_1108 = arith.truncf %convert_element_type3A_1107 : vector<128x128xf32> to vector<128x128xbf16>
    %dot_general3A_1109 = arith.constant dense<0.000000e+00> : vector<80x128xf32>
    %dot_general3A_1110 = tpu.matmul %convert_element_type3A_1102, %convert_element_type3A_1108, %dot_general3A_1109 {dimension_numbers = #tpu.dot_dimension_numbers<[1], [1], [0], [0], [0, 0, 1, 0], [], []>, transpose_lhs_hint = false} : vector<80x128xbf16>, vector<128x128xbf16>, vector<80x128xf32> -> vector<80x128xf32>
    %add3A_1111 = arith.addf %add3A_1096, %dot_general3A_1110 : vector<80x128xf32>
    %slice3A_1112 = vector.extract_strided_slice %select_n3A {offsets = [71, 0], sizes = [1, 128], strides = [1, 1]} : vector<128x128xi32> to vector<1x128xi32>
    %eq3A_1113 = vector.broadcast %slice3A_1112 : vector<1x128xi32> to vector<80x128xi32>
    %eq3A_1114 = arith.cmpi eq, %iota3A, %eq3A_1113 : vector<80x128xi32>
    %convert_element_type3A_1115 = arith.extui %eq3A_1114 : vector<80x128xi1> to vector<80x128xi32>
    %convert_element_type3A_1116 = arith.sitofp %convert_element_type3A_1115 : vector<80x128xi32> to vector<80x128xf32>
    %convert_element_type3A_1117 = arith.truncf %convert_element_type3A_1116 : vector<80x128xf32> to vector<80x128xbf16>
    %slice3A_1118 = vector.extract_strided_slice %select_n3A_46 {offsets = [71, 0], sizes = [1, 128], strides = [1, 1]} : vector<128x128xi32> to vector<1x128xi32>
    %eq3A_1119 = vector.broadcast %slice3A_1118 : vector<1x128xi32> to vector<128x128xi32>
    %eq3A_1120 = arith.cmpi eq, %iota3A_47, %eq3A_1119 : vector<128x128xi32>
    %convert_element_type3A_1121 = arith.extui %eq3A_1120 : vector<128x128xi1> to vector<128x128xi32>
    %convert_element_type3A_1122 = arith.sitofp %convert_element_type3A_1121 : vector<128x128xi32> to vector<128x128xf32>
    %convert_element_type3A_1123 = arith.truncf %convert_element_type3A_1122 : vector<128x128xf32> to vector<128x128xbf16>
    %dot_general3A_1124 = arith.constant dense<0.000000e+00> : vector<80x128xf32>
    %dot_general3A_1125 = tpu.matmul %convert_element_type3A_1117, %convert_element_type3A_1123, %dot_general3A_1124 {dimension_numbers = #tpu.dot_dimension_numbers<[1], [1], [0], [0], [0, 0, 1, 0], [], []>, transpose_lhs_hint = false} : vector<80x128xbf16>, vector<128x128xbf16>, vector<80x128xf32> -> vector<80x128xf32>
    %add3A_1126 = arith.addf %add3A_1111, %dot_general3A_1125 : vector<80x128xf32>
    %slice3A_1127 = vector.extract_strided_slice %select_n3A {offsets = [72, 0], sizes = [1, 128], strides = [1, 1]} : vector<128x128xi32> to vector<1x128xi32>
    %eq3A_1128 = vector.broadcast %slice3A_1127 : vector<1x128xi32> to vector<80x128xi32>
    %eq3A_1129 = arith.cmpi eq, %iota3A, %eq3A_1128 : vector<80x128xi32>
    %convert_element_type3A_1130 = arith.extui %eq3A_1129 : vector<80x128xi1> to vector<80x128xi32>
    %convert_element_type3A_1131 = arith.sitofp %convert_element_type3A_1130 : vector<80x128xi32> to vector<80x128xf32>
    %convert_element_type3A_1132 = arith.truncf %convert_element_type3A_1131 : vector<80x128xf32> to vector<80x128xbf16>
    %slice3A_1133 = vector.extract_strided_slice %select_n3A_46 {offsets = [72, 0], sizes = [1, 128], strides = [1, 1]} : vector<128x128xi32> to vector<1x128xi32>
    %eq3A_1134 = vector.broadcast %slice3A_1133 : vector<1x128xi32> to vector<128x128xi32>
    %eq3A_1135 = arith.cmpi eq, %iota3A_47, %eq3A_1134 : vector<128x128xi32>
    %convert_element_type3A_1136 = arith.extui %eq3A_1135 : vector<128x128xi1> to vector<128x128xi32>
    %convert_element_type3A_1137 = arith.sitofp %convert_element_type3A_1136 : vector<128x128xi32> to vector<128x128xf32>
    %convert_element_type3A_1138 = arith.truncf %convert_element_type3A_1137 : vector<128x128xf32> to vector<128x128xbf16>
    %dot_general3A_1139 = arith.constant dense<0.000000e+00> : vector<80x128xf32>
    %dot_general3A_1140 = tpu.matmul %convert_element_type3A_1132, %convert_element_type3A_1138, %dot_general3A_1139 {dimension_numbers = #tpu.dot_dimension_numbers<[1], [1], [0], [0], [0, 0, 1, 0], [], []>, transpose_lhs_hint = false} : vector<80x128xbf16>, vector<128x128xbf16>, vector<80x128xf32> -> vector<80x128xf32>
    %add3A_1141 = arith.addf %add3A_1126, %dot_general3A_1140 : vector<80x128xf32>
    %slice3A_1142 = vector.extract_strided_slice %select_n3A {offsets = [73, 0], sizes = [1, 128], strides = [1, 1]} : vector<128x128xi32> to vector<1x128xi32>
    %eq3A_1143 = vector.broadcast %slice3A_1142 : vector<1x128xi32> to vector<80x128xi32>
    %eq3A_1144 = arith.cmpi eq, %iota3A, %eq3A_1143 : vector<80x128xi32>
    %convert_element_type3A_1145 = arith.extui %eq3A_1144 : vector<80x128xi1> to vector<80x128xi32>
    %convert_element_type3A_1146 = arith.sitofp %convert_element_type3A_1145 : vector<80x128xi32> to vector<80x128xf32>
    %convert_element_type3A_1147 = arith.truncf %convert_element_type3A_1146 : vector<80x128xf32> to vector<80x128xbf16>
    %slice3A_1148 = vector.extract_strided_slice %select_n3A_46 {offsets = [73, 0], sizes = [1, 128], strides = [1, 1]} : vector<128x128xi32> to vector<1x128xi32>
    %eq3A_1149 = vector.broadcast %slice3A_1148 : vector<1x128xi32> to vector<128x128xi32>
    %eq3A_1150 = arith.cmpi eq, %iota3A_47, %eq3A_1149 : vector<128x128xi32>
    %convert_element_type3A_1151 = arith.extui %eq3A_1150 : vector<128x128xi1> to vector<128x128xi32>
    %convert_element_type3A_1152 = arith.sitofp %convert_element_type3A_1151 : vector<128x128xi32> to vector<128x128xf32>
    %convert_element_type3A_1153 = arith.truncf %convert_element_type3A_1152 : vector<128x128xf32> to vector<128x128xbf16>
    %dot_general3A_1154 = arith.constant dense<0.000000e+00> : vector<80x128xf32>
    %dot_general3A_1155 = tpu.matmul %convert_element_type3A_1147, %convert_element_type3A_1153, %dot_general3A_1154 {dimension_numbers = #tpu.dot_dimension_numbers<[1], [1], [0], [0], [0, 0, 1, 0], [], []>, transpose_lhs_hint = false} : vector<80x128xbf16>, vector<128x128xbf16>, vector<80x128xf32> -> vector<80x128xf32>
    %add3A_1156 = arith.addf %add3A_1141, %dot_general3A_1155 : vector<80x128xf32>
    %slice3A_1157 = vector.extract_strided_slice %select_n3A {offsets = [74, 0], sizes = [1, 128], strides = [1, 1]} : vector<128x128xi32> to vector<1x128xi32>
    %eq3A_1158 = vector.broadcast %slice3A_1157 : vector<1x128xi32> to vector<80x128xi32>
    %eq3A_1159 = arith.cmpi eq, %iota3A, %eq3A_1158 : vector<80x128xi32>
    %convert_element_type3A_1160 = arith.extui %eq3A_1159 : vector<80x128xi1> to vector<80x128xi32>
    %convert_element_type3A_1161 = arith.sitofp %convert_element_type3A_1160 : vector<80x128xi32> to vector<80x128xf32>
    %convert_element_type3A_1162 = arith.truncf %convert_element_type3A_1161 : vector<80x128xf32> to vector<80x128xbf16>
    %slice3A_1163 = vector.extract_strided_slice %select_n3A_46 {offsets = [74, 0], sizes = [1, 128], strides = [1, 1]} : vector<128x128xi32> to vector<1x128xi32>
    %eq3A_1164 = vector.broadcast %slice3A_1163 : vector<1x128xi32> to vector<128x128xi32>
    %eq3A_1165 = arith.cmpi eq, %iota3A_47, %eq3A_1164 : vector<128x128xi32>
    %convert_element_type3A_1166 = arith.extui %eq3A_1165 : vector<128x128xi1> to vector<128x128xi32>
    %convert_element_type3A_1167 = arith.sitofp %convert_element_type3A_1166 : vector<128x128xi32> to vector<128x128xf32>
    %convert_element_type3A_1168 = arith.truncf %convert_element_type3A_1167 : vector<128x128xf32> to vector<128x128xbf16>
    %dot_general3A_1169 = arith.constant dense<0.000000e+00> : vector<80x128xf32>
    %dot_general3A_1170 = tpu.matmul %convert_element_type3A_1162, %convert_element_type3A_1168, %dot_general3A_1169 {dimension_numbers = #tpu.dot_dimension_numbers<[1], [1], [0], [0], [0, 0, 1, 0], [], []>, transpose_lhs_hint = false} : vector<80x128xbf16>, vector<128x128xbf16>, vector<80x128xf32> -> vector<80x128xf32>
    %add3A_1171 = arith.addf %add3A_1156, %dot_general3A_1170 : vector<80x128xf32>
    %slice3A_1172 = vector.extract_strided_slice %select_n3A {offsets = [75, 0], sizes = [1, 128], strides = [1, 1]} : vector<128x128xi32> to vector<1x128xi32>
    %eq3A_1173 = vector.broadcast %slice3A_1172 : vector<1x128xi32> to vector<80x128xi32>
    %eq3A_1174 = arith.cmpi eq, %iota3A, %eq3A_1173 : vector<80x128xi32>
    %convert_element_type3A_1175 = arith.extui %eq3A_1174 : vector<80x128xi1> to vector<80x128xi32>
    %convert_element_type3A_1176 = arith.sitofp %convert_element_type3A_1175 : vector<80x128xi32> to vector<80x128xf32>
    %convert_element_type3A_1177 = arith.truncf %convert_element_type3A_1176 : vector<80x128xf32> to vector<80x128xbf16>
    %slice3A_1178 = vector.extract_strided_slice %select_n3A_46 {offsets = [75, 0], sizes = [1, 128], strides = [1, 1]} : vector<128x128xi32> to vector<1x128xi32>
    %eq3A_1179 = vector.broadcast %slice3A_1178 : vector<1x128xi32> to vector<128x128xi32>
    %eq3A_1180 = arith.cmpi eq, %iota3A_47, %eq3A_1179 : vector<128x128xi32>
    %convert_element_type3A_1181 = arith.extui %eq3A_1180 : vector<128x128xi1> to vector<128x128xi32>
    %convert_element_type3A_1182 = arith.sitofp %convert_element_type3A_1181 : vector<128x128xi32> to vector<128x128xf32>
    %convert_element_type3A_1183 = arith.truncf %convert_element_type3A_1182 : vector<128x128xf32> to vector<128x128xbf16>
    %dot_general3A_1184 = arith.constant dense<0.000000e+00> : vector<80x128xf32>
    %dot_general3A_1185 = tpu.matmul %convert_element_type3A_1177, %convert_element_type3A_1183, %dot_general3A_1184 {dimension_numbers = #tpu.dot_dimension_numbers<[1], [1], [0], [0], [0, 0, 1, 0], [], []>, transpose_lhs_hint = false} : vector<80x128xbf16>, vector<128x128xbf16>, vector<80x128xf32> -> vector<80x128xf32>
    %add3A_1186 = arith.addf %add3A_1171, %dot_general3A_1185 : vector<80x128xf32>
    %slice3A_1187 = vector.extract_strided_slice %select_n3A {offsets = [76, 0], sizes = [1, 128], strides = [1, 1]} : vector<128x128xi32> to vector<1x128xi32>
    %eq3A_1188 = vector.broadcast %slice3A_1187 : vector<1x128xi32> to vector<80x128xi32>
    %eq3A_1189 = arith.cmpi eq, %iota3A, %eq3A_1188 : vector<80x128xi32>
    %convert_element_type3A_1190 = arith.extui %eq3A_1189 : vector<80x128xi1> to vector<80x128xi32>
    %convert_element_type3A_1191 = arith.sitofp %convert_element_type3A_1190 : vector<80x128xi32> to vector<80x128xf32>
    %convert_element_type3A_1192 = arith.truncf %convert_element_type3A_1191 : vector<80x128xf32> to vector<80x128xbf16>
    %slice3A_1193 = vector.extract_strided_slice %select_n3A_46 {offsets = [76, 0], sizes = [1, 128], strides = [1, 1]} : vector<128x128xi32> to vector<1x128xi32>
    %eq3A_1194 = vector.broadcast %slice3A_1193 : vector<1x128xi32> to vector<128x128xi32>
    %eq3A_1195 = arith.cmpi eq, %iota3A_47, %eq3A_1194 : vector<128x128xi32>
    %convert_element_type3A_1196 = arith.extui %eq3A_1195 : vector<128x128xi1> to vector<128x128xi32>
    %convert_element_type3A_1197 = arith.sitofp %convert_element_type3A_1196 : vector<128x128xi32> to vector<128x128xf32>
    %convert_element_type3A_1198 = arith.truncf %convert_element_type3A_1197 : vector<128x128xf32> to vector<128x128xbf16>
    %dot_general3A_1199 = arith.constant dense<0.000000e+00> : vector<80x128xf32>
    %dot_general3A_1200 = tpu.matmul %convert_element_type3A_1192, %convert_element_type3A_1198, %dot_general3A_1199 {dimension_numbers = #tpu.dot_dimension_numbers<[1], [1], [0], [0], [0, 0, 1, 0], [], []>, transpose_lhs_hint = false} : vector<80x128xbf16>, vector<128x128xbf16>, vector<80x128xf32> -> vector<80x128xf32>
    %add3A_1201 = arith.addf %add3A_1186, %dot_general3A_1200 : vector<80x128xf32>
    %slice3A_1202 = vector.extract_strided_slice %select_n3A {offsets = [77, 0], sizes = [1, 128], strides = [1, 1]} : vector<128x128xi32> to vector<1x128xi32>
    %eq3A_1203 = vector.broadcast %slice3A_1202 : vector<1x128xi32> to vector<80x128xi32>
    %eq3A_1204 = arith.cmpi eq, %iota3A, %eq3A_1203 : vector<80x128xi32>
    %convert_element_type3A_1205 = arith.extui %eq3A_1204 : vector<80x128xi1> to vector<80x128xi32>
    %convert_element_type3A_1206 = arith.sitofp %convert_element_type3A_1205 : vector<80x128xi32> to vector<80x128xf32>
    %convert_element_type3A_1207 = arith.truncf %convert_element_type3A_1206 : vector<80x128xf32> to vector<80x128xbf16>
    %slice3A_1208 = vector.extract_strided_slice %select_n3A_46 {offsets = [77, 0], sizes = [1, 128], strides = [1, 1]} : vector<128x128xi32> to vector<1x128xi32>
    %eq3A_1209 = vector.broadcast %slice3A_1208 : vector<1x128xi32> to vector<128x128xi32>
    %eq3A_1210 = arith.cmpi eq, %iota3A_47, %eq3A_1209 : vector<128x128xi32>
    %convert_element_type3A_1211 = arith.extui %eq3A_1210 : vector<128x128xi1> to vector<128x128xi32>
    %convert_element_type3A_1212 = arith.sitofp %convert_element_type3A_1211 : vector<128x128xi32> to vector<128x128xf32>
    %convert_element_type3A_1213 = arith.truncf %convert_element_type3A_1212 : vector<128x128xf32> to vector<128x128xbf16>
    %dot_general3A_1214 = arith.constant dense<0.000000e+00> : vector<80x128xf32>
    %dot_general3A_1215 = tpu.matmul %convert_element_type3A_1207, %convert_element_type3A_1213, %dot_general3A_1214 {dimension_numbers = #tpu.dot_dimension_numbers<[1], [1], [0], [0], [0, 0, 1, 0], [], []>, transpose_lhs_hint = false} : vector<80x128xbf16>, vector<128x128xbf16>, vector<80x128xf32> -> vector<80x128xf32>
    %add3A_1216 = arith.addf %add3A_1201, %dot_general3A_1215 : vector<80x128xf32>
    %slice3A_1217 = vector.extract_strided_slice %select_n3A {offsets = [78, 0], sizes = [1, 128], strides = [1, 1]} : vector<128x128xi32> to vector<1x128xi32>
    %eq3A_1218 = vector.broadcast %slice3A_1217 : vector<1x128xi32> to vector<80x128xi32>
    %eq3A_1219 = arith.cmpi eq, %iota3A, %eq3A_1218 : vector<80x128xi32>
    %convert_element_type3A_1220 = arith.extui %eq3A_1219 : vector<80x128xi1> to vector<80x128xi32>
    %convert_element_type3A_1221 = arith.sitofp %convert_element_type3A_1220 : vector<80x128xi32> to vector<80x128xf32>
    %convert_element_type3A_1222 = arith.truncf %convert_element_type3A_1221 : vector<80x128xf32> to vector<80x128xbf16>
    %slice3A_1223 = vector.extract_strided_slice %select_n3A_46 {offsets = [78, 0], sizes = [1, 128], strides = [1, 1]} : vector<128x128xi32> to vector<1x128xi32>
    %eq3A_1224 = vector.broadcast %slice3A_1223 : vector<1x128xi32> to vector<128x128xi32>
    %eq3A_1225 = arith.cmpi eq, %iota3A_47, %eq3A_1224 : vector<128x128xi32>
    %convert_element_type3A_1226 = arith.extui %eq3A_1225 : vector<128x128xi1> to vector<128x128xi32>
    %convert_element_type3A_1227 = arith.sitofp %convert_element_type3A_1226 : vector<128x128xi32> to vector<128x128xf32>
    %convert_element_type3A_1228 = arith.truncf %convert_element_type3A_1227 : vector<128x128xf32> to vector<128x128xbf16>
    %dot_general3A_1229 = arith.constant dense<0.000000e+00> : vector<80x128xf32>
    %dot_general3A_1230 = tpu.matmul %convert_element_type3A_1222, %convert_element_type3A_1228, %dot_general3A_1229 {dimension_numbers = #tpu.dot_dimension_numbers<[1], [1], [0], [0], [0, 0, 1, 0], [], []>, transpose_lhs_hint = false} : vector<80x128xbf16>, vector<128x128xbf16>, vector<80x128xf32> -> vector<80x128xf32>
    %add3A_1231 = arith.addf %add3A_1216, %dot_general3A_1230 : vector<80x128xf32>
    %slice3A_1232 = vector.extract_strided_slice %select_n3A {offsets = [79, 0], sizes = [1, 128], strides = [1, 1]} : vector<128x128xi32> to vector<1x128xi32>
    %eq3A_1233 = vector.broadcast %slice3A_1232 : vector<1x128xi32> to vector<80x128xi32>
    %eq3A_1234 = arith.cmpi eq, %iota3A, %eq3A_1233 : vector<80x128xi32>
    %convert_element_type3A_1235 = arith.extui %eq3A_1234 : vector<80x128xi1> to vector<80x128xi32>
    %convert_element_type3A_1236 = arith.sitofp %convert_element_type3A_1235 : vector<80x128xi32> to vector<80x128xf32>
    %convert_element_type3A_1237 = arith.truncf %convert_element_type3A_1236 : vector<80x128xf32> to vector<80x128xbf16>
    %slice3A_1238 = vector.extract_strided_slice %select_n3A_46 {offsets = [79, 0], sizes = [1, 128], strides = [1, 1]} : vector<128x128xi32> to vector<1x128xi32>
    %eq3A_1239 = vector.broadcast %slice3A_1238 : vector<1x128xi32> to vector<128x128xi32>
    %eq3A_1240 = arith.cmpi eq, %iota3A_47, %eq3A_1239 : vector<128x128xi32>
    %convert_element_type3A_1241 = arith.extui %eq3A_1240 : vector<128x128xi1> to vector<128x128xi32>
    %convert_element_type3A_1242 = arith.sitofp %convert_element_type3A_1241 : vector<128x128xi32> to vector<128x128xf32>
    %convert_element_type3A_1243 = arith.truncf %convert_element_type3A_1242 : vector<128x128xf32> to vector<128x128xbf16>
    %dot_general3A_1244 = arith.constant dense<0.000000e+00> : vector<80x128xf32>
    %dot_general3A_1245 = tpu.matmul %convert_element_type3A_1237, %convert_element_type3A_1243, %dot_general3A_1244 {dimension_numbers = #tpu.dot_dimension_numbers<[1], [1], [0], [0], [0, 0, 1, 0], [], []>, transpose_lhs_hint = false} : vector<80x128xbf16>, vector<128x128xbf16>, vector<80x128xf32> -> vector<80x128xf32>
    %add3A_1246 = arith.addf %add3A_1231, %dot_general3A_1245 : vector<80x128xf32>
    %slice3A_1247 = vector.extract_strided_slice %select_n3A {offsets = [80, 0], sizes = [1, 128], strides = [1, 1]} : vector<128x128xi32> to vector<1x128xi32>
    %eq3A_1248 = vector.broadcast %slice3A_1247 : vector<1x128xi32> to vector<80x128xi32>
    %eq3A_1249 = arith.cmpi eq, %iota3A, %eq3A_1248 : vector<80x128xi32>
    %convert_element_type3A_1250 = arith.extui %eq3A_1249 : vector<80x128xi1> to vector<80x128xi32>
    %convert_element_type3A_1251 = arith.sitofp %convert_element_type3A_1250 : vector<80x128xi32> to vector<80x128xf32>
    %convert_element_type3A_1252 = arith.truncf %convert_element_type3A_1251 : vector<80x128xf32> to vector<80x128xbf16>
    %slice3A_1253 = vector.extract_strided_slice %select_n3A_46 {offsets = [80, 0], sizes = [1, 128], strides = [1, 1]} : vector<128x128xi32> to vector<1x128xi32>
    %eq3A_1254 = vector.broadcast %slice3A_1253 : vector<1x128xi32> to vector<128x128xi32>
    %eq3A_1255 = arith.cmpi eq, %iota3A_47, %eq3A_1254 : vector<128x128xi32>
    %convert_element_type3A_1256 = arith.extui %eq3A_1255 : vector<128x128xi1> to vector<128x128xi32>
    %convert_element_type3A_1257 = arith.sitofp %convert_element_type3A_1256 : vector<128x128xi32> to vector<128x128xf32>
    %convert_element_type3A_1258 = arith.truncf %convert_element_type3A_1257 : vector<128x128xf32> to vector<128x128xbf16>
    %dot_general3A_1259 = arith.constant dense<0.000000e+00> : vector<80x128xf32>
    %dot_general3A_1260 = tpu.matmul %convert_element_type3A_1252, %convert_element_type3A_1258, %dot_general3A_1259 {dimension_numbers = #tpu.dot_dimension_numbers<[1], [1], [0], [0], [0, 0, 1, 0], [], []>, transpose_lhs_hint = false} : vector<80x128xbf16>, vector<128x128xbf16>, vector<80x128xf32> -> vector<80x128xf32>
    %add3A_1261 = arith.addf %add3A_1246, %dot_general3A_1260 : vector<80x128xf32>
    %slice3A_1262 = vector.extract_strided_slice %select_n3A {offsets = [81, 0], sizes = [1, 128], strides = [1, 1]} : vector<128x128xi32> to vector<1x128xi32>
    %eq3A_1263 = vector.broadcast %slice3A_1262 : vector<1x128xi32> to vector<80x128xi32>
    %eq3A_1264 = arith.cmpi eq, %iota3A, %eq3A_1263 : vector<80x128xi32>
    %convert_element_type3A_1265 = arith.extui %eq3A_1264 : vector<80x128xi1> to vector<80x128xi32>
    %convert_element_type3A_1266 = arith.sitofp %convert_element_type3A_1265 : vector<80x128xi32> to vector<80x128xf32>
    %convert_element_type3A_1267 = arith.truncf %convert_element_type3A_1266 : vector<80x128xf32> to vector<80x128xbf16>
    %slice3A_1268 = vector.extract_strided_slice %select_n3A_46 {offsets = [81, 0], sizes = [1, 128], strides = [1, 1]} : vector<128x128xi32> to vector<1x128xi32>
    %eq3A_1269 = vector.broadcast %slice3A_1268 : vector<1x128xi32> to vector<128x128xi32>
    %eq3A_1270 = arith.cmpi eq, %iota3A_47, %eq3A_1269 : vector<128x128xi32>
    %convert_element_type3A_1271 = arith.extui %eq3A_1270 : vector<128x128xi1> to vector<128x128xi32>
    %convert_element_type3A_1272 = arith.sitofp %convert_element_type3A_1271 : vector<128x128xi32> to vector<128x128xf32>
    %convert_element_type3A_1273 = arith.truncf %convert_element_type3A_1272 : vector<128x128xf32> to vector<128x128xbf16>
    %dot_general3A_1274 = arith.constant dense<0.000000e+00> : vector<80x128xf32>
    %dot_general3A_1275 = tpu.matmul %convert_element_type3A_1267, %convert_element_type3A_1273, %dot_general3A_1274 {dimension_numbers = #tpu.dot_dimension_numbers<[1], [1], [0], [0], [0, 0, 1, 0], [], []>, transpose_lhs_hint = false} : vector<80x128xbf16>, vector<128x128xbf16>, vector<80x128xf32> -> vector<80x128xf32>
    %add3A_1276 = arith.addf %add3A_1261, %dot_general3A_1275 : vector<80x128xf32>
    %slice3A_1277 = vector.extract_strided_slice %select_n3A {offsets = [82, 0], sizes = [1, 128], strides = [1, 1]} : vector<128x128xi32> to vector<1x128xi32>
    %eq3A_1278 = vector.broadcast %slice3A_1277 : vector<1x128xi32> to vector<80x128xi32>
    %eq3A_1279 = arith.cmpi eq, %iota3A, %eq3A_1278 : vector<80x128xi32>
    %convert_element_type3A_1280 = arith.extui %eq3A_1279 : vector<80x128xi1> to vector<80x128xi32>
    %convert_element_type3A_1281 = arith.sitofp %convert_element_type3A_1280 : vector<80x128xi32> to vector<80x128xf32>
    %convert_element_type3A_1282 = arith.truncf %convert_element_type3A_1281 : vector<80x128xf32> to vector<80x128xbf16>
    %slice3A_1283 = vector.extract_strided_slice %select_n3A_46 {offsets = [82, 0], sizes = [1, 128], strides = [1, 1]} : vector<128x128xi32> to vector<1x128xi32>
    %eq3A_1284 = vector.broadcast %slice3A_1283 : vector<1x128xi32> to vector<128x128xi32>
    %eq3A_1285 = arith.cmpi eq, %iota3A_47, %eq3A_1284 : vector<128x128xi32>
    %convert_element_type3A_1286 = arith.extui %eq3A_1285 : vector<128x128xi1> to vector<128x128xi32>
    %convert_element_type3A_1287 = arith.sitofp %convert_element_type3A_1286 : vector<128x128xi32> to vector<128x128xf32>
    %convert_element_type3A_1288 = arith.truncf %convert_element_type3A_1287 : vector<128x128xf32> to vector<128x128xbf16>
    %dot_general3A_1289 = arith.constant dense<0.000000e+00> : vector<80x128xf32>
    %dot_general3A_1290 = tpu.matmul %convert_element_type3A_1282, %convert_element_type3A_1288, %dot_general3A_1289 {dimension_numbers = #tpu.dot_dimension_numbers<[1], [1], [0], [0], [0, 0, 1, 0], [], []>, transpose_lhs_hint = false} : vector<80x128xbf16>, vector<128x128xbf16>, vector<80x128xf32> -> vector<80x128xf32>
    %add3A_1291 = arith.addf %add3A_1276, %dot_general3A_1290 : vector<80x128xf32>
    %slice3A_1292 = vector.extract_strided_slice %select_n3A {offsets = [83, 0], sizes = [1, 128], strides = [1, 1]} : vector<128x128xi32> to vector<1x128xi32>
    %eq3A_1293 = vector.broadcast %slice3A_1292 : vector<1x128xi32> to vector<80x128xi32>
    %eq3A_1294 = arith.cmpi eq, %iota3A, %eq3A_1293 : vector<80x128xi32>
    %convert_element_type3A_1295 = arith.extui %eq3A_1294 : vector<80x128xi1> to vector<80x128xi32>
    %convert_element_type3A_1296 = arith.sitofp %convert_element_type3A_1295 : vector<80x128xi32> to vector<80x128xf32>
    %convert_element_type3A_1297 = arith.truncf %convert_element_type3A_1296 : vector<80x128xf32> to vector<80x128xbf16>
    %slice3A_1298 = vector.extract_strided_slice %select_n3A_46 {offsets = [83, 0], sizes = [1, 128], strides = [1, 1]} : vector<128x128xi32> to vector<1x128xi32>
    %eq3A_1299 = vector.broadcast %slice3A_1298 : vector<1x128xi32> to vector<128x128xi32>
    %eq3A_1300 = arith.cmpi eq, %iota3A_47, %eq3A_1299 : vector<128x128xi32>
    %convert_element_type3A_1301 = arith.extui %eq3A_1300 : vector<128x128xi1> to vector<128x128xi32>
    %convert_element_type3A_1302 = arith.sitofp %convert_element_type3A_1301 : vector<128x128xi32> to vector<128x128xf32>
    %convert_element_type3A_1303 = arith.truncf %convert_element_type3A_1302 : vector<128x128xf32> to vector<128x128xbf16>
    %dot_general3A_1304 = arith.constant dense<0.000000e+00> : vector<80x128xf32>
    %dot_general3A_1305 = tpu.matmul %convert_element_type3A_1297, %convert_element_type3A_1303, %dot_general3A_1304 {dimension_numbers = #tpu.dot_dimension_numbers<[1], [1], [0], [0], [0, 0, 1, 0], [], []>, transpose_lhs_hint = false} : vector<80x128xbf16>, vector<128x128xbf16>, vector<80x128xf32> -> vector<80x128xf32>
    %add3A_1306 = arith.addf %add3A_1291, %dot_general3A_1305 : vector<80x128xf32>
    %slice3A_1307 = vector.extract_strided_slice %select_n3A {offsets = [84, 0], sizes = [1, 128], strides = [1, 1]} : vector<128x128xi32> to vector<1x128xi32>
    %eq3A_1308 = vector.broadcast %slice3A_1307 : vector<1x128xi32> to vector<80x128xi32>
    %eq3A_1309 = arith.cmpi eq, %iota3A, %eq3A_1308 : vector<80x128xi32>
    %convert_element_type3A_1310 = arith.extui %eq3A_1309 : vector<80x128xi1> to vector<80x128xi32>
    %convert_element_type3A_1311 = arith.sitofp %convert_element_type3A_1310 : vector<80x128xi32> to vector<80x128xf32>
    %convert_element_type3A_1312 = arith.truncf %convert_element_type3A_1311 : vector<80x128xf32> to vector<80x128xbf16>
    %slice3A_1313 = vector.extract_strided_slice %select_n3A_46 {offsets = [84, 0], sizes = [1, 128], strides = [1, 1]} : vector<128x128xi32> to vector<1x128xi32>
    %eq3A_1314 = vector.broadcast %slice3A_1313 : vector<1x128xi32> to vector<128x128xi32>
    %eq3A_1315 = arith.cmpi eq, %iota3A_47, %eq3A_1314 : vector<128x128xi32>
    %convert_element_type3A_1316 = arith.extui %eq3A_1315 : vector<128x128xi1> to vector<128x128xi32>
    %convert_element_type3A_1317 = arith.sitofp %convert_element_type3A_1316 : vector<128x128xi32> to vector<128x128xf32>
    %convert_element_type3A_1318 = arith.truncf %convert_element_type3A_1317 : vector<128x128xf32> to vector<128x128xbf16>
    %dot_general3A_1319 = arith.constant dense<0.000000e+00> : vector<80x128xf32>
    %dot_general3A_1320 = tpu.matmul %convert_element_type3A_1312, %convert_element_type3A_1318, %dot_general3A_1319 {dimension_numbers = #tpu.dot_dimension_numbers<[1], [1], [0], [0], [0, 0, 1, 0], [], []>, transpose_lhs_hint = false} : vector<80x128xbf16>, vector<128x128xbf16>, vector<80x128xf32> -> vector<80x128xf32>
    %add3A_1321 = arith.addf %add3A_1306, %dot_general3A_1320 : vector<80x128xf32>
    %slice3A_1322 = vector.extract_strided_slice %select_n3A {offsets = [85, 0], sizes = [1, 128], strides = [1, 1]} : vector<128x128xi32> to vector<1x128xi32>
    %eq3A_1323 = vector.broadcast %slice3A_1322 : vector<1x128xi32> to vector<80x128xi32>
    %eq3A_1324 = arith.cmpi eq, %iota3A, %eq3A_1323 : vector<80x128xi32>
    %convert_element_type3A_1325 = arith.extui %eq3A_1324 : vector<80x128xi1> to vector<80x128xi32>
    %convert_element_type3A_1326 = arith.sitofp %convert_element_type3A_1325 : vector<80x128xi32> to vector<80x128xf32>
    %convert_element_type3A_1327 = arith.truncf %convert_element_type3A_1326 : vector<80x128xf32> to vector<80x128xbf16>
    %slice3A_1328 = vector.extract_strided_slice %select_n3A_46 {offsets = [85, 0], sizes = [1, 128], strides = [1, 1]} : vector<128x128xi32> to vector<1x128xi32>
    %eq3A_1329 = vector.broadcast %slice3A_1328 : vector<1x128xi32> to vector<128x128xi32>
    %eq3A_1330 = arith.cmpi eq, %iota3A_47, %eq3A_1329 : vector<128x128xi32>
    %convert_element_type3A_1331 = arith.extui %eq3A_1330 : vector<128x128xi1> to vector<128x128xi32>
    %convert_element_type3A_1332 = arith.sitofp %convert_element_type3A_1331 : vector<128x128xi32> to vector<128x128xf32>
    %convert_element_type3A_1333 = arith.truncf %convert_element_type3A_1332 : vector<128x128xf32> to vector<128x128xbf16>
    %dot_general3A_1334 = arith.constant dense<0.000000e+00> : vector<80x128xf32>
    %dot_general3A_1335 = tpu.matmul %convert_element_type3A_1327, %convert_element_type3A_1333, %dot_general3A_1334 {dimension_numbers = #tpu.dot_dimension_numbers<[1], [1], [0], [0], [0, 0, 1, 0], [], []>, transpose_lhs_hint = false} : vector<80x128xbf16>, vector<128x128xbf16>, vector<80x128xf32> -> vector<80x128xf32>
    %add3A_1336 = arith.addf %add3A_1321, %dot_general3A_1335 : vector<80x128xf32>
    %slice3A_1337 = vector.extract_strided_slice %select_n3A {offsets = [86, 0], sizes = [1, 128], strides = [1, 1]} : vector<128x128xi32> to vector<1x128xi32>
    %eq3A_1338 = vector.broadcast %slice3A_1337 : vector<1x128xi32> to vector<80x128xi32>
    %eq3A_1339 = arith.cmpi eq, %iota3A, %eq3A_1338 : vector<80x128xi32>
    %convert_element_type3A_1340 = arith.extui %eq3A_1339 : vector<80x128xi1> to vector<80x128xi32>
    %convert_element_type3A_1341 = arith.sitofp %convert_element_type3A_1340 : vector<80x128xi32> to vector<80x128xf32>
    %convert_element_type3A_1342 = arith.truncf %convert_element_type3A_1341 : vector<80x128xf32> to vector<80x128xbf16>
    %slice3A_1343 = vector.extract_strided_slice %select_n3A_46 {offsets = [86, 0], sizes = [1, 128], strides = [1, 1]} : vector<128x128xi32> to vector<1x128xi32>
    %eq3A_1344 = vector.broadcast %slice3A_1343 : vector<1x128xi32> to vector<128x128xi32>
    %eq3A_1345 = arith.cmpi eq, %iota3A_47, %eq3A_1344 : vector<128x128xi32>
    %convert_element_type3A_1346 = arith.extui %eq3A_1345 : vector<128x128xi1> to vector<128x128xi32>
    %convert_element_type3A_1347 = arith.sitofp %convert_element_type3A_1346 : vector<128x128xi32> to vector<128x128xf32>
    %convert_element_type3A_1348 = arith.truncf %convert_element_type3A_1347 : vector<128x128xf32> to vector<128x128xbf16>
    %dot_general3A_1349 = arith.constant dense<0.000000e+00> : vector<80x128xf32>
    %dot_general3A_1350 = tpu.matmul %convert_element_type3A_1342, %convert_element_type3A_1348, %dot_general3A_1349 {dimension_numbers = #tpu.dot_dimension_numbers<[1], [1], [0], [0], [0, 0, 1, 0], [], []>, transpose_lhs_hint = false} : vector<80x128xbf16>, vector<128x128xbf16>, vector<80x128xf32> -> vector<80x128xf32>
    %add3A_1351 = arith.addf %add3A_1336, %dot_general3A_1350 : vector<80x128xf32>
    %slice3A_1352 = vector.extract_strided_slice %select_n3A {offsets = [87, 0], sizes = [1, 128], strides = [1, 1]} : vector<128x128xi32> to vector<1x128xi32>
    %eq3A_1353 = vector.broadcast %slice3A_1352 : vector<1x128xi32> to vector<80x128xi32>
    %eq3A_1354 = arith.cmpi eq, %iota3A, %eq3A_1353 : vector<80x128xi32>
    %convert_element_type3A_1355 = arith.extui %eq3A_1354 : vector<80x128xi1> to vector<80x128xi32>
    %convert_element_type3A_1356 = arith.sitofp %convert_element_type3A_1355 : vector<80x128xi32> to vector<80x128xf32>
    %convert_element_type3A_1357 = arith.truncf %convert_element_type3A_1356 : vector<80x128xf32> to vector<80x128xbf16>
    %slice3A_1358 = vector.extract_strided_slice %select_n3A_46 {offsets = [87, 0], sizes = [1, 128], strides = [1, 1]} : vector<128x128xi32> to vector<1x128xi32>
    %eq3A_1359 = vector.broadcast %slice3A_1358 : vector<1x128xi32> to vector<128x128xi32>
    %eq3A_1360 = arith.cmpi eq, %iota3A_47, %eq3A_1359 : vector<128x128xi32>
    %convert_element_type3A_1361 = arith.extui %eq3A_1360 : vector<128x128xi1> to vector<128x128xi32>
    %convert_element_type3A_1362 = arith.sitofp %convert_element_type3A_1361 : vector<128x128xi32> to vector<128x128xf32>
    %convert_element_type3A_1363 = arith.truncf %convert_element_type3A_1362 : vector<128x128xf32> to vector<128x128xbf16>
    %dot_general3A_1364 = arith.constant dense<0.000000e+00> : vector<80x128xf32>
    %dot_general3A_1365 = tpu.matmul %convert_element_type3A_1357, %convert_element_type3A_1363, %dot_general3A_1364 {dimension_numbers = #tpu.dot_dimension_numbers<[1], [1], [0], [0], [0, 0, 1, 0], [], []>, transpose_lhs_hint = false} : vector<80x128xbf16>, vector<128x128xbf16>, vector<80x128xf32> -> vector<80x128xf32>
    %add3A_1366 = arith.addf %add3A_1351, %dot_general3A_1365 : vector<80x128xf32>
    %slice3A_1367 = vector.extract_strided_slice %select_n3A {offsets = [88, 0], sizes = [1, 128], strides = [1, 1]} : vector<128x128xi32> to vector<1x128xi32>
    %eq3A_1368 = vector.broadcast %slice3A_1367 : vector<1x128xi32> to vector<80x128xi32>
    %eq3A_1369 = arith.cmpi eq, %iota3A, %eq3A_1368 : vector<80x128xi32>
    %convert_element_type3A_1370 = arith.extui %eq3A_1369 : vector<80x128xi1> to vector<80x128xi32>
    %convert_element_type3A_1371 = arith.sitofp %convert_element_type3A_1370 : vector<80x128xi32> to vector<80x128xf32>
    %convert_element_type3A_1372 = arith.truncf %convert_element_type3A_1371 : vector<80x128xf32> to vector<80x128xbf16>
    %slice3A_1373 = vector.extract_strided_slice %select_n3A_46 {offsets = [88, 0], sizes = [1, 128], strides = [1, 1]} : vector<128x128xi32> to vector<1x128xi32>
    %eq3A_1374 = vector.broadcast %slice3A_1373 : vector<1x128xi32> to vector<128x128xi32>
    %eq3A_1375 = arith.cmpi eq, %iota3A_47, %eq3A_1374 : vector<128x128xi32>
    %convert_element_type3A_1376 = arith.extui %eq3A_1375 : vector<128x128xi1> to vector<128x128xi32>
    %convert_element_type3A_1377 = arith.sitofp %convert_element_type3A_1376 : vector<128x128xi32> to vector<128x128xf32>
    %convert_element_type3A_1378 = arith.truncf %convert_element_type3A_1377 : vector<128x128xf32> to vector<128x128xbf16>
    %dot_general3A_1379 = arith.constant dense<0.000000e+00> : vector<80x128xf32>
    %dot_general3A_1380 = tpu.matmul %convert_element_type3A_1372, %convert_element_type3A_1378, %dot_general3A_1379 {dimension_numbers = #tpu.dot_dimension_numbers<[1], [1], [0], [0], [0, 0, 1, 0], [], []>, transpose_lhs_hint = false} : vector<80x128xbf16>, vector<128x128xbf16>, vector<80x128xf32> -> vector<80x128xf32>
    %add3A_1381 = arith.addf %add3A_1366, %dot_general3A_1380 : vector<80x128xf32>
    %slice3A_1382 = vector.extract_strided_slice %select_n3A {offsets = [89, 0], sizes = [1, 128], strides = [1, 1]} : vector<128x128xi32> to vector<1x128xi32>
    %eq3A_1383 = vector.broadcast %slice3A_1382 : vector<1x128xi32> to vector<80x128xi32>
    %eq3A_1384 = arith.cmpi eq, %iota3A, %eq3A_1383 : vector<80x128xi32>
    %convert_element_type3A_1385 = arith.extui %eq3A_1384 : vector<80x128xi1> to vector<80x128xi32>
    %convert_element_type3A_1386 = arith.sitofp %convert_element_type3A_1385 : vector<80x128xi32> to vector<80x128xf32>
    %convert_element_type3A_1387 = arith.truncf %convert_element_type3A_1386 : vector<80x128xf32> to vector<80x128xbf16>
    %slice3A_1388 = vector.extract_strided_slice %select_n3A_46 {offsets = [89, 0], sizes = [1, 128], strides = [1, 1]} : vector<128x128xi32> to vector<1x128xi32>
    %eq3A_1389 = vector.broadcast %slice3A_1388 : vector<1x128xi32> to vector<128x128xi32>
    %eq3A_1390 = arith.cmpi eq, %iota3A_47, %eq3A_1389 : vector<128x128xi32>
    %convert_element_type3A_1391 = arith.extui %eq3A_1390 : vector<128x128xi1> to vector<128x128xi32>
    %convert_element_type3A_1392 = arith.sitofp %convert_element_type3A_1391 : vector<128x128xi32> to vector<128x128xf32>
    %convert_element_type3A_1393 = arith.truncf %convert_element_type3A_1392 : vector<128x128xf32> to vector<128x128xbf16>
    %dot_general3A_1394 = arith.constant dense<0.000000e+00> : vector<80x128xf32>
    %dot_general3A_1395 = tpu.matmul %convert_element_type3A_1387, %convert_element_type3A_1393, %dot_general3A_1394 {dimension_numbers = #tpu.dot_dimension_numbers<[1], [1], [0], [0], [0, 0, 1, 0], [], []>, transpose_lhs_hint = false} : vector<80x128xbf16>, vector<128x128xbf16>, vector<80x128xf32> -> vector<80x128xf32>
    %add3A_1396 = arith.addf %add3A_1381, %dot_general3A_1395 : vector<80x128xf32>
    %slice3A_1397 = vector.extract_strided_slice %select_n3A {offsets = [90, 0], sizes = [1, 128], strides = [1, 1]} : vector<128x128xi32> to vector<1x128xi32>
    %eq3A_1398 = vector.broadcast %slice3A_1397 : vector<1x128xi32> to vector<80x128xi32>
    %eq3A_1399 = arith.cmpi eq, %iota3A, %eq3A_1398 : vector<80x128xi32>
    %convert_element_type3A_1400 = arith.extui %eq3A_1399 : vector<80x128xi1> to vector<80x128xi32>
    %convert_element_type3A_1401 = arith.sitofp %convert_element_type3A_1400 : vector<80x128xi32> to vector<80x128xf32>
    %convert_element_type3A_1402 = arith.truncf %convert_element_type3A_1401 : vector<80x128xf32> to vector<80x128xbf16>
    %slice3A_1403 = vector.extract_strided_slice %select_n3A_46 {offsets = [90, 0], sizes = [1, 128], strides = [1, 1]} : vector<128x128xi32> to vector<1x128xi32>
    %eq3A_1404 = vector.broadcast %slice3A_1403 : vector<1x128xi32> to vector<128x128xi32>
    %eq3A_1405 = arith.cmpi eq, %iota3A_47, %eq3A_1404 : vector<128x128xi32>
    %convert_element_type3A_1406 = arith.extui %eq3A_1405 : vector<128x128xi1> to vector<128x128xi32>
    %convert_element_type3A_1407 = arith.sitofp %convert_element_type3A_1406 : vector<128x128xi32> to vector<128x128xf32>
    %convert_element_type3A_1408 = arith.truncf %convert_element_type3A_1407 : vector<128x128xf32> to vector<128x128xbf16>
    %dot_general3A_1409 = arith.constant dense<0.000000e+00> : vector<80x128xf32>
    %dot_general3A_1410 = tpu.matmul %convert_element_type3A_1402, %convert_element_type3A_1408, %dot_general3A_1409 {dimension_numbers = #tpu.dot_dimension_numbers<[1], [1], [0], [0], [0, 0, 1, 0], [], []>, transpose_lhs_hint = false} : vector<80x128xbf16>, vector<128x128xbf16>, vector<80x128xf32> -> vector<80x128xf32>
    %add3A_1411 = arith.addf %add3A_1396, %dot_general3A_1410 : vector<80x128xf32>
    %slice3A_1412 = vector.extract_strided_slice %select_n3A {offsets = [91, 0], sizes = [1, 128], strides = [1, 1]} : vector<128x128xi32> to vector<1x128xi32>
    %eq3A_1413 = vector.broadcast %slice3A_1412 : vector<1x128xi32> to vector<80x128xi32>
    %eq3A_1414 = arith.cmpi eq, %iota3A, %eq3A_1413 : vector<80x128xi32>
    %convert_element_type3A_1415 = arith.extui %eq3A_1414 : vector<80x128xi1> to vector<80x128xi32>
    %convert_element_type3A_1416 = arith.sitofp %convert_element_type3A_1415 : vector<80x128xi32> to vector<80x128xf32>
    %convert_element_type3A_1417 = arith.truncf %convert_element_type3A_1416 : vector<80x128xf32> to vector<80x128xbf16>
    %slice3A_1418 = vector.extract_strided_slice %select_n3A_46 {offsets = [91, 0], sizes = [1, 128], strides = [1, 1]} : vector<128x128xi32> to vector<1x128xi32>
    %eq3A_1419 = vector.broadcast %slice3A_1418 : vector<1x128xi32> to vector<128x128xi32>
    %eq3A_1420 = arith.cmpi eq, %iota3A_47, %eq3A_1419 : vector<128x128xi32>
    %convert_element_type3A_1421 = arith.extui %eq3A_1420 : vector<128x128xi1> to vector<128x128xi32>
    %convert_element_type3A_1422 = arith.sitofp %convert_element_type3A_1421 : vector<128x128xi32> to vector<128x128xf32>
    %convert_element_type3A_1423 = arith.truncf %convert_element_type3A_1422 : vector<128x128xf32> to vector<128x128xbf16>
    %dot_general3A_1424 = arith.constant dense<0.000000e+00> : vector<80x128xf32>
    %dot_general3A_1425 = tpu.matmul %convert_element_type3A_1417, %convert_element_type3A_1423, %dot_general3A_1424 {dimension_numbers = #tpu.dot_dimension_numbers<[1], [1], [0], [0], [0, 0, 1, 0], [], []>, transpose_lhs_hint = false} : vector<80x128xbf16>, vector<128x128xbf16>, vector<80x128xf32> -> vector<80x128xf32>
    %add3A_1426 = arith.addf %add3A_1411, %dot_general3A_1425 : vector<80x128xf32>
    %slice3A_1427 = vector.extract_strided_slice %select_n3A {offsets = [92, 0], sizes = [1, 128], strides = [1, 1]} : vector<128x128xi32> to vector<1x128xi32>
    %eq3A_1428 = vector.broadcast %slice3A_1427 : vector<1x128xi32> to vector<80x128xi32>
    %eq3A_1429 = arith.cmpi eq, %iota3A, %eq3A_1428 : vector<80x128xi32>
    %convert_element_type3A_1430 = arith.extui %eq3A_1429 : vector<80x128xi1> to vector<80x128xi32>
    %convert_element_type3A_1431 = arith.sitofp %convert_element_type3A_1430 : vector<80x128xi32> to vector<80x128xf32>
    %convert_element_type3A_1432 = arith.truncf %convert_element_type3A_1431 : vector<80x128xf32> to vector<80x128xbf16>
    %slice3A_1433 = vector.extract_strided_slice %select_n3A_46 {offsets = [92, 0], sizes = [1, 128], strides = [1, 1]} : vector<128x128xi32> to vector<1x128xi32>
    %eq3A_1434 = vector.broadcast %slice3A_1433 : vector<1x128xi32> to vector<128x128xi32>
    %eq3A_1435 = arith.cmpi eq, %iota3A_47, %eq3A_1434 : vector<128x128xi32>
    %convert_element_type3A_1436 = arith.extui %eq3A_1435 : vector<128x128xi1> to vector<128x128xi32>
    %convert_element_type3A_1437 = arith.sitofp %convert_element_type3A_1436 : vector<128x128xi32> to vector<128x128xf32>
    %convert_element_type3A_1438 = arith.truncf %convert_element_type3A_1437 : vector<128x128xf32> to vector<128x128xbf16>
    %dot_general3A_1439 = arith.constant dense<0.000000e+00> : vector<80x128xf32>
    %dot_general3A_1440 = tpu.matmul %convert_element_type3A_1432, %convert_element_type3A_1438, %dot_general3A_1439 {dimension_numbers = #tpu.dot_dimension_numbers<[1], [1], [0], [0], [0, 0, 1, 0], [], []>, transpose_lhs_hint = false} : vector<80x128xbf16>, vector<128x128xbf16>, vector<80x128xf32> -> vector<80x128xf32>
    %add3A_1441 = arith.addf %add3A_1426, %dot_general3A_1440 : vector<80x128xf32>
    %slice3A_1442 = vector.extract_strided_slice %select_n3A {offsets = [93, 0], sizes = [1, 128], strides = [1, 1]} : vector<128x128xi32> to vector<1x128xi32>
    %eq3A_1443 = vector.broadcast %slice3A_1442 : vector<1x128xi32> to vector<80x128xi32>
    %eq3A_1444 = arith.cmpi eq, %iota3A, %eq3A_1443 : vector<80x128xi32>
    %convert_element_type3A_1445 = arith.extui %eq3A_1444 : vector<80x128xi1> to vector<80x128xi32>
    %convert_element_type3A_1446 = arith.sitofp %convert_element_type3A_1445 : vector<80x128xi32> to vector<80x128xf32>
    %convert_element_type3A_1447 = arith.truncf %convert_element_type3A_1446 : vector<80x128xf32> to vector<80x128xbf16>
    %slice3A_1448 = vector.extract_strided_slice %select_n3A_46 {offsets = [93, 0], sizes = [1, 128], strides = [1, 1]} : vector<128x128xi32> to vector<1x128xi32>
    %eq3A_1449 = vector.broadcast %slice3A_1448 : vector<1x128xi32> to vector<128x128xi32>
    %eq3A_1450 = arith.cmpi eq, %iota3A_47, %eq3A_1449 : vector<128x128xi32>
    %convert_element_type3A_1451 = arith.extui %eq3A_1450 : vector<128x128xi1> to vector<128x128xi32>
    %convert_element_type3A_1452 = arith.sitofp %convert_element_type3A_1451 : vector<128x128xi32> to vector<128x128xf32>
    %convert_element_type3A_1453 = arith.truncf %convert_element_type3A_1452 : vector<128x128xf32> to vector<128x128xbf16>
    %dot_general3A_1454 = arith.constant dense<0.000000e+00> : vector<80x128xf32>
    %dot_general3A_1455 = tpu.matmul %convert_element_type3A_1447, %convert_element_type3A_1453, %dot_general3A_1454 {dimension_numbers = #tpu.dot_dimension_numbers<[1], [1], [0], [0], [0, 0, 1, 0], [], []>, transpose_lhs_hint = false} : vector<80x128xbf16>, vector<128x128xbf16>, vector<80x128xf32> -> vector<80x128xf32>
    %add3A_1456 = arith.addf %add3A_1441, %dot_general3A_1455 : vector<80x128xf32>
    %slice3A_1457 = vector.extract_strided_slice %select_n3A {offsets = [94, 0], sizes = [1, 128], strides = [1, 1]} : vector<128x128xi32> to vector<1x128xi32>
    %eq3A_1458 = vector.broadcast %slice3A_1457 : vector<1x128xi32> to vector<80x128xi32>
    %eq3A_1459 = arith.cmpi eq, %iota3A, %eq3A_1458 : vector<80x128xi32>
    %convert_element_type3A_1460 = arith.extui %eq3A_1459 : vector<80x128xi1> to vector<80x128xi32>
    %convert_element_type3A_1461 = arith.sitofp %convert_element_type3A_1460 : vector<80x128xi32> to vector<80x128xf32>
    %convert_element_type3A_1462 = arith.truncf %convert_element_type3A_1461 : vector<80x128xf32> to vector<80x128xbf16>
    %slice3A_1463 = vector.extract_strided_slice %select_n3A_46 {offsets = [94, 0], sizes = [1, 128], strides = [1, 1]} : vector<128x128xi32> to vector<1x128xi32>
    %eq3A_1464 = vector.broadcast %slice3A_1463 : vector<1x128xi32> to vector<128x128xi32>
    %eq3A_1465 = arith.cmpi eq, %iota3A_47, %eq3A_1464 : vector<128x128xi32>
    %convert_element_type3A_1466 = arith.extui %eq3A_1465 : vector<128x128xi1> to vector<128x128xi32>
    %convert_element_type3A_1467 = arith.sitofp %convert_element_type3A_1466 : vector<128x128xi32> to vector<128x128xf32>
    %convert_element_type3A_1468 = arith.truncf %convert_element_type3A_1467 : vector<128x128xf32> to vector<128x128xbf16>
    %dot_general3A_1469 = arith.constant dense<0.000000e+00> : vector<80x128xf32>
    %dot_general3A_1470 = tpu.matmul %convert_element_type3A_1462, %convert_element_type3A_1468, %dot_general3A_1469 {dimension_numbers = #tpu.dot_dimension_numbers<[1], [1], [0], [0], [0, 0, 1, 0], [], []>, transpose_lhs_hint = false} : vector<80x128xbf16>, vector<128x128xbf16>, vector<80x128xf32> -> vector<80x128xf32>
    %add3A_1471 = arith.addf %add3A_1456, %dot_general3A_1470 : vector<80x128xf32>
    %slice3A_1472 = vector.extract_strided_slice %select_n3A {offsets = [95, 0], sizes = [1, 128], strides = [1, 1]} : vector<128x128xi32> to vector<1x128xi32>
    %eq3A_1473 = vector.broadcast %slice3A_1472 : vector<1x128xi32> to vector<80x128xi32>
    %eq3A_1474 = arith.cmpi eq, %iota3A, %eq3A_1473 : vector<80x128xi32>
    %convert_element_type3A_1475 = arith.extui %eq3A_1474 : vector<80x128xi1> to vector<80x128xi32>
    %convert_element_type3A_1476 = arith.sitofp %convert_element_type3A_1475 : vector<80x128xi32> to vector<80x128xf32>
    %convert_element_type3A_1477 = arith.truncf %convert_element_type3A_1476 : vector<80x128xf32> to vector<80x128xbf16>
    %slice3A_1478 = vector.extract_strided_slice %select_n3A_46 {offsets = [95, 0], sizes = [1, 128], strides = [1, 1]} : vector<128x128xi32> to vector<1x128xi32>
    %eq3A_1479 = vector.broadcast %slice3A_1478 : vector<1x128xi32> to vector<128x128xi32>
    %eq3A_1480 = arith.cmpi eq, %iota3A_47, %eq3A_1479 : vector<128x128xi32>
    %convert_element_type3A_1481 = arith.extui %eq3A_1480 : vector<128x128xi1> to vector<128x128xi32>
    %convert_element_type3A_1482 = arith.sitofp %convert_element_type3A_1481 : vector<128x128xi32> to vector<128x128xf32>
    %convert_element_type3A_1483 = arith.truncf %convert_element_type3A_1482 : vector<128x128xf32> to vector<128x128xbf16>
    %dot_general3A_1484 = arith.constant dense<0.000000e+00> : vector<80x128xf32>
    %dot_general3A_1485 = tpu.matmul %convert_element_type3A_1477, %convert_element_type3A_1483, %dot_general3A_1484 {dimension_numbers = #tpu.dot_dimension_numbers<[1], [1], [0], [0], [0, 0, 1, 0], [], []>, transpose_lhs_hint = false} : vector<80x128xbf16>, vector<128x128xbf16>, vector<80x128xf32> -> vector<80x128xf32>
    %add3A_1486 = arith.addf %add3A_1471, %dot_general3A_1485 : vector<80x128xf32>
    %slice3A_1487 = vector.extract_strided_slice %select_n3A {offsets = [96, 0], sizes = [1, 128], strides = [1, 1]} : vector<128x128xi32> to vector<1x128xi32>
    %eq3A_1488 = vector.broadcast %slice3A_1487 : vector<1x128xi32> to vector<80x128xi32>
    %eq3A_1489 = arith.cmpi eq, %iota3A, %eq3A_1488 : vector<80x128xi32>
    %convert_element_type3A_1490 = arith.extui %eq3A_1489 : vector<80x128xi1> to vector<80x128xi32>
    %convert_element_type3A_1491 = arith.sitofp %convert_element_type3A_1490 : vector<80x128xi32> to vector<80x128xf32>
    %convert_element_type3A_1492 = arith.truncf %convert_element_type3A_1491 : vector<80x128xf32> to vector<80x128xbf16>
    %slice3A_1493 = vector.extract_strided_slice %select_n3A_46 {offsets = [96, 0], sizes = [1, 128], strides = [1, 1]} : vector<128x128xi32> to vector<1x128xi32>
    %eq3A_1494 = vector.broadcast %slice3A_1493 : vector<1x128xi32> to vector<128x128xi32>
    %eq3A_1495 = arith.cmpi eq, %iota3A_47, %eq3A_1494 : vector<128x128xi32>
    %convert_element_type3A_1496 = arith.extui %eq3A_1495 : vector<128x128xi1> to vector<128x128xi32>
    %convert_element_type3A_1497 = arith.sitofp %convert_element_type3A_1496 : vector<128x128xi32> to vector<128x128xf32>
    %convert_element_type3A_1498 = arith.truncf %convert_element_type3A_1497 : vector<128x128xf32> to vector<128x128xbf16>
    %dot_general3A_1499 = arith.constant dense<0.000000e+00> : vector<80x128xf32>
    %dot_general3A_1500 = tpu.matmul %convert_element_type3A_1492, %convert_element_type3A_1498, %dot_general3A_1499 {dimension_numbers = #tpu.dot_dimension_numbers<[1], [1], [0], [0], [0, 0, 1, 0], [], []>, transpose_lhs_hint = false} : vector<80x128xbf16>, vector<128x128xbf16>, vector<80x128xf32> -> vector<80x128xf32>
    %add3A_1501 = arith.addf %add3A_1486, %dot_general3A_1500 : vector<80x128xf32>
    %slice3A_1502 = vector.extract_strided_slice %select_n3A {offsets = [97, 0], sizes = [1, 128], strides = [1, 1]} : vector<128x128xi32> to vector<1x128xi32>
    %eq3A_1503 = vector.broadcast %slice3A_1502 : vector<1x128xi32> to vector<80x128xi32>
    %eq3A_1504 = arith.cmpi eq, %iota3A, %eq3A_1503 : vector<80x128xi32>
    %convert_element_type3A_1505 = arith.extui %eq3A_1504 : vector<80x128xi1> to vector<80x128xi32>
    %convert_element_type3A_1506 = arith.sitofp %convert_element_type3A_1505 : vector<80x128xi32> to vector<80x128xf32>
    %convert_element_type3A_1507 = arith.truncf %convert_element_type3A_1506 : vector<80x128xf32> to vector<80x128xbf16>
    %slice3A_1508 = vector.extract_strided_slice %select_n3A_46 {offsets = [97, 0], sizes = [1, 128], strides = [1, 1]} : vector<128x128xi32> to vector<1x128xi32>
    %eq3A_1509 = vector.broadcast %slice3A_1508 : vector<1x128xi32> to vector<128x128xi32>
    %eq3A_1510 = arith.cmpi eq, %iota3A_47, %eq3A_1509 : vector<128x128xi32>
    %convert_element_type3A_1511 = arith.extui %eq3A_1510 : vector<128x128xi1> to vector<128x128xi32>
    %convert_element_type3A_1512 = arith.sitofp %convert_element_type3A_1511 : vector<128x128xi32> to vector<128x128xf32>
    %convert_element_type3A_1513 = arith.truncf %convert_element_type3A_1512 : vector<128x128xf32> to vector<128x128xbf16>
    %dot_general3A_1514 = arith.constant dense<0.000000e+00> : vector<80x128xf32>
    %dot_general3A_1515 = tpu.matmul %convert_element_type3A_1507, %convert_element_type3A_1513, %dot_general3A_1514 {dimension_numbers = #tpu.dot_dimension_numbers<[1], [1], [0], [0], [0, 0, 1, 0], [], []>, transpose_lhs_hint = false} : vector<80x128xbf16>, vector<128x128xbf16>, vector<80x128xf32> -> vector<80x128xf32>
    %add3A_1516 = arith.addf %add3A_1501, %dot_general3A_1515 : vector<80x128xf32>
    %slice3A_1517 = vector.extract_strided_slice %select_n3A {offsets = [98, 0], sizes = [1, 128], strides = [1, 1]} : vector<128x128xi32> to vector<1x128xi32>
    %eq3A_1518 = vector.broadcast %slice3A_1517 : vector<1x128xi32> to vector<80x128xi32>
    %eq3A_1519 = arith.cmpi eq, %iota3A, %eq3A_1518 : vector<80x128xi32>
    %convert_element_type3A_1520 = arith.extui %eq3A_1519 : vector<80x128xi1> to vector<80x128xi32>
    %convert_element_type3A_1521 = arith.sitofp %convert_element_type3A_1520 : vector<80x128xi32> to vector<80x128xf32>
    %convert_element_type3A_1522 = arith.truncf %convert_element_type3A_1521 : vector<80x128xf32> to vector<80x128xbf16>
    %slice3A_1523 = vector.extract_strided_slice %select_n3A_46 {offsets = [98, 0], sizes = [1, 128], strides = [1, 1]} : vector<128x128xi32> to vector<1x128xi32>
    %eq3A_1524 = vector.broadcast %slice3A_1523 : vector<1x128xi32> to vector<128x128xi32>
    %eq3A_1525 = arith.cmpi eq, %iota3A_47, %eq3A_1524 : vector<128x128xi32>
    %convert_element_type3A_1526 = arith.extui %eq3A_1525 : vector<128x128xi1> to vector<128x128xi32>
    %convert_element_type3A_1527 = arith.sitofp %convert_element_type3A_1526 : vector<128x128xi32> to vector<128x128xf32>
    %convert_element_type3A_1528 = arith.truncf %convert_element_type3A_1527 : vector<128x128xf32> to vector<128x128xbf16>
    %dot_general3A_1529 = arith.constant dense<0.000000e+00> : vector<80x128xf32>
    %dot_general3A_1530 = tpu.matmul %convert_element_type3A_1522, %convert_element_type3A_1528, %dot_general3A_1529 {dimension_numbers = #tpu.dot_dimension_numbers<[1], [1], [0], [0], [0, 0, 1, 0], [], []>, transpose_lhs_hint = false} : vector<80x128xbf16>, vector<128x128xbf16>, vector<80x128xf32> -> vector<80x128xf32>
    %add3A_1531 = arith.addf %add3A_1516, %dot_general3A_1530 : vector<80x128xf32>
    %slice3A_1532 = vector.extract_strided_slice %select_n3A {offsets = [99, 0], sizes = [1, 128], strides = [1, 1]} : vector<128x128xi32> to vector<1x128xi32>
    %eq3A_1533 = vector.broadcast %slice3A_1532 : vector<1x128xi32> to vector<80x128xi32>
    %eq3A_1534 = arith.cmpi eq, %iota3A, %eq3A_1533 : vector<80x128xi32>
    %convert_element_type3A_1535 = arith.extui %eq3A_1534 : vector<80x128xi1> to vector<80x128xi32>
    %convert_element_type3A_1536 = arith.sitofp %convert_element_type3A_1535 : vector<80x128xi32> to vector<80x128xf32>
    %convert_element_type3A_1537 = arith.truncf %convert_element_type3A_1536 : vector<80x128xf32> to vector<80x128xbf16>
    %slice3A_1538 = vector.extract_strided_slice %select_n3A_46 {offsets = [99, 0], sizes = [1, 128], strides = [1, 1]} : vector<128x128xi32> to vector<1x128xi32>
    %eq3A_1539 = vector.broadcast %slice3A_1538 : vector<1x128xi32> to vector<128x128xi32>
    %eq3A_1540 = arith.cmpi eq, %iota3A_47, %eq3A_1539 : vector<128x128xi32>
    %convert_element_type3A_1541 = arith.extui %eq3A_1540 : vector<128x128xi1> to vector<128x128xi32>
    %convert_element_type3A_1542 = arith.sitofp %convert_element_type3A_1541 : vector<128x128xi32> to vector<128x128xf32>
    %convert_element_type3A_1543 = arith.truncf %convert_element_type3A_1542 : vector<128x128xf32> to vector<128x128xbf16>
    %dot_general3A_1544 = arith.constant dense<0.000000e+00> : vector<80x128xf32>
    %dot_general3A_1545 = tpu.matmul %convert_element_type3A_1537, %convert_element_type3A_1543, %dot_general3A_1544 {dimension_numbers = #tpu.dot_dimension_numbers<[1], [1], [0], [0], [0, 0, 1, 0], [], []>, transpose_lhs_hint = false} : vector<80x128xbf16>, vector<128x128xbf16>, vector<80x128xf32> -> vector<80x128xf32>
    %add3A_1546 = arith.addf %add3A_1531, %dot_general3A_1545 : vector<80x128xf32>
    %slice3A_1547 = vector.extract_strided_slice %select_n3A {offsets = [100, 0], sizes = [1, 128], strides = [1, 1]} : vector<128x128xi32> to vector<1x128xi32>
    %eq3A_1548 = vector.broadcast %slice3A_1547 : vector<1x128xi32> to vector<80x128xi32>
    %eq3A_1549 = arith.cmpi eq, %iota3A, %eq3A_1548 : vector<80x128xi32>
    %convert_element_type3A_1550 = arith.extui %eq3A_1549 : vector<80x128xi1> to vector<80x128xi32>
    %convert_element_type3A_1551 = arith.sitofp %convert_element_type3A_1550 : vector<80x128xi32> to vector<80x128xf32>
    %convert_element_type3A_1552 = arith.truncf %convert_element_type3A_1551 : vector<80x128xf32> to vector<80x128xbf16>
    %slice3A_1553 = vector.extract_strided_slice %select_n3A_46 {offsets = [100, 0], sizes = [1, 128], strides = [1, 1]} : vector<128x128xi32> to vector<1x128xi32>
    %eq3A_1554 = vector.broadcast %slice3A_1553 : vector<1x128xi32> to vector<128x128xi32>
    %eq3A_1555 = arith.cmpi eq, %iota3A_47, %eq3A_1554 : vector<128x128xi32>
    %convert_element_type3A_1556 = arith.extui %eq3A_1555 : vector<128x128xi1> to vector<128x128xi32>
    %convert_element_type3A_1557 = arith.sitofp %convert_element_type3A_1556 : vector<128x128xi32> to vector<128x128xf32>
    %convert_element_type3A_1558 = arith.truncf %convert_element_type3A_1557 : vector<128x128xf32> to vector<128x128xbf16>
    %dot_general3A_1559 = arith.constant dense<0.000000e+00> : vector<80x128xf32>
    %dot_general3A_1560 = tpu.matmul %convert_element_type3A_1552, %convert_element_type3A_1558, %dot_general3A_1559 {dimension_numbers = #tpu.dot_dimension_numbers<[1], [1], [0], [0], [0, 0, 1, 0], [], []>, transpose_lhs_hint = false} : vector<80x128xbf16>, vector<128x128xbf16>, vector<80x128xf32> -> vector<80x128xf32>
    %add3A_1561 = arith.addf %add3A_1546, %dot_general3A_1560 : vector<80x128xf32>
    %slice3A_1562 = vector.extract_strided_slice %select_n3A {offsets = [101, 0], sizes = [1, 128], strides = [1, 1]} : vector<128x128xi32> to vector<1x128xi32>
    %eq3A_1563 = vector.broadcast %slice3A_1562 : vector<1x128xi32> to vector<80x128xi32>
    %eq3A_1564 = arith.cmpi eq, %iota3A, %eq3A_1563 : vector<80x128xi32>
    %convert_element_type3A_1565 = arith.extui %eq3A_1564 : vector<80x128xi1> to vector<80x128xi32>
    %convert_element_type3A_1566 = arith.sitofp %convert_element_type3A_1565 : vector<80x128xi32> to vector<80x128xf32>
    %convert_element_type3A_1567 = arith.truncf %convert_element_type3A_1566 : vector<80x128xf32> to vector<80x128xbf16>
    %slice3A_1568 = vector.extract_strided_slice %select_n3A_46 {offsets = [101, 0], sizes = [1, 128], strides = [1, 1]} : vector<128x128xi32> to vector<1x128xi32>
    %eq3A_1569 = vector.broadcast %slice3A_1568 : vector<1x128xi32> to vector<128x128xi32>
    %eq3A_1570 = arith.cmpi eq, %iota3A_47, %eq3A_1569 : vector<128x128xi32>
    %convert_element_type3A_1571 = arith.extui %eq3A_1570 : vector<128x128xi1> to vector<128x128xi32>
    %convert_element_type3A_1572 = arith.sitofp %convert_element_type3A_1571 : vector<128x128xi32> to vector<128x128xf32>
    %convert_element_type3A_1573 = arith.truncf %convert_element_type3A_1572 : vector<128x128xf32> to vector<128x128xbf16>
    %dot_general3A_1574 = arith.constant dense<0.000000e+00> : vector<80x128xf32>
    %dot_general3A_1575 = tpu.matmul %convert_element_type3A_1567, %convert_element_type3A_1573, %dot_general3A_1574 {dimension_numbers = #tpu.dot_dimension_numbers<[1], [1], [0], [0], [0, 0, 1, 0], [], []>, transpose_lhs_hint = false} : vector<80x128xbf16>, vector<128x128xbf16>, vector<80x128xf32> -> vector<80x128xf32>
    %add3A_1576 = arith.addf %add3A_1561, %dot_general3A_1575 : vector<80x128xf32>
    %slice3A_1577 = vector.extract_strided_slice %select_n3A {offsets = [102, 0], sizes = [1, 128], strides = [1, 1]} : vector<128x128xi32> to vector<1x128xi32>
    %eq3A_1578 = vector.broadcast %slice3A_1577 : vector<1x128xi32> to vector<80x128xi32>
    %eq3A_1579 = arith.cmpi eq, %iota3A, %eq3A_1578 : vector<80x128xi32>
    %convert_element_type3A_1580 = arith.extui %eq3A_1579 : vector<80x128xi1> to vector<80x128xi32>
    %convert_element_type3A_1581 = arith.sitofp %convert_element_type3A_1580 : vector<80x128xi32> to vector<80x128xf32>
    %convert_element_type3A_1582 = arith.truncf %convert_element_type3A_1581 : vector<80x128xf32> to vector<80x128xbf16>
    %slice3A_1583 = vector.extract_strided_slice %select_n3A_46 {offsets = [102, 0], sizes = [1, 128], strides = [1, 1]} : vector<128x128xi32> to vector<1x128xi32>
    %eq3A_1584 = vector.broadcast %slice3A_1583 : vector<1x128xi32> to vector<128x128xi32>
    %eq3A_1585 = arith.cmpi eq, %iota3A_47, %eq3A_1584 : vector<128x128xi32>
    %convert_element_type3A_1586 = arith.extui %eq3A_1585 : vector<128x128xi1> to vector<128x128xi32>
    %convert_element_type3A_1587 = arith.sitofp %convert_element_type3A_1586 : vector<128x128xi32> to vector<128x128xf32>
    %convert_element_type3A_1588 = arith.truncf %convert_element_type3A_1587 : vector<128x128xf32> to vector<128x128xbf16>
    %dot_general3A_1589 = arith.constant dense<0.000000e+00> : vector<80x128xf32>
    %dot_general3A_1590 = tpu.matmul %convert_element_type3A_1582, %convert_element_type3A_1588, %dot_general3A_1589 {dimension_numbers = #tpu.dot_dimension_numbers<[1], [1], [0], [0], [0, 0, 1, 0], [], []>, transpose_lhs_hint = false} : vector<80x128xbf16>, vector<128x128xbf16>, vector<80x128xf32> -> vector<80x128xf32>
    %add3A_1591 = arith.addf %add3A_1576, %dot_general3A_1590 : vector<80x128xf32>
    %slice3A_1592 = vector.extract_strided_slice %select_n3A {offsets = [103, 0], sizes = [1, 128], strides = [1, 1]} : vector<128x128xi32> to vector<1x128xi32>
    %eq3A_1593 = vector.broadcast %slice3A_1592 : vector<1x128xi32> to vector<80x128xi32>
    %eq3A_1594 = arith.cmpi eq, %iota3A, %eq3A_1593 : vector<80x128xi32>
    %convert_element_type3A_1595 = arith.extui %eq3A_1594 : vector<80x128xi1> to vector<80x128xi32>
    %convert_element_type3A_1596 = arith.sitofp %convert_element_type3A_1595 : vector<80x128xi32> to vector<80x128xf32>
    %convert_element_type3A_1597 = arith.truncf %convert_element_type3A_1596 : vector<80x128xf32> to vector<80x128xbf16>
    %slice3A_1598 = vector.extract_strided_slice %select_n3A_46 {offsets = [103, 0], sizes = [1, 128], strides = [1, 1]} : vector<128x128xi32> to vector<1x128xi32>
    %eq3A_1599 = vector.broadcast %slice3A_1598 : vector<1x128xi32> to vector<128x128xi32>
    %eq3A_1600 = arith.cmpi eq, %iota3A_47, %eq3A_1599 : vector<128x128xi32>
    %convert_element_type3A_1601 = arith.extui %eq3A_1600 : vector<128x128xi1> to vector<128x128xi32>
    %convert_element_type3A_1602 = arith.sitofp %convert_element_type3A_1601 : vector<128x128xi32> to vector<128x128xf32>
    %convert_element_type3A_1603 = arith.truncf %convert_element_type3A_1602 : vector<128x128xf32> to vector<128x128xbf16>
    %dot_general3A_1604 = arith.constant dense<0.000000e+00> : vector<80x128xf32>
    %dot_general3A_1605 = tpu.matmul %convert_element_type3A_1597, %convert_element_type3A_1603, %dot_general3A_1604 {dimension_numbers = #tpu.dot_dimension_numbers<[1], [1], [0], [0], [0, 0, 1, 0], [], []>, transpose_lhs_hint = false} : vector<80x128xbf16>, vector<128x128xbf16>, vector<80x128xf32> -> vector<80x128xf32>
    %add3A_1606 = arith.addf %add3A_1591, %dot_general3A_1605 : vector<80x128xf32>
    %slice3A_1607 = vector.extract_strided_slice %select_n3A {offsets = [104, 0], sizes = [1, 128], strides = [1, 1]} : vector<128x128xi32> to vector<1x128xi32>
    %eq3A_1608 = vector.broadcast %slice3A_1607 : vector<1x128xi32> to vector<80x128xi32>
    %eq3A_1609 = arith.cmpi eq, %iota3A, %eq3A_1608 : vector<80x128xi32>
    %convert_element_type3A_1610 = arith.extui %eq3A_1609 : vector<80x128xi1> to vector<80x128xi32>
    %convert_element_type3A_1611 = arith.sitofp %convert_element_type3A_1610 : vector<80x128xi32> to vector<80x128xf32>
    %convert_element_type3A_1612 = arith.truncf %convert_element_type3A_1611 : vector<80x128xf32> to vector<80x128xbf16>
    %slice3A_1613 = vector.extract_strided_slice %select_n3A_46 {offsets = [104, 0], sizes = [1, 128], strides = [1, 1]} : vector<128x128xi32> to vector<1x128xi32>
    %eq3A_1614 = vector.broadcast %slice3A_1613 : vector<1x128xi32> to vector<128x128xi32>
    %eq3A_1615 = arith.cmpi eq, %iota3A_47, %eq3A_1614 : vector<128x128xi32>
    %convert_element_type3A_1616 = arith.extui %eq3A_1615 : vector<128x128xi1> to vector<128x128xi32>
    %convert_element_type3A_1617 = arith.sitofp %convert_element_type3A_1616 : vector<128x128xi32> to vector<128x128xf32>
    %convert_element_type3A_1618 = arith.truncf %convert_element_type3A_1617 : vector<128x128xf32> to vector<128x128xbf16>
    %dot_general3A_1619 = arith.constant dense<0.000000e+00> : vector<80x128xf32>
    %dot_general3A_1620 = tpu.matmul %convert_element_type3A_1612, %convert_element_type3A_1618, %dot_general3A_1619 {dimension_numbers = #tpu.dot_dimension_numbers<[1], [1], [0], [0], [0, 0, 1, 0], [], []>, transpose_lhs_hint = false} : vector<80x128xbf16>, vector<128x128xbf16>, vector<80x128xf32> -> vector<80x128xf32>
    %add3A_1621 = arith.addf %add3A_1606, %dot_general3A_1620 : vector<80x128xf32>
    %slice3A_1622 = vector.extract_strided_slice %select_n3A {offsets = [105, 0], sizes = [1, 128], strides = [1, 1]} : vector<128x128xi32> to vector<1x128xi32>
    %eq3A_1623 = vector.broadcast %slice3A_1622 : vector<1x128xi32> to vector<80x128xi32>
    %eq3A_1624 = arith.cmpi eq, %iota3A, %eq3A_1623 : vector<80x128xi32>
    %convert_element_type3A_1625 = arith.extui %eq3A_1624 : vector<80x128xi1> to vector<80x128xi32>
    %convert_element_type3A_1626 = arith.sitofp %convert_element_type3A_1625 : vector<80x128xi32> to vector<80x128xf32>
    %convert_element_type3A_1627 = arith.truncf %convert_element_type3A_1626 : vector<80x128xf32> to vector<80x128xbf16>
    %slice3A_1628 = vector.extract_strided_slice %select_n3A_46 {offsets = [105, 0], sizes = [1, 128], strides = [1, 1]} : vector<128x128xi32> to vector<1x128xi32>
    %eq3A_1629 = vector.broadcast %slice3A_1628 : vector<1x128xi32> to vector<128x128xi32>
    %eq3A_1630 = arith.cmpi eq, %iota3A_47, %eq3A_1629 : vector<128x128xi32>
    %convert_element_type3A_1631 = arith.extui %eq3A_1630 : vector<128x128xi1> to vector<128x128xi32>
    %convert_element_type3A_1632 = arith.sitofp %convert_element_type3A_1631 : vector<128x128xi32> to vector<128x128xf32>
    %convert_element_type3A_1633 = arith.truncf %convert_element_type3A_1632 : vector<128x128xf32> to vector<128x128xbf16>
    %dot_general3A_1634 = arith.constant dense<0.000000e+00> : vector<80x128xf32>
    %dot_general3A_1635 = tpu.matmul %convert_element_type3A_1627, %convert_element_type3A_1633, %dot_general3A_1634 {dimension_numbers = #tpu.dot_dimension_numbers<[1], [1], [0], [0], [0, 0, 1, 0], [], []>, transpose_lhs_hint = false} : vector<80x128xbf16>, vector<128x128xbf16>, vector<80x128xf32> -> vector<80x128xf32>
    %add3A_1636 = arith.addf %add3A_1621, %dot_general3A_1635 : vector<80x128xf32>
    %slice3A_1637 = vector.extract_strided_slice %select_n3A {offsets = [106, 0], sizes = [1, 128], strides = [1, 1]} : vector<128x128xi32> to vector<1x128xi32>
    %eq3A_1638 = vector.broadcast %slice3A_1637 : vector<1x128xi32> to vector<80x128xi32>
    %eq3A_1639 = arith.cmpi eq, %iota3A, %eq3A_1638 : vector<80x128xi32>
    %convert_element_type3A_1640 = arith.extui %eq3A_1639 : vector<80x128xi1> to vector<80x128xi32>
    %convert_element_type3A_1641 = arith.sitofp %convert_element_type3A_1640 : vector<80x128xi32> to vector<80x128xf32>
    %convert_element_type3A_1642 = arith.truncf %convert_element_type3A_1641 : vector<80x128xf32> to vector<80x128xbf16>
    %slice3A_1643 = vector.extract_strided_slice %select_n3A_46 {offsets = [106, 0], sizes = [1, 128], strides = [1, 1]} : vector<128x128xi32> to vector<1x128xi32>
    %eq3A_1644 = vector.broadcast %slice3A_1643 : vector<1x128xi32> to vector<128x128xi32>
    %eq3A_1645 = arith.cmpi eq, %iota3A_47, %eq3A_1644 : vector<128x128xi32>
    %convert_element_type3A_1646 = arith.extui %eq3A_1645 : vector<128x128xi1> to vector<128x128xi32>
    %convert_element_type3A_1647 = arith.sitofp %convert_element_type3A_1646 : vector<128x128xi32> to vector<128x128xf32>
    %convert_element_type3A_1648 = arith.truncf %convert_element_type3A_1647 : vector<128x128xf32> to vector<128x128xbf16>
    %dot_general3A_1649 = arith.constant dense<0.000000e+00> : vector<80x128xf32>
    %dot_general3A_1650 = tpu.matmul %convert_element_type3A_1642, %convert_element_type3A_1648, %dot_general3A_1649 {dimension_numbers = #tpu.dot_dimension_numbers<[1], [1], [0], [0], [0, 0, 1, 0], [], []>, transpose_lhs_hint = false} : vector<80x128xbf16>, vector<128x128xbf16>, vector<80x128xf32> -> vector<80x128xf32>
    %add3A_1651 = arith.addf %add3A_1636, %dot_general3A_1650 : vector<80x128xf32>
    %slice3A_1652 = vector.extract_strided_slice %select_n3A {offsets = [107, 0], sizes = [1, 128], strides = [1, 1]} : vector<128x128xi32> to vector<1x128xi32>
    %eq3A_1653 = vector.broadcast %slice3A_1652 : vector<1x128xi32> to vector<80x128xi32>
    %eq3A_1654 = arith.cmpi eq, %iota3A, %eq3A_1653 : vector<80x128xi32>
    %convert_element_type3A_1655 = arith.extui %eq3A_1654 : vector<80x128xi1> to vector<80x128xi32>
    %convert_element_type3A_1656 = arith.sitofp %convert_element_type3A_1655 : vector<80x128xi32> to vector<80x128xf32>
    %convert_element_type3A_1657 = arith.truncf %convert_element_type3A_1656 : vector<80x128xf32> to vector<80x128xbf16>
    %slice3A_1658 = vector.extract_strided_slice %select_n3A_46 {offsets = [107, 0], sizes = [1, 128], strides = [1, 1]} : vector<128x128xi32> to vector<1x128xi32>
    %eq3A_1659 = vector.broadcast %slice3A_1658 : vector<1x128xi32> to vector<128x128xi32>
    %eq3A_1660 = arith.cmpi eq, %iota3A_47, %eq3A_1659 : vector<128x128xi32>
    %convert_element_type3A_1661 = arith.extui %eq3A_1660 : vector<128x128xi1> to vector<128x128xi32>
    %convert_element_type3A_1662 = arith.sitofp %convert_element_type3A_1661 : vector<128x128xi32> to vector<128x128xf32>
    %convert_element_type3A_1663 = arith.truncf %convert_element_type3A_1662 : vector<128x128xf32> to vector<128x128xbf16>
    %dot_general3A_1664 = arith.constant dense<0.000000e+00> : vector<80x128xf32>
    %dot_general3A_1665 = tpu.matmul %convert_element_type3A_1657, %convert_element_type3A_1663, %dot_general3A_1664 {dimension_numbers = #tpu.dot_dimension_numbers<[1], [1], [0], [0], [0, 0, 1, 0], [], []>, transpose_lhs_hint = false} : vector<80x128xbf16>, vector<128x128xbf16>, vector<80x128xf32> -> vector<80x128xf32>
    %add3A_1666 = arith.addf %add3A_1651, %dot_general3A_1665 : vector<80x128xf32>
    %slice3A_1667 = vector.extract_strided_slice %select_n3A {offsets = [108, 0], sizes = [1, 128], strides = [1, 1]} : vector<128x128xi32> to vector<1x128xi32>
    %eq3A_1668 = vector.broadcast %slice3A_1667 : vector<1x128xi32> to vector<80x128xi32>
    %eq3A_1669 = arith.cmpi eq, %iota3A, %eq3A_1668 : vector<80x128xi32>
    %convert_element_type3A_1670 = arith.extui %eq3A_1669 : vector<80x128xi1> to vector<80x128xi32>
    %convert_element_type3A_1671 = arith.sitofp %convert_element_type3A_1670 : vector<80x128xi32> to vector<80x128xf32>
    %convert_element_type3A_1672 = arith.truncf %convert_element_type3A_1671 : vector<80x128xf32> to vector<80x128xbf16>
    %slice3A_1673 = vector.extract_strided_slice %select_n3A_46 {offsets = [108, 0], sizes = [1, 128], strides = [1, 1]} : vector<128x128xi32> to vector<1x128xi32>
    %eq3A_1674 = vector.broadcast %slice3A_1673 : vector<1x128xi32> to vector<128x128xi32>
    %eq3A_1675 = arith.cmpi eq, %iota3A_47, %eq3A_1674 : vector<128x128xi32>
    %convert_element_type3A_1676 = arith.extui %eq3A_1675 : vector<128x128xi1> to vector<128x128xi32>
    %convert_element_type3A_1677 = arith.sitofp %convert_element_type3A_1676 : vector<128x128xi32> to vector<128x128xf32>
    %convert_element_type3A_1678 = arith.truncf %convert_element_type3A_1677 : vector<128x128xf32> to vector<128x128xbf16>
    %dot_general3A_1679 = arith.constant dense<0.000000e+00> : vector<80x128xf32>
    %dot_general3A_1680 = tpu.matmul %convert_element_type3A_1672, %convert_element_type3A_1678, %dot_general3A_1679 {dimension_numbers = #tpu.dot_dimension_numbers<[1], [1], [0], [0], [0, 0, 1, 0], [], []>, transpose_lhs_hint = false} : vector<80x128xbf16>, vector<128x128xbf16>, vector<80x128xf32> -> vector<80x128xf32>
    %add3A_1681 = arith.addf %add3A_1666, %dot_general3A_1680 : vector<80x128xf32>
    %slice3A_1682 = vector.extract_strided_slice %select_n3A {offsets = [109, 0], sizes = [1, 128], strides = [1, 1]} : vector<128x128xi32> to vector<1x128xi32>
    %eq3A_1683 = vector.broadcast %slice3A_1682 : vector<1x128xi32> to vector<80x128xi32>
    %eq3A_1684 = arith.cmpi eq, %iota3A, %eq3A_1683 : vector<80x128xi32>
    %convert_element_type3A_1685 = arith.extui %eq3A_1684 : vector<80x128xi1> to vector<80x128xi32>
    %convert_element_type3A_1686 = arith.sitofp %convert_element_type3A_1685 : vector<80x128xi32> to vector<80x128xf32>
    %convert_element_type3A_1687 = arith.truncf %convert_element_type3A_1686 : vector<80x128xf32> to vector<80x128xbf16>
    %slice3A_1688 = vector.extract_strided_slice %select_n3A_46 {offsets = [109, 0], sizes = [1, 128], strides = [1, 1]} : vector<128x128xi32> to vector<1x128xi32>
    %eq3A_1689 = vector.broadcast %slice3A_1688 : vector<1x128xi32> to vector<128x128xi32>
    %eq3A_1690 = arith.cmpi eq, %iota3A_47, %eq3A_1689 : vector<128x128xi32>
    %convert_element_type3A_1691 = arith.extui %eq3A_1690 : vector<128x128xi1> to vector<128x128xi32>
    %convert_element_type3A_1692 = arith.sitofp %convert_element_type3A_1691 : vector<128x128xi32> to vector<128x128xf32>
    %convert_element_type3A_1693 = arith.truncf %convert_element_type3A_1692 : vector<128x128xf32> to vector<128x128xbf16>
    %dot_general3A_1694 = arith.constant dense<0.000000e+00> : vector<80x128xf32>
    %dot_general3A_1695 = tpu.matmul %convert_element_type3A_1687, %convert_element_type3A_1693, %dot_general3A_1694 {dimension_numbers = #tpu.dot_dimension_numbers<[1], [1], [0], [0], [0, 0, 1, 0], [], []>, transpose_lhs_hint = false} : vector<80x128xbf16>, vector<128x128xbf16>, vector<80x128xf32> -> vector<80x128xf32>
    %add3A_1696 = arith.addf %add3A_1681, %dot_general3A_1695 : vector<80x128xf32>
    %slice3A_1697 = vector.extract_strided_slice %select_n3A {offsets = [110, 0], sizes = [1, 128], strides = [1, 1]} : vector<128x128xi32> to vector<1x128xi32>
    %eq3A_1698 = vector.broadcast %slice3A_1697 : vector<1x128xi32> to vector<80x128xi32>
    %eq3A_1699 = arith.cmpi eq, %iota3A, %eq3A_1698 : vector<80x128xi32>
    %convert_element_type3A_1700 = arith.extui %eq3A_1699 : vector<80x128xi1> to vector<80x128xi32>
    %convert_element_type3A_1701 = arith.sitofp %convert_element_type3A_1700 : vector<80x128xi32> to vector<80x128xf32>
    %convert_element_type3A_1702 = arith.truncf %convert_element_type3A_1701 : vector<80x128xf32> to vector<80x128xbf16>
    %slice3A_1703 = vector.extract_strided_slice %select_n3A_46 {offsets = [110, 0], sizes = [1, 128], strides = [1, 1]} : vector<128x128xi32> to vector<1x128xi32>
    %eq3A_1704 = vector.broadcast %slice3A_1703 : vector<1x128xi32> to vector<128x128xi32>
    %eq3A_1705 = arith.cmpi eq, %iota3A_47, %eq3A_1704 : vector<128x128xi32>
    %convert_element_type3A_1706 = arith.extui %eq3A_1705 : vector<128x128xi1> to vector<128x128xi32>
    %convert_element_type3A_1707 = arith.sitofp %convert_element_type3A_1706 : vector<128x128xi32> to vector<128x128xf32>
    %convert_element_type3A_1708 = arith.truncf %convert_element_type3A_1707 : vector<128x128xf32> to vector<128x128xbf16>
    %dot_general3A_1709 = arith.constant dense<0.000000e+00> : vector<80x128xf32>
    %dot_general3A_1710 = tpu.matmul %convert_element_type3A_1702, %convert_element_type3A_1708, %dot_general3A_1709 {dimension_numbers = #tpu.dot_dimension_numbers<[1], [1], [0], [0], [0, 0, 1, 0], [], []>, transpose_lhs_hint = false} : vector<80x128xbf16>, vector<128x128xbf16>, vector<80x128xf32> -> vector<80x128xf32>
    %add3A_1711 = arith.addf %add3A_1696, %dot_general3A_1710 : vector<80x128xf32>
    %slice3A_1712 = vector.extract_strided_slice %select_n3A {offsets = [111, 0], sizes = [1, 128], strides = [1, 1]} : vector<128x128xi32> to vector<1x128xi32>
    %eq3A_1713 = vector.broadcast %slice3A_1712 : vector<1x128xi32> to vector<80x128xi32>
    %eq3A_1714 = arith.cmpi eq, %iota3A, %eq3A_1713 : vector<80x128xi32>
    %convert_element_type3A_1715 = arith.extui %eq3A_1714 : vector<80x128xi1> to vector<80x128xi32>
    %convert_element_type3A_1716 = arith.sitofp %convert_element_type3A_1715 : vector<80x128xi32> to vector<80x128xf32>
    %convert_element_type3A_1717 = arith.truncf %convert_element_type3A_1716 : vector<80x128xf32> to vector<80x128xbf16>
    %slice3A_1718 = vector.extract_strided_slice %select_n3A_46 {offsets = [111, 0], sizes = [1, 128], strides = [1, 1]} : vector<128x128xi32> to vector<1x128xi32>
    %eq3A_1719 = vector.broadcast %slice3A_1718 : vector<1x128xi32> to vector<128x128xi32>
    %eq3A_1720 = arith.cmpi eq, %iota3A_47, %eq3A_1719 : vector<128x128xi32>
    %convert_element_type3A_1721 = arith.extui %eq3A_1720 : vector<128x128xi1> to vector<128x128xi32>
    %convert_element_type3A_1722 = arith.sitofp %convert_element_type3A_1721 : vector<128x128xi32> to vector<128x128xf32>
    %convert_element_type3A_1723 = arith.truncf %convert_element_type3A_1722 : vector<128x128xf32> to vector<128x128xbf16>
    %dot_general3A_1724 = arith.constant dense<0.000000e+00> : vector<80x128xf32>
    %dot_general3A_1725 = tpu.matmul %convert_element_type3A_1717, %convert_element_type3A_1723, %dot_general3A_1724 {dimension_numbers = #tpu.dot_dimension_numbers<[1], [1], [0], [0], [0, 0, 1, 0], [], []>, transpose_lhs_hint = false} : vector<80x128xbf16>, vector<128x128xbf16>, vector<80x128xf32> -> vector<80x128xf32>
    %add3A_1726 = arith.addf %add3A_1711, %dot_general3A_1725 : vector<80x128xf32>
    %slice3A_1727 = vector.extract_strided_slice %select_n3A {offsets = [112, 0], sizes = [1, 128], strides = [1, 1]} : vector<128x128xi32> to vector<1x128xi32>
    %eq3A_1728 = vector.broadcast %slice3A_1727 : vector<1x128xi32> to vector<80x128xi32>
    %eq3A_1729 = arith.cmpi eq, %iota3A, %eq3A_1728 : vector<80x128xi32>
    %convert_element_type3A_1730 = arith.extui %eq3A_1729 : vector<80x128xi1> to vector<80x128xi32>
    %convert_element_type3A_1731 = arith.sitofp %convert_element_type3A_1730 : vector<80x128xi32> to vector<80x128xf32>
    %convert_element_type3A_1732 = arith.truncf %convert_element_type3A_1731 : vector<80x128xf32> to vector<80x128xbf16>
    %slice3A_1733 = vector.extract_strided_slice %select_n3A_46 {offsets = [112, 0], sizes = [1, 128], strides = [1, 1]} : vector<128x128xi32> to vector<1x128xi32>
    %eq3A_1734 = vector.broadcast %slice3A_1733 : vector<1x128xi32> to vector<128x128xi32>
    %eq3A_1735 = arith.cmpi eq, %iota3A_47, %eq3A_1734 : vector<128x128xi32>
    %convert_element_type3A_1736 = arith.extui %eq3A_1735 : vector<128x128xi1> to vector<128x128xi32>
    %convert_element_type3A_1737 = arith.sitofp %convert_element_type3A_1736 : vector<128x128xi32> to vector<128x128xf32>
    %convert_element_type3A_1738 = arith.truncf %convert_element_type3A_1737 : vector<128x128xf32> to vector<128x128xbf16>
    %dot_general3A_1739 = arith.constant dense<0.000000e+00> : vector<80x128xf32>
    %dot_general3A_1740 = tpu.matmul %convert_element_type3A_1732, %convert_element_type3A_1738, %dot_general3A_1739 {dimension_numbers = #tpu.dot_dimension_numbers<[1], [1], [0], [0], [0, 0, 1, 0], [], []>, transpose_lhs_hint = false} : vector<80x128xbf16>, vector<128x128xbf16>, vector<80x128xf32> -> vector<80x128xf32>
    %add3A_1741 = arith.addf %add3A_1726, %dot_general3A_1740 : vector<80x128xf32>
    %slice3A_1742 = vector.extract_strided_slice %select_n3A {offsets = [113, 0], sizes = [1, 128], strides = [1, 1]} : vector<128x128xi32> to vector<1x128xi32>
    %eq3A_1743 = vector.broadcast %slice3A_1742 : vector<1x128xi32> to vector<80x128xi32>
    %eq3A_1744 = arith.cmpi eq, %iota3A, %eq3A_1743 : vector<80x128xi32>
    %convert_element_type3A_1745 = arith.extui %eq3A_1744 : vector<80x128xi1> to vector<80x128xi32>
    %convert_element_type3A_1746 = arith.sitofp %convert_element_type3A_1745 : vector<80x128xi32> to vector<80x128xf32>
    %convert_element_type3A_1747 = arith.truncf %convert_element_type3A_1746 : vector<80x128xf32> to vector<80x128xbf16>
    %slice3A_1748 = vector.extract_strided_slice %select_n3A_46 {offsets = [113, 0], sizes = [1, 128], strides = [1, 1]} : vector<128x128xi32> to vector<1x128xi32>
    %eq3A_1749 = vector.broadcast %slice3A_1748 : vector<1x128xi32> to vector<128x128xi32>
    %eq3A_1750 = arith.cmpi eq, %iota3A_47, %eq3A_1749 : vector<128x128xi32>
    %convert_element_type3A_1751 = arith.extui %eq3A_1750 : vector<128x128xi1> to vector<128x128xi32>
    %convert_element_type3A_1752 = arith.sitofp %convert_element_type3A_1751 : vector<128x128xi32> to vector<128x128xf32>
    %convert_element_type3A_1753 = arith.truncf %convert_element_type3A_1752 : vector<128x128xf32> to vector<128x128xbf16>
    %dot_general3A_1754 = arith.constant dense<0.000000e+00> : vector<80x128xf32>
    %dot_general3A_1755 = tpu.matmul %convert_element_type3A_1747, %convert_element_type3A_1753, %dot_general3A_1754 {dimension_numbers = #tpu.dot_dimension_numbers<[1], [1], [0], [0], [0, 0, 1, 0], [], []>, transpose_lhs_hint = false} : vector<80x128xbf16>, vector<128x128xbf16>, vector<80x128xf32> -> vector<80x128xf32>
    %add3A_1756 = arith.addf %add3A_1741, %dot_general3A_1755 : vector<80x128xf32>
    %slice3A_1757 = vector.extract_strided_slice %select_n3A {offsets = [114, 0], sizes = [1, 128], strides = [1, 1]} : vector<128x128xi32> to vector<1x128xi32>
    %eq3A_1758 = vector.broadcast %slice3A_1757 : vector<1x128xi32> to vector<80x128xi32>
    %eq3A_1759 = arith.cmpi eq, %iota3A, %eq3A_1758 : vector<80x128xi32>
    %convert_element_type3A_1760 = arith.extui %eq3A_1759 : vector<80x128xi1> to vector<80x128xi32>
    %convert_element_type3A_1761 = arith.sitofp %convert_element_type3A_1760 : vector<80x128xi32> to vector<80x128xf32>
    %convert_element_type3A_1762 = arith.truncf %convert_element_type3A_1761 : vector<80x128xf32> to vector<80x128xbf16>
    %slice3A_1763 = vector.extract_strided_slice %select_n3A_46 {offsets = [114, 0], sizes = [1, 128], strides = [1, 1]} : vector<128x128xi32> to vector<1x128xi32>
    %eq3A_1764 = vector.broadcast %slice3A_1763 : vector<1x128xi32> to vector<128x128xi32>
    %eq3A_1765 = arith.cmpi eq, %iota3A_47, %eq3A_1764 : vector<128x128xi32>
    %convert_element_type3A_1766 = arith.extui %eq3A_1765 : vector<128x128xi1> to vector<128x128xi32>
    %convert_element_type3A_1767 = arith.sitofp %convert_element_type3A_1766 : vector<128x128xi32> to vector<128x128xf32>
    %convert_element_type3A_1768 = arith.truncf %convert_element_type3A_1767 : vector<128x128xf32> to vector<128x128xbf16>
    %dot_general3A_1769 = arith.constant dense<0.000000e+00> : vector<80x128xf32>
    %dot_general3A_1770 = tpu.matmul %convert_element_type3A_1762, %convert_element_type3A_1768, %dot_general3A_1769 {dimension_numbers = #tpu.dot_dimension_numbers<[1], [1], [0], [0], [0, 0, 1, 0], [], []>, transpose_lhs_hint = false} : vector<80x128xbf16>, vector<128x128xbf16>, vector<80x128xf32> -> vector<80x128xf32>
    %add3A_1771 = arith.addf %add3A_1756, %dot_general3A_1770 : vector<80x128xf32>
    %slice3A_1772 = vector.extract_strided_slice %select_n3A {offsets = [115, 0], sizes = [1, 128], strides = [1, 1]} : vector<128x128xi32> to vector<1x128xi32>
    %eq3A_1773 = vector.broadcast %slice3A_1772 : vector<1x128xi32> to vector<80x128xi32>
    %eq3A_1774 = arith.cmpi eq, %iota3A, %eq3A_1773 : vector<80x128xi32>
    %convert_element_type3A_1775 = arith.extui %eq3A_1774 : vector<80x128xi1> to vector<80x128xi32>
    %convert_element_type3A_1776 = arith.sitofp %convert_element_type3A_1775 : vector<80x128xi32> to vector<80x128xf32>
    %convert_element_type3A_1777 = arith.truncf %convert_element_type3A_1776 : vector<80x128xf32> to vector<80x128xbf16>
    %slice3A_1778 = vector.extract_strided_slice %select_n3A_46 {offsets = [115, 0], sizes = [1, 128], strides = [1, 1]} : vector<128x128xi32> to vector<1x128xi32>
    %eq3A_1779 = vector.broadcast %slice3A_1778 : vector<1x128xi32> to vector<128x128xi32>
    %eq3A_1780 = arith.cmpi eq, %iota3A_47, %eq3A_1779 : vector<128x128xi32>
    %convert_element_type3A_1781 = arith.extui %eq3A_1780 : vector<128x128xi1> to vector<128x128xi32>
    %convert_element_type3A_1782 = arith.sitofp %convert_element_type3A_1781 : vector<128x128xi32> to vector<128x128xf32>
    %convert_element_type3A_1783 = arith.truncf %convert_element_type3A_1782 : vector<128x128xf32> to vector<128x128xbf16>
    %dot_general3A_1784 = arith.constant dense<0.000000e+00> : vector<80x128xf32>
    %dot_general3A_1785 = tpu.matmul %convert_element_type3A_1777, %convert_element_type3A_1783, %dot_general3A_1784 {dimension_numbers = #tpu.dot_dimension_numbers<[1], [1], [0], [0], [0, 0, 1, 0], [], []>, transpose_lhs_hint = false} : vector<80x128xbf16>, vector<128x128xbf16>, vector<80x128xf32> -> vector<80x128xf32>
    %add3A_1786 = arith.addf %add3A_1771, %dot_general3A_1785 : vector<80x128xf32>
    %slice3A_1787 = vector.extract_strided_slice %select_n3A {offsets = [116, 0], sizes = [1, 128], strides = [1, 1]} : vector<128x128xi32> to vector<1x128xi32>
    %eq3A_1788 = vector.broadcast %slice3A_1787 : vector<1x128xi32> to vector<80x128xi32>
    %eq3A_1789 = arith.cmpi eq, %iota3A, %eq3A_1788 : vector<80x128xi32>
    %convert_element_type3A_1790 = arith.extui %eq3A_1789 : vector<80x128xi1> to vector<80x128xi32>
    %convert_element_type3A_1791 = arith.sitofp %convert_element_type3A_1790 : vector<80x128xi32> to vector<80x128xf32>
    %convert_element_type3A_1792 = arith.truncf %convert_element_type3A_1791 : vector<80x128xf32> to vector<80x128xbf16>
    %slice3A_1793 = vector.extract_strided_slice %select_n3A_46 {offsets = [116, 0], sizes = [1, 128], strides = [1, 1]} : vector<128x128xi32> to vector<1x128xi32>
    %eq3A_1794 = vector.broadcast %slice3A_1793 : vector<1x128xi32> to vector<128x128xi32>
    %eq3A_1795 = arith.cmpi eq, %iota3A_47, %eq3A_1794 : vector<128x128xi32>
    %convert_element_type3A_1796 = arith.extui %eq3A_1795 : vector<128x128xi1> to vector<128x128xi32>
    %convert_element_type3A_1797 = arith.sitofp %convert_element_type3A_1796 : vector<128x128xi32> to vector<128x128xf32>
    %convert_element_type3A_1798 = arith.truncf %convert_element_type3A_1797 : vector<128x128xf32> to vector<128x128xbf16>
    %dot_general3A_1799 = arith.constant dense<0.000000e+00> : vector<80x128xf32>
    %dot_general3A_1800 = tpu.matmul %convert_element_type3A_1792, %convert_element_type3A_1798, %dot_general3A_1799 {dimension_numbers = #tpu.dot_dimension_numbers<[1], [1], [0], [0], [0, 0, 1, 0], [], []>, transpose_lhs_hint = false} : vector<80x128xbf16>, vector<128x128xbf16>, vector<80x128xf32> -> vector<80x128xf32>
    %add3A_1801 = arith.addf %add3A_1786, %dot_general3A_1800 : vector<80x128xf32>
    %slice3A_1802 = vector.extract_strided_slice %select_n3A {offsets = [117, 0], sizes = [1, 128], strides = [1, 1]} : vector<128x128xi32> to vector<1x128xi32>
    %eq3A_1803 = vector.broadcast %slice3A_1802 : vector<1x128xi32> to vector<80x128xi32>
    %eq3A_1804 = arith.cmpi eq, %iota3A, %eq3A_1803 : vector<80x128xi32>
    %convert_element_type3A_1805 = arith.extui %eq3A_1804 : vector<80x128xi1> to vector<80x128xi32>
    %convert_element_type3A_1806 = arith.sitofp %convert_element_type3A_1805 : vector<80x128xi32> to vector<80x128xf32>
    %convert_element_type3A_1807 = arith.truncf %convert_element_type3A_1806 : vector<80x128xf32> to vector<80x128xbf16>
    %slice3A_1808 = vector.extract_strided_slice %select_n3A_46 {offsets = [117, 0], sizes = [1, 128], strides = [1, 1]} : vector<128x128xi32> to vector<1x128xi32>
    %eq3A_1809 = vector.broadcast %slice3A_1808 : vector<1x128xi32> to vector<128x128xi32>
    %eq3A_1810 = arith.cmpi eq, %iota3A_47, %eq3A_1809 : vector<128x128xi32>
    %convert_element_type3A_1811 = arith.extui %eq3A_1810 : vector<128x128xi1> to vector<128x128xi32>
    %convert_element_type3A_1812 = arith.sitofp %convert_element_type3A_1811 : vector<128x128xi32> to vector<128x128xf32>
    %convert_element_type3A_1813 = arith.truncf %convert_element_type3A_1812 : vector<128x128xf32> to vector<128x128xbf16>
    %dot_general3A_1814 = arith.constant dense<0.000000e+00> : vector<80x128xf32>
    %dot_general3A_1815 = tpu.matmul %convert_element_type3A_1807, %convert_element_type3A_1813, %dot_general3A_1814 {dimension_numbers = #tpu.dot_dimension_numbers<[1], [1], [0], [0], [0, 0, 1, 0], [], []>, transpose_lhs_hint = false} : vector<80x128xbf16>, vector<128x128xbf16>, vector<80x128xf32> -> vector<80x128xf32>
    %add3A_1816 = arith.addf %add3A_1801, %dot_general3A_1815 : vector<80x128xf32>
    %slice3A_1817 = vector.extract_strided_slice %select_n3A {offsets = [118, 0], sizes = [1, 128], strides = [1, 1]} : vector<128x128xi32> to vector<1x128xi32>
    %eq3A_1818 = vector.broadcast %slice3A_1817 : vector<1x128xi32> to vector<80x128xi32>
    %eq3A_1819 = arith.cmpi eq, %iota3A, %eq3A_1818 : vector<80x128xi32>
    %convert_element_type3A_1820 = arith.extui %eq3A_1819 : vector<80x128xi1> to vector<80x128xi32>
    %convert_element_type3A_1821 = arith.sitofp %convert_element_type3A_1820 : vector<80x128xi32> to vector<80x128xf32>
    %convert_element_type3A_1822 = arith.truncf %convert_element_type3A_1821 : vector<80x128xf32> to vector<80x128xbf16>
    %slice3A_1823 = vector.extract_strided_slice %select_n3A_46 {offsets = [118, 0], sizes = [1, 128], strides = [1, 1]} : vector<128x128xi32> to vector<1x128xi32>
    %eq3A_1824 = vector.broadcast %slice3A_1823 : vector<1x128xi32> to vector<128x128xi32>
    %eq3A_1825 = arith.cmpi eq, %iota3A_47, %eq3A_1824 : vector<128x128xi32>
    %convert_element_type3A_1826 = arith.extui %eq3A_1825 : vector<128x128xi1> to vector<128x128xi32>
    %convert_element_type3A_1827 = arith.sitofp %convert_element_type3A_1826 : vector<128x128xi32> to vector<128x128xf32>
    %convert_element_type3A_1828 = arith.truncf %convert_element_type3A_1827 : vector<128x128xf32> to vector<128x128xbf16>
    %dot_general3A_1829 = arith.constant dense<0.000000e+00> : vector<80x128xf32>
    %dot_general3A_1830 = tpu.matmul %convert_element_type3A_1822, %convert_element_type3A_1828, %dot_general3A_1829 {dimension_numbers = #tpu.dot_dimension_numbers<[1], [1], [0], [0], [0, 0, 1, 0], [], []>, transpose_lhs_hint = false} : vector<80x128xbf16>, vector<128x128xbf16>, vector<80x128xf32> -> vector<80x128xf32>
    %add3A_1831 = arith.addf %add3A_1816, %dot_general3A_1830 : vector<80x128xf32>
    %slice3A_1832 = vector.extract_strided_slice %select_n3A {offsets = [119, 0], sizes = [1, 128], strides = [1, 1]} : vector<128x128xi32> to vector<1x128xi32>
    %eq3A_1833 = vector.broadcast %slice3A_1832 : vector<1x128xi32> to vector<80x128xi32>
    %eq3A_1834 = arith.cmpi eq, %iota3A, %eq3A_1833 : vector<80x128xi32>
    %convert_element_type3A_1835 = arith.extui %eq3A_1834 : vector<80x128xi1> to vector<80x128xi32>
    %convert_element_type3A_1836 = arith.sitofp %convert_element_type3A_1835 : vector<80x128xi32> to vector<80x128xf32>
    %convert_element_type3A_1837 = arith.truncf %convert_element_type3A_1836 : vector<80x128xf32> to vector<80x128xbf16>
    %slice3A_1838 = vector.extract_strided_slice %select_n3A_46 {offsets = [119, 0], sizes = [1, 128], strides = [1, 1]} : vector<128x128xi32> to vector<1x128xi32>
    %eq3A_1839 = vector.broadcast %slice3A_1838 : vector<1x128xi32> to vector<128x128xi32>
    %eq3A_1840 = arith.cmpi eq, %iota3A_47, %eq3A_1839 : vector<128x128xi32>
    %convert_element_type3A_1841 = arith.extui %eq3A_1840 : vector<128x128xi1> to vector<128x128xi32>
    %convert_element_type3A_1842 = arith.sitofp %convert_element_type3A_1841 : vector<128x128xi32> to vector<128x128xf32>
    %convert_element_type3A_1843 = arith.truncf %convert_element_type3A_1842 : vector<128x128xf32> to vector<128x128xbf16>
    %dot_general3A_1844 = arith.constant dense<0.000000e+00> : vector<80x128xf32>
    %dot_general3A_1845 = tpu.matmul %convert_element_type3A_1837, %convert_element_type3A_1843, %dot_general3A_1844 {dimension_numbers = #tpu.dot_dimension_numbers<[1], [1], [0], [0], [0, 0, 1, 0], [], []>, transpose_lhs_hint = false} : vector<80x128xbf16>, vector<128x128xbf16>, vector<80x128xf32> -> vector<80x128xf32>
    %add3A_1846 = arith.addf %add3A_1831, %dot_general3A_1845 : vector<80x128xf32>
    %slice3A_1847 = vector.extract_strided_slice %select_n3A {offsets = [120, 0], sizes = [1, 128], strides = [1, 1]} : vector<128x128xi32> to vector<1x128xi32>
    %eq3A_1848 = vector.broadcast %slice3A_1847 : vector<1x128xi32> to vector<80x128xi32>
    %eq3A_1849 = arith.cmpi eq, %iota3A, %eq3A_1848 : vector<80x128xi32>
    %convert_element_type3A_1850 = arith.extui %eq3A_1849 : vector<80x128xi1> to vector<80x128xi32>
    %convert_element_type3A_1851 = arith.sitofp %convert_element_type3A_1850 : vector<80x128xi32> to vector<80x128xf32>
    %convert_element_type3A_1852 = arith.truncf %convert_element_type3A_1851 : vector<80x128xf32> to vector<80x128xbf16>
    %slice3A_1853 = vector.extract_strided_slice %select_n3A_46 {offsets = [120, 0], sizes = [1, 128], strides = [1, 1]} : vector<128x128xi32> to vector<1x128xi32>
    %eq3A_1854 = vector.broadcast %slice3A_1853 : vector<1x128xi32> to vector<128x128xi32>
    %eq3A_1855 = arith.cmpi eq, %iota3A_47, %eq3A_1854 : vector<128x128xi32>
    %convert_element_type3A_1856 = arith.extui %eq3A_1855 : vector<128x128xi1> to vector<128x128xi32>
    %convert_element_type3A_1857 = arith.sitofp %convert_element_type3A_1856 : vector<128x128xi32> to vector<128x128xf32>
    %convert_element_type3A_1858 = arith.truncf %convert_element_type3A_1857 : vector<128x128xf32> to vector<128x128xbf16>
    %dot_general3A_1859 = arith.constant dense<0.000000e+00> : vector<80x128xf32>
    %dot_general3A_1860 = tpu.matmul %convert_element_type3A_1852, %convert_element_type3A_1858, %dot_general3A_1859 {dimension_numbers = #tpu.dot_dimension_numbers<[1], [1], [0], [0], [0, 0, 1, 0], [], []>, transpose_lhs_hint = false} : vector<80x128xbf16>, vector<128x128xbf16>, vector<80x128xf32> -> vector<80x128xf32>
    %add3A_1861 = arith.addf %add3A_1846, %dot_general3A_1860 : vector<80x128xf32>
    %slice3A_1862 = vector.extract_strided_slice %select_n3A {offsets = [121, 0], sizes = [1, 128], strides = [1, 1]} : vector<128x128xi32> to vector<1x128xi32>
    %eq3A_1863 = vector.broadcast %slice3A_1862 : vector<1x128xi32> to vector<80x128xi32>
    %eq3A_1864 = arith.cmpi eq, %iota3A, %eq3A_1863 : vector<80x128xi32>
    %convert_element_type3A_1865 = arith.extui %eq3A_1864 : vector<80x128xi1> to vector<80x128xi32>
    %convert_element_type3A_1866 = arith.sitofp %convert_element_type3A_1865 : vector<80x128xi32> to vector<80x128xf32>
    %convert_element_type3A_1867 = arith.truncf %convert_element_type3A_1866 : vector<80x128xf32> to vector<80x128xbf16>
    %slice3A_1868 = vector.extract_strided_slice %select_n3A_46 {offsets = [121, 0], sizes = [1, 128], strides = [1, 1]} : vector<128x128xi32> to vector<1x128xi32>
    %eq3A_1869 = vector.broadcast %slice3A_1868 : vector<1x128xi32> to vector<128x128xi32>
    %eq3A_1870 = arith.cmpi eq, %iota3A_47, %eq3A_1869 : vector<128x128xi32>
    %convert_element_type3A_1871 = arith.extui %eq3A_1870 : vector<128x128xi1> to vector<128x128xi32>
    %convert_element_type3A_1872 = arith.sitofp %convert_element_type3A_1871 : vector<128x128xi32> to vector<128x128xf32>
    %convert_element_type3A_1873 = arith.truncf %convert_element_type3A_1872 : vector<128x128xf32> to vector<128x128xbf16>
    %dot_general3A_1874 = arith.constant dense<0.000000e+00> : vector<80x128xf32>
    %dot_general3A_1875 = tpu.matmul %convert_element_type3A_1867, %convert_element_type3A_1873, %dot_general3A_1874 {dimension_numbers = #tpu.dot_dimension_numbers<[1], [1], [0], [0], [0, 0, 1, 0], [], []>, transpose_lhs_hint = false} : vector<80x128xbf16>, vector<128x128xbf16>, vector<80x128xf32> -> vector<80x128xf32>
    %add3A_1876 = arith.addf %add3A_1861, %dot_general3A_1875 : vector<80x128xf32>
    %slice3A_1877 = vector.extract_strided_slice %select_n3A {offsets = [122, 0], sizes = [1, 128], strides = [1, 1]} : vector<128x128xi32> to vector<1x128xi32>
    %eq3A_1878 = vector.broadcast %slice3A_1877 : vector<1x128xi32> to vector<80x128xi32>
    %eq3A_1879 = arith.cmpi eq, %iota3A, %eq3A_1878 : vector<80x128xi32>
    %convert_element_type3A_1880 = arith.extui %eq3A_1879 : vector<80x128xi1> to vector<80x128xi32>
    %convert_element_type3A_1881 = arith.sitofp %convert_element_type3A_1880 : vector<80x128xi32> to vector<80x128xf32>
    %convert_element_type3A_1882 = arith.truncf %convert_element_type3A_1881 : vector<80x128xf32> to vector<80x128xbf16>
    %slice3A_1883 = vector.extract_strided_slice %select_n3A_46 {offsets = [122, 0], sizes = [1, 128], strides = [1, 1]} : vector<128x128xi32> to vector<1x128xi32>
    %eq3A_1884 = vector.broadcast %slice3A_1883 : vector<1x128xi32> to vector<128x128xi32>
    %eq3A_1885 = arith.cmpi eq, %iota3A_47, %eq3A_1884 : vector<128x128xi32>
    %convert_element_type3A_1886 = arith.extui %eq3A_1885 : vector<128x128xi1> to vector<128x128xi32>
    %convert_element_type3A_1887 = arith.sitofp %convert_element_type3A_1886 : vector<128x128xi32> to vector<128x128xf32>
    %convert_element_type3A_1888 = arith.truncf %convert_element_type3A_1887 : vector<128x128xf32> to vector<128x128xbf16>
    %dot_general3A_1889 = arith.constant dense<0.000000e+00> : vector<80x128xf32>
    %dot_general3A_1890 = tpu.matmul %convert_element_type3A_1882, %convert_element_type3A_1888, %dot_general3A_1889 {dimension_numbers = #tpu.dot_dimension_numbers<[1], [1], [0], [0], [0, 0, 1, 0], [], []>, transpose_lhs_hint = false} : vector<80x128xbf16>, vector<128x128xbf16>, vector<80x128xf32> -> vector<80x128xf32>
    %add3A_1891 = arith.addf %add3A_1876, %dot_general3A_1890 : vector<80x128xf32>
    %slice3A_1892 = vector.extract_strided_slice %select_n3A {offsets = [123, 0], sizes = [1, 128], strides = [1, 1]} : vector<128x128xi32> to vector<1x128xi32>
    %eq3A_1893 = vector.broadcast %slice3A_1892 : vector<1x128xi32> to vector<80x128xi32>
    %eq3A_1894 = arith.cmpi eq, %iota3A, %eq3A_1893 : vector<80x128xi32>
    %convert_element_type3A_1895 = arith.extui %eq3A_1894 : vector<80x128xi1> to vector<80x128xi32>
    %convert_element_type3A_1896 = arith.sitofp %convert_element_type3A_1895 : vector<80x128xi32> to vector<80x128xf32>
    %convert_element_type3A_1897 = arith.truncf %convert_element_type3A_1896 : vector<80x128xf32> to vector<80x128xbf16>
    %slice3A_1898 = vector.extract_strided_slice %select_n3A_46 {offsets = [123, 0], sizes = [1, 128], strides = [1, 1]} : vector<128x128xi32> to vector<1x128xi32>
    %eq3A_1899 = vector.broadcast %slice3A_1898 : vector<1x128xi32> to vector<128x128xi32>
    %eq3A_1900 = arith.cmpi eq, %iota3A_47, %eq3A_1899 : vector<128x128xi32>
    %convert_element_type3A_1901 = arith.extui %eq3A_1900 : vector<128x128xi1> to vector<128x128xi32>
    %convert_element_type3A_1902 = arith.sitofp %convert_element_type3A_1901 : vector<128x128xi32> to vector<128x128xf32>
    %convert_element_type3A_1903 = arith.truncf %convert_element_type3A_1902 : vector<128x128xf32> to vector<128x128xbf16>
    %dot_general3A_1904 = arith.constant dense<0.000000e+00> : vector<80x128xf32>
    %dot_general3A_1905 = tpu.matmul %convert_element_type3A_1897, %convert_element_type3A_1903, %dot_general3A_1904 {dimension_numbers = #tpu.dot_dimension_numbers<[1], [1], [0], [0], [0, 0, 1, 0], [], []>, transpose_lhs_hint = false} : vector<80x128xbf16>, vector<128x128xbf16>, vector<80x128xf32> -> vector<80x128xf32>
    %add3A_1906 = arith.addf %add3A_1891, %dot_general3A_1905 : vector<80x128xf32>
    %slice3A_1907 = vector.extract_strided_slice %select_n3A {offsets = [124, 0], sizes = [1, 128], strides = [1, 1]} : vector<128x128xi32> to vector<1x128xi32>
    %eq3A_1908 = vector.broadcast %slice3A_1907 : vector<1x128xi32> to vector<80x128xi32>
    %eq3A_1909 = arith.cmpi eq, %iota3A, %eq3A_1908 : vector<80x128xi32>
    %convert_element_type3A_1910 = arith.extui %eq3A_1909 : vector<80x128xi1> to vector<80x128xi32>
    %convert_element_type3A_1911 = arith.sitofp %convert_element_type3A_1910 : vector<80x128xi32> to vector<80x128xf32>
    %convert_element_type3A_1912 = arith.truncf %convert_element_type3A_1911 : vector<80x128xf32> to vector<80x128xbf16>
    %slice3A_1913 = vector.extract_strided_slice %select_n3A_46 {offsets = [124, 0], sizes = [1, 128], strides = [1, 1]} : vector<128x128xi32> to vector<1x128xi32>
    %eq3A_1914 = vector.broadcast %slice3A_1913 : vector<1x128xi32> to vector<128x128xi32>
    %eq3A_1915 = arith.cmpi eq, %iota3A_47, %eq3A_1914 : vector<128x128xi32>
    %convert_element_type3A_1916 = arith.extui %eq3A_1915 : vector<128x128xi1> to vector<128x128xi32>
    %convert_element_type3A_1917 = arith.sitofp %convert_element_type3A_1916 : vector<128x128xi32> to vector<128x128xf32>
    %convert_element_type3A_1918 = arith.truncf %convert_element_type3A_1917 : vector<128x128xf32> to vector<128x128xbf16>
    %dot_general3A_1919 = arith.constant dense<0.000000e+00> : vector<80x128xf32>
    %dot_general3A_1920 = tpu.matmul %convert_element_type3A_1912, %convert_element_type3A_1918, %dot_general3A_1919 {dimension_numbers = #tpu.dot_dimension_numbers<[1], [1], [0], [0], [0, 0, 1, 0], [], []>, transpose_lhs_hint = false} : vector<80x128xbf16>, vector<128x128xbf16>, vector<80x128xf32> -> vector<80x128xf32>
    %add3A_1921 = arith.addf %add3A_1906, %dot_general3A_1920 : vector<80x128xf32>
    %slice3A_1922 = vector.extract_strided_slice %select_n3A {offsets = [125, 0], sizes = [1, 128], strides = [1, 1]} : vector<128x128xi32> to vector<1x128xi32>
    %eq3A_1923 = vector.broadcast %slice3A_1922 : vector<1x128xi32> to vector<80x128xi32>
    %eq3A_1924 = arith.cmpi eq, %iota3A, %eq3A_1923 : vector<80x128xi32>
    %convert_element_type3A_1925 = arith.extui %eq3A_1924 : vector<80x128xi1> to vector<80x128xi32>
    %convert_element_type3A_1926 = arith.sitofp %convert_element_type3A_1925 : vector<80x128xi32> to vector<80x128xf32>
    %convert_element_type3A_1927 = arith.truncf %convert_element_type3A_1926 : vector<80x128xf32> to vector<80x128xbf16>
    %slice3A_1928 = vector.extract_strided_slice %select_n3A_46 {offsets = [125, 0], sizes = [1, 128], strides = [1, 1]} : vector<128x128xi32> to vector<1x128xi32>
    %eq3A_1929 = vector.broadcast %slice3A_1928 : vector<1x128xi32> to vector<128x128xi32>
    %eq3A_1930 = arith.cmpi eq, %iota3A_47, %eq3A_1929 : vector<128x128xi32>
    %convert_element_type3A_1931 = arith.extui %eq3A_1930 : vector<128x128xi1> to vector<128x128xi32>
    %convert_element_type3A_1932 = arith.sitofp %convert_element_type3A_1931 : vector<128x128xi32> to vector<128x128xf32>
    %convert_element_type3A_1933 = arith.truncf %convert_element_type3A_1932 : vector<128x128xf32> to vector<128x128xbf16>
    %dot_general3A_1934 = arith.constant dense<0.000000e+00> : vector<80x128xf32>
    %dot_general3A_1935 = tpu.matmul %convert_element_type3A_1927, %convert_element_type3A_1933, %dot_general3A_1934 {dimension_numbers = #tpu.dot_dimension_numbers<[1], [1], [0], [0], [0, 0, 1, 0], [], []>, transpose_lhs_hint = false} : vector<80x128xbf16>, vector<128x128xbf16>, vector<80x128xf32> -> vector<80x128xf32>
    %add3A_1936 = arith.addf %add3A_1921, %dot_general3A_1935 : vector<80x128xf32>
    %slice3A_1937 = vector.extract_strided_slice %select_n3A {offsets = [126, 0], sizes = [1, 128], strides = [1, 1]} : vector<128x128xi32> to vector<1x128xi32>
    %eq3A_1938 = vector.broadcast %slice3A_1937 : vector<1x128xi32> to vector<80x128xi32>
    %eq3A_1939 = arith.cmpi eq, %iota3A, %eq3A_1938 : vector<80x128xi32>
    %convert_element_type3A_1940 = arith.extui %eq3A_1939 : vector<80x128xi1> to vector<80x128xi32>
    %convert_element_type3A_1941 = arith.sitofp %convert_element_type3A_1940 : vector<80x128xi32> to vector<80x128xf32>
    %convert_element_type3A_1942 = arith.truncf %convert_element_type3A_1941 : vector<80x128xf32> to vector<80x128xbf16>
    %slice3A_1943 = vector.extract_strided_slice %select_n3A_46 {offsets = [126, 0], sizes = [1, 128], strides = [1, 1]} : vector<128x128xi32> to vector<1x128xi32>
    %eq3A_1944 = vector.broadcast %slice3A_1943 : vector<1x128xi32> to vector<128x128xi32>
    %eq3A_1945 = arith.cmpi eq, %iota3A_47, %eq3A_1944 : vector<128x128xi32>
    %convert_element_type3A_1946 = arith.extui %eq3A_1945 : vector<128x128xi1> to vector<128x128xi32>
    %convert_element_type3A_1947 = arith.sitofp %convert_element_type3A_1946 : vector<128x128xi32> to vector<128x128xf32>
    %convert_element_type3A_1948 = arith.truncf %convert_element_type3A_1947 : vector<128x128xf32> to vector<128x128xbf16>
    %dot_general3A_1949 = arith.constant dense<0.000000e+00> : vector<80x128xf32>
    %dot_general3A_1950 = tpu.matmul %convert_element_type3A_1942, %convert_element_type3A_1948, %dot_general3A_1949 {dimension_numbers = #tpu.dot_dimension_numbers<[1], [1], [0], [0], [0, 0, 1, 0], [], []>, transpose_lhs_hint = false} : vector<80x128xbf16>, vector<128x128xbf16>, vector<80x128xf32> -> vector<80x128xf32>
    %add3A_1951 = arith.addf %add3A_1936, %dot_general3A_1950 : vector<80x128xf32>
    %slice3A_1952 = vector.extract_strided_slice %select_n3A {offsets = [127, 0], sizes = [1, 128], strides = [1, 1]} : vector<128x128xi32> to vector<1x128xi32>
    %eq3A_1953 = vector.broadcast %slice3A_1952 : vector<1x128xi32> to vector<80x128xi32>
    %eq3A_1954 = arith.cmpi eq, %iota3A, %eq3A_1953 : vector<80x128xi32>
    %convert_element_type3A_1955 = arith.extui %eq3A_1954 : vector<80x128xi1> to vector<80x128xi32>
    %convert_element_type3A_1956 = arith.sitofp %convert_element_type3A_1955 : vector<80x128xi32> to vector<80x128xf32>
    %convert_element_type3A_1957 = arith.truncf %convert_element_type3A_1956 : vector<80x128xf32> to vector<80x128xbf16>
    %slice3A_1958 = vector.extract_strided_slice %select_n3A_46 {offsets = [127, 0], sizes = [1, 128], strides = [1, 1]} : vector<128x128xi32> to vector<1x128xi32>
    %eq3A_1959 = vector.broadcast %slice3A_1958 : vector<1x128xi32> to vector<128x128xi32>
    %eq3A_1960 = arith.cmpi eq, %iota3A_47, %eq3A_1959 : vector<128x128xi32>
    %convert_element_type3A_1961 = arith.extui %eq3A_1960 : vector<128x128xi1> to vector<128x128xi32>
    %convert_element_type3A_1962 = arith.sitofp %convert_element_type3A_1961 : vector<128x128xi32> to vector<128x128xf32>
    %convert_element_type3A_1963 = arith.truncf %convert_element_type3A_1962 : vector<128x128xf32> to vector<128x128xbf16>
    %dot_general3A_1964 = arith.constant dense<0.000000e+00> : vector<80x128xf32>
    %dot_general3A_1965 = tpu.matmul %convert_element_type3A_1957, %convert_element_type3A_1963, %dot_general3A_1964 {dimension_numbers = #tpu.dot_dimension_numbers<[1], [1], [0], [0], [0, 0, 1, 0], [], []>, transpose_lhs_hint = false} : vector<80x128xbf16>, vector<128x128xbf16>, vector<80x128xf32> -> vector<80x128xf32>
    %add3A_1966 = arith.addf %add3A_1951, %dot_general3A_1965 : vector<80x128xf32>
    %get3A_1967 = arith.constant 0 : index
    %get3A_1968 = arith.constant 0 : index
    %get3A_1969 = vector.load %arg2[%get3A_1967, %get3A_1968] : memref<80x128xf32, #tpu.memory_space<vmem>>, vector<80x128xf32>
    %add3A_1970 = arith.addf %get3A_1969, %add3A_1966 : vector<80x128xf32>
    %swap3A = arith.constant 0 : index
    %swap3A_1971 = arith.constant 0 : index
    %swap3A_1972 = vector.load %arg2[%swap3A, %swap3A_1971] : memref<80x128xf32, #tpu.memory_space<vmem>>, vector<80x128xf32>
    tpu.vector_store %arg2[%swap3A, %swap3A_1971], %add3A_1970 {strides = array<i32>} : memref<80x128xf32, #tpu.memory_space<vmem>>, vector<80x128xf32>,
    %eq3A_1973 = arith.constant 19 : i32
    %eq3A_1974 = arith.cmpi eq, %arg0, %eq3A_1973 : i32
    %convert_element_type3A_1975 = arith.extui %eq3A_1974 : i1 to i32
    %cond3A_1976 = arith.constant 0 : i32
    %cond3A_1977 = arith.cmpi ne, %convert_element_type3A_1975, %cond3A_1976 : i32
    scf.if %cond3A_1977 {
      %get3A_1978 = arith.constant 0 : index
      %get3A_1979 = arith.constant 0 : index
      %get3A_1980 = vector.load %arg2[%get3A_1978, %get3A_1979] : memref<80x128xf32, #tpu.memory_space<vmem>>, vector<80x128xf32>
      %max3A = arith.constant 1.000000e+00 : f32
      %max3A_1981 = vector.broadcast %max3A : f32 to vector<80x128xf32>
      %max3A_1982 = arith.maximumf %get3A_1980, %max3A_1981 : vector<80x128xf32>
      %div3A_1983 = arith.constant 1.000000e+00 : f32
      %div3A_1984 = vector.broadcast %div3A_1983 : f32 to vector<80x128xf32>
      %div3A_1985 = arith.divf %div3A_1984, %max3A_1982 : vector<80x128xf32>
      %swap3A_1986 = arith.constant 0 : index
      %swap3A_1987 = arith.constant 0 : index
      %swap3A_1988 = vector.load %arg2[%swap3A_1986, %swap3A_1987] : memref<80x128xf32, #tpu.memory_space<vmem>>, vector<80x128xf32>
      tpu.vector_store %arg2[%swap3A_1986, %swap3A_1987], %div3A_1985 {strides = array<i32>} : memref<80x128xf32, #tpu.memory_space<vmem>>, vector<80x128xf32>,
    } else {
    }
    return
  }
  func.func @transform_0(%arg0: i32) -> (i32, i32) {
    %c0_i32 = arith.constant 0 : i32
    %c0_i32_0 = arith.constant 0 : i32
    return %arg0, %c0_i32 : i32, i32
  }
  func.func @transform_1(%arg0: i32) -> (i32, i32) {
    %c0_i32 = arith.constant 0 : i32
    %c0_i32_0 = arith.constant 0 : i32
    %c0_i32_1 = arith.constant 0 : i32
    return %c0_i32, %c0_i32_0 : i32, i32
  }
}

module attributes {stable_mosaic.version = 14 : i64} {
  func.func @body(%arg0: i32, %arg1: memref<400x128xf32, #tpu.memory_space<vmem>>, %arg2: memref<400x1xf32, #tpu.memory_space<vmem>>, %arg3: memref<400x128xf32, #tpu.memory_space<vmem>>, %arg4: memref<128x128xf32, #tpu.memory_space<vmem>>, %arg5: memref<128x128xf32, #tpu.memory_space<vmem>>, %arg6: memref<1x128xf32, #tpu.memory_space<vmem>>, %arg7: memref<400x128xf32, #tpu.memory_space<vmem>>) attributes {dimension_semantics = [#tpu.dimension_semantics<arbitrary>], iteration_bounds = array<i64: 25>, scalar_prefetch = 0 : i64, scratch_operands = 0 : i64, tpu.core_type = #tpu.core_type<tc>, window_params = [{transform_indices = @transform_0, window_bounds = array<i64: 400, 128>}, {transform_indices = @transform_1, window_bounds = array<i64: 400, 1>}, {transform_indices = @transform_2, window_bounds = array<i64: 400, 128>}, {pipeline_mode = #tpu.pipeline_mode<synchronous>, transform_indices = @transform_3, window_bounds = array<i64: 128, 128>}, {pipeline_mode = #tpu.pipeline_mode<synchronous>, transform_indices = @transform_4, window_bounds = array<i64: 128, 128>}, {pipeline_mode = #tpu.pipeline_mode<synchronous>, transform_indices = @transform_5, window_bounds = array<i64: 1, 128>}, {transform_indices = @transform_6, window_bounds = array<i64: 400, 128>}]} {
    %get3A = arith.constant 0 : index
    %get3A_0 = arith.constant 0 : index
    %get3A_1 = vector.load %arg1[%get3A, %get3A_0] : memref<400x128xf32, #tpu.memory_space<vmem>>, vector<400x128xf32>
    %get3A_2 = arith.constant 0 : index
    %get3A_3 = arith.constant 0 : index
    %get3A_4 = vector.load %arg2[%get3A_2, %get3A_3] : memref<400x1xf32, #tpu.memory_space<vmem>>, vector<400x1xf32>
    %mul3A = vector.broadcast %get3A_4 : vector<400x1xf32> to vector<400x128xf32>
    %mul3A_5 = arith.mulf %get3A_1, %mul3A : vector<400x128xf32>
    %get3A_6 = arith.constant 0 : index
    %get3A_7 = arith.constant 0 : index
    %get3A_8 = vector.load %arg4[%get3A_6, %get3A_7] : memref<128x128xf32, #tpu.memory_space<vmem>>, vector<128x128xf32>
    %dot_general3A = arith.constant dense<0.000000e+00> : vector<400x128xf32>
    %dot_general3A_9 = tpu.matmul %mul3A_5, %get3A_8, %dot_general3A {dimension_numbers = #tpu.dot_dimension_numbers<[1], [1], [0], [0], [0, 0, 1, 0], [], []>, transpose_lhs_hint = false} : vector<400x128xf32>, vector<128x128xf32>, vector<400x128xf32> -> vector<400x128xf32>
    %get3A_10 = arith.constant 0 : index
    %get3A_11 = arith.constant 0 : index
    %get3A_12 = vector.load %arg3[%get3A_10, %get3A_11] : memref<400x128xf32, #tpu.memory_space<vmem>>, vector<400x128xf32>
    %get3A_13 = arith.constant 0 : index
    %get3A_14 = arith.constant 0 : index
    %get3A_15 = vector.load %arg5[%get3A_13, %get3A_14] : memref<128x128xf32, #tpu.memory_space<vmem>>, vector<128x128xf32>
    %dot_general3A_16 = arith.constant dense<0.000000e+00> : vector<400x128xf32>
    %dot_general3A_17 = tpu.matmul %get3A_12, %get3A_15, %dot_general3A_16 {dimension_numbers = #tpu.dot_dimension_numbers<[1], [1], [0], [0], [0, 0, 1, 0], [], []>, transpose_lhs_hint = false} : vector<400x128xf32>, vector<128x128xf32>, vector<400x128xf32> -> vector<400x128xf32>
    %add3A = arith.addf %dot_general3A_9, %dot_general3A_17 : vector<400x128xf32>
    %get3A_18 = arith.constant 0 : index
    %get3A_19 = arith.constant 0 : index
    %get3A_20 = vector.load %arg6[%get3A_18, %get3A_19] : memref<1x128xf32, #tpu.memory_space<vmem>>, vector<1x128xf32>
    %add3A_21 = vector.broadcast %get3A_20 : vector<1x128xf32> to vector<400x128xf32>
    %add3A_22 = arith.addf %add3A, %add3A_21 : vector<400x128xf32>
    %swap3A = arith.constant 0 : index
    %swap3A_23 = arith.constant 0 : index
    %swap3A_24 = vector.load %arg7[%swap3A, %swap3A_23] : memref<400x128xf32, #tpu.memory_space<vmem>>, vector<400x128xf32>
    tpu.vector_store %arg7[%swap3A, %swap3A_23], %add3A_22 {strides = array<i32>} : memref<400x128xf32, #tpu.memory_space<vmem>>, vector<400x128xf32>,
    return
  }
  func.func @transform_0(%arg0: i32) -> (i32, i32) {
    %c0_i32 = arith.constant 0 : i32
    %c0_i32_0 = arith.constant 0 : i32
    return %arg0, %c0_i32 : i32, i32
  }
  func.func @transform_1(%arg0: i32) -> (i32, i32) {
    %c0_i32 = arith.constant 0 : i32
    %c0_i32_0 = arith.constant 0 : i32
    return %arg0, %c0_i32 : i32, i32
  }
  func.func @transform_2(%arg0: i32) -> (i32, i32) {
    %c0_i32 = arith.constant 0 : i32
    %c0_i32_0 = arith.constant 0 : i32
    return %arg0, %c0_i32 : i32, i32
  }
  func.func @transform_3(%arg0: i32) -> (i32, i32) {
    %c0_i32 = arith.constant 0 : i32
    %c0_i32_0 = arith.constant 0 : i32
    %c0_i32_1 = arith.constant 0 : i32
    return %c0_i32, %c0_i32_0 : i32, i32
  }
  func.func @transform_4(%arg0: i32) -> (i32, i32) {
    %c0_i32 = arith.constant 0 : i32
    %c0_i32_0 = arith.constant 0 : i32
    %c0_i32_1 = arith.constant 0 : i32
    return %c0_i32, %c0_i32_0 : i32, i32
  }
  func.func @transform_5(%arg0: i32) -> (i32, i32) {
    %c0_i32 = arith.constant 0 : i32
    %c0_i32_0 = arith.constant 0 : i32
    %c0_i32_1 = arith.constant 0 : i32
    return %c0_i32, %c0_i32_0 : i32, i32
  }
  func.func @transform_6(%arg0: i32) -> (i32, i32) {
    %c0_i32 = arith.constant 0 : i32
    %c0_i32_0 = arith.constant 0 : i32
    return %arg0, %c0_i32 : i32, i32
  }
}

</mosaic_0001>

<sc_bundles>
// kernel: kernel.5.cloned.1.call-start
scs
__scs_entry_jumppad:
0x0: {  	(pc) =	sbr.rel $0x88, $3  }
0x1: {  	(tag) =	ssettag $0x0;
	lr =	simm.s32 $0x1  }
0x2: {  	[smem:$0x3F9D] =	sst lr;
	_ =	strace $0xD0000000  }
0x3: {  	_ = 	snop  }
0x4: {  	_ = 	snop  }
0x5: {  	_ = 	snop  }
0x6: {  	_ = 	snop  }
0x7: {  	_ = 	snop  }
__scs_overlays_trampoline_lowered:
0x8: {  	[smem:$0x3FAC] =	sst s0  }
0x9: {  	[smem:$0x3FAD] =	sst s1  }
0xa: {  	[smem:$0x3FAE] =	sst s2  }
0xb: {  	[smem:$0x3FAF] =	sst s3  }
0xc: {  	[smem:$0x3FB0] =	sst s4  }
0xd: {  	[smem:$0x3FB1] =	sst s5  }
0xe: {  	[smem:$0x3FB2] =	sst s6  }
0xf: {  	[smem:$0x3FB3] =	sst s7  }
0x10: {  	[smem:$0x3FB4] =	sst s8  }
0x11: {  	[smem:$0x3FB5] =	sst s9;
	s0 =	simm.s32 @!p0 $0x0  }
0x12: {  	s1 =	sld [smem:$0x3F9B];
	s0 =	simm.s32 @p0 $0x1  }
0x13: {  	[smem:$0x3FB6] =	sst s0;
	s0 =	simm.s32 @!p1 $0x0  }
0x14: {  	s2 =	sld [smem:$0x3F9A];
	s0 =	simm.s32 @p1 $0x1  }
0x15: {  	[smem:$0x3FB7] =	sst s0;
	s0 =	simm.s32 @!p2 $0x0  }
0x16: {  	s3 =	sld [smem:$0x3FDB];
	s0 =	simm.s32 @p2 $0x1  }
0x17: {  	s4 =	simm.s32 $0x1BF5;
	[smem:$0x3FB9] =	sst s0  }
0x18: {  	s0 =	sld [smem:$0x3F9C];
	_ =	swait.ge [sflag:s4], $0x0  }
0x19: {  	s7 =	sld [smem:$0x3F9D]  }
0x1a: {  	s8 =	sadd.s32 $0xFFFFE003, lr  }
0x1b: {  	s9 =	sadd.s32 $0xFFFFFEF7, lr;
	s5 =	simm.s32 $0xFFFFFFFF;
	p2 =	slt.u32 s8, $0xFFFFF086  }
0x1c: {  	p1 =	slt.u32 s9, $0xF7A;
	s5 =	simm.s32 @!p2 $0x0  }
0x1d: {  	s5 =	simm.s32 @p1 $0x1;
	p0 =	seq.s32 s7, s2  }
0x1e: {  	s7 =	smul.u32 @!p0 $0xF7A, s2;
	p2 =	seq.s32 @!p0 s5, $0x0  }
0x1f: {  	s9 =	smul.u32 $0xF7A, s1;
	s8 =	simm.s32 @!p0 $0x1BF5;
	p2 =	por !p2, p0  }
0x20: {  	[sflag:s8] =	ssyncset.s32 @!p0 $0xFFFFF086;
	s6 =	sadd.s32 @!p0 s3, s7;
	s7 =	simm.s32 @!p0 $0x108  }
0x21: {  	s3 =	sadd.s32 s3, s9;
	s6 =	sadd.s32 @!p0 $0x88, s6;
	s7 =	simm.s32 @p2 $0x1082  }
0x22: {  	[simem:s7], [sflag:s8] =	dma.local @!p0 [hbm:s6], $0xF7A  }
0x23: {  	s9 =	sor.u32 $0xD0000000, s2;
	s6 =	simm.s32 $0x108;
	_ =	swait.ge @!p0 [sflag:s8], $0x0  }
0x24: {  	s3 =	sadd.s32 $0x88, s3;
	s6 =	simm.s32 @!p1 $0x1082;
	[sflag:s4] =	ssyncset.s32 $0xFFFFF086  }
0x25: {  	[simem:s6], [sflag:s4] =	dma.local [hbm:s3], $0xF7A  }
0x26: {  	[smem:$0x3F9D] =	sst s1;
	(tag) =	ssettag s2;
	_ =	strace s9  }
0x27: {  	s1 =	sld [smem:$0x3FAD]  }
0x28: {  	s2 =	sld [smem:$0x3FAE]  }
0x29: {  	s4 =	sld [smem:$0x3FB0]  }
0x2a: {  	p0 =	seq.s32 s5, $0x0;
	s5 =	sld [smem:$0x3FB1]  }
0x2b: {  	s6 =	sld [smem:$0x3FB2]  }
0x2c: {  	s7 =	sld [smem:$0x3FB3]  }
0x2d: {  	s3 =	simm.s32 $0x108;
	s8 =	sld [smem:$0x3FB4]  }
0x2e: {  	s3 =	simm.s32 @!p0 $0x1082;
	s9 =	sld [smem:$0x3FB5]  }
0x2f: {  	lr =	sadd.s32 s0, s3;
	s0 =	sld [smem:$0x3FAC]  }
0x30: {  	s3 =	sld [smem:$0x3FAF]  }
0x31: {  	[smem:$0x3FB8] =	sst s10  }
0x32: {  	s10 =	sld [smem:$0x3FB6];
	_ =	sdelay $0x3  }
0x33: {  	p0 =	seq.s32 s10, $0x1;
	s10 =	sld [smem:$0x3FB8];
	_ =	sdelay $0x3  }
0x34: {  	[smem:$0x3FB8] =	sst s10  }
0x35: {  	s10 =	sld [smem:$0x3FB7];
	_ =	sdelay $0x3  }
0x36: {  	p1 =	seq.s32 s10, $0x1;
	s10 =	sld [smem:$0x3FB8];
	_ =	sdelay $0x3  }
0x37: {  	[smem:$0x3FB8] =	sst s10  }
0x38: {  	s10 =	sld [smem:$0x3FB9]  }
0x39: {  	_ = 	snop;
	(pc) =	sbr.ind lr, $3  }
0x3a: {  	_ = 	snop  }
0x3b: {  	_ = 	snop  }
0x3c: {  	p2 =	seq.s32 s10, $0x1;
	s10 =	sld [smem:$0x3FB8]  }
0x3d: {  	_ =	shalt  }
0x3e: {  	_ =	shalt  }
0x3f: {  	_ =	shalt  }
0x40: {  	_ =	shalt  }
0x41: {  	_ =	shalt  }
0x42: {  	_ =	shalt  }
0x43: {  	_ =	shalt  }
0x44: {  	_ =	shalt  }
0x45: {  	_ =	shalt  }
0x46: {  	_ =	shalt  }
0x47: {  	_ =	shalt  }
0x48: {  	_ =	shalt  }
0x49: {  	_ =	shalt  }
0x4a: {  	_ =	shalt  }
0x4b: {  	_ =	shalt  }
0x4c: {  	_ =	shalt  }
0x4d: {  	_ =	shalt  }
0x4e: {  	_ =	shalt  }
0x4f: {  	_ =	shalt  }
0x50: {  	_ =	shalt  }
0x51: {  	_ =	shalt  }
0x52: {  	_ =	shalt  }
0x53: {  	_ =	shalt  }
0x54: {  	_ =	shalt  }
0x55: {  	_ =	shalt  }
0x56: {  	_ =	shalt  }
0x57: {  	_ =	shalt  }
0x58: {  	_ =	shalt  }
0x59: {  	_ =	shalt  }
0x5a: {  	_ =	shalt  }
0x5b: {  	_ =	shalt  }
0x5c: {  	_ =	shalt  }
0x5d: {  	_ =	shalt  }
0x5e: {  	_ =	shalt  }
0x5f: {  	_ =	shalt  }
0x60: {  	_ =	shalt  }
0x61: {  	_ =	shalt  }
0x62: {  	_ =	shalt  }
0x63: {  	_ =	shalt  }
0x64: {  	_ =	shalt  }
0x65: {  	_ =	shalt  }
0x66: {  	_ =	shalt  }
0x67: {  	_ =	shalt  }
0x68: {  	_ =	shalt  }
0x69: {  	_ =	shalt  }
0x6a: {  	_ =	shalt  }
0x6b: {  	_ =	shalt  }
0x6c: {  	_ =	shalt  }
0x6d: {  	_ =	shalt  }
0x6e: {  	_ =	shalt  }
0x6f: {  	_ =	shalt  }
0x70: {  	_ =	shalt  }
0x71: {  	_ =	shalt  }
0x72: {  	_ =	shalt  }
0x73: {  	_ =	shalt  }
0x74: {  	_ =	shalt  }
0x75: {  	_ =	shalt  }
0x76: {  	_ =	shalt  }
0x77: {  	_ =	shalt  }
0x78: {  	_ =	shalt  }
0x79: {  	_ =	shalt  }
0x7a: {  	_ =	shalt  }
0x7b: {  	_ =	shalt  }
0x7c: {  	_ =	shalt  }
0x7d: {  	_ =	shalt  }
0x7e: {  	_ =	shalt  }
0x7f: {  	_ =	shalt  }
0x80: {  	_ =	shalt  }
0x81: {  	_ =	shalt  }
0x82: {  	_ =	shalt  }
0x83: {  	_ =	shalt  }
0x84: {  	_ =	shalt  }
0x85: {  	_ =	shalt  }
0x86: {  	_ =	shalt  }
0x87: {  	_ =	shalt  }
.Lfunc_end0:
.L_simem_size_0:
called_computation_lowered:
.L_overlay_start_0:
0x88: {  	s2 =	sld [smem:$0x3FD9]  }
0x89: {  	s3 =	sld [smem:$0x3FFE];
	_ =	sdelay $0x1  }
0x8a: {  	s1 =	srdreg.scid  }
0x8b: {  	s0 =	sand.u32 $0x1, s1  }
0x8c: {  	s17 =	sshll.u32 s0, $0xA;
	s2 =	sadd.s32 s3, s2  }
0x8d: {  	s2 =	sadd.s32 s2, s17  }
0x8e: {  	[smem:$0x3FC4] =	sst s2  }
0x8f: {  	_ = 	snop  }
0x90: {  	s2 =	sld [smem:$0x3FC9]  }
0x91: {  	s18 =	sld [smem:$0x3FD0];
	(tm) =	ssettm $0x1  }
0x92: {  	s4 =	sld [smem:$0x3FFB];
	_ =	sdelay $0x3  }
0x93: {  	_ =	strace s4  }
0x94: {  	s4 =	sld [smem:$0x3FFC];
	_ =	sdelay $0x3  }
0x95: {  	_ =	strace s4  }
0x96: {  	s4 =	sld [smem:$0x3FFD];
	_ =	sdelay $0x3  }
0x97: {  	_ =	strace s4  }
0x98: {  	_ =	strace $0x8FFFFFFF  }
0x99: {  	s19 =	sld [smem:$0x3FDB];
	_ =	sdelay $0x1  }
0x9a: {  	s5 =	simm.s32 $_scs_section_size  }
0x9b: {  	s6 =	simm.s32 $_size__tile_overlayer_lowered;
	s7 =	simm.s32 $_tile_overlayer_lowered  }
0x9c: {  	s22 =	simm.s32 $0x1BFF;
	s21 =	sshll.u32 s7, $0x1;
	s4 =	sadd.s32 s5, s19  }
0x9d: {  	s8 =	simm.s32 $0x0;
	s20 =	sshll.u32 s6, $0x1;
	s6 =	sadd.s32 s21, s4  }
0x9e: {  	[timem:s8], [sflag:s22] =	dma.local [hbm:s6], s20  }
0x9f: {  	_ =	swait.ge [sflag:s22], s20  }
0xa0: {  	s5 =	ssub.s32 $0x0, s20;
	[sflag:s22] =	ssyncset.done $0x0  }
0xa1: {  	[sflag:s22] =	ssyncadd.s32 s5;
	_ =	sdelay $0x1  }
0xa2: {  	s23 =	simm.s32 $0x1B8B  }
0xa3: {  	_ =	swait.ge [sflag:s23], $0x1  }
0xa4: {  	[sflag:s23] =	ssyncset.done $0x0  }
0xa5: {  	s25 =	simm.s32 $0x1B8E;
	s24 =	sld [smem:$0x3FFE];
	[sflag:s23] =	ssyncadd.s32 $0xFFFFFFFF  }
0xa6: {  	s26 =	simm.s32 $execute0_lowered;
	[smem:$0x3FD2] =	sst s25  }
0xa7: {  	s6 =	sshll.u32 s26, $0x1;
	_ =	strace $0x80000046;
	[dreg:$0x1] =	wrdreg $0xFFFFFFFF  }
0xa8: {  	s28 =	simm.s32 $_size_execute0_lowered;
	s4 =	sadd.s32 s4, s6;
	[dreg:$0x0] =	wrdreg $0x0  }
0xa9: {  	s6 =	sshll.u32 s28, $0x1;
	[dreg:$0x2] =	wrdreg s4  }
0xaa: {  	[dreg:$0x3] =	wrdreg s6  }
0xab: {  	[dreg:$0x4] =	wrdreg $0xC0  }
0xac: {  	_ =	task [dreg:s8], $0x5FFFF  }
0xad: {  	[dreg:$0x1] =	wrdreg $0xFFFFFFFF  }
0xae: {  	[dreg:$0x0] =	wrdreg $0x60  }
0xaf: {  	[dreg:$0x2] =	wrdreg s2  }
0xb0: {  	[dreg:$0x3] =	wrdreg s24  }
0xb1: {  	[dreg:$0x4] =	wrdreg s18  }
0xb2: {  	[dreg:$0x5] =	wrdreg $0x13F000  }
0xb3: {  	[dreg:$0x6] =	wrdreg $0x9  }
0xb4: {  	_ =	task.clear_ibuf [dreg:s8], $0x7FFFF;
	_ =	strace $0x90000046  }
0xb5: {  	s29 =	simm.s32 $0x9;
	_ =	strace $0x80000048  }
0xb6: {  	_ =	swait.ge [sflag:s29], $0x1  }
0xb7: {  	[sflag:s29] =	ssyncadd.s32 $0xFFFFFFFF  }
0xb8: {  	_ =	strace $0x90000048  }
0xb9: {  	_ =	sfence  }
0xba: {  	s30 =	sld [smem:$0x0];
	_ =	sdelay $0x2  }
0xbb: {  	s31 =	sshll.u32 s1, $0xD;
	s1 =	sshrl.u32 s1, $0x2  }
0xbc: {  	s3 =	sand.u32 $0x4000, s31;
	s1 =	sadd.s32 s1, s30  }
0xbd: {  	s0 =	sor.u32 s3, s0;
	s1 =	sshll.u32 s1, $0x11  }
0xbe: {  	s0 =	sor.u32 s1, s0  }
0xbf: {  	s0 =	sadd.s32 $0x8F2B, s0  }
0xc0: {  	[sflag:s0] =	ssyncadd.remote.s32 $0x1  }
0xc1: {  	_ =	sfence.sel $0xFFFF  }
0xc2: {  	[dreg:$0x0] =	wrdreg $0xFFFFFFFF;
	(pc) =	sbr.abs _section_cstart, $3  }
0xc3: {  	[dreg:$0x1] =	wrdreg $0xFFFFFFFF  }
0xc4: {  	_ =	task.clear_ibuf [dreg:s8], $0x2FFFF;
	_ =	strace $0x9FFFFFFF  }
0xc5: {  	(tm) =	ssettm $0x7FFFFFFF  }
tec
execute0_lowered:
.L_overlay_start_1:
0x0: {  	(tag) =	ssettag $0x1  }
0x1: {  	s1 =	rddreg [dreg:$0x0]  }
0x2: {  	s0 =	rddreg [dreg:$0x1]  }
0x3: {  	s2 =	rddreg [dreg:$0x2]  }
0x4: {  	s7 =	stileid.u32;
	s4 =	srdreg.scid  }
0x5: {  	s3 =	rddreg [dreg:$0x3];
	s17 =	simm.s32 $0x80;
	s18 =	simm.s32 $0x5  }
0x6: {  	s21 =	simm.s32 $0x50;
	s23 =	simm.s32 $0x2900;
	s28 =	simm.s32 $0x2  }
0x7: {  	s29 =	simm.s32 $0x2880;
	s30 =	simm.s32 $0x3;
	s9 =	smul.u32 $0x9C4, s7  }
0x8: {  	s31 =	simm.s32 $0x5100;
	s20 =	simm.s32 $0x0;
	s6 =	smul.u32 $0x140, s7  }
0x9: {  	s5 =	sand.u32 $0x1, s4;
	s4 =	simm.s32 $0x0;
	s7 =	smul.u32 $0x28000, s7  }
0xa: {  	s12 =	sadd.s32 $0xA0000, s3;
	s10 =	smul.u32 $0x1400, s5;
	[smem:$0x7FF] =	sst s4  }
0xb: {  	s8 =	ssub.s32 $0x2, s5;
	_ =	strace $0x80000047;
	s11 =	sadd.s32 s9, s0  }
0xc: {  	s24 =	sshrl.u32 s7, $0x2;
	s25 =	sshrl.u32 s8, $0x1;
	[dreg:$0x5] =	wrdreg s12  }
0xd: {  	s2 =	sadd.s32 s2, s9;
	s12 =	simm.s32 $0xA200;
	s6 =	sadd.s32 s6, s10  }
0xe: {  	s5 =	sadd.s32 s24, s3;
	s16 =	ssub.s32 s8, s25;
	s11 =	sadd.s32 $0xE00, s11  }
0xf: {  	[dreg:$0x7] =	wrdreg s2;
	s24 =	simm.s32 $0x5180;
	s25 =	simm.s32 $0x1  }
0x10: {  	s2 =	simm.s32 $0x4;
	s6 =	sshll.u32 s6, $0x4;
	s7 =	sadd.s32 $0x5000, s5  }
0x11: {  	s8 =	sadd.s32 $0x7800, s5;
	[dreg:$0x6] =	wrdreg s11;
	s0 =	sadd.s32 s6, s0  }
0x12: {  	s16 =	smax.u32 s16, $0x1;
	s6 =	sadd.s32 $0x2800, s5;
	s26 =	sadd.s32 $0xAC00, s0  }
0x13: {  	s13 =	sadd.s32 $0xB100, s0;
	s14 =	sadd.s32 $0xB600, s0;
	s15 =	sadd.s32 $0xBB00, s0  }
0x14: {  	v1 =	vimm.f32 $0.0e+00;
	v0 =	vmov s10;
	s0 =	simm.s32 $0x7980;
	[dreg:$0x8] =	wrdreg s26;
	s26 =	simm.s32 $0x7A00  }
.LBB2_1:
0x15: {  	s9 =	sand.u32 $0xFE00, s4  }
0x16: {  	s10 =	sand.u32 $0x70, s4;
	s11 =	sshrl.u32 s9, $0x2  }
0x17: {  	s9 =	simm.s32 $0x40;
	s11 =	sor.u32 s10, s11;
	s10 =	simm.s32 $0x0  }
.LBB2_2:
0x18: {  	p0 =	sne.s32 s9, $0x9FC0  }
0x19: {  	[tilespmem:s11+$0x80] =	vst v1;
	s10 =	sadd.s32 $0x10, s10;
	s11 =	smov.u32 s9;
	s9 =	sadd.s32 $0x40, s9  }
.Ltmp0:
0x1a: {  	(pc) =	sbr.rel @p0 .LBB2_2-.Ltmp0, $4  }
0x1b: {  	_ = 	snop  }
0x1c: {  	s11 =	sand.u32 $0xFE00, s11  }
0x1d: {  	s19 =	sand.u32 $0x70, s10;
	s11 =	sshrl.u32 s11, $0x2  }
0x1e: {  	s11 =	sor.u32 s19, s11  }
0x1f: {  	[tilespmem:s11+$0x80] =	vst v1  }
0x20: {  	[spmem:s5] =	stream.linear.scatter [tilespmem:s17], [sflag:$0x5], $0x2800, $0x38;
	[tilespmem:$0x1DF40] =	vst v63  }
0x21: {  	_ =	swait.ge [sflag:s18], $0x2800  }
0x22: {  	[sflag:s18] =	ssyncset.done $0x0  }
0x23: {  	[sflag:s18] =	ssyncadd.s32 $0xFFFFD800  }
0x24: {  	[spmem:s6] =	stream.linear.scatter [tilespmem:s17], [sflag:$0x5], $0x2800, $0x38;
	[tilespmem:$0x1DF40] =	vst v63  }
0x25: {  	_ =	swait.ge [sflag:s18], $0x2800  }
0x26: {  	[sflag:s18] =	ssyncset.done $0x0  }
0x27: {  	[sflag:s18] =	ssyncadd.s32 $0xFFFFD800  }
0x28: {  	[spmem:s7] =	stream.linear.scatter [tilespmem:s17], [sflag:$0x5], $0x2800, $0x38;
	[tilespmem:$0x1DF40] =	vst v63  }
0x29: {  	_ =	swait.ge [sflag:s18], $0x2800  }
0x2a: {  	[sflag:s18] =	ssyncset.done $0x0  }
0x2b: {  	[sflag:s18] =	ssyncadd.s32 $0xFFFFD800  }
0x2c: {  	[spmem:s8] =	stream.linear.scatter [tilespmem:s17], [sflag:$0x5], $0x2800, $0x38;
	[tilespmem:$0x1DF40] =	vst v63  }
0x2d: {  	_ =	swait.ge [sflag:s18], $0x2800  }
0x2e: {  	[sflag:s18] =	ssyncset.done $0x0  }
0x2f: {  	s9 =	rddreg [dreg:$0x5];
	[sflag:s18] =	ssyncadd.s32 $0xFFFFD800  }
0x30: {  	[spmem:s9] =	stream.linear.scatter [tilespmem:s17], [sflag:$0x5], $0x400, $0x38;
	[tilespmem:$0x1DF40] =	vst v63  }
0x31: {  	_ =	swait.ge [sflag:s18], $0x400  }
0x32: {  	[sflag:s18] =	ssyncset.done $0x0  }
0x33: {  	[sflag:s18] =	ssyncadd.s32 $0xFFFFFC00  }
0x34: {  	[bflag:$0x0] =	sbarrier.arrive $0xFFFF  }
0x35: {  	s11 =	simm.s32 $0x0;
	s10 =	rddreg [dreg:$0x6]  }
0x36: {  	[tilespmem:s12], [sflag:$0x5] =	stream.linear.gather [hbm4b:s10+s11], $0x4E20, $0x38;
	[tilespmem:$0x1DF40] =	vst v63  }
0x37: {  	_ =	swait.ge [sflag:s18], $0x4E20  }
0x38: {  	[sflag:s18] =	ssyncset.done $0x0  }
0x39: {  	s22 =	simm.s32 $0xF080;
	s19 =	rddreg [dreg:$0x7];
	[sflag:s18] =	ssyncadd.s32 $0xFFFFB1E0  }
0x3a: {  	[tilespmem:s22], [sflag:$0x5] =	stream.linear.gather [hbm4b:s19+s11], $0x4E20, $0x38;
	[tilespmem:$0x1DF40] =	vst v63  }
0x3b: {  	_ =	swait.ge [sflag:s18], $0x4E20  }
0x3c: {  	[sflag:s18] =	ssyncset.done $0x0  }
0x3d: {  	s9 =	simm.s32 $0x0;
	s10 =	simm.s32 $0x40;
	[sflag:s18] =	ssyncadd.s32 $0xFFFFB1E0  }
.LBB2_4:
0x3e: {  	p0 =	sne.s32 s10, $0x13840;
	v2 =	vld [tilespmem:s9+$0xF080];
	_ =	sdelay $0x2  }
.Ltmp1:
0x3f: {  	(pc) =	sbr.rel @p0 .LBB2_4-.Ltmp1, $4  }
0x40: {  	_ = 	snop  }
0x41: {  	v2 =	vsub.s32 v2, v0  }
0x42: {  	v2 =	vmin.u32 v2, $0x1400  }
0x43: {  	[tilespmem:s9+$0xF080] =	vst v2;
	s9 =	sshra.s32 s10, $0x2;
	s10 =	sadd.s32 $0x40, s10  }
0x44: {  	v2 =	vld [tilespmem:s9+$0xF080];
	_ =	sdelay $0x4  }
0x45: {  	v2 =	vsub.s32 v2, v0  }
0x46: {  	v2 =	vmin.u32 v2, $0x1400  }
0x47: {  	[tilespmem:s9+$0xF080] =	vst v2  }
0x48: {  	v2 =	vld [tilespmem:$0xF080]  }
0x49: {  	v3 =	vld [tilespmem:$0xF090]  }
0x4a: {  	v4 =	vld [tilespmem:$0xF0A0]  }
0x4b: {  	v5 =	vld [tilespmem:$0xF0B0]  }
0x4c: {  	v6 =	vld [tilespmem:$0xF0C0]  }
0x4d: {  	[tilespmem:$0x0] =	vst v2  }
0x4e: {  	[tilespmem:$0x10] =	vst v3  }
0x4f: {  	[tilespmem:$0x20] =	vst v4  }
0x50: {  	[tilespmem:$0x30] =	vst v5  }
0x51: {  	[tilespmem:$0x40] =	vst v6  }
0x52: {  	[tilespmem:s17], [sflag:$0x1] =	stream.indirect.gather [hbm4b:s1+s21], $0x80, s12, s21, $0xb8;
	[tilespmem:$0x1DF40] =	vst v63  }
0x53: {  	v2 =	vld [tilespmem:$0xF0D0]  }
0x54: {  	v3 =	vld [tilespmem:$0xF0E0]  }
0x55: {  	v61 =	vld [tilespmem:$0xF0F0]  }
0x56: {  	v62 =	vld [tilespmem:$0xF100]  }
0x57: {  	v63 =	vld [tilespmem:$0xF110]  }
0x58: {  	[tilespmem:$0x2880] =	vst v2  }
0x59: {  	[tilespmem:$0x2890] =	vst v3  }
0x5a: {  	[tilespmem:$0x28A0] =	vst v61  }
0x5b: {  	[tilespmem:$0x28B0] =	vst v62  }
0x5c: {  	s19 =	simm.s32 $0xA250;
	s22 =	simm.s32 $0x0;
	[tilespmem:$0x28C0] =	vst v63  }
0x5d: {  	[tilespmem:s23], [sflag:$0x2] =	stream.indirect.gather [hbm4b:s1+s21], $0x80, s19, s21, $0xb8;
	[tilespmem:$0x1DF40] =	vst v63  }
0x5e: {  	v2 =	vld [tilespmem:s22+$0xF120];
	_ =	sdelay $0x4  }
0x5f: {  	[tilespmem:$0x5100] =	vst v2  }
0x60: {  	v2 =	vld [tilespmem:s22+$0xF130];
	_ =	sdelay $0x4  }
0x61: {  	[tilespmem:$0x5110] =	vst v2  }
0x62: {  	v2 =	vld [tilespmem:s22+$0xF140];
	_ =	sdelay $0x4  }
0x63: {  	[tilespmem:$0x5120] =	vst v2  }
0x64: {  	v2 =	vld [tilespmem:s22+$0xF150];
	_ =	sdelay $0x4  }
0x65: {  	[tilespmem:$0x5130] =	vst v2  }
0x66: {  	v2 =	vld [tilespmem:s22+$0xF160];
	_ =	sdelay $0x4  }
0x67: {  	s10 =	simm.s32 $0xA2A0;
	[tilespmem:$0x5140] =	vst v2  }
0x68: {  	[tilespmem:s24], [sflag:$0x3] =	stream.indirect.gather [hbm4b:s1+s21], $0x80, s10, s21, $0xb8;
	[tilespmem:$0x1DF40] =	vst v63  }
0x69: {  	_ =	swait.ge [sflag:s25], $0x2800  }
0x6a: {  	[sflag:s25] =	ssyncset.done $0x0  }
0x6b: {  	[sflag:s25] =	ssyncadd.s32 $0xFFFFD800  }
0x6c: {  	[spmem:s3] =	stream.indirect.scatter.add.f32 [tilespmem:s17], [sflag:$0x5], $0x80, s4, s21, $0xb8;
	[tilespmem:$0x1DF40] =	vst v63  }
0x6d: {  	_ =	swait.ge [sflag:s18], $0x2800  }
0x6e: {  	[sflag:s18] =	ssyncset.done $0x0  }
0x6f: {  	[sflag:s18] =	ssyncadd.s32 $0xFFFFD800  }
0x70: {  	v2 =	vld [tilespmem:s22+$0xF170];
	_ =	sdelay $0x3  }
0x71: {  	s12 =	simm.s32 $0x0  }
0x72: {  	s10 =	sand.u32 $0x7FC0, s12;
	[tilespmem:$0x7980] =	vst v2  }
0x73: {  	v2 =	vld [tilespmem:s10+$0xF180];
	_ =	sdelay $0x4  }
0x74: {  	[tilespmem:$0x7990] =	vst v2  }
0x75: {  	v2 =	vld [tilespmem:s22+$0xF190];
	_ =	sdelay $0x4  }
0x76: {  	[tilespmem:$0x79A0] =	vst v2  }
0x77: {  	v2 =	vld [tilespmem:s22+$0xF1A0];
	_ =	sdelay $0x4  }
0x78: {  	[tilespmem:$0x79B0] =	vst v2  }
0x79: {  	v2 =	vld [tilespmem:s22+$0xF1B0];
	_ =	sdelay $0x4  }
0x7a: {  	s11 =	simm.s32 $0xA2F0;
	[tilespmem:$0x79C0] =	vst v2  }
0x7b: {  	[tilespmem:s26], [sflag:$0x4] =	stream.indirect.gather [hbm4b:s1+s21], $0x80, s11, s21, $0xb8;
	[tilespmem:$0x1DF40] =	vst v63  }
0x7c: {  	_ =	swait.ge [sflag:s28], $0x2800  }
0x7d: {  	[sflag:s28] =	ssyncset.done $0x0  }
0x7e: {  	[sflag:s28] =	ssyncadd.s32 $0xFFFFD800  }
0x7f: {  	[spmem:s3] =	stream.indirect.scatter.add.f32 [tilespmem:s23], [sflag:$0x5], $0x80, s29, s21, $0xb8;
	[tilespmem:$0x1DF40] =	vst v63  }
0x80: {  	_ =	swait.ge [sflag:s18], $0x2800  }
0x81: {  	[sflag:s18] =	ssyncset.done $0x0  }
0x82: {  	[sflag:s18] =	ssyncadd.s32 $0xFFFFD800  }
0x83: {  	v2 =	vld [tilespmem:s22+$0xF1C0];
	_ =	sdelay $0x4  }
0x84: {  	[tilespmem:$0x0] =	vst v2  }
0x85: {  	v2 =	vld [tilespmem:s22+$0xF1D0];
	_ =	sdelay $0x4  }
0x86: {  	[tilespmem:$0x10] =	vst v2  }
0x87: {  	v2 =	vld [tilespmem:s22+$0xF1E0];
	_ =	sdelay $0x4  }
0x88: {  	[tilespmem:$0x20] =	vst v2  }
0x89: {  	v2 =	vld [tilespmem:s22+$0xF1F0];
	_ =	sdelay $0x4  }
0x8a: {  	[tilespmem:$0x30] =	vst v2  }
0x8b: {  	v2 =	vld [tilespmem:s10+$0xF200];
	_ =	sdelay $0x4  }
0x8c: {  	s19 =	simm.s32 $0xA340;
	[tilespmem:$0x40] =	vst v2  }
0x8d: {  	[tilespmem:s17], [sflag:$0x1] =	stream.indirect.gather [hbm4b:s1+s21], $0x80, s19, s21, $0xb8;
	[tilespmem:$0x1DF40] =	vst v63  }
0x8e: {  	_ =	swait.ge [sflag:s30], $0x2800  }
0x8f: {  	[sflag:s30] =	ssyncset.done $0x0  }
0x90: {  	[sflag:s30] =	ssyncadd.s32 $0xFFFFD800  }
0x91: {  	[spmem:s3] =	stream.indirect.scatter.add.f32 [tilespmem:s24], [sflag:$0x5], $0x80, s31, s21, $0xb8;
	[tilespmem:$0x1DF40] =	vst v63  }
0x92: {  	_ =	swait.ge [sflag:s18], $0x2800  }
0x93: {  	[sflag:s18] =	ssyncset.done $0x0  }
0x94: {  	[sflag:s18] =	ssyncadd.s32 $0xFFFFD800  }
0x95: {  	v2 =	vld [tilespmem:s22+$0xF210];
	_ =	sdelay $0x4  }
0x96: {  	[tilespmem:$0x2880] =	vst v2  }
0x97: {  	v2 =	vld [tilespmem:s22+$0xF220];
	_ =	sdelay $0x4  }
0x98: {  	[tilespmem:$0x2890] =	vst v2  }
0x99: {  	v2 =	vld [tilespmem:s22+$0xF230];
	_ =	sdelay $0x4  }
0x9a: {  	[tilespmem:$0x28A0] =	vst v2  }
0x9b: {  	v2 =	vld [tilespmem:s22+$0xF240];
	_ =	sdelay $0x4  }
0x9c: {  	[tilespmem:$0x28B0] =	vst v2  }
0x9d: {  	v2 =	vld [tilespmem:s22+$0xF250];
	_ =	sdelay $0x4  }
0x9e: {  	s22 =	simm.s32 $0xA390;
	[tilespmem:$0x28C0] =	vst v2  }
0x9f: {  	[tilespmem:s23], [sflag:$0x2] =	stream.indirect.gather [hbm4b:s1+s21], $0x80, s22, s21, $0xb8;
	[tilespmem:$0x1DF40] =	vst v63  }
0xa0: {  	_ =	swait.ge [sflag:s2], $0x2800  }
0xa1: {  	[sflag:s2] =	ssyncset.done $0x0  }
0xa2: {  	[sflag:s2] =	ssyncadd.s32 $0xFFFFD800  }
0xa3: {  	[spmem:s3] =	stream.indirect.scatter.add.f32 [tilespmem:s26], [sflag:$0x5], $0x80, s0, s21, $0xb8;
	[tilespmem:$0x1DF40] =	vst v63  }
0xa4: {  	s9 =	simm.s32 $0x500;
	_ =	swait.ge [sflag:s18], $0x2800  }
0xa5: {  	s11 =	simm.s32 $0xA00;
	s22 =	simm.s32 $0x140;
	[sflag:s18] =	ssyncset.done $0x0  }
.LBB2_6:
0xa6: {  	s10 =	sshra.s32 s9, $0x2  }
0xa7: {  	[sflag:s18] =	ssyncadd.s32 $0xFFFFD800;
	s9 =	smov.u32 s11;
	s19 =	sadd.s32 $0x500, s11  }
0xa8: {  	p0 =	sne.s32 s11, $0x13100;
	v2 =	vld [tilespmem:s10+$0xF120];
	_ =	sdelay $0x4  }
0xa9: {  	[tilespmem:$0x5100] =	vst v2  }
0xaa: {  	v2 =	vld [tilespmem:s10+$0xF130];
	_ =	sdelay $0x4  }
0xab: {  	[tilespmem:$0x5110] =	vst v2  }
0xac: {  	v2 =	vld [tilespmem:s10+$0xF140];
	_ =	sdelay $0x4  }
0xad: {  	[tilespmem:$0x5120] =	vst v2  }
0xae: {  	v2 =	vld [tilespmem:s10+$0xF150];
	_ =	sdelay $0x4  }
0xaf: {  	[tilespmem:$0x5130] =	vst v2  }
0xb0: {  	v2 =	vld [tilespmem:s10+$0xF160];
	_ =	sdelay $0x4  }
0xb1: {  	s11 =	sadd.s32 $0xA2A0, s10;
	[tilespmem:$0x5140] =	vst v2  }
0xb2: {  	[tilespmem:s24], [sflag:$0x3] =	stream.indirect.gather [hbm4b:s1+s21], $0x80, s11, s21, $0xb8;
	[tilespmem:$0x1DF40] =	vst v63  }
0xb3: {  	_ =	swait.ge [sflag:s25], $0x2800  }
0xb4: {  	[sflag:s25] =	ssyncset.done $0x0  }
0xb5: {  	[sflag:s25] =	ssyncadd.s32 $0xFFFFD800  }
0xb6: {  	[spmem:s3] =	stream.indirect.scatter.add.f32 [tilespmem:s17], [sflag:$0x5], $0x80, s4, s21, $0xb8;
	[tilespmem:$0x1DF40] =	vst v63  }
0xb7: {  	_ =	swait.ge [sflag:s18], $0x2800  }
0xb8: {  	[sflag:s18] =	ssyncset.done $0x0  }
0xb9: {  	[sflag:s18] =	ssyncadd.s32 $0xFFFFD800  }
0xba: {  	v2 =	vld [tilespmem:s10+$0xF170];
	_ =	sdelay $0x4  }
0xbb: {  	s11 =	sand.u32 $0x7FC0, s22;
	[tilespmem:$0x7980] =	vst v2  }
0xbc: {  	v2 =	vld [tilespmem:s11+$0xF180];
	_ =	sdelay $0x4  }
0xbd: {  	[tilespmem:$0x7990] =	vst v2  }
0xbe: {  	v2 =	vld [tilespmem:s10+$0xF190];
	_ =	sdelay $0x4  }
0xbf: {  	[tilespmem:$0x79A0] =	vst v2  }
0xc0: {  	v2 =	vld [tilespmem:s10+$0xF1A0];
	_ =	sdelay $0x4  }
0xc1: {  	[tilespmem:$0x79B0] =	vst v2  }
0xc2: {  	v2 =	vld [tilespmem:s10+$0xF1B0];
	_ =	sdelay $0x4  }
0xc3: {  	s12 =	sadd.s32 $0xA2F0, s10;
	[tilespmem:$0x79C0] =	vst v2  }
0xc4: {  	[tilespmem:s26], [sflag:$0x4] =	stream.indirect.gather [hbm4b:s1+s21], $0x80, s12, s21, $0xb8;
	[tilespmem:$0x1DF40] =	vst v63  }
0xc5: {  	_ =	swait.ge [sflag:s28], $0x2800  }
0xc6: {  	[sflag:s28] =	ssyncset.done $0x0  }
0xc7: {  	[sflag:s28] =	ssyncadd.s32 $0xFFFFD800  }
0xc8: {  	[spmem:s3] =	stream.indirect.scatter.add.f32 [tilespmem:s23], [sflag:$0x5], $0x80, s29, s21, $0xb8;
	[tilespmem:$0x1DF40] =	vst v63  }
0xc9: {  	_ =	swait.ge [sflag:s18], $0x2800  }
0xca: {  	[sflag:s18] =	ssyncset.done $0x0  }
0xcb: {  	[sflag:s18] =	ssyncadd.s32 $0xFFFFD800  }
0xcc: {  	v2 =	vld [tilespmem:s10+$0xF1C0];
	_ =	sdelay $0x4  }
0xcd: {  	[tilespmem:$0x0] =	vst v2  }
0xce: {  	v2 =	vld [tilespmem:s10+$0xF1D0];
	_ =	sdelay $0x4  }
0xcf: {  	[tilespmem:$0x10] =	vst v2  }
0xd0: {  	v2 =	vld [tilespmem:s10+$0xF1E0];
	_ =	sdelay $0x4  }
0xd1: {  	[tilespmem:$0x20] =	vst v2  }
0xd2: {  	v2 =	vld [tilespmem:s10+$0xF1F0];
	_ =	sdelay $0x4  }
0xd3: {  	[tilespmem:$0x30] =	vst v2  }
0xd4: {  	v2 =	vld [tilespmem:s11+$0xF200];
	_ =	sdelay $0x4  }
0xd5: {  	s11 =	sadd.s32 $0xA340, s10;
	[tilespmem:$0x40] =	vst v2  }
0xd6: {  	[tilespmem:s17], [sflag:$0x1] =	stream.indirect.gather [hbm4b:s1+s21], $0x80, s11, s21, $0xb8;
	[tilespmem:$0x1DF40] =	vst v63  }
0xd7: {  	_ =	swait.ge [sflag:s30], $0x2800  }
0xd8: {  	[sflag:s30] =	ssyncset.done $0x0  }
0xd9: {  	[sflag:s30] =	ssyncadd.s32 $0xFFFFD800  }
0xda: {  	[spmem:s3] =	stream.indirect.scatter.add.f32 [tilespmem:s24], [sflag:$0x5], $0x80, s31, s21, $0xb8;
	[tilespmem:$0x1DF40] =	vst v63  }
0xdb: {  	_ =	swait.ge [sflag:s18], $0x2800  }
0xdc: {  	[sflag:s18] =	ssyncset.done $0x0  }
0xdd: {  	[sflag:s18] =	ssyncadd.s32 $0xFFFFD800  }
0xde: {  	v2 =	vld [tilespmem:s10+$0xF210];
	_ =	sdelay $0x4  }
0xdf: {  	[tilespmem:$0x2880] =	vst v2  }
0xe0: {  	v2 =	vld [tilespmem:s10+$0xF220];
	_ =	sdelay $0x4  }
0xe1: {  	[tilespmem:$0x2890] =	vst v2  }
0xe2: {  	v2 =	vld [tilespmem:s10+$0xF230];
	_ =	sdelay $0x4  }
0xe3: {  	[tilespmem:$0x28A0] =	vst v2  }
0xe4: {  	v2 =	vld [tilespmem:s10+$0xF240];
	_ =	sdelay $0x4  }
0xe5: {  	[tilespmem:$0x28B0] =	vst v2  }
0xe6: {  	v2 =	vld [tilespmem:s10+$0xF250];
	_ =	sdelay $0x4  }
0xe7: {  	s10 =	sadd.s32 $0xA390, s10;
	[tilespmem:$0x28C0] =	vst v2  }
0xe8: {  	[tilespmem:s23], [sflag:$0x2] =	stream.indirect.gather [hbm4b:s1+s21], $0x80, s10, s21, $0xb8;
	[tilespmem:$0x1DF40] =	vst v63  }
0xe9: {  	_ =	swait.ge [sflag:s2], $0x2800  }
.Ltmp2:
0xea: {  	[sflag:s2] =	ssyncset.done $0x0;
	(pc) =	sbr.rel @p0 .LBB2_6-.Ltmp2, $4  }
0xeb: {  	[sflag:s2] =	ssyncadd.s32 $0xFFFFD800  }
0xec: {  	[spmem:s3] =	stream.indirect.scatter.add.f32 [tilespmem:s26], [sflag:$0x5], $0x80, s0, s21, $0xb8;
	[tilespmem:$0x1DF40] =	vst v63  }
0xed: {  	_ =	swait.ge [sflag:s18], $0x2800  }
0xee: {  	s22 =	sadd.s32 $0x140, s22;
	s11 =	smov.u32 s19;
	[sflag:s18] =	ssyncset.done $0x0  }
0xef: {  	s9 =	sshra.s32 s9, $0x2;
	[sflag:s18] =	ssyncadd.s32 $0xFFFFD800  }
0xf0: {  	v2 =	vld [tilespmem:s9+$0xF120];
	_ =	sdelay $0x4  }
0xf1: {  	[tilespmem:$0x5100] =	vst v2  }
0xf2: {  	v2 =	vld [tilespmem:s9+$0xF130];
	_ =	sdelay $0x4  }
0xf3: {  	[tilespmem:$0x5110] =	vst v2  }
0xf4: {  	v2 =	vld [tilespmem:s9+$0xF140];
	_ =	sdelay $0x4  }
0xf5: {  	[tilespmem:$0x5120] =	vst v2  }
0xf6: {  	v2 =	vld [tilespmem:s9+$0xF150];
	_ =	sdelay $0x4  }
0xf7: {  	[tilespmem:$0x5130] =	vst v2  }
0xf8: {  	v2 =	vld [tilespmem:s9+$0xF160];
	_ =	sdelay $0x4  }
0xf9: {  	s10 =	sadd.s32 $0xA2A0, s9;
	[tilespmem:$0x5140] =	vst v2  }
0xfa: {  	[tilespmem:s24], [sflag:$0x3] =	stream.indirect.gather [hbm4b:s1+s21], $0x80, s10, s21, $0xb8;
	[tilespmem:$0x1DF40] =	vst v63  }
0xfb: {  	_ =	swait.ge [sflag:s25], $0x2800  }
0xfc: {  	[sflag:s25] =	ssyncset.done $0x0  }
0xfd: {  	[sflag:s25] =	ssyncadd.s32 $0xFFFFD800  }
0xfe: {  	[spmem:s3] =	stream.indirect.scatter.add.f32 [tilespmem:s17], [sflag:$0x5], $0x80, s4, s21, $0xb8;
	[tilespmem:$0x1DF40] =	vst v63  }
0xff: {  	_ =	swait.ge [sflag:s18], $0x2800  }
0x100: {  	[sflag:s18] =	ssyncset.done $0x0  }
0x101: {  	[sflag:s18] =	ssyncadd.s32 $0xFFFFD800  }
0x102: {  	v2 =	vld [tilespmem:s9+$0xF170];
	_ =	sdelay $0x4  }
0x103: {  	s12 =	sand.u32 $0x7FC0, s22;
	[tilespmem:$0x7980] =	vst v2  }
0x104: {  	v2 =	vld [tilespmem:s12+$0xF180];
	_ =	sdelay $0x4  }
0x105: {  	[tilespmem:$0x7990] =	vst v2  }
0x106: {  	v2 =	vld [tilespmem:s9+$0xF190];
	_ =	sdelay $0x4  }
0x107: {  	[tilespmem:$0x79A0] =	vst v2  }
0x108: {  	v2 =	vld [tilespmem:s9+$0xF1A0];
	_ =	sdelay $0x4  }
0x109: {  	[tilespmem:$0x79B0] =	vst v2  }
0x10a: {  	v2 =	vld [tilespmem:s9+$0xF1B0];
	_ =	sdelay $0x4  }
0x10b: {  	s11 =	sadd.s32 $0xA2F0, s9;
	[tilespmem:$0x79C0] =	vst v2  }
0x10c: {  	[tilespmem:s26], [sflag:$0x4] =	stream.indirect.gather [hbm4b:s1+s21], $0x80, s11, s21, $0xb8;
	[tilespmem:$0x1DF40] =	vst v63  }
0x10d: {  	_ =	swait.ge [sflag:s28], $0x2800  }
0x10e: {  	[sflag:s28] =	ssyncset.done $0x0  }
0x10f: {  	[sflag:s28] =	ssyncadd.s32 $0xFFFFD800  }
0x110: {  	[spmem:s3] =	stream.indirect.scatter.add.f32 [tilespmem:s23], [sflag:$0x5], $0x80, s29, s21, $0xb8;
	[tilespmem:$0x1DF40] =	vst v63  }
0x111: {  	_ =	swait.ge [sflag:s18], $0x2800  }
0x112: {  	[sflag:s18] =	ssyncset.done $0x0  }
0x113: {  	[sflag:s18] =	ssyncadd.s32 $0xFFFFD800  }
0x114: {  	v2 =	vld [tilespmem:s9+$0xF1C0];
	_ =	sdelay $0x4  }
0x115: {  	[tilespmem:$0x0] =	vst v2  }
0x116: {  	v2 =	vld [tilespmem:s9+$0xF1D0];
	_ =	sdelay $0x4  }
0x117: {  	[tilespmem:$0x10] =	vst v2  }
0x118: {  	v2 =	vld [tilespmem:s9+$0xF1E0];
	_ =	sdelay $0x4  }
0x119: {  	[tilespmem:$0x20] =	vst v2  }
0x11a: {  	v2 =	vld [tilespmem:s9+$0xF1F0];
	_ =	sdelay $0x4  }
0x11b: {  	[tilespmem:$0x30] =	vst v2  }
0x11c: {  	v2 =	vld [tilespmem:s12+$0xF200];
	_ =	sdelay $0x4  }
0x11d: {  	s19 =	sadd.s32 $0xA340, s9;
	[tilespmem:$0x40] =	vst v2  }
0x11e: {  	[tilespmem:s17], [sflag:$0x1] =	stream.indirect.gather [hbm4b:s1+s21], $0x80, s19, s21, $0xb8;
	[tilespmem:$0x1DF40] =	vst v63  }
0x11f: {  	_ =	swait.ge [sflag:s30], $0x2800  }
0x120: {  	[sflag:s30] =	ssyncset.done $0x0  }
0x121: {  	[sflag:s30] =	ssyncadd.s32 $0xFFFFD800  }
0x122: {  	[spmem:s3] =	stream.indirect.scatter.add.f32 [tilespmem:s24], [sflag:$0x5], $0x80, s31, s21, $0xb8;
	[tilespmem:$0x1DF40] =	vst v63  }
0x123: {  	_ =	swait.ge [sflag:s18], $0x2800  }
0x124: {  	[sflag:s18] =	ssyncset.done $0x0  }
0x125: {  	[sflag:s18] =	ssyncadd.s32 $0xFFFFD800  }
0x126: {  	v2 =	vld [tilespmem:s9+$0xF210];
	_ =	sdelay $0x4  }
0x127: {  	[tilespmem:$0x2880] =	vst v2  }
0x128: {  	v2 =	vld [tilespmem:s9+$0xF220];
	_ =	sdelay $0x4  }
0x129: {  	[tilespmem:$0x2890] =	vst v2  }
0x12a: {  	v2 =	vld [tilespmem:s9+$0xF230];
	_ =	sdelay $0x4  }
0x12b: {  	[tilespmem:$0x28A0] =	vst v2  }
0x12c: {  	v2 =	vld [tilespmem:s9+$0xF240];
	_ =	sdelay $0x4  }
0x12d: {  	[tilespmem:$0x28B0] =	vst v2  }
0x12e: {  	v2 =	vld [tilespmem:s9+$0xF250];
	_ =	sdelay $0x4  }
0x12f: {  	s9 =	sadd.s32 $0xA390, s9;
	[tilespmem:$0x28C0] =	vst v2  }
0x130: {  	[tilespmem:s23], [sflag:$0x2] =	stream.indirect.gather [hbm4b:s1+s21], $0x80, s9, s21, $0xb8;
	[tilespmem:$0x1DF40] =	vst v63  }
0x131: {  	_ =	swait.ge [sflag:s2], $0x2800  }
0x132: {  	[sflag:s2] =	ssyncset.done $0x0  }
0x133: {  	[sflag:s2] =	ssyncadd.s32 $0xFFFFD800  }
0x134: {  	[spmem:s3] =	stream.indirect.scatter.add.f32 [tilespmem:s26], [sflag:$0x5], $0x80, s0, s21, $0xb8;
	[tilespmem:$0x1DF40] =	vst v63  }
0x135: {  	_ =	swait.ge [sflag:s18], $0x2800  }
0x136: {  	[sflag:s18] =	ssyncset.done $0x0  }
0x137: {  	[sflag:s18] =	ssyncadd.s32 $0xFFFFD800  }
0x138: {  	_ =	swait.ge [sflag:s25], $0x2800  }
0x139: {  	[sflag:s25] =	ssyncset.done $0x0  }
0x13a: {  	[sflag:s25] =	ssyncadd.s32 $0xFFFFD800  }
0x13b: {  	[spmem:s3] =	stream.indirect.scatter.add.f32 [tilespmem:s17], [sflag:$0x5], $0x80, s4, s21, $0xb8;
	[tilespmem:$0x1DF40] =	vst v63  }
0x13c: {  	_ =	swait.ge [sflag:s18], $0x2800  }
0x13d: {  	[sflag:s18] =	ssyncset.done $0x0  }
0x13e: {  	[sflag:s18] =	ssyncadd.s32 $0xFFFFD800  }
0x13f: {  	_ =	swait.ge [sflag:s28], $0x2800  }
0x140: {  	[sflag:s28] =	ssyncset.done $0x0  }
0x141: {  	[sflag:s28] =	ssyncadd.s32 $0xFFFFD800  }
0x142: {  	[spmem:s3] =	stream.indirect.scatter.add.f32 [tilespmem:s23], [sflag:$0x5], $0x80, s29, s21, $0xb8;
	[tilespmem:$0x1DF40] =	vst v63  }
0x143: {  	_ =	swait.ge [sflag:s18], $0x2800  }
0x144: {  	[sflag:s18] =	ssyncset.done $0x0  }
0x145: {  	[sflag:s18] =	ssyncadd.s32 $0xFFFFD800  }
0x146: {  	[bflag:$0x0] =	sbarrier.arrive $0xFFFF  }
0x147: {  	[tilespmem:s17], [sflag:$0x5] =	stream.linear.gather [spmem:s5], $0x2800, $0x38;
	[tilespmem:$0x1DF40] =	vst v63  }
0x148: {  	_ =	swait.ge [sflag:s18], $0x2800  }
0x149: {  	[sflag:s18] =	ssyncset.done $0x0  }
0x14a: {  	s22 =	rddreg [dreg:$0x8];
	[sflag:s18] =	ssyncadd.s32 $0xFFFFD800  }
0x14b: {  	[hbm4b:s22+s4] =	stream.linear.scatter [tilespmem:s17], [sflag:$0x5], $0x2800, $0x38;
	[tilespmem:$0x1DF40] =	vst v63  }
0x14c: {  	_ =	swait.ge [sflag:s18], $0x2800  }
0x14d: {  	[sflag:s18] =	ssyncset.done $0x0  }
0x14e: {  	[sflag:s18] =	ssyncadd.s32 $0xFFFFD800  }
0x14f: {  	[tilespmem:s17], [sflag:$0x5] =	stream.linear.gather [spmem:s6], $0x2800, $0x38;
	[tilespmem:$0x1DF40] =	vst v63  }
0x150: {  	_ =	swait.ge [sflag:s18], $0x2800  }
0x151: {  	[sflag:s18] =	ssyncset.done $0x0  }
0x152: {  	[sflag:s18] =	ssyncadd.s32 $0xFFFFD800  }
0x153: {  	[hbm4b:s13+s4] =	stream.linear.scatter [tilespmem:s17], [sflag:$0x5], $0x2800, $0x38;
	[tilespmem:$0x1DF40] =	vst v63  }
0x154: {  	_ =	swait.ge [sflag:s18], $0x2800  }
0x155: {  	[sflag:s18] =	ssyncset.done $0x0  }
0x156: {  	[sflag:s18] =	ssyncadd.s32 $0xFFFFD800  }
0x157: {  	[tilespmem:s17], [sflag:$0x5] =	stream.linear.gather [spmem:s7], $0x2800, $0x38;
	[tilespmem:$0x1DF40] =	vst v63  }
0x158: {  	_ =	swait.ge [sflag:s18], $0x2800  }
0x159: {  	[sflag:s18] =	ssyncset.done $0x0  }
0x15a: {  	[sflag:s18] =	ssyncadd.s32 $0xFFFFD800  }
0x15b: {  	[hbm4b:s14+s4] =	stream.linear.scatter [tilespmem:s17], [sflag:$0x5], $0x2800, $0x38;
	[tilespmem:$0x1DF40] =	vst v63  }
0x15c: {  	_ =	swait.ge [sflag:s18], $0x2800  }
0x15d: {  	[sflag:s18] =	ssyncset.done $0x0  }
0x15e: {  	[sflag:s18] =	ssyncadd.s32 $0xFFFFD800  }
0x15f: {  	[tilespmem:s17], [sflag:$0x5] =	stream.linear.gather [spmem:s8], $0x2800, $0x38;
	[tilespmem:$0x1DF40] =	vst v63  }
0x160: {  	s20 =	sadd.s32 $0x1, s20;
	_ =	swait.ge [sflag:s18], $0x2800  }
0x161: {  	p0 =	sne.s32 s20, s16;
	[sflag:s18] =	ssyncset.done $0x0  }
.Ltmp3:
0x162: {  	[sflag:s18] =	ssyncadd.s32 $0xFFFFD800;
	(pc) =	sbr.rel @p0 .LBB2_1-.Ltmp3, $4  }
0x163: {  	[hbm4b:s15+s4] =	stream.linear.scatter [tilespmem:s17], [sflag:$0x5], $0x2800, $0x38;
	[tilespmem:$0x1DF40] =	vst v63  }
0x164: {  	_ =	swait.ge [sflag:s18], $0x2800  }
0x165: {  	[sflag:s18] =	ssyncset.done $0x0  }
0x166: {  	s12 =	simm.s32 $0xA200;
	[sflag:s18] =	ssyncadd.s32 $0xFFFFD800  }
0x167: {  	_ =	sfence.sel $0x180000  }
0x168: {  	[bflag:$0x0] =	sbarrier.arrive $0xFFFF  }
0x169: {  	_ =	strace $0x90000047  }
0x16a: {  	s0 =	stileid.u32;
	[bflag:$0x2] =	sbarrier.arrive $0xFFFF  }
0x16b: {  	p0 =	sne.s32 s0, $0x0;
	s0 =	rddreg [dreg:$0x4]  }
0x16c: {  	s0 =	sadd.s32 @!p0 $0x100000, s0  }
0x16d: {  	[sflag:s0] =	ssyncadd.tile.s32 @!p0 $0x1;
	_ =	shalt  }
.Lfunc_end2:
_tile_overlayer_lowered:
.L_overlay_start_2:
0x16e: {  	(tag) =	ssettag $0x2  }
0x16f: {  	s0 =	rddreg [dreg:$0x0];
	s2 =	stileid.u32  }
0x170: {  	s1 =	rddreg [dreg:$0x1];
	p0 =	sne.s32 s2, $0x0  }
0x171: {  	s3 =	rddreg [dreg:$0x2];
	[bflag:$0x3] =	sbarrier.arrive $0xFFFF;
	s2 =	simm.s32 @!p0 $0x1C05  }
0x172: {  	[timem:s3], [sflag:s2] =	dma.local @!p0 [hbm:s0], s1  }
0x173: {  	s0 =	simm.s32 @!p0 $0x5  }
0x174: {  	_ =	swait.ge @!p0 [sflag:s0], s1  }
0x175: {  	s1 =	ssub.s32 @!p0 $0x0, s1;
	[sflag:s0] =	ssyncset.done @!p0 $0x0  }
0x176: {  	[sflag:s0] =	ssyncadd.s32 @!p0 s1  }
0x177: {  	[bflag:$0x3] =	sbarrier.arrive $0xFFFF  }
0x178: {  	_ =	shalt  }

</sc_bundles>
